<compile_context>
chip_gen: v7x
topology: tpu7x:2x2x1
jax: 0.10.2.dev20260603
libtpu: 0.0.44.dev20260713+nightly
codegen_flags: <defaults>
</compile_context>

<pallas_src>
import jax
import jax.numpy as jnp
from jax import lax
from jax.experimental import pallas as pl
from jax.experimental.pallas import tpu as pltpu
from jax.experimental.pallas import tpu_sc as plsc

B = 8
H = W = 112
C = 96
IS = H * W * C
OUT4 = 4 * IS
NREG = 3
R = OUT4 // NREG
NTILES = 16
SLABS_PER_TILE = H // NTILES
QROWS = 24
CHUNK_VECS = QROWS * (W // 16)
NCHUNK = SLABS_PER_TILE * 4
RING_ROWS = 64
LANE_SLOTS = RING_ROWS * 8
DRAIN_LAG = 8
WORDS_PER_TILE = R // NTILES
ZCHUNK = 1024
NZ = WORDS_PER_TILE // ZCHUNK
TASKS_PER_CORE = 4 * NREG


def _unpool_body(x0_hbm, idx_hbm, out_hbm,
                 acc_sh, idx_c0, val_c0, idx_c1, val_c1, cb_idx, cb_val, zbuf,
                 sem_in0, sem_in1, sem_add, sem_out):
    core = lax.axis_index("c")
    sub = lax.axis_index("s")
    lane = lax.iota(jnp.int32, 16)
    zeros16 = jnp.zeros((16,), jnp.float32)
    r_u32 = jnp.full((16,), R, jnp.uint32)

    def _zb(i, _):
        zbuf[pl.ds(i * 16, 16)] = zeros16
        return 0
    lax.fori_loop(0, ZCHUNK // 16, _zb, 0)

    def _zero_acc():
        def _z(k, _):
            pltpu.async_copy(zbuf, acc_sh.at[pl.ds(sub * WORDS_PER_TILE + k * ZCHUNK, ZCHUNK)], sem_out)
            return 0
        lax.fori_loop(0, NZ, _z, 0)
        def _zw(k, _):
            pltpu.make_async_copy(zbuf, acc_sh.at[pl.ds(sub * WORDS_PER_TILE + k * ZCHUNK, ZCHUNK)], sem_out).wait()
            return 0
        lax.fori_loop(0, NZ, _zw, 0)

    _zero_acc()
    plsc.subcore_barrier()

    def _fire_one(j, _):
        jr = j & (RING_ROWS - 1)
        pltpu.async_copy(cb_val.at[jr], acc_sh.at[cb_idx.at[jr]], sem_add, add=True)
        return 0

    def _drain_one(j, _):
        jr = j & (RING_ROWS - 1)
        pltpu.make_async_copy(cb_val.at[jr], acc_sh.at[cb_idx.at[jr]], sem_add).wait()
        return 0

    def _load(k, buf_i, buf_v, sem, bb):
        h = sub * SLABS_PER_TILE + lax.shift_right_logical(k, 2)
        c0 = (k & 3) * QROWS
        pltpu.async_copy(idx_hbm.at[bb, h, pl.ds(c0, QROWS)], buf_i, sem)
        pltpu.async_copy(x0_hbm.at[bb, h, pl.ds(c0, QROWS)], buf_v, sem)

    def _wait_load(k, buf_i, buf_v, sem, bb):
        h = sub * SLABS_PER_TILE + lax.shift_right_logical(k, 2)
        c0 = (k & 3) * QROWS
        pltpu.make_async_copy(idx_hbm.at[bb, h, pl.ds(c0, QROWS)], buf_i, sem).wait()
        pltpu.make_async_copy(x0_hbm.at[bb, h, pl.ds(c0, QROWS)], buf_v, sem).wait()

    def _task(t, _):
        b = core * 4 + t // NREG
        r = t % NREG
        lo = r * R

        def _compact(idx_chunk, val_chunk, state):
            cnt, fired, drained = state

            def _crow_fast(cr, cnt):
                for wg in range(W // 16):
                    idx = idx_chunk[cr, pl.ds(wg * 16, 16)]
                    val = val_chunk[cr, pl.ds(wg * 16, 16)]
                    idxl = idx - lo
                    m = plsc.bitcast(idxl, jnp.uint32) < r_u32
                    c9 = cnt & (LANE_SLOTS - 1)
                    row = lax.shift_right_logical(c9, 3)
                    col = ((c9 & 7) << 4) | lane
                    plsc.store_scatter(cb_idx, [row, col], idxl, mask=m)
                    plsc.store_scatter(cb_val, [row, col], val, mask=m)
                    cnt = cnt + m.astype(jnp.int32)
                return cnt

            def _crow_safe(cr, cnt):
                lim = jnp.full((16,), 0, jnp.int32) + (drained * 8 + LANE_SLOTS)
                for wg in range(W // 16):
                    idx = idx_chunk[cr, pl.ds(wg * 16, 16)]
                    val = val_chunk[cr, pl.ds(wg * 16, 16)]
                    idxl = idx - lo
                    m = plsc.bitcast(idxl, jnp.uint32) < r_u32
                    m = m & (cnt < lim)
                    c9 = cnt & (LANE_SLOTS - 1)
                    row = lax.shift_right_logical(c9, 3)
                    col = ((c9 & 7) << 4) | lane
                    plsc.store_scatter(cb_idx, [row, col], idxl, mask=m)
                    plsc.store_scatter(cb_val, [row, col], val, mask=m)
                    cnt = cnt + m.astype(jnp.int32)
                return cnt

            headroom_ok = (jnp.max(cnt) - drained * 8) <= (LANE_SLOTS - CHUNK_VECS)
            cnt = lax.cond(
                headroom_ok,
                lambda c: lax.fori_loop(0, QROWS, _crow_fast, c),
                lambda c: lax.fori_loop(0, QROWS, _crow_safe, c),
                cnt,
            )
            target = jnp.min(cnt) >> 3
            lax.fori_loop(fired, target, _fire_one, 0)
            need = jnp.maximum(drained, target - DRAIN_LAG)
            lax.fori_loop(drained, need, _drain_one, 0)
            return cnt, target, need

        def _pair(p, state):
            k0 = p * 2
            _load(k0 + 1, idx_c1, val_c1, sem_in1, b)
            _wait_load(k0, idx_c0, val_c0, sem_in0, b)
            state = _compact(idx_c0, val_c0, state)
            nxt = jnp.minimum(k0 + 2, NCHUNK - 1)
            _load(nxt, idx_c0, val_c0, sem_in0, b)
            _wait_load(k0 + 1, idx_c1, val_c1, sem_in1, b)
            state = _compact(idx_c1, val_c1, state)
            return state

        state = lax.fori_loop(0, NCHUNK // 2, _pair,
                              (jnp.zeros((16,), jnp.int32), jnp.int32(0), jnp.int32(0)))
        cnt, fired, drained = state
        _wait_load(NCHUNK - 1, idx_c0, val_c0, sem_in0, b)
        b_nxt = core * 4 + jnp.minimum(t + 1, TASKS_PER_CORE - 1) // NREG
        _load(0, idx_c0, val_c0, sem_in0, b_nxt)

        maxrows = (jnp.max(cnt) + 7) >> 3
        def _holes(j, _):
            jr = j & (RING_ROWS - 1)
            for cg in range(8):
                s = j * 8 + cg
                hm = (jnp.full((16,), 0, jnp.int32) + s) >= cnt
                cols = cg * 16 + lane
                rsp = jnp.full((16,), 0, jnp.int32) + jr
                plsc.store_scatter(cb_idx, [rsp, cols], (s * 16 + lane) * 8, mask=hm)
                plsc.store_scatter(cb_val, [rsp, cols], zeros16, mask=hm)
            return 0
        lax.fori_loop(fired, maxrows, _holes, 0)
        lax.fori_loop(fired, maxrows, _fire_one, 0)
        lax.fori_loop(drained, maxrows, _drain_one, 0)

        plsc.subcore_barrier()

        out_base = b * OUT4 + r * R + sub * WORDS_PER_TILE
        acc_base = sub * WORDS_PER_TILE

        NSTG, NPS = 7, NZ // 7

        def _wo_fire(k, _):
            pltpu.async_copy(acc_sh.at[pl.ds(acc_base + k * ZCHUNK, ZCHUNK)],
                             out_hbm.at[pl.ds(out_base + k * ZCHUNK, ZCHUNK)], sem_add)
            return 0

        def _wo_drain(k, _):
            pltpu.make_async_copy(acc_sh.at[pl.ds(acc_base + k * ZCHUNK, ZCHUNK)],
                                  out_hbm.at[pl.ds(out_base + k * ZCHUNK, ZCHUNK)], sem_add).wait()
            return 0

        def _z_fire(k, _):
            pltpu.async_copy(zbuf, acc_sh.at[pl.ds(acc_base + k * ZCHUNK, ZCHUNK)], sem_out)
            return 0

        def _z_drain(k, _):
            pltpu.make_async_copy(zbuf, acc_sh.at[pl.ds(acc_base + k * ZCHUNK, ZCHUNK)], sem_out).wait()
            return 0

        lax.fori_loop(0, NPS, _wo_fire, 0)
        for q in range(NSTG):
            if q + 1 < NSTG:
                lax.fori_loop((q + 1) * NPS, (q + 2) * NPS, _wo_fire, 0)
            lax.fori_loop(q * NPS, (q + 1) * NPS, _wo_drain, 0)
            lax.fori_loop(q * NPS, (q + 1) * NPS, _z_fire, 0)
        lax.fori_loop(0, NZ, _z_drain, 0)
        plsc.subcore_barrier()
        return 0

    _load(0, idx_c0, val_c0, sem_in0, core * 4)
    lax.fori_loop(0, TASKS_PER_CORE, _task, 0)
    _wait_load(0, idx_c0, val_c0, sem_in0, core * 4 + 3)


@jax.jit
def _unpool(x0_t, idx_t):
    mesh = plsc.VectorSubcoreMesh(core_axis_name="c", subcore_axis_name="s")
    f = pl.kernel(
        _unpool_body,
        out_type=jax.ShapeDtypeStruct((B * OUT4,), jnp.float32),
        mesh=mesh,
        compiler_params=pltpu.CompilerParams(needs_layout_passes=False),
        scratch_types=[
            pltpu.VMEM_SHARED((R,), jnp.float32),
            pltpu.VMEM((QROWS, W), jnp.int32),
            pltpu.VMEM((QROWS, W), jnp.float32),
            pltpu.VMEM((QROWS, W), jnp.int32),
            pltpu.VMEM((QROWS, W), jnp.float32),
            pltpu.VMEM((RING_ROWS, 128), jnp.int32),
            pltpu.VMEM((RING_ROWS, 128), jnp.float32),
            pltpu.VMEM((ZCHUNK,), jnp.float32),
            pltpu.SemaphoreType.DMA,
            pltpu.SemaphoreType.DMA,
            pltpu.SemaphoreType.DMA,
            pltpu.SemaphoreType.DMA,
        ],
    )
    return f(x0_t, idx_t)


def kernel(x_0, x_1):
    x0_t = jnp.transpose(x_0, (0, 1, 3, 2))
    idx_t = jnp.transpose(x_1.astype(jnp.int32), (0, 1, 3, 2))
    out = _unpool(x0_t, idx_t)
    return out.reshape(B, 2 * H, 2 * W, C)

# --- scband reference (transcript-rebuilt; emitter-appended) ---
"""Pipeline reference for scband-up-sampling-with-indices-38457137168658 (READ-ONLY COPY).

The authoritative reference and input builder live on the scoring server;
editing this copy changes nothing except your own understanding.
"""

import jax, jax.numpy as jnp
import numpy as np


def setup_inputs(seed: int = 0) -> dict:
    key = jax.random.key(seed)
    k0, k1 = jax.random.split(key)
    B, H, W, C = 8, 112, 112, 96
    image_size = H * W * C
    x_0 = jax.random.normal(k0, (B, H, W, C), dtype=jnp.float32)
    # argmax indices as produced by max_pool_with_argmax (per-batch flattened index
    # into the [2H, 2W, C] unpooled feature map), range [0, image_size*4)
    x_1 = jax.random.randint(k1, (B, H, W, C), 0, image_size * 4, dtype=jnp.int64)
    return {"x_0": x_0, "x_1": x_1}


def reference(x_0, x_1):
    # Faithful translation of UpSamplingWithIndices.call (SegNet max-unpooling).
    B, H, W, C = x_0.shape
    image_size = H * W * C
    out_h, out_w, out_c = H * 2, W * 2, C
    argmax = x_1.reshape(-1).astype(jnp.int32)
    max_value = x_0.reshape(-1)
    # batch index repeated image_size times per batch element
    indices_0 = jnp.repeat(jnp.arange(B, dtype=jnp.int32), image_size)
    indices_1 = (argmax % (image_size * 4)) // (out_w * out_c)
    indices_2 = (argmax % (out_w * out_c)) // out_c
    indices_3 = argmax % out_c
    # tf.scatter_nd sums contributions on duplicate indices -> .at[...].add
    output = jnp.zeros((B, out_h, out_w, out_c), dtype=x_0.dtype).at[
        indices_0, indices_1, indices_2, indices_3
    ].add(max_value)
    return output

if __name__ == "__main__":
    import jax
    _d = setup_inputs()
    print(jax.jit(kernel)(*tuple(_d.values())))

</pallas_src>

<mosaic_0001>
#map = affine_map<(d0, d1) -> (0, 0, 0, 0)>
#map1 = affine_map<(d0, d1) -> (0)>
module attributes {stable_mosaic.version = 14 : i64} {
  func.func @_unpool_body(%arg0: i32, %arg1: i32, %arg2: memref<8x112x96x112xf32, #tpu.memory_space<hbm>>, %arg3: memref<8x112x96x112xi32, #tpu.memory_space<hbm>>, %arg4: memref<38535168xf32, #tpu.memory_space<hbm>>, %arg5: memref<1605632xf32, #tpu.memory_space<vmem_shared>>, %arg6: memref<24x112xi32, #tpu.memory_space<vmem>>, %arg7: memref<24x112xf32, #tpu.memory_space<vmem>>, %arg8: memref<24x112xi32, #tpu.memory_space<vmem>>, %arg9: memref<24x112xf32, #tpu.memory_space<vmem>>, %arg10: memref<64x128xi32, #tpu.memory_space<vmem>>, %arg11: memref<64x128xf32, #tpu.memory_space<vmem>>, %arg12: memref<1024xf32, #tpu.memory_space<vmem>>, %arg13: memref<!tpu.dma_semaphore, #tpu.memory_space<semaphore_mem>>, %arg14: memref<!tpu.dma_semaphore, #tpu.memory_space<semaphore_mem>>, %arg15: memref<!tpu.dma_semaphore, #tpu.memory_space<semaphore_mem>>, %arg16: memref<!tpu.dma_semaphore, #tpu.memory_space<semaphore_mem>>) attributes {dimension_semantics = [#tpu.dimension_semantics<core_parallel>, #tpu.dimension_semantics<subcore_parallel>], iteration_bounds = array<i64: 2, 16>, scalar_prefetch = 0 : i64, scratch_operands = 12 : i64, tpu.core_type = #tpu.core_type<sc_vector_subcore>, window_params = [{transform_indices = #map}, {transform_indices = #map}, {transform_indices = #map1}]} {
    %iota3A = tpu.iota {dimensions = array<i32: 0>} : vector<16xi32>
    %broadcast_in_dim3A = arith.constant 0.000000e+00 : f32
    %broadcast_in_dim3A_0 = vector.broadcast %broadcast_in_dim3A : f32 to vector<16xf32>
    %broadcast_in_dim3A_1 = arith.constant 1605632 : i32
    %broadcast_in_dim3A_2 = vector.broadcast %broadcast_in_dim3A_1 : i32 to vector<16xi32>
    %scan3A = arith.constant 0 : i32
    %scan3A_3 = arith.constant 0 : i32
    %scan3A_4 = arith.constant 64 : i32
    %scan3A_5 = arith.addi %scan3A_3, %scan3A_4 : i32
    %scan3A_6 = arith.constant 1 : i32
    %scan3A_7 = scf.for %scan3A_75 = %scan3A_3 to %scan3A_5 step %scan3A_6 iter_args(%scan3A_76 = %scan3A) -> (i32)  : i32 {
      %mul3A_77 = arith.constant 16 : i32
      %mul3A_78 = arith.muli %scan3A_75, %mul3A_77 : i32
      %swap3A = arith.index_cast %mul3A_78 : i32 to index
      %swap3A_79 = tpu.vector_load %arg12[%swap3A] {strides = array<i32>} : memref<1024xf32, #tpu.memory_space<vmem>>, vector<16xf32>,
      tpu.vector_store %arg12[%swap3A], %broadcast_in_dim3A_0 {strides = array<i32>} : memref<1024xf32, #tpu.memory_space<vmem>>, vector<16xf32>,
      %scan3A_80 = arith.constant 0 : i32
      scf.yield %scan3A_80 : i32
    }
    %scan3A_8 = arith.constant 64 : i32
    %scan3A_9 = arith.constant 0 : i32
    %scan3A_10 = arith.constant 0 : i32
    %scan3A_11 = arith.constant 98 : i32
    %scan3A_12 = arith.addi %scan3A_10, %scan3A_11 : i32
    %scan3A_13 = arith.constant 1 : i32
    %scan3A_14 = scf.for %scan3A_75 = %scan3A_10 to %scan3A_12 step %scan3A_13 iter_args(%scan3A_76 = %scan3A_9) -> (i32)  : i32 {
      %mul3A_77 = arith.constant 100352 : i32
      %mul3A_78 = arith.muli %arg1, %mul3A_77 : i32
      %mul3A_79 = arith.constant 1024 : i32
      %mul3A_80 = arith.muli %scan3A_75, %mul3A_79 : i32
      %add3A_81 = arith.addi %mul3A_78, %mul3A_80 : i32
      %dma_start3A_82 = tpu.memref_slice %arg5[%add3A_81] : memref<1605632xf32, #tpu.memory_space<vmem_shared>> -> memref<1024xf32, #tpu.memory_space<vmem_shared>>
      %dma_start3A_83 = tpu.memref_slice %arg5[%add3A_81] : memref<1605632xf32, #tpu.memory_space<vmem_shared>> -> memref<1024xf32, #tpu.memory_space<vmem_shared>>
      tpu.enqueue_dma source(%arg12 : memref<1024xf32, #tpu.memory_space<vmem>>) target(%dma_start3A_83 : memref<1024xf32, #tpu.memory_space<vmem_shared>>) target_semaphore(%arg16 : memref<!tpu.dma_semaphore, #tpu.memory_space<semaphore_mem>>)
      %scan3A_84 = arith.constant 0 : i32
      scf.yield %scan3A_84 : i32
    }
    %scan3A_15 = arith.constant 98 : i32
    %scan3A_16 = arith.constant 0 : i32
    %scan3A_17 = arith.constant 0 : i32
    %scan3A_18 = arith.constant 98 : i32
    %scan3A_19 = arith.addi %scan3A_17, %scan3A_18 : i32
    %scan3A_20 = arith.constant 1 : i32
    %scan3A_21 = scf.for %scan3A_75 = %scan3A_17 to %scan3A_19 step %scan3A_20 iter_args(%scan3A_76 = %scan3A_16) -> (i32)  : i32 {
      %mul3A_77 = arith.constant 100352 : i32
      %mul3A_78 = arith.muli %arg1, %mul3A_77 : i32
      %mul3A_79 = arith.constant 1024 : i32
      %mul3A_80 = arith.muli %scan3A_75, %mul3A_79 : i32
      %add3A_81 = arith.addi %mul3A_78, %mul3A_80 : i32
      %dma_wait3A_82 = tpu.memref_slice %arg5[%add3A_81] : memref<1605632xf32, #tpu.memory_space<vmem_shared>> -> memref<1024xf32, #tpu.memory_space<vmem_shared>>
      %dma_wait3A_83 = tpu.memref_slice %arg5[%add3A_81] : memref<1605632xf32, #tpu.memory_space<vmem_shared>> -> memref<1024xf32, #tpu.memory_space<vmem_shared>>
      tpu.wait_dma2 semaphore(%arg16 : memref<!tpu.dma_semaphore, #tpu.memory_space<semaphore_mem>>) src(%arg12 : memref<1024xf32, #tpu.memory_space<vmem>>) dst(%dma_wait3A_83 : memref<1024xf32, #tpu.memory_space<vmem_shared>>)
      %scan3A_84 = arith.constant 0 : i32
      scf.yield %scan3A_84 : i32
    }
    %scan3A_22 = arith.constant 98 : i32
    %barrier3A = arith.constant 0 : index
    tpu.barrier barrier_id(%barrier3A)
    %mul3A = arith.constant 4 : i32
    %mul3A_23 = arith.muli %arg0, %mul3A : i32
    %mul3A_24 = arith.constant 7 : i32
    %mul3A_25 = arith.muli %arg1, %mul3A_24 : i32
    %shift_right_logical3A = arith.constant 0 : i32
    %shift_right_logical3A_26 = arith.constant 2 : i32
    %shift_right_logical3A_27 = arith.shrui %shift_right_logical3A, %shift_right_logical3A_26 : i32
    %add3A = arith.addi %mul3A_25, %shift_right_logical3A_27 : i32
    %dma_start3A = arith.constant 0 : i32
    %dma_start3A_28 = arith.constant 0 : i32
    %dma_start3A_29 = tpu.memref_slice %arg3[%mul3A_23, %add3A, %dma_start3A, %dma_start3A_28] : memref<8x112x96x112xi32, #tpu.memory_space<hbm>> -> memref<1x1x24x112xi32, #tpu.memory_space<hbm>>
    %dma_start3A_30 = tpu.memref_squeeze %dma_start3A_29 : memref<1x1x24x112xi32, #tpu.memory_space<hbm>> -> memref<24x112xi32, #tpu.memory_space<hbm>>
    %dma_start3A_31 = arith.constant 0 : i32
    %dma_start3A_32 = arith.constant 0 : i32
    %dma_start3A_33 = tpu.memref_slice %arg3[%mul3A_23, %add3A, %dma_start3A_31, %dma_start3A_32] : memref<8x112x96x112xi32, #tpu.memory_space<hbm>> -> memref<1x1x24x112xi32, #tpu.memory_space<hbm>>
    %dma_start3A_34 = tpu.memref_squeeze %dma_start3A_33 : memref<1x1x24x112xi32, #tpu.memory_space<hbm>> -> memref<24x112xi32, #tpu.memory_space<hbm>>
    tpu.enqueue_dma source(%dma_start3A_34 : memref<24x112xi32, #tpu.memory_space<hbm>>) target(%arg6 : memref<24x112xi32, #tpu.memory_space<vmem>>) target_semaphore(%arg13 : memref<!tpu.dma_semaphore, #tpu.memory_space<semaphore_mem>>)
    %dma_start3A_35 = arith.constant 0 : i32
    %dma_start3A_36 = arith.constant 0 : i32
    %dma_start3A_37 = tpu.memref_slice %arg2[%mul3A_23, %add3A, %dma_start3A_35, %dma_start3A_36] : memref<8x112x96x112xf32, #tpu.memory_space<hbm>> -> memref<1x1x24x112xf32, #tpu.memory_space<hbm>>
    %dma_start3A_38 = tpu.memref_squeeze %dma_start3A_37 : memref<1x1x24x112xf32, #tpu.memory_space<hbm>> -> memref<24x112xf32, #tpu.memory_space<hbm>>
    %dma_start3A_39 = arith.constant 0 : i32
    %dma_start3A_40 = arith.constant 0 : i32
    %dma_start3A_41 = tpu.memref_slice %arg2[%mul3A_23, %add3A, %dma_start3A_39, %dma_start3A_40] : memref<8x112x96x112xf32, #tpu.memory_space<hbm>> -> memref<1x1x24x112xf32, #tpu.memory_space<hbm>>
    %dma_start3A_42 = tpu.memref_squeeze %dma_start3A_41 : memref<1x1x24x112xf32, #tpu.memory_space<hbm>> -> memref<24x112xf32, #tpu.memory_space<hbm>>
    tpu.enqueue_dma source(%dma_start3A_42 : memref<24x112xf32, #tpu.memory_space<hbm>>) target(%arg7 : memref<24x112xf32, #tpu.memory_space<vmem>>) target_semaphore(%arg13 : memref<!tpu.dma_semaphore, #tpu.memory_space<semaphore_mem>>)
    %scan3A_43 = arith.constant 0 : i32
    %scan3A_44 = arith.constant 0 : i32
    %scan3A_45 = arith.constant 12 : i32
    %scan3A_46 = arith.addi %scan3A_44, %scan3A_45 : i32
    %scan3A_47 = arith.constant 1 : i32
    %scan3A_48 = scf.for %scan3A_75 = %scan3A_44 to %scan3A_46 step %scan3A_47 iter_args(%scan3A_76 = %scan3A_43) -> (i32)  : i32 {
      %mul3A_77 = arith.constant 4 : i32
      %mul3A_78 = arith.muli %arg0, %mul3A_77 : i32
      %jit3A = arith.constant 3 : i32
      %div3A = arith.divsi %scan3A_75, %jit3A : i32
      %sign3A = arith.constant 0 : i32
      %sign3A_79 = arith.cmpi sgt, %scan3A_75, %sign3A : i32
      %sign3A_80 = arith.extui %sign3A_79 : i1 to i32
      %sign3A_81 = arith.constant 0 : i32
      %sign3A_82 = arith.cmpi slt, %scan3A_75, %sign3A_81 : i32
      %sign3A_83 = arith.extui %sign3A_82 : i1 to i32
      %sign3A_84 = arith.subi %sign3A_80, %sign3A_83 : i32
      %sign3A_85 = arith.constant 0 : i32
      %sign3A_86 = arith.cmpi sgt, %jit3A, %sign3A_85 : i32
      %sign3A_87 = arith.extui %sign3A_86 : i1 to i32
      %sign3A_88 = arith.constant 0 : i32
      %sign3A_89 = arith.cmpi slt, %jit3A, %sign3A_88 : i32
      %sign3A_90 = arith.extui %sign3A_89 : i1 to i32
      %sign3A_91 = arith.subi %sign3A_87, %sign3A_90 : i32
      %ne3A = arith.cmpi ne, %sign3A_84, %sign3A_91 : i32
      %rem3A = arith.remsi %scan3A_75, %jit3A : i32
      %ne3A_92 = arith.constant 0 : i32
      %ne3A_93 = arith.cmpi ne, %rem3A, %ne3A_92 : i32
      %and3A = arith.andi %ne3A, %ne3A_93 : i1
      %sub3A = arith.constant 1 : i32
      %sub3A_94 = arith.subi %div3A, %sub3A : i32
      %select_n3A = arith.select %and3A, %sub3A_94, %div3A : i32
      %add3A_95 = arith.addi %mul3A_78, %select_n3A : i32
      %jit3A_96 = arith.constant 3 : i32
      %eq3A = arith.constant 0 : i32
      %eq3A_97 = arith.cmpi eq, %jit3A_96, %eq3A : i32
      %jit3A_98 = arith.constant 1 : i32
      %select_n3A_99 = arith.select %eq3A_97, %jit3A_98, %jit3A_96 : i32
      %rem3A_100 = arith.remsi %scan3A_75, %select_n3A_99 : i32
      %ne3A_101 = arith.constant 0 : i32
      %ne3A_102 = arith.cmpi ne, %rem3A_100, %ne3A_101 : i32
      %lt3A = arith.constant 0 : i32
      %lt3A_103 = arith.cmpi slt, %rem3A_100, %lt3A : i32
      %lt3A_104 = arith.constant 0 : i32
      %lt3A_105 = arith.cmpi slt, %select_n3A_99, %lt3A_104 : i32
      %ne3A_106 = arith.xori %lt3A_103, %lt3A_105 : i1
      %and3A_107 = arith.andi %ne3A_106, %ne3A_102 : i1
      %add3A_108 = arith.addi %rem3A_100, %select_n3A_99 : i32
      %select_n3A_109 = arith.select %and3A_107, %add3A_108, %rem3A_100 : i32
      %mul3A_110 = arith.constant 1605632 : i32
      %mul3A_111 = arith.muli %select_n3A_109, %mul3A_110 : i32
      %broadcast_in_dim3A_112 = arith.constant 0 : i32
      %broadcast_in_dim3A_113 = vector.broadcast %broadcast_in_dim3A_112 : i32 to vector<16xi32>
      %scan3A_114 = arith.constant 0 : i32
      %scan3A_115 = arith.constant 0 : i32
      %scan3A_116 = arith.constant 0 : i32
      %scan3A_117 = arith.constant 14 : i32
      %scan3A_118 = arith.addi %scan3A_116, %scan3A_117 : i32
      %scan3A_119 = arith.constant 1 : i32
      %scan3A_120:3 = scf.for %scan3A_405 = %scan3A_116 to %scan3A_118 step %scan3A_119 iter_args(%scan3A_406 = %broadcast_in_dim3A_113, %scan3A_407 = %scan3A_114, %scan3A_408 = %scan3A_115) -> (vector<16xi32>, i32, i32)  : i32 {
        %mul3A_409 = arith.constant 2 : i32
        %mul3A_410 = arith.muli %scan3A_405, %mul3A_409 : i32
        %add3A_411 = arith.constant 1 : i32
        %add3A_412 = arith.addi %mul3A_410, %add3A_411 : i32
        %mul3A_413 = arith.constant 7 : i32
        %mul3A_414 = arith.muli %arg1, %mul3A_413 : i32
        %shift_right_logical3A_415 = arith.constant 2 : i32
        %shift_right_logical3A_416 = arith.shrui %add3A_412, %shift_right_logical3A_415 : i32
        %add3A_417 = arith.addi %mul3A_414, %shift_right_logical3A_416 : i32
        %and3A_418 = arith.constant 3 : i32
        %and3A_419 = arith.andi %add3A_412, %and3A_418 : i32
        %mul3A_420 = arith.constant 24 : i32
        %mul3A_421 = arith.muli %and3A_419, %mul3A_420 : i32
        %dma_start3A_422 = arith.constant 0 : i32
        %dma_start3A_423 = tpu.memref_slice %arg3[%add3A_95, %add3A_417, %mul3A_421, %dma_start3A_422] : memref<8x112x96x112xi32, #tpu.memory_space<hbm>> -> memref<1x1x24x112xi32, #tpu.memory_space<hbm>>
        %dma_start3A_424 = tpu.memref_squeeze %dma_start3A_423 : memref<1x1x24x112xi32, #tpu.memory_space<hbm>> -> memref<24x112xi32, #tpu.memory_space<hbm>>
        %dma_start3A_425 = arith.constant 0 : i32
        %dma_start3A_426 = tpu.memref_slice %arg3[%add3A_95, %add3A_417, %mul3A_421, %dma_start3A_425] : memref<8x112x96x112xi32, #tpu.memory_space<hbm>> -> memref<1x1x24x112xi32, #tpu.memory_space<hbm>>
        %dma_start3A_427 = tpu.memref_squeeze %dma_start3A_426 : memref<1x1x24x112xi32, #tpu.memory_space<hbm>> -> memref<24x112xi32, #tpu.memory_space<hbm>>
        tpu.enqueue_dma source(%dma_start3A_427 : memref<24x112xi32, #tpu.memory_space<hbm>>) target(%arg8 : memref<24x112xi32, #tpu.memory_space<vmem>>) target_semaphore(%arg14 : memref<!tpu.dma_semaphore, #tpu.memory_space<semaphore_mem>>)
        %dma_start3A_428 = arith.constant 0 : i32
        %dma_start3A_429 = tpu.memref_slice %arg2[%add3A_95, %add3A_417, %mul3A_421, %dma_start3A_428] : memref<8x112x96x112xf32, #tpu.memory_space<hbm>> -> memref<1x1x24x112xf32, #tpu.memory_space<hbm>>
        %dma_start3A_430 = tpu.memref_squeeze %dma_start3A_429 : memref<1x1x24x112xf32, #tpu.memory_space<hbm>> -> memref<24x112xf32, #tpu.memory_space<hbm>>
        %dma_start3A_431 = arith.constant 0 : i32
        %dma_start3A_432 = tpu.memref_slice %arg2[%add3A_95, %add3A_417, %mul3A_421, %dma_start3A_431] : memref<8x112x96x112xf32, #tpu.memory_space<hbm>> -> memref<1x1x24x112xf32, #tpu.memory_space<hbm>>
        %dma_start3A_433 = tpu.memref_squeeze %dma_start3A_432 : memref<1x1x24x112xf32, #tpu.memory_space<hbm>> -> memref<24x112xf32, #tpu.memory_space<hbm>>
        tpu.enqueue_dma source(%dma_start3A_433 : memref<24x112xf32, #tpu.memory_space<hbm>>) target(%arg9 : memref<24x112xf32, #tpu.memory_space<vmem>>) target_semaphore(%arg14 : memref<!tpu.dma_semaphore, #tpu.memory_space<semaphore_mem>>)
        %mul3A_434 = arith.constant 7 : i32
        %mul3A_435 = arith.muli %arg1, %mul3A_434 : i32
        %shift_right_logical3A_436 = arith.constant 2 : i32
        %shift_right_logical3A_437 = arith.shrui %mul3A_410, %shift_right_logical3A_436 : i32
        %add3A_438 = arith.addi %mul3A_435, %shift_right_logical3A_437 : i32
        %and3A_439 = arith.constant 3 : i32
        %and3A_440 = arith.andi %mul3A_410, %and3A_439 : i32
        %mul3A_441 = arith.constant 24 : i32
        %mul3A_442 = arith.muli %and3A_440, %mul3A_441 : i32
        %dma_wait3A_443 = arith.constant 0 : i32
        %dma_wait3A_444 = tpu.memref_slice %arg3[%add3A_95, %add3A_438, %mul3A_442, %dma_wait3A_443] : memref<8x112x96x112xi32, #tpu.memory_space<hbm>> -> memref<1x1x24x112xi32, #tpu.memory_space<hbm>>
        %dma_wait3A_445 = tpu.memref_squeeze %dma_wait3A_444 : memref<1x1x24x112xi32, #tpu.memory_space<hbm>> -> memref<24x112xi32, #tpu.memory_space<hbm>>
        %dma_wait3A_446 = arith.constant 0 : i32
        %dma_wait3A_447 = tpu.memref_slice %arg3[%add3A_95, %add3A_438, %mul3A_442, %dma_wait3A_446] : memref<8x112x96x112xi32, #tpu.memory_space<hbm>> -> memref<1x1x24x112xi32, #tpu.memory_space<hbm>>
        %dma_wait3A_448 = tpu.memref_squeeze %dma_wait3A_447 : memref<1x1x24x112xi32, #tpu.memory_space<hbm>> -> memref<24x112xi32, #tpu.memory_space<hbm>>
        tpu.wait_dma2 semaphore(%arg13 : memref<!tpu.dma_semaphore, #tpu.memory_space<semaphore_mem>>) src(%dma_wait3A_448 : memref<24x112xi32, #tpu.memory_space<hbm>>) dst(%arg6 : memref<24x112xi32, #tpu.memory_space<vmem>>)
        %dma_wait3A_449 = arith.constant 0 : i32
        %dma_wait3A_450 = tpu.memref_slice %arg2[%add3A_95, %add3A_438, %mul3A_442, %dma_wait3A_449] : memref<8x112x96x112xf32, #tpu.memory_space<hbm>> -> memref<1x1x24x112xf32, #tpu.memory_space<hbm>>
        %dma_wait3A_451 = tpu.memref_squeeze %dma_wait3A_450 : memref<1x1x24x112xf32, #tpu.memory_space<hbm>> -> memref<24x112xf32, #tpu.memory_space<hbm>>
        %dma_wait3A_452 = arith.constant 0 : i32
        %dma_wait3A_453 = tpu.memref_slice %arg2[%add3A_95, %add3A_438, %mul3A_442, %dma_wait3A_452] : memref<8x112x96x112xf32, #tpu.memory_space<hbm>> -> memref<1x1x24x112xf32, #tpu.memory_space<hbm>>
        %dma_wait3A_454 = tpu.memref_squeeze %dma_wait3A_453 : memref<1x1x24x112xf32, #tpu.memory_space<hbm>> -> memref<24x112xf32, #tpu.memory_space<hbm>>
        tpu.wait_dma2 semaphore(%arg13 : memref<!tpu.dma_semaphore, #tpu.memory_space<semaphore_mem>>) src(%dma_wait3A_454 : memref<24x112xf32, #tpu.memory_space<hbm>>) dst(%arg7 : memref<24x112xf32, #tpu.memory_space<vmem>>)
        %reduce_max3A_455 = arith.constant true
        %reduce_max3A_456 = vector.broadcast %reduce_max3A_455 : i1 to vector<16xi1>
        %reduce_max3A_457 = arith.constant -2147483648 : i32
        %reduce_max3A_458 = vector.broadcast %reduce_max3A_457 : i32 to vector<16xi32>
        %reduce_max3A_459 = arith.xori %scan3A_406, %reduce_max3A_458 : vector<16xi32>
        %reduce_max3A_460 = tpu.scan <max>, %reduce_max3A_459 masked %reduce_max3A_456 : vector<16xi32>, vector<16xi1> -> vector<16xi32>
        %reduce_max3A_461 = arith.xori %reduce_max3A_460, %reduce_max3A_458 : vector<16xi32>
        %reduce_max3A_462 = vector.extract %reduce_max3A_461[15] : i32 from vector<16xi32>
        %mul3A_463 = arith.constant 8 : i32
        %mul3A_464 = arith.muli %scan3A_408, %mul3A_463 : i32
        %sub3A_465 = arith.subi %reduce_max3A_462, %mul3A_464 : i32
        %le3A = arith.constant 344 : i32
        %le3A_466 = arith.cmpi sle, %sub3A_465, %le3A : i32
        %convert_element_type3A = arith.extui %le3A_466 : i1 to i32
        %cond3A = arith.constant 0 : i32
        %cond3A_467 = arith.cmpi ne, %convert_element_type3A, %cond3A : i32
        %cond3A_468 = scf.if %cond3A_467 -> (vector<16xi32>) {
          %scan3A_602 = arith.constant 0 : i32
          %scan3A_603 = arith.constant 24 : i32
          %scan3A_604 = arith.addi %scan3A_602, %scan3A_603 : i32
          %scan3A_605 = arith.constant 1 : i32
          %scan3A_606 = scf.for %scan3A_608 = %scan3A_602 to %scan3A_604 step %scan3A_605 iter_args(%scan3A_609 = %scan3A_406) -> (vector<16xi32>)  : i32 {
            %get3A = arith.index_cast %scan3A_608 : i32 to index
            %get3A_610 = arith.constant 0 : index
            %get3A_611 = tpu.vector_load %arg6[%get3A, %get3A_610] {strides = array<i32>} : memref<24x112xi32, #tpu.memory_space<vmem>>, vector<16xi32>,
            %get3A_612 = arith.index_cast %scan3A_608 : i32 to index
            %get3A_613 = arith.constant 0 : index
            %get3A_614 = tpu.vector_load %arg7[%get3A_612, %get3A_613] {strides = array<i32>} : memref<24x112xf32, #tpu.memory_space<vmem>>, vector<16xf32>,
            %sub3A_615 = vector.broadcast %mul3A_111 : i32 to vector<16xi32>
            %sub3A_616 = arith.subi %get3A_611, %sub3A_615 : vector<16xi32>
            %bitcast3A = vector.bitcast %sub3A_616 : vector<16xi32> to vector<16xi32>
            %lt3A_617 = arith.cmpi ult, %bitcast3A, %broadcast_in_dim3A_2 : vector<16xi32>
            %and3A_618 = arith.constant 511 : i32
            %and3A_619 = vector.broadcast %and3A_618 : i32 to vector<16xi32>
            %and3A_620 = arith.andi %scan3A_609, %and3A_619 : vector<16xi32>
            %shift_right_logical3A_621 = arith.constant 3 : i32
            %shift_right_logical3A_622 = vector.broadcast %shift_right_logical3A_621 : i32 to vector<16xi32>
            %shift_right_logical3A_623 = arith.shrui %and3A_620, %shift_right_logical3A_622 : vector<16xi32>
            %and3A_624 = arith.constant 7 : i32
            %and3A_625 = vector.broadcast %and3A_624 : i32 to vector<16xi32>
            %and3A_626 = arith.andi %and3A_620, %and3A_625 : vector<16xi32>
            %shift_left3A = arith.constant 4 : i32
            %shift_left3A_627 = vector.broadcast %shift_left3A : i32 to vector<16xi32>
            %shift_left3A_628 = arith.shli %and3A_626, %shift_left3A_627 : vector<16xi32>
            %or3A = arith.ori %shift_left3A_628, %iota3A : vector<16xi32>
            tpu.vector_store_idx %arg10[%shift_right_logical3A_623, %or3A], %sub3A_616 masked %lt3A_617 : memref<64x128xi32, #tpu.memory_space<vmem>>[vector<16xi32>, vector<16xi32>], vector<16xi32>, vector<16xi1>
            tpu.vector_store_idx %arg11[%shift_right_logical3A_623, %or3A], %get3A_614 masked %lt3A_617 : memref<64x128xf32, #tpu.memory_space<vmem>>[vector<16xi32>, vector<16xi32>], vector<16xf32>, vector<16xi1>
            %convert_element_type3A_629 = arith.extui %lt3A_617 : vector<16xi1> to vector<16xi32>
            %add3A_630 = arith.addi %scan3A_609, %convert_element_type3A_629 : vector<16xi32>
            %get3A_631 = arith.index_cast %scan3A_608 : i32 to index
            %get3A_632 = arith.constant 16 : index
            %get3A_633 = tpu.vector_load %arg6[%get3A_631, %get3A_632] {strides = array<i32>} : memref<24x112xi32, #tpu.memory_space<vmem>>, vector<16xi32>,
            %get3A_634 = arith.index_cast %scan3A_608 : i32 to index
            %get3A_635 = arith.constant 16 : index
            %get3A_636 = tpu.vector_load %arg7[%get3A_634, %get3A_635] {strides = array<i32>} : memref<24x112xf32, #tpu.memory_space<vmem>>, vector<16xf32>,
            %sub3A_637 = vector.broadcast %mul3A_111 : i32 to vector<16xi32>
            %sub3A_638 = arith.subi %get3A_633, %sub3A_637 : vector<16xi32>
            %bitcast3A_639 = vector.bitcast %sub3A_638 : vector<16xi32> to vector<16xi32>
            %lt3A_640 = arith.cmpi ult, %bitcast3A_639, %broadcast_in_dim3A_2 : vector<16xi32>
            %and3A_641 = arith.constant 511 : i32
            %and3A_642 = vector.broadcast %and3A_641 : i32 to vector<16xi32>
            %and3A_643 = arith.andi %add3A_630, %and3A_642 : vector<16xi32>
            %shift_right_logical3A_644 = arith.constant 3 : i32
            %shift_right_logical3A_645 = vector.broadcast %shift_right_logical3A_644 : i32 to vector<16xi32>
            %shift_right_logical3A_646 = arith.shrui %and3A_643, %shift_right_logical3A_645 : vector<16xi32>
            %and3A_647 = arith.constant 7 : i32
            %and3A_648 = vector.broadcast %and3A_647 : i32 to vector<16xi32>
            %and3A_649 = arith.andi %and3A_643, %and3A_648 : vector<16xi32>
            %shift_left3A_650 = arith.constant 4 : i32
            %shift_left3A_651 = vector.broadcast %shift_left3A_650 : i32 to vector<16xi32>
            %shift_left3A_652 = arith.shli %and3A_649, %shift_left3A_651 : vector<16xi32>
            %or3A_653 = arith.ori %shift_left3A_652, %iota3A : vector<16xi32>
            tpu.vector_store_idx %arg10[%shift_right_logical3A_646, %or3A_653], %sub3A_638 masked %lt3A_640 : memref<64x128xi32, #tpu.memory_space<vmem>>[vector<16xi32>, vector<16xi32>], vector<16xi32>, vector<16xi1>
            tpu.vector_store_idx %arg11[%shift_right_logical3A_646, %or3A_653], %get3A_636 masked %lt3A_640 : memref<64x128xf32, #tpu.memory_space<vmem>>[vector<16xi32>, vector<16xi32>], vector<16xf32>, vector<16xi1>
            %convert_element_type3A_654 = arith.extui %lt3A_640 : vector<16xi1> to vector<16xi32>
            %add3A_655 = arith.addi %add3A_630, %convert_element_type3A_654 : vector<16xi32>
            %get3A_656 = arith.index_cast %scan3A_608 : i32 to index
            %get3A_657 = arith.constant 32 : index
            %get3A_658 = tpu.vector_load %arg6[%get3A_656, %get3A_657] {strides = array<i32>} : memref<24x112xi32, #tpu.memory_space<vmem>>, vector<16xi32>,
            %get3A_659 = arith.index_cast %scan3A_608 : i32 to index
            %get3A_660 = arith.constant 32 : index
            %get3A_661 = tpu.vector_load %arg7[%get3A_659, %get3A_660] {strides = array<i32>} : memref<24x112xf32, #tpu.memory_space<vmem>>, vector<16xf32>,
            %sub3A_662 = vector.broadcast %mul3A_111 : i32 to vector<16xi32>
            %sub3A_663 = arith.subi %get3A_658, %sub3A_662 : vector<16xi32>
            %bitcast3A_664 = vector.bitcast %sub3A_663 : vector<16xi32> to vector<16xi32>
            %lt3A_665 = arith.cmpi ult, %bitcast3A_664, %broadcast_in_dim3A_2 : vector<16xi32>
            %and3A_666 = arith.constant 511 : i32
            %and3A_667 = vector.broadcast %and3A_666 : i32 to vector<16xi32>
            %and3A_668 = arith.andi %add3A_655, %and3A_667 : vector<16xi32>
            %shift_right_logical3A_669 = arith.constant 3 : i32
            %shift_right_logical3A_670 = vector.broadcast %shift_right_logical3A_669 : i32 to vector<16xi32>
            %shift_right_logical3A_671 = arith.shrui %and3A_668, %shift_right_logical3A_670 : vector<16xi32>
            %and3A_672 = arith.constant 7 : i32
            %and3A_673 = vector.broadcast %and3A_672 : i32 to vector<16xi32>
            %and3A_674 = arith.andi %and3A_668, %and3A_673 : vector<16xi32>
            %shift_left3A_675 = arith.constant 4 : i32
            %shift_left3A_676 = vector.broadcast %shift_left3A_675 : i32 to vector<16xi32>
            %shift_left3A_677 = arith.shli %and3A_674, %shift_left3A_676 : vector<16xi32>
            %or3A_678 = arith.ori %shift_left3A_677, %iota3A : vector<16xi32>
            tpu.vector_store_idx %arg10[%shift_right_logical3A_671, %or3A_678], %sub3A_663 masked %lt3A_665 : memref<64x128xi32, #tpu.memory_space<vmem>>[vector<16xi32>, vector<16xi32>], vector<16xi32>, vector<16xi1>
            tpu.vector_store_idx %arg11[%shift_right_logical3A_671, %or3A_678], %get3A_661 masked %lt3A_665 : memref<64x128xf32, #tpu.memory_space<vmem>>[vector<16xi32>, vector<16xi32>], vector<16xf32>, vector<16xi1>
            %convert_element_type3A_679 = arith.extui %lt3A_665 : vector<16xi1> to vector<16xi32>
            %add3A_680 = arith.addi %add3A_655, %convert_element_type3A_679 : vector<16xi32>
            %get3A_681 = arith.index_cast %scan3A_608 : i32 to index
            %get3A_682 = arith.constant 48 : index
            %get3A_683 = tpu.vector_load %arg6[%get3A_681, %get3A_682] {strides = array<i32>} : memref<24x112xi32, #tpu.memory_space<vmem>>, vector<16xi32>,
            %get3A_684 = arith.index_cast %scan3A_608 : i32 to index
            %get3A_685 = arith.constant 48 : index
            %get3A_686 = tpu.vector_load %arg7[%get3A_684, %get3A_685] {strides = array<i32>} : memref<24x112xf32, #tpu.memory_space<vmem>>, vector<16xf32>,
            %sub3A_687 = vector.broadcast %mul3A_111 : i32 to vector<16xi32>
            %sub3A_688 = arith.subi %get3A_683, %sub3A_687 : vector<16xi32>
            %bitcast3A_689 = vector.bitcast %sub3A_688 : vector<16xi32> to vector<16xi32>
            %lt3A_690 = arith.cmpi ult, %bitcast3A_689, %broadcast_in_dim3A_2 : vector<16xi32>
            %and3A_691 = arith.constant 511 : i32
            %and3A_692 = vector.broadcast %and3A_691 : i32 to vector<16xi32>
            %and3A_693 = arith.andi %add3A_680, %and3A_692 : vector<16xi32>
            %shift_right_logical3A_694 = arith.constant 3 : i32
            %shift_right_logical3A_695 = vector.broadcast %shift_right_logical3A_694 : i32 to vector<16xi32>
            %shift_right_logical3A_696 = arith.shrui %and3A_693, %shift_right_logical3A_695 : vector<16xi32>
            %and3A_697 = arith.constant 7 : i32
            %and3A_698 = vector.broadcast %and3A_697 : i32 to vector<16xi32>
            %and3A_699 = arith.andi %and3A_693, %and3A_698 : vector<16xi32>
            %shift_left3A_700 = arith.constant 4 : i32
            %shift_left3A_701 = vector.broadcast %shift_left3A_700 : i32 to vector<16xi32>
            %shift_left3A_702 = arith.shli %and3A_699, %shift_left3A_701 : vector<16xi32>
            %or3A_703 = arith.ori %shift_left3A_702, %iota3A : vector<16xi32>
            tpu.vector_store_idx %arg10[%shift_right_logical3A_696, %or3A_703], %sub3A_688 masked %lt3A_690 : memref<64x128xi32, #tpu.memory_space<vmem>>[vector<16xi32>, vector<16xi32>], vector<16xi32>, vector<16xi1>
            tpu.vector_store_idx %arg11[%shift_right_logical3A_696, %or3A_703], %get3A_686 masked %lt3A_690 : memref<64x128xf32, #tpu.memory_space<vmem>>[vector<16xi32>, vector<16xi32>], vector<16xf32>, vector<16xi1>
            %convert_element_type3A_704 = arith.extui %lt3A_690 : vector<16xi1> to vector<16xi32>
            %add3A_705 = arith.addi %add3A_680, %convert_element_type3A_704 : vector<16xi32>
            %get3A_706 = arith.index_cast %scan3A_608 : i32 to index
            %get3A_707 = arith.constant 64 : index
            %get3A_708 = tpu.vector_load %arg6[%get3A_706, %get3A_707] {strides = array<i32>} : memref<24x112xi32, #tpu.memory_space<vmem>>, vector<16xi32>,
            %get3A_709 = arith.index_cast %scan3A_608 : i32 to index
            %get3A_710 = arith.constant 64 : index
            %get3A_711 = tpu.vector_load %arg7[%get3A_709, %get3A_710] {strides = array<i32>} : memref<24x112xf32, #tpu.memory_space<vmem>>, vector<16xf32>,
            %sub3A_712 = vector.broadcast %mul3A_111 : i32 to vector<16xi32>
            %sub3A_713 = arith.subi %get3A_708, %sub3A_712 : vector<16xi32>
            %bitcast3A_714 = vector.bitcast %sub3A_713 : vector<16xi32> to vector<16xi32>
            %lt3A_715 = arith.cmpi ult, %bitcast3A_714, %broadcast_in_dim3A_2 : vector<16xi32>
            %and3A_716 = arith.constant 511 : i32
            %and3A_717 = vector.broadcast %and3A_716 : i32 to vector<16xi32>
            %and3A_718 = arith.andi %add3A_705, %and3A_717 : vector<16xi32>
            %shift_right_logical3A_719 = arith.constant 3 : i32
            %shift_right_logical3A_720 = vector.broadcast %shift_right_logical3A_719 : i32 to vector<16xi32>
            %shift_right_logical3A_721 = arith.shrui %and3A_718, %shift_right_logical3A_720 : vector<16xi32>
            %and3A_722 = arith.constant 7 : i32
            %and3A_723 = vector.broadcast %and3A_722 : i32 to vector<16xi32>
            %and3A_724 = arith.andi %and3A_718, %and3A_723 : vector<16xi32>
            %shift_left3A_725 = arith.constant 4 : i32
            %shift_left3A_726 = vector.broadcast %shift_left3A_725 : i32 to vector<16xi32>
            %shift_left3A_727 = arith.shli %and3A_724, %shift_left3A_726 : vector<16xi32>
            %or3A_728 = arith.ori %shift_left3A_727, %iota3A : vector<16xi32>
            tpu.vector_store_idx %arg10[%shift_right_logical3A_721, %or3A_728], %sub3A_713 masked %lt3A_715 : memref<64x128xi32, #tpu.memory_space<vmem>>[vector<16xi32>, vector<16xi32>], vector<16xi32>, vector<16xi1>
            tpu.vector_store_idx %arg11[%shift_right_logical3A_721, %or3A_728], %get3A_711 masked %lt3A_715 : memref<64x128xf32, #tpu.memory_space<vmem>>[vector<16xi32>, vector<16xi32>], vector<16xf32>, vector<16xi1>
            %convert_element_type3A_729 = arith.extui %lt3A_715 : vector<16xi1> to vector<16xi32>
            %add3A_730 = arith.addi %add3A_705, %convert_element_type3A_729 : vector<16xi32>
            %get3A_731 = arith.index_cast %scan3A_608 : i32 to index
            %get3A_732 = arith.constant 80 : index
            %get3A_733 = tpu.vector_load %arg6[%get3A_731, %get3A_732] {strides = array<i32>} : memref<24x112xi32, #tpu.memory_space<vmem>>, vector<16xi32>,
            %get3A_734 = arith.index_cast %scan3A_608 : i32 to index
            %get3A_735 = arith.constant 80 : index
            %get3A_736 = tpu.vector_load %arg7[%get3A_734, %get3A_735] {strides = array<i32>} : memref<24x112xf32, #tpu.memory_space<vmem>>, vector<16xf32>,
            %sub3A_737 = vector.broadcast %mul3A_111 : i32 to vector<16xi32>
            %sub3A_738 = arith.subi %get3A_733, %sub3A_737 : vector<16xi32>
            %bitcast3A_739 = vector.bitcast %sub3A_738 : vector<16xi32> to vector<16xi32>
            %lt3A_740 = arith.cmpi ult, %bitcast3A_739, %broadcast_in_dim3A_2 : vector<16xi32>
            %and3A_741 = arith.constant 511 : i32
            %and3A_742 = vector.broadcast %and3A_741 : i32 to vector<16xi32>
            %and3A_743 = arith.andi %add3A_730, %and3A_742 : vector<16xi32>
            %shift_right_logical3A_744 = arith.constant 3 : i32
            %shift_right_logical3A_745 = vector.broadcast %shift_right_logical3A_744 : i32 to vector<16xi32>
            %shift_right_logical3A_746 = arith.shrui %and3A_743, %shift_right_logical3A_745 : vector<16xi32>
            %and3A_747 = arith.constant 7 : i32
            %and3A_748 = vector.broadcast %and3A_747 : i32 to vector<16xi32>
            %and3A_749 = arith.andi %and3A_743, %and3A_748 : vector<16xi32>
            %shift_left3A_750 = arith.constant 4 : i32
            %shift_left3A_751 = vector.broadcast %shift_left3A_750 : i32 to vector<16xi32>
            %shift_left3A_752 = arith.shli %and3A_749, %shift_left3A_751 : vector<16xi32>
            %or3A_753 = arith.ori %shift_left3A_752, %iota3A : vector<16xi32>
            tpu.vector_store_idx %arg10[%shift_right_logical3A_746, %or3A_753], %sub3A_738 masked %lt3A_740 : memref<64x128xi32, #tpu.memory_space<vmem>>[vector<16xi32>, vector<16xi32>], vector<16xi32>, vector<16xi1>
            tpu.vector_store_idx %arg11[%shift_right_logical3A_746, %or3A_753], %get3A_736 masked %lt3A_740 : memref<64x128xf32, #tpu.memory_space<vmem>>[vector<16xi32>, vector<16xi32>], vector<16xf32>, vector<16xi1>
            %convert_element_type3A_754 = arith.extui %lt3A_740 : vector<16xi1> to vector<16xi32>
            %add3A_755 = arith.addi %add3A_730, %convert_element_type3A_754 : vector<16xi32>
            %get3A_756 = arith.index_cast %scan3A_608 : i32 to index
            %get3A_757 = arith.constant 96 : index
            %get3A_758 = tpu.vector_load %arg6[%get3A_756, %get3A_757] {strides = array<i32>} : memref<24x112xi32, #tpu.memory_space<vmem>>, vector<16xi32>,
            %get3A_759 = arith.index_cast %scan3A_608 : i32 to index
            %get3A_760 = arith.constant 96 : index
            %get3A_761 = tpu.vector_load %arg7[%get3A_759, %get3A_760] {strides = array<i32>} : memref<24x112xf32, #tpu.memory_space<vmem>>, vector<16xf32>,
            %sub3A_762 = vector.broadcast %mul3A_111 : i32 to vector<16xi32>
            %sub3A_763 = arith.subi %get3A_758, %sub3A_762 : vector<16xi32>
            %bitcast3A_764 = vector.bitcast %sub3A_763 : vector<16xi32> to vector<16xi32>
            %lt3A_765 = arith.cmpi ult, %bitcast3A_764, %broadcast_in_dim3A_2 : vector<16xi32>
            %and3A_766 = arith.constant 511 : i32
            %and3A_767 = vector.broadcast %and3A_766 : i32 to vector<16xi32>
            %and3A_768 = arith.andi %add3A_755, %and3A_767 : vector<16xi32>
            %shift_right_logical3A_769 = arith.constant 3 : i32
            %shift_right_logical3A_770 = vector.broadcast %shift_right_logical3A_769 : i32 to vector<16xi32>
            %shift_right_logical3A_771 = arith.shrui %and3A_768, %shift_right_logical3A_770 : vector<16xi32>
            %and3A_772 = arith.constant 7 : i32
            %and3A_773 = vector.broadcast %and3A_772 : i32 to vector<16xi32>
            %and3A_774 = arith.andi %and3A_768, %and3A_773 : vector<16xi32>
            %shift_left3A_775 = arith.constant 4 : i32
            %shift_left3A_776 = vector.broadcast %shift_left3A_775 : i32 to vector<16xi32>
            %shift_left3A_777 = arith.shli %and3A_774, %shift_left3A_776 : vector<16xi32>
            %or3A_778 = arith.ori %shift_left3A_777, %iota3A : vector<16xi32>
            tpu.vector_store_idx %arg10[%shift_right_logical3A_771, %or3A_778], %sub3A_763 masked %lt3A_765 : memref<64x128xi32, #tpu.memory_space<vmem>>[vector<16xi32>, vector<16xi32>], vector<16xi32>, vector<16xi1>
            tpu.vector_store_idx %arg11[%shift_right_logical3A_771, %or3A_778], %get3A_761 masked %lt3A_765 : memref<64x128xf32, #tpu.memory_space<vmem>>[vector<16xi32>, vector<16xi32>], vector<16xf32>, vector<16xi1>
            %convert_element_type3A_779 = arith.extui %lt3A_765 : vector<16xi1> to vector<16xi32>
            %add3A_780 = arith.addi %add3A_755, %convert_element_type3A_779 : vector<16xi32>
            scf.yield %add3A_780 : vector<16xi32>
          }
          %scan3A_607 = arith.constant 24 : i32
          scf.yield %scan3A_606 : vector<16xi32>
        } else {
          %scan3A_602 = arith.constant 0 : i32
          %scan3A_603 = arith.constant 24 : i32
          %scan3A_604 = arith.addi %scan3A_602, %scan3A_603 : i32
          %scan3A_605 = arith.constant 1 : i32
          %scan3A_606 = scf.for %scan3A_608 = %scan3A_602 to %scan3A_604 step %scan3A_605 iter_args(%scan3A_609 = %scan3A_406) -> (vector<16xi32>)  : i32 {
            %broadcast_in_dim3A_610 = arith.constant 0 : i32
            %broadcast_in_dim3A_611 = vector.broadcast %broadcast_in_dim3A_610 : i32 to vector<16xi32>
            %mul3A_612 = arith.constant 8 : i32
            %mul3A_613 = arith.muli %scan3A_408, %mul3A_612 : i32
            %add3A_614 = arith.constant 512 : i32
            %add3A_615 = arith.addi %mul3A_613, %add3A_614 : i32
            %add3A_616 = vector.broadcast %add3A_615 : i32 to vector<16xi32>
            %add3A_617 = arith.addi %broadcast_in_dim3A_611, %add3A_616 : vector<16xi32>
            %get3A = arith.index_cast %scan3A_608 : i32 to index
            %get3A_618 = arith.constant 0 : index
            %get3A_619 = tpu.vector_load %arg6[%get3A, %get3A_618] {strides = array<i32>} : memref<24x112xi32, #tpu.memory_space<vmem>>, vector<16xi32>,
            %get3A_620 = arith.index_cast %scan3A_608 : i32 to index
            %get3A_621 = arith.constant 0 : index
            %get3A_622 = tpu.vector_load %arg7[%get3A_620, %get3A_621] {strides = array<i32>} : memref<24x112xf32, #tpu.memory_space<vmem>>, vector<16xf32>,
            %sub3A_623 = vector.broadcast %mul3A_111 : i32 to vector<16xi32>
            %sub3A_624 = arith.subi %get3A_619, %sub3A_623 : vector<16xi32>
            %bitcast3A = vector.bitcast %sub3A_624 : vector<16xi32> to vector<16xi32>
            %lt3A_625 = arith.cmpi ult, %bitcast3A, %broadcast_in_dim3A_2 : vector<16xi32>
            %lt3A_626 = arith.cmpi slt, %scan3A_609, %add3A_617 : vector<16xi32>
            %and3A_627 = arith.andi %lt3A_625, %lt3A_626 : vector<16xi1>
            %and3A_628 = arith.constant 511 : i32
            %and3A_629 = vector.broadcast %and3A_628 : i32 to vector<16xi32>
            %and3A_630 = arith.andi %scan3A_609, %and3A_629 : vector<16xi32>
            %shift_right_logical3A_631 = arith.constant 3 : i32
            %shift_right_logical3A_632 = vector.broadcast %shift_right_logical3A_631 : i32 to vector<16xi32>
            %shift_right_logical3A_633 = arith.shrui %and3A_630, %shift_right_logical3A_632 : vector<16xi32>
            %and3A_634 = arith.constant 7 : i32
            %and3A_635 = vector.broadcast %and3A_634 : i32 to vector<16xi32>
            %and3A_636 = arith.andi %and3A_630, %and3A_635 : vector<16xi32>
            %shift_left3A = arith.constant 4 : i32
            %shift_left3A_637 = vector.broadcast %shift_left3A : i32 to vector<16xi32>
            %shift_left3A_638 = arith.shli %and3A_636, %shift_left3A_637 : vector<16xi32>
            %or3A = arith.ori %shift_left3A_638, %iota3A : vector<16xi32>
            tpu.vector_store_idx %arg10[%shift_right_logical3A_633, %or3A], %sub3A_624 masked %and3A_627 : memref<64x128xi32, #tpu.memory_space<vmem>>[vector<16xi32>, vector<16xi32>], vector<16xi32>, vector<16xi1>
            tpu.vector_store_idx %arg11[%shift_right_logical3A_633, %or3A], %get3A_622 masked %and3A_627 : memref<64x128xf32, #tpu.memory_space<vmem>>[vector<16xi32>, vector<16xi32>], vector<16xf32>, vector<16xi1>
            %convert_element_type3A_639 = arith.extui %and3A_627 : vector<16xi1> to vector<16xi32>
            %add3A_640 = arith.addi %scan3A_609, %convert_element_type3A_639 : vector<16xi32>
            %get3A_641 = arith.index_cast %scan3A_608 : i32 to index
            %get3A_642 = arith.constant 16 : index
            %get3A_643 = tpu.vector_load %arg6[%get3A_641, %get3A_642] {strides = array<i32>} : memref<24x112xi32, #tpu.memory_space<vmem>>, vector<16xi32>,
            %get3A_644 = arith.index_cast %scan3A_608 : i32 to index
            %get3A_645 = arith.constant 16 : index
            %get3A_646 = tpu.vector_load %arg7[%get3A_644, %get3A_645] {strides = array<i32>} : memref<24x112xf32, #tpu.memory_space<vmem>>, vector<16xf32>,
            %sub3A_647 = vector.broadcast %mul3A_111 : i32 to vector<16xi32>
            %sub3A_648 = arith.subi %get3A_643, %sub3A_647 : vector<16xi32>
            %bitcast3A_649 = vector.bitcast %sub3A_648 : vector<16xi32> to vector<16xi32>
            %lt3A_650 = arith.cmpi ult, %bitcast3A_649, %broadcast_in_dim3A_2 : vector<16xi32>
            %lt3A_651 = arith.cmpi slt, %add3A_640, %add3A_617 : vector<16xi32>
            %and3A_652 = arith.andi %lt3A_650, %lt3A_651 : vector<16xi1>
            %and3A_653 = arith.constant 511 : i32
            %and3A_654 = vector.broadcast %and3A_653 : i32 to vector<16xi32>
            %and3A_655 = arith.andi %add3A_640, %and3A_654 : vector<16xi32>
            %shift_right_logical3A_656 = arith.constant 3 : i32
            %shift_right_logical3A_657 = vector.broadcast %shift_right_logical3A_656 : i32 to vector<16xi32>
            %shift_right_logical3A_658 = arith.shrui %and3A_655, %shift_right_logical3A_657 : vector<16xi32>
            %and3A_659 = arith.constant 7 : i32
            %and3A_660 = vector.broadcast %and3A_659 : i32 to vector<16xi32>
            %and3A_661 = arith.andi %and3A_655, %and3A_660 : vector<16xi32>
            %shift_left3A_662 = arith.constant 4 : i32
            %shift_left3A_663 = vector.broadcast %shift_left3A_662 : i32 to vector<16xi32>
            %shift_left3A_664 = arith.shli %and3A_661, %shift_left3A_663 : vector<16xi32>
            %or3A_665 = arith.ori %shift_left3A_664, %iota3A : vector<16xi32>
            tpu.vector_store_idx %arg10[%shift_right_logical3A_658, %or3A_665], %sub3A_648 masked %and3A_652 : memref<64x128xi32, #tpu.memory_space<vmem>>[vector<16xi32>, vector<16xi32>], vector<16xi32>, vector<16xi1>
            tpu.vector_store_idx %arg11[%shift_right_logical3A_658, %or3A_665], %get3A_646 masked %and3A_652 : memref<64x128xf32, #tpu.memory_space<vmem>>[vector<16xi32>, vector<16xi32>], vector<16xf32>, vector<16xi1>
            %convert_element_type3A_666 = arith.extui %and3A_652 : vector<16xi1> to vector<16xi32>
            %add3A_667 = arith.addi %add3A_640, %convert_element_type3A_666 : vector<16xi32>
            %get3A_668 = arith.index_cast %scan3A_608 : i32 to index
            %get3A_669 = arith.constant 32 : index
            %get3A_670 = tpu.vector_load %arg6[%get3A_668, %get3A_669] {strides = array<i32>} : memref<24x112xi32, #tpu.memory_space<vmem>>, vector<16xi32>,
            %get3A_671 = arith.index_cast %scan3A_608 : i32 to index
            %get3A_672 = arith.constant 32 : index
            %get3A_673 = tpu.vector_load %arg7[%get3A_671, %get3A_672] {strides = array<i32>} : memref<24x112xf32, #tpu.memory_space<vmem>>, vector<16xf32>,
            %sub3A_674 = vector.broadcast %mul3A_111 : i32 to vector<16xi32>
            %sub3A_675 = arith.subi %get3A_670, %sub3A_674 : vector<16xi32>
            %bitcast3A_676 = vector.bitcast %sub3A_675 : vector<16xi32> to vector<16xi32>
            %lt3A_677 = arith.cmpi ult, %bitcast3A_676, %broadcast_in_dim3A_2 : vector<16xi32>
            %lt3A_678 = arith.cmpi slt, %add3A_667, %add3A_617 : vector<16xi32>
            %and3A_679 = arith.andi %lt3A_677, %lt3A_678 : vector<16xi1>
            %and3A_680 = arith.constant 511 : i32
            %and3A_681 = vector.broadcast %and3A_680 : i32 to vector<16xi32>
            %and3A_682 = arith.andi %add3A_667, %and3A_681 : vector<16xi32>
            %shift_right_logical3A_683 = arith.constant 3 : i32
            %shift_right_logical3A_684 = vector.broadcast %shift_right_logical3A_683 : i32 to vector<16xi32>
            %shift_right_logical3A_685 = arith.shrui %and3A_682, %shift_right_logical3A_684 : vector<16xi32>
            %and3A_686 = arith.constant 7 : i32
            %and3A_687 = vector.broadcast %and3A_686 : i32 to vector<16xi32>
            %and3A_688 = arith.andi %and3A_682, %and3A_687 : vector<16xi32>
            %shift_left3A_689 = arith.constant 4 : i32
            %shift_left3A_690 = vector.broadcast %shift_left3A_689 : i32 to vector<16xi32>
            %shift_left3A_691 = arith.shli %and3A_688, %shift_left3A_690 : vector<16xi32>
            %or3A_692 = arith.ori %shift_left3A_691, %iota3A : vector<16xi32>
            tpu.vector_store_idx %arg10[%shift_right_logical3A_685, %or3A_692], %sub3A_675 masked %and3A_679 : memref<64x128xi32, #tpu.memory_space<vmem>>[vector<16xi32>, vector<16xi32>], vector<16xi32>, vector<16xi1>
            tpu.vector_store_idx %arg11[%shift_right_logical3A_685, %or3A_692], %get3A_673 masked %and3A_679 : memref<64x128xf32, #tpu.memory_space<vmem>>[vector<16xi32>, vector<16xi32>], vector<16xf32>, vector<16xi1>
            %convert_element_type3A_693 = arith.extui %and3A_679 : vector<16xi1> to vector<16xi32>
            %add3A_694 = arith.addi %add3A_667, %convert_element_type3A_693 : vector<16xi32>
            %get3A_695 = arith.index_cast %scan3A_608 : i32 to index
            %get3A_696 = arith.constant 48 : index
            %get3A_697 = tpu.vector_load %arg6[%get3A_695, %get3A_696] {strides = array<i32>} : memref<24x112xi32, #tpu.memory_space<vmem>>, vector<16xi32>,
            %get3A_698 = arith.index_cast %scan3A_608 : i32 to index
            %get3A_699 = arith.constant 48 : index
            %get3A_700 = tpu.vector_load %arg7[%get3A_698, %get3A_699] {strides = array<i32>} : memref<24x112xf32, #tpu.memory_space<vmem>>, vector<16xf32>,
            %sub3A_701 = vector.broadcast %mul3A_111 : i32 to vector<16xi32>
            %sub3A_702 = arith.subi %get3A_697, %sub3A_701 : vector<16xi32>
            %bitcast3A_703 = vector.bitcast %sub3A_702 : vector<16xi32> to vector<16xi32>
            %lt3A_704 = arith.cmpi ult, %bitcast3A_703, %broadcast_in_dim3A_2 : vector<16xi32>
            %lt3A_705 = arith.cmpi slt, %add3A_694, %add3A_617 : vector<16xi32>
            %and3A_706 = arith.andi %lt3A_704, %lt3A_705 : vector<16xi1>
            %and3A_707 = arith.constant 511 : i32
            %and3A_708 = vector.broadcast %and3A_707 : i32 to vector<16xi32>
            %and3A_709 = arith.andi %add3A_694, %and3A_708 : vector<16xi32>
            %shift_right_logical3A_710 = arith.constant 3 : i32
            %shift_right_logical3A_711 = vector.broadcast %shift_right_logical3A_710 : i32 to vector<16xi32>
            %shift_right_logical3A_712 = arith.shrui %and3A_709, %shift_right_logical3A_711 : vector<16xi32>
            %and3A_713 = arith.constant 7 : i32
            %and3A_714 = vector.broadcast %and3A_713 : i32 to vector<16xi32>
            %and3A_715 = arith.andi %and3A_709, %and3A_714 : vector<16xi32>
            %shift_left3A_716 = arith.constant 4 : i32
            %shift_left3A_717 = vector.broadcast %shift_left3A_716 : i32 to vector<16xi32>
            %shift_left3A_718 = arith.shli %and3A_715, %shift_left3A_717 : vector<16xi32>
            %or3A_719 = arith.ori %shift_left3A_718, %iota3A : vector<16xi32>
            tpu.vector_store_idx %arg10[%shift_right_logical3A_712, %or3A_719], %sub3A_702 masked %and3A_706 : memref<64x128xi32, #tpu.memory_space<vmem>>[vector<16xi32>, vector<16xi32>], vector<16xi32>, vector<16xi1>
            tpu.vector_store_idx %arg11[%shift_right_logical3A_712, %or3A_719], %get3A_700 masked %and3A_706 : memref<64x128xf32, #tpu.memory_space<vmem>>[vector<16xi32>, vector<16xi32>], vector<16xf32>, vector<16xi1>
            %convert_element_type3A_720 = arith.extui %and3A_706 : vector<16xi1> to vector<16xi32>
            %add3A_721 = arith.addi %add3A_694, %convert_element_type3A_720 : vector<16xi32>
            %get3A_722 = arith.index_cast %scan3A_608 : i32 to index
            %get3A_723 = arith.constant 64 : index
            %get3A_724 = tpu.vector_load %arg6[%get3A_722, %get3A_723] {strides = array<i32>} : memref<24x112xi32, #tpu.memory_space<vmem>>, vector<16xi32>,
            %get3A_725 = arith.index_cast %scan3A_608 : i32 to index
            %get3A_726 = arith.constant 64 : index
            %get3A_727 = tpu.vector_load %arg7[%get3A_725, %get3A_726] {strides = array<i32>} : memref<24x112xf32, #tpu.memory_space<vmem>>, vector<16xf32>,
            %sub3A_728 = vector.broadcast %mul3A_111 : i32 to vector<16xi32>
            %sub3A_729 = arith.subi %get3A_724, %sub3A_728 : vector<16xi32>
            %bitcast3A_730 = vector.bitcast %sub3A_729 : vector<16xi32> to vector<16xi32>
            %lt3A_731 = arith.cmpi ult, %bitcast3A_730, %broadcast_in_dim3A_2 : vector<16xi32>
            %lt3A_732 = arith.cmpi slt, %add3A_721, %add3A_617 : vector<16xi32>
            %and3A_733 = arith.andi %lt3A_731, %lt3A_732 : vector<16xi1>
            %and3A_734 = arith.constant 511 : i32
            %and3A_735 = vector.broadcast %and3A_734 : i32 to vector<16xi32>
            %and3A_736 = arith.andi %add3A_721, %and3A_735 : vector<16xi32>
            %shift_right_logical3A_737 = arith.constant 3 : i32
            %shift_right_logical3A_738 = vector.broadcast %shift_right_logical3A_737 : i32 to vector<16xi32>
            %shift_right_logical3A_739 = arith.shrui %and3A_736, %shift_right_logical3A_738 : vector<16xi32>
            %and3A_740 = arith.constant 7 : i32
            %and3A_741 = vector.broadcast %and3A_740 : i32 to vector<16xi32>
            %and3A_742 = arith.andi %and3A_736, %and3A_741 : vector<16xi32>
            %shift_left3A_743 = arith.constant 4 : i32
            %shift_left3A_744 = vector.broadcast %shift_left3A_743 : i32 to vector<16xi32>
            %shift_left3A_745 = arith.shli %and3A_742, %shift_left3A_744 : vector<16xi32>
            %or3A_746 = arith.ori %shift_left3A_745, %iota3A : vector<16xi32>
            tpu.vector_store_idx %arg10[%shift_right_logical3A_739, %or3A_746], %sub3A_729 masked %and3A_733 : memref<64x128xi32, #tpu.memory_space<vmem>>[vector<16xi32>, vector<16xi32>], vector<16xi32>, vector<16xi1>
            tpu.vector_store_idx %arg11[%shift_right_logical3A_739, %or3A_746], %get3A_727 masked %and3A_733 : memref<64x128xf32, #tpu.memory_space<vmem>>[vector<16xi32>, vector<16xi32>], vector<16xf32>, vector<16xi1>
            %convert_element_type3A_747 = arith.extui %and3A_733 : vector<16xi1> to vector<16xi32>
            %add3A_748 = arith.addi %add3A_721, %convert_element_type3A_747 : vector<16xi32>
            %get3A_749 = arith.index_cast %scan3A_608 : i32 to index
            %get3A_750 = arith.constant 80 : index
            %get3A_751 = tpu.vector_load %arg6[%get3A_749, %get3A_750] {strides = array<i32>} : memref<24x112xi32, #tpu.memory_space<vmem>>, vector<16xi32>,
            %get3A_752 = arith.index_cast %scan3A_608 : i32 to index
            %get3A_753 = arith.constant 80 : index
            %get3A_754 = tpu.vector_load %arg7[%get3A_752, %get3A_753] {strides = array<i32>} : memref<24x112xf32, #tpu.memory_space<vmem>>, vector<16xf32>,
            %sub3A_755 = vector.broadcast %mul3A_111 : i32 to vector<16xi32>
            %sub3A_756 = arith.subi %get3A_751, %sub3A_755 : vector<16xi32>
            %bitcast3A_757 = vector.bitcast %sub3A_756 : vector<16xi32> to vector<16xi32>
            %lt3A_758 = arith.cmpi ult, %bitcast3A_757, %broadcast_in_dim3A_2 : vector<16xi32>
            %lt3A_759 = arith.cmpi slt, %add3A_748, %add3A_617 : vector<16xi32>
            %and3A_760 = arith.andi %lt3A_758, %lt3A_759 : vector<16xi1>
            %and3A_761 = arith.constant 511 : i32
            %and3A_762 = vector.broadcast %and3A_761 : i32 to vector<16xi32>
            %and3A_763 = arith.andi %add3A_748, %and3A_762 : vector<16xi32>
            %shift_right_logical3A_764 = arith.constant 3 : i32
            %shift_right_logical3A_765 = vector.broadcast %shift_right_logical3A_764 : i32 to vector<16xi32>
            %shift_right_logical3A_766 = arith.shrui %and3A_763, %shift_right_logical3A_765 : vector<16xi32>
            %and3A_767 = arith.constant 7 : i32
            %and3A_768 = vector.broadcast %and3A_767 : i32 to vector<16xi32>
            %and3A_769 = arith.andi %and3A_763, %and3A_768 : vector<16xi32>
            %shift_left3A_770 = arith.constant 4 : i32
            %shift_left3A_771 = vector.broadcast %shift_left3A_770 : i32 to vector<16xi32>
            %shift_left3A_772 = arith.shli %and3A_769, %shift_left3A_771 : vector<16xi32>
            %or3A_773 = arith.ori %shift_left3A_772, %iota3A : vector<16xi32>
            tpu.vector_store_idx %arg10[%shift_right_logical3A_766, %or3A_773], %sub3A_756 masked %and3A_760 : memref<64x128xi32, #tpu.memory_space<vmem>>[vector<16xi32>, vector<16xi32>], vector<16xi32>, vector<16xi1>
            tpu.vector_store_idx %arg11[%shift_right_logical3A_766, %or3A_773], %get3A_754 masked %and3A_760 : memref<64x128xf32, #tpu.memory_space<vmem>>[vector<16xi32>, vector<16xi32>], vector<16xf32>, vector<16xi1>
            %convert_element_type3A_774 = arith.extui %and3A_760 : vector<16xi1> to vector<16xi32>
            %add3A_775 = arith.addi %add3A_748, %convert_element_type3A_774 : vector<16xi32>
            %get3A_776 = arith.index_cast %scan3A_608 : i32 to index
            %get3A_777 = arith.constant 96 : index
            %get3A_778 = tpu.vector_load %arg6[%get3A_776, %get3A_777] {strides = array<i32>} : memref<24x112xi32, #tpu.memory_space<vmem>>, vector<16xi32>,
            %get3A_779 = arith.index_cast %scan3A_608 : i32 to index
            %get3A_780 = arith.constant 96 : index
            %get3A_781 = tpu.vector_load %arg7[%get3A_779, %get3A_780] {strides = array<i32>} : memref<24x112xf32, #tpu.memory_space<vmem>>, vector<16xf32>,
            %sub3A_782 = vector.broadcast %mul3A_111 : i32 to vector<16xi32>
            %sub3A_783 = arith.subi %get3A_778, %sub3A_782 : vector<16xi32>
            %bitcast3A_784 = vector.bitcast %sub3A_783 : vector<16xi32> to vector<16xi32>
            %lt3A_785 = arith.cmpi ult, %bitcast3A_784, %broadcast_in_dim3A_2 : vector<16xi32>
            %lt3A_786 = arith.cmpi slt, %add3A_775, %add3A_617 : vector<16xi32>
            %and3A_787 = arith.andi %lt3A_785, %lt3A_786 : vector<16xi1>
            %and3A_788 = arith.constant 511 : i32
            %and3A_789 = vector.broadcast %and3A_788 : i32 to vector<16xi32>
            %and3A_790 = arith.andi %add3A_775, %and3A_789 : vector<16xi32>
            %shift_right_logical3A_791 = arith.constant 3 : i32
            %shift_right_logical3A_792 = vector.broadcast %shift_right_logical3A_791 : i32 to vector<16xi32>
            %shift_right_logical3A_793 = arith.shrui %and3A_790, %shift_right_logical3A_792 : vector<16xi32>
            %and3A_794 = arith.constant 7 : i32
            %and3A_795 = vector.broadcast %and3A_794 : i32 to vector<16xi32>
            %and3A_796 = arith.andi %and3A_790, %and3A_795 : vector<16xi32>
            %shift_left3A_797 = arith.constant 4 : i32
            %shift_left3A_798 = vector.broadcast %shift_left3A_797 : i32 to vector<16xi32>
            %shift_left3A_799 = arith.shli %and3A_796, %shift_left3A_798 : vector<16xi32>
            %or3A_800 = arith.ori %shift_left3A_799, %iota3A : vector<16xi32>
            tpu.vector_store_idx %arg10[%shift_right_logical3A_793, %or3A_800], %sub3A_783 masked %and3A_787 : memref<64x128xi32, #tpu.memory_space<vmem>>[vector<16xi32>, vector<16xi32>], vector<16xi32>, vector<16xi1>
            tpu.vector_store_idx %arg11[%shift_right_logical3A_793, %or3A_800], %get3A_781 masked %and3A_787 : memref<64x128xf32, #tpu.memory_space<vmem>>[vector<16xi32>, vector<16xi32>], vector<16xf32>, vector<16xi1>
            %convert_element_type3A_801 = arith.extui %and3A_787 : vector<16xi1> to vector<16xi32>
            %add3A_802 = arith.addi %add3A_775, %convert_element_type3A_801 : vector<16xi32>
            scf.yield %add3A_802 : vector<16xi32>
          }
          %scan3A_607 = arith.constant 24 : i32
          scf.yield %scan3A_606 : vector<16xi32>
        }
        %reduce_min3A = arith.constant true
        %reduce_min3A_469 = vector.broadcast %reduce_min3A : i1 to vector<16xi1>
        %reduce_min3A_470 = arith.constant -2147483648 : i32
        %reduce_min3A_471 = vector.broadcast %reduce_min3A_470 : i32 to vector<16xi32>
        %reduce_min3A_472 = arith.xori %cond3A_468, %reduce_min3A_471 : vector<16xi32>
        %reduce_min3A_473 = tpu.scan <min>, %reduce_min3A_472 masked %reduce_min3A_469 : vector<16xi32>, vector<16xi1> -> vector<16xi32>
        %reduce_min3A_474 = arith.xori %reduce_min3A_473, %reduce_min3A_471 : vector<16xi32>
        %reduce_min3A_475 = vector.extract %reduce_min3A_474[15] : i32 from vector<16xi32>
        %shift_right_arithmetic3A_476 = arith.constant 3 : i32
        %shift_right_arithmetic3A_477 = arith.shrsi %reduce_min3A_475, %shift_right_arithmetic3A_476 : i32
        %while3A_478 = arith.constant 0 : i32
        %while3A_479 = arith.subi %shift_right_arithmetic3A_477, %scan3A_407 : i32
        %while3A_480 = arith.addi %scan3A_407, %while3A_479 : i32
        %while3A_481 = arith.constant 1 : i32
        %while3A_482 = arith.divsi %while3A_479, %while3A_481 : i32
        %while3A_483 = arith.muli %while3A_482, %while3A_481 : i32
        %while3A_484 = arith.addi %scan3A_407, %while3A_483 : i32
        %while3A_485 = arith.constant 1 : i32
        %while3A_486 = scf.for %while3A_602 = %scan3A_407 to %while3A_484 step %while3A_485 iter_args(%while3A_603 = %while3A_478) -> (i32)  : i32 {
          %and3A_604 = arith.constant 63 : i32
          %and3A_605 = arith.andi %while3A_602, %and3A_604 : i32
          %dma_start3A_606 = arith.constant 0 : i32
          %dma_start3A_607 = tpu.memref_slice %arg11[%and3A_605, %dma_start3A_606] : memref<64x128xf32, #tpu.memory_space<vmem>> -> memref<1x128xf32, #tpu.memory_space<vmem>>
          %dma_start3A_608 = tpu.memref_squeeze %dma_start3A_607 : memref<1x128xf32, #tpu.memory_space<vmem>> -> memref<128xf32, #tpu.memory_space<vmem>>
          %dma_start3A_609 = arith.constant 0 : i32
          %dma_start3A_610 = tpu.memref_slice %arg10[%and3A_605, %dma_start3A_609] : memref<64x128xi32, #tpu.memory_space<vmem>> -> memref<1x128xi32, #tpu.memory_space<vmem>>
          %dma_start3A_611 = tpu.memref_squeeze %dma_start3A_610 : memref<1x128xi32, #tpu.memory_space<vmem>> -> memref<128xi32, #tpu.memory_space<vmem>>
          %dma_start3A_612 = arith.constant 0 : i32
          %dma_start3A_613 = tpu.memref_slice %arg5[%dma_start3A_612] : memref<1605632xf32, #tpu.memory_space<vmem_shared>> -> memref<1605632xf32, #tpu.memory_space<vmem_shared>>
          tpu.enqueue_indirect_dma source(%dma_start3A_608 : memref<128xf32, #tpu.memory_space<vmem>>) target(%dma_start3A_613 : memref<1605632xf32, #tpu.memory_space<vmem_shared>>) offsets(%dma_start3A_611 : memref<128xi32, #tpu.memory_space<vmem>>) semaphore(%arg15 : memref<!tpu.dma_semaphore, #tpu.memory_space<semaphore_mem>>) {add = true}
          %while3A_614 = arith.constant 0 : i32
          scf.yield %while3A_614 : i32
        }
        %while3A_487 = arith.constant 1 : i32
        %while3A_488 = scf.for %while3A_602 = %while3A_484 to %while3A_480 step %while3A_487 iter_args(%while3A_603 = %while3A_486) -> (i32)  : i32 {
          %and3A_604 = arith.constant 63 : i32
          %and3A_605 = arith.andi %while3A_602, %and3A_604 : i32
          %dma_start3A_606 = arith.constant 0 : i32
          %dma_start3A_607 = tpu.memref_slice %arg11[%and3A_605, %dma_start3A_606] : memref<64x128xf32, #tpu.memory_space<vmem>> -> memref<1x128xf32, #tpu.memory_space<vmem>>
          %dma_start3A_608 = tpu.memref_squeeze %dma_start3A_607 : memref<1x128xf32, #tpu.memory_space<vmem>> -> memref<128xf32, #tpu.memory_space<vmem>>
          %dma_start3A_609 = arith.constant 0 : i32
          %dma_start3A_610 = tpu.memref_slice %arg10[%and3A_605, %dma_start3A_609] : memref<64x128xi32, #tpu.memory_space<vmem>> -> memref<1x128xi32, #tpu.memory_space<vmem>>
          %dma_start3A_611 = tpu.memref_squeeze %dma_start3A_610 : memref<1x128xi32, #tpu.memory_space<vmem>> -> memref<128xi32, #tpu.memory_space<vmem>>
          %dma_start3A_612 = arith.constant 0 : i32
          %dma_start3A_613 = tpu.memref_slice %arg5[%dma_start3A_612] : memref<1605632xf32, #tpu.memory_space<vmem_shared>> -> memref<1605632xf32, #tpu.memory_space<vmem_shared>>
          tpu.enqueue_indirect_dma source(%dma_start3A_608 : memref<128xf32, #tpu.memory_space<vmem>>) target(%dma_start3A_613 : memref<1605632xf32, #tpu.memory_space<vmem_shared>>) offsets(%dma_start3A_611 : memref<128xi32, #tpu.memory_space<vmem>>) semaphore(%arg15 : memref<!tpu.dma_semaphore, #tpu.memory_space<semaphore_mem>>) {add = true}
          %while3A_614 = arith.constant 0 : i32
          scf.yield %while3A_614 : i32
        }
        %sub3A_489 = arith.constant 8 : i32
        %sub3A_490 = arith.subi %shift_right_arithmetic3A_477, %sub3A_489 : i32
        %max3A = arith.maxsi %scan3A_408, %sub3A_490 : i32
        %while3A_491 = arith.constant 0 : i32
        %while3A_492 = arith.subi %max3A, %scan3A_408 : i32
        %while3A_493 = arith.addi %scan3A_408, %while3A_492 : i32
        %while3A_494 = arith.constant 1 : i32
        %while3A_495 = arith.divsi %while3A_492, %while3A_494 : i32
        %while3A_496 = arith.muli %while3A_495, %while3A_494 : i32
        %while3A_497 = arith.addi %scan3A_408, %while3A_496 : i32
        %while3A_498 = arith.constant 1 : i32
        %while3A_499 = scf.for %while3A_602 = %scan3A_408 to %while3A_497 step %while3A_498 iter_args(%while3A_603 = %while3A_491) -> (i32)  : i32 {
          %and3A_604 = arith.constant 63 : i32
          %and3A_605 = arith.andi %while3A_602, %and3A_604 : i32
          %dma_wait3A_606 = arith.constant 0 : i32
          %dma_wait3A_607 = tpu.memref_slice %arg11[%and3A_605, %dma_wait3A_606] : memref<64x128xf32, #tpu.memory_space<vmem>> -> memref<1x128xf32, #tpu.memory_space<vmem>>
          %dma_wait3A_608 = tpu.memref_squeeze %dma_wait3A_607 : memref<1x128xf32, #tpu.memory_space<vmem>> -> memref<128xf32, #tpu.memory_space<vmem>>
          %dma_wait3A_609 = arith.constant 0 : i32
          %dma_wait3A_610 = tpu.memref_slice %arg10[%and3A_605, %dma_wait3A_609] : memref<64x128xi32, #tpu.memory_space<vmem>> -> memref<1x128xi32, #tpu.memory_space<vmem>>
          %dma_wait3A_611 = tpu.memref_squeeze %dma_wait3A_610 : memref<1x128xi32, #tpu.memory_space<vmem>> -> memref<128xi32, #tpu.memory_space<vmem>>
          %dma_wait3A_612 = arith.constant 0 : i32
          %dma_wait3A_613 = tpu.memref_slice %arg5[%dma_wait3A_612] : memref<1605632xf32, #tpu.memory_space<vmem_shared>> -> memref<1605632xf32, #tpu.memory_space<vmem_shared>>
          tpu.wait_indirect_dma semaphore(%arg15 : memref<!tpu.dma_semaphore, #tpu.memory_space<semaphore_mem>>) src(%dma_wait3A_608 : memref<128xf32, #tpu.memory_space<vmem>>) dst(%dma_wait3A_613 : memref<1605632xf32, #tpu.memory_space<vmem_shared>>)
          %while3A_614 = arith.constant 0 : i32
          scf.yield %while3A_614 : i32
        }
        %while3A_500 = arith.constant 1 : i32
        %while3A_501 = scf.for %while3A_602 = %while3A_497 to %while3A_493 step %while3A_500 iter_args(%while3A_603 = %while3A_499) -> (i32)  : i32 {
          %and3A_604 = arith.constant 63 : i32
          %and3A_605 = arith.andi %while3A_602, %and3A_604 : i32
          %dma_wait3A_606 = arith.constant 0 : i32
          %dma_wait3A_607 = tpu.memref_slice %arg11[%and3A_605, %dma_wait3A_606] : memref<64x128xf32, #tpu.memory_space<vmem>> -> memref<1x128xf32, #tpu.memory_space<vmem>>
          %dma_wait3A_608 = tpu.memref_squeeze %dma_wait3A_607 : memref<1x128xf32, #tpu.memory_space<vmem>> -> memref<128xf32, #tpu.memory_space<vmem>>
          %dma_wait3A_609 = arith.constant 0 : i32
          %dma_wait3A_610 = tpu.memref_slice %arg10[%and3A_605, %dma_wait3A_609] : memref<64x128xi32, #tpu.memory_space<vmem>> -> memref<1x128xi32, #tpu.memory_space<vmem>>
          %dma_wait3A_611 = tpu.memref_squeeze %dma_wait3A_610 : memref<1x128xi32, #tpu.memory_space<vmem>> -> memref<128xi32, #tpu.memory_space<vmem>>
          %dma_wait3A_612 = arith.constant 0 : i32
          %dma_wait3A_613 = tpu.memref_slice %arg5[%dma_wait3A_612] : memref<1605632xf32, #tpu.memory_space<vmem_shared>> -> memref<1605632xf32, #tpu.memory_space<vmem_shared>>
          tpu.wait_indirect_dma semaphore(%arg15 : memref<!tpu.dma_semaphore, #tpu.memory_space<semaphore_mem>>) src(%dma_wait3A_608 : memref<128xf32, #tpu.memory_space<vmem>>) dst(%dma_wait3A_613 : memref<1605632xf32, #tpu.memory_space<vmem_shared>>)
          %while3A_614 = arith.constant 0 : i32
          scf.yield %while3A_614 : i32
        }
        %add3A_502 = arith.constant 2 : i32
        %add3A_503 = arith.addi %mul3A_410, %add3A_502 : i32
        %min3A_504 = arith.constant 27 : i32
        %min3A_505 = arith.minsi %add3A_503, %min3A_504 : i32
        %mul3A_506 = arith.constant 7 : i32
        %mul3A_507 = arith.muli %arg1, %mul3A_506 : i32
        %shift_right_logical3A_508 = arith.constant 2 : i32
        %shift_right_logical3A_509 = arith.shrui %min3A_505, %shift_right_logical3A_508 : i32
        %add3A_510 = arith.addi %mul3A_507, %shift_right_logical3A_509 : i32
        %and3A_511 = arith.constant 3 : i32
        %and3A_512 = arith.andi %min3A_505, %and3A_511 : i32
        %mul3A_513 = arith.constant 24 : i32
        %mul3A_514 = arith.muli %and3A_512, %mul3A_513 : i32
        %dma_start3A_515 = arith.constant 0 : i32
        %dma_start3A_516 = tpu.memref_slice %arg3[%add3A_95, %add3A_510, %mul3A_514, %dma_start3A_515] : memref<8x112x96x112xi32, #tpu.memory_space<hbm>> -> memref<1x1x24x112xi32, #tpu.memory_space<hbm>>
        %dma_start3A_517 = tpu.memref_squeeze %dma_start3A_516 : memref<1x1x24x112xi32, #tpu.memory_space<hbm>> -> memref<24x112xi32, #tpu.memory_space<hbm>>
        %dma_start3A_518 = arith.constant 0 : i32
        %dma_start3A_519 = tpu.memref_slice %arg3[%add3A_95, %add3A_510, %mul3A_514, %dma_start3A_518] : memref<8x112x96x112xi32, #tpu.memory_space<hbm>> -> memref<1x1x24x112xi32, #tpu.memory_space<hbm>>
        %dma_start3A_520 = tpu.memref_squeeze %dma_start3A_519 : memref<1x1x24x112xi32, #tpu.memory_space<hbm>> -> memref<24x112xi32, #tpu.memory_space<hbm>>
        tpu.enqueue_dma source(%dma_start3A_520 : memref<24x112xi32, #tpu.memory_space<hbm>>) target(%arg6 : memref<24x112xi32, #tpu.memory_space<vmem>>) target_semaphore(%arg13 : memref<!tpu.dma_semaphore, #tpu.memory_space<semaphore_mem>>)
        %dma_start3A_521 = arith.constant 0 : i32
        %dma_start3A_522 = tpu.memref_slice %arg2[%add3A_95, %add3A_510, %mul3A_514, %dma_start3A_521] : memref<8x112x96x112xf32, #tpu.memory_space<hbm>> -> memref<1x1x24x112xf32, #tpu.memory_space<hbm>>
        %dma_start3A_523 = tpu.memref_squeeze %dma_start3A_522 : memref<1x1x24x112xf32, #tpu.memory_space<hbm>> -> memref<24x112xf32, #tpu.memory_space<hbm>>
        %dma_start3A_524 = arith.constant 0 : i32
        %dma_start3A_525 = tpu.memref_slice %arg2[%add3A_95, %add3A_510, %mul3A_514, %dma_start3A_524] : memref<8x112x96x112xf32, #tpu.memory_space<hbm>> -> memref<1x1x24x112xf32, #tpu.memory_space<hbm>>
        %dma_start3A_526 = tpu.memref_squeeze %dma_start3A_525 : memref<1x1x24x112xf32, #tpu.memory_space<hbm>> -> memref<24x112xf32, #tpu.memory_space<hbm>>
        tpu.enqueue_dma source(%dma_start3A_526 : memref<24x112xf32, #tpu.memory_space<hbm>>) target(%arg7 : memref<24x112xf32, #tpu.memory_space<vmem>>) target_semaphore(%arg13 : memref<!tpu.dma_semaphore, #tpu.memory_space<semaphore_mem>>)
        %add3A_527 = arith.constant 1 : i32
        %add3A_528 = arith.addi %mul3A_410, %add3A_527 : i32
        %mul3A_529 = arith.constant 7 : i32
        %mul3A_530 = arith.muli %arg1, %mul3A_529 : i32
        %shift_right_logical3A_531 = arith.constant 2 : i32
        %shift_right_logical3A_532 = arith.shrui %add3A_528, %shift_right_logical3A_531 : i32
        %add3A_533 = arith.addi %mul3A_530, %shift_right_logical3A_532 : i32
        %and3A_534 = arith.constant 3 : i32
        %and3A_535 = arith.andi %add3A_528, %and3A_534 : i32
        %mul3A_536 = arith.constant 24 : i32
        %mul3A_537 = arith.muli %and3A_535, %mul3A_536 : i32
        %dma_wait3A_538 = arith.constant 0 : i32
        %dma_wait3A_539 = tpu.memref_slice %arg3[%add3A_95, %add3A_533, %mul3A_537, %dma_wait3A_538] : memref<8x112x96x112xi32, #tpu.memory_space<hbm>> -> memref<1x1x24x112xi32, #tpu.memory_space<hbm>>
        %dma_wait3A_540 = tpu.memref_squeeze %dma_wait3A_539 : memref<1x1x24x112xi32, #tpu.memory_space<hbm>> -> memref<24x112xi32, #tpu.memory_space<hbm>>
        %dma_wait3A_541 = arith.constant 0 : i32
        %dma_wait3A_542 = tpu.memref_slice %arg3[%add3A_95, %add3A_533, %mul3A_537, %dma_wait3A_541] : memref<8x112x96x112xi32, #tpu.memory_space<hbm>> -> memref<1x1x24x112xi32, #tpu.memory_space<hbm>>
        %dma_wait3A_543 = tpu.memref_squeeze %dma_wait3A_542 : memref<1x1x24x112xi32, #tpu.memory_space<hbm>> -> memref<24x112xi32, #tpu.memory_space<hbm>>
        tpu.wait_dma2 semaphore(%arg14 : memref<!tpu.dma_semaphore, #tpu.memory_space<semaphore_mem>>) src(%dma_wait3A_543 : memref<24x112xi32, #tpu.memory_space<hbm>>) dst(%arg8 : memref<24x112xi32, #tpu.memory_space<vmem>>)
        %dma_wait3A_544 = arith.constant 0 : i32
        %dma_wait3A_545 = tpu.memref_slice %arg2[%add3A_95, %add3A_533, %mul3A_537, %dma_wait3A_544] : memref<8x112x96x112xf32, #tpu.memory_space<hbm>> -> memref<1x1x24x112xf32, #tpu.memory_space<hbm>>
        %dma_wait3A_546 = tpu.memref_squeeze %dma_wait3A_545 : memref<1x1x24x112xf32, #tpu.memory_space<hbm>> -> memref<24x112xf32, #tpu.memory_space<hbm>>
        %dma_wait3A_547 = arith.constant 0 : i32
        %dma_wait3A_548 = tpu.memref_slice %arg2[%add3A_95, %add3A_533, %mul3A_537, %dma_wait3A_547] : memref<8x112x96x112xf32, #tpu.memory_space<hbm>> -> memref<1x1x24x112xf32, #tpu.memory_space<hbm>>
        %dma_wait3A_549 = tpu.memref_squeeze %dma_wait3A_548 : memref<1x1x24x112xf32, #tpu.memory_space<hbm>> -> memref<24x112xf32, #tpu.memory_space<hbm>>
        tpu.wait_dma2 semaphore(%arg14 : memref<!tpu.dma_semaphore, #tpu.memory_space<semaphore_mem>>) src(%dma_wait3A_549 : memref<24x112xf32, #tpu.memory_space<hbm>>) dst(%arg9 : memref<24x112xf32, #tpu.memory_space<vmem>>)
        %reduce_max3A_550 = arith.constant true
        %reduce_max3A_551 = vector.broadcast %reduce_max3A_550 : i1 to vector<16xi1>
        %reduce_max3A_552 = arith.constant -2147483648 : i32
        %reduce_max3A_553 = vector.broadcast %reduce_max3A_552 : i32 to vector<16xi32>
        %reduce_max3A_554 = arith.xori %cond3A_468, %reduce_max3A_553 : vector<16xi32>
        %reduce_max3A_555 = tpu.scan <max>, %reduce_max3A_554 masked %reduce_max3A_551 : vector<16xi32>, vector<16xi1> -> vector<16xi32>
        %reduce_max3A_556 = arith.xori %reduce_max3A_555, %reduce_max3A_553 : vector<16xi32>
        %reduce_max3A_557 = vector.extract %reduce_max3A_556[15] : i32 from vector<16xi32>
        %mul3A_558 = arith.constant 8 : i32
        %mul3A_559 = arith.muli %max3A, %mul3A_558 : i32
        %sub3A_560 = arith.subi %reduce_max3A_557, %mul3A_559 : i32
        %le3A_561 = arith.constant 344 : i32
        %le3A_562 = arith.cmpi sle, %sub3A_560, %le3A_561 : i32
        %convert_element_type3A_563 = arith.extui %le3A_562 : i1 to i32
        %cond3A_564 = arith.constant 0 : i32
        %cond3A_565 = arith.cmpi ne, %convert_element_type3A_563, %cond3A_564 : i32
        %cond3A_566 = scf.if %cond3A_565 -> (vector<16xi32>) {
          %scan3A_602 = arith.constant 0 : i32
          %scan3A_603 = arith.constant 24 : i32
          %scan3A_604 = arith.addi %scan3A_602, %scan3A_603 : i32
          %scan3A_605 = arith.constant 1 : i32
          %scan3A_606 = scf.for %scan3A_608 = %scan3A_602 to %scan3A_604 step %scan3A_605 iter_args(%scan3A_609 = %cond3A_468) -> (vector<16xi32>)  : i32 {
            %get3A = arith.index_cast %scan3A_608 : i32 to index
            %get3A_610 = arith.constant 0 : index
            %get3A_611 = tpu.vector_load %arg8[%get3A, %get3A_610] {strides = array<i32>} : memref<24x112xi32, #tpu.memory_space<vmem>>, vector<16xi32>,
            %get3A_612 = arith.index_cast %scan3A_608 : i32 to index
            %get3A_613 = arith.constant 0 : index
            %get3A_614 = tpu.vector_load %arg9[%get3A_612, %get3A_613] {strides = array<i32>} : memref<24x112xf32, #tpu.memory_space<vmem>>, vector<16xf32>,
            %sub3A_615 = vector.broadcast %mul3A_111 : i32 to vector<16xi32>
            %sub3A_616 = arith.subi %get3A_611, %sub3A_615 : vector<16xi32>
            %bitcast3A = vector.bitcast %sub3A_616 : vector<16xi32> to vector<16xi32>
            %lt3A_617 = arith.cmpi ult, %bitcast3A, %broadcast_in_dim3A_2 : vector<16xi32>
            %and3A_618 = arith.constant 511 : i32
            %and3A_619 = vector.broadcast %and3A_618 : i32 to vector<16xi32>
            %and3A_620 = arith.andi %scan3A_609, %and3A_619 : vector<16xi32>
            %shift_right_logical3A_621 = arith.constant 3 : i32
            %shift_right_logical3A_622 = vector.broadcast %shift_right_logical3A_621 : i32 to vector<16xi32>
            %shift_right_logical3A_623 = arith.shrui %and3A_620, %shift_right_logical3A_622 : vector<16xi32>
            %and3A_624 = arith.constant 7 : i32
            %and3A_625 = vector.broadcast %and3A_624 : i32 to vector<16xi32>
            %and3A_626 = arith.andi %and3A_620, %and3A_625 : vector<16xi32>
            %shift_left3A = arith.constant 4 : i32
            %shift_left3A_627 = vector.broadcast %shift_left3A : i32 to vector<16xi32>
            %shift_left3A_628 = arith.shli %and3A_626, %shift_left3A_627 : vector<16xi32>
            %or3A = arith.ori %shift_left3A_628, %iota3A : vector<16xi32>
            tpu.vector_store_idx %arg10[%shift_right_logical3A_623, %or3A], %sub3A_616 masked %lt3A_617 : memref<64x128xi32, #tpu.memory_space<vmem>>[vector<16xi32>, vector<16xi32>], vector<16xi32>, vector<16xi1>
            tpu.vector_store_idx %arg11[%shift_right_logical3A_623, %or3A], %get3A_614 masked %lt3A_617 : memref<64x128xf32, #tpu.memory_space<vmem>>[vector<16xi32>, vector<16xi32>], vector<16xf32>, vector<16xi1>
            %convert_element_type3A_629 = arith.extui %lt3A_617 : vector<16xi1> to vector<16xi32>
            %add3A_630 = arith.addi %scan3A_609, %convert_element_type3A_629 : vector<16xi32>
            %get3A_631 = arith.index_cast %scan3A_608 : i32 to index
            %get3A_632 = arith.constant 16 : index
            %get3A_633 = tpu.vector_load %arg8[%get3A_631, %get3A_632] {strides = array<i32>} : memref<24x112xi32, #tpu.memory_space<vmem>>, vector<16xi32>,
            %get3A_634 = arith.index_cast %scan3A_608 : i32 to index
            %get3A_635 = arith.constant 16 : index
            %get3A_636 = tpu.vector_load %arg9[%get3A_634, %get3A_635] {strides = array<i32>} : memref<24x112xf32, #tpu.memory_space<vmem>>, vector<16xf32>,
            %sub3A_637 = vector.broadcast %mul3A_111 : i32 to vector<16xi32>
            %sub3A_638 = arith.subi %get3A_633, %sub3A_637 : vector<16xi32>
            %bitcast3A_639 = vector.bitcast %sub3A_638 : vector<16xi32> to vector<16xi32>
            %lt3A_640 = arith.cmpi ult, %bitcast3A_639, %broadcast_in_dim3A_2 : vector<16xi32>
            %and3A_641 = arith.constant 511 : i32
            %and3A_642 = vector.broadcast %and3A_641 : i32 to vector<16xi32>
            %and3A_643 = arith.andi %add3A_630, %and3A_642 : vector<16xi32>
            %shift_right_logical3A_644 = arith.constant 3 : i32
            %shift_right_logical3A_645 = vector.broadcast %shift_right_logical3A_644 : i32 to vector<16xi32>
            %shift_right_logical3A_646 = arith.shrui %and3A_643, %shift_right_logical3A_645 : vector<16xi32>
            %and3A_647 = arith.constant 7 : i32
            %and3A_648 = vector.broadcast %and3A_647 : i32 to vector<16xi32>
            %and3A_649 = arith.andi %and3A_643, %and3A_648 : vector<16xi32>
            %shift_left3A_650 = arith.constant 4 : i32
            %shift_left3A_651 = vector.broadcast %shift_left3A_650 : i32 to vector<16xi32>
            %shift_left3A_652 = arith.shli %and3A_649, %shift_left3A_651 : vector<16xi32>
            %or3A_653 = arith.ori %shift_left3A_652, %iota3A : vector<16xi32>
            tpu.vector_store_idx %arg10[%shift_right_logical3A_646, %or3A_653], %sub3A_638 masked %lt3A_640 : memref<64x128xi32, #tpu.memory_space<vmem>>[vector<16xi32>, vector<16xi32>], vector<16xi32>, vector<16xi1>
            tpu.vector_store_idx %arg11[%shift_right_logical3A_646, %or3A_653], %get3A_636 masked %lt3A_640 : memref<64x128xf32, #tpu.memory_space<vmem>>[vector<16xi32>, vector<16xi32>], vector<16xf32>, vector<16xi1>
            %convert_element_type3A_654 = arith.extui %lt3A_640 : vector<16xi1> to vector<16xi32>
            %add3A_655 = arith.addi %add3A_630, %convert_element_type3A_654 : vector<16xi32>
            %get3A_656 = arith.index_cast %scan3A_608 : i32 to index
            %get3A_657 = arith.constant 32 : index
            %get3A_658 = tpu.vector_load %arg8[%get3A_656, %get3A_657] {strides = array<i32>} : memref<24x112xi32, #tpu.memory_space<vmem>>, vector<16xi32>,
            %get3A_659 = arith.index_cast %scan3A_608 : i32 to index
            %get3A_660 = arith.constant 32 : index
            %get3A_661 = tpu.vector_load %arg9[%get3A_659, %get3A_660] {strides = array<i32>} : memref<24x112xf32, #tpu.memory_space<vmem>>, vector<16xf32>,
            %sub3A_662 = vector.broadcast %mul3A_111 : i32 to vector<16xi32>
            %sub3A_663 = arith.subi %get3A_658, %sub3A_662 : vector<16xi32>
            %bitcast3A_664 = vector.bitcast %sub3A_663 : vector<16xi32> to vector<16xi32>
            %lt3A_665 = arith.cmpi ult, %bitcast3A_664, %broadcast_in_dim3A_2 : vector<16xi32>
            %and3A_666 = arith.constant 511 : i32
            %and3A_667 = vector.broadcast %and3A_666 : i32 to vector<16xi32>
            %and3A_668 = arith.andi %add3A_655, %and3A_667 : vector<16xi32>
            %shift_right_logical3A_669 = arith.constant 3 : i32
            %shift_right_logical3A_670 = vector.broadcast %shift_right_logical3A_669 : i32 to vector<16xi32>
            %shift_right_logical3A_671 = arith.shrui %and3A_668, %shift_right_logical3A_670 : vector<16xi32>
            %and3A_672 = arith.constant 7 : i32
            %and3A_673 = vector.broadcast %and3A_672 : i32 to vector<16xi32>
            %and3A_674 = arith.andi %and3A_668, %and3A_673 : vector<16xi32>
            %shift_left3A_675 = arith.constant 4 : i32
            %shift_left3A_676 = vector.broadcast %shift_left3A_675 : i32 to vector<16xi32>
            %shift_left3A_677 = arith.shli %and3A_674, %shift_left3A_676 : vector<16xi32>
            %or3A_678 = arith.ori %shift_left3A_677, %iota3A : vector<16xi32>
            tpu.vector_store_idx %arg10[%shift_right_logical3A_671, %or3A_678], %sub3A_663 masked %lt3A_665 : memref<64x128xi32, #tpu.memory_space<vmem>>[vector<16xi32>, vector<16xi32>], vector<16xi32>, vector<16xi1>
            tpu.vector_store_idx %arg11[%shift_right_logical3A_671, %or3A_678], %get3A_661 masked %lt3A_665 : memref<64x128xf32, #tpu.memory_space<vmem>>[vector<16xi32>, vector<16xi32>], vector<16xf32>, vector<16xi1>
            %convert_element_type3A_679 = arith.extui %lt3A_665 : vector<16xi1> to vector<16xi32>
            %add3A_680 = arith.addi %add3A_655, %convert_element_type3A_679 : vector<16xi32>
            %get3A_681 = arith.index_cast %scan3A_608 : i32 to index
            %get3A_682 = arith.constant 48 : index
            %get3A_683 = tpu.vector_load %arg8[%get3A_681, %get3A_682] {strides = array<i32>} : memref<24x112xi32, #tpu.memory_space<vmem>>, vector<16xi32>,
            %get3A_684 = arith.index_cast %scan3A_608 : i32 to index
            %get3A_685 = arith.constant 48 : index
            %get3A_686 = tpu.vector_load %arg9[%get3A_684, %get3A_685] {strides = array<i32>} : memref<24x112xf32, #tpu.memory_space<vmem>>, vector<16xf32>,
            %sub3A_687 = vector.broadcast %mul3A_111 : i32 to vector<16xi32>
            %sub3A_688 = arith.subi %get3A_683, %sub3A_687 : vector<16xi32>
            %bitcast3A_689 = vector.bitcast %sub3A_688 : vector<16xi32> to vector<16xi32>
            %lt3A_690 = arith.cmpi ult, %bitcast3A_689, %broadcast_in_dim3A_2 : vector<16xi32>
            %and3A_691 = arith.constant 511 : i32
            %and3A_692 = vector.broadcast %and3A_691 : i32 to vector<16xi32>
            %and3A_693 = arith.andi %add3A_680, %and3A_692 : vector<16xi32>
            %shift_right_logical3A_694 = arith.constant 3 : i32
            %shift_right_logical3A_695 = vector.broadcast %shift_right_logical3A_694 : i32 to vector<16xi32>
            %shift_right_logical3A_696 = arith.shrui %and3A_693, %shift_right_logical3A_695 : vector<16xi32>
            %and3A_697 = arith.constant 7 : i32
            %and3A_698 = vector.broadcast %and3A_697 : i32 to vector<16xi32>
            %and3A_699 = arith.andi %and3A_693, %and3A_698 : vector<16xi32>
            %shift_left3A_700 = arith.constant 4 : i32
            %shift_left3A_701 = vector.broadcast %shift_left3A_700 : i32 to vector<16xi32>
            %shift_left3A_702 = arith.shli %and3A_699, %shift_left3A_701 : vector<16xi32>
            %or3A_703 = arith.ori %shift_left3A_702, %iota3A : vector<16xi32>
            tpu.vector_store_idx %arg10[%shift_right_logical3A_696, %or3A_703], %sub3A_688 masked %lt3A_690 : memref<64x128xi32, #tpu.memory_space<vmem>>[vector<16xi32>, vector<16xi32>], vector<16xi32>, vector<16xi1>
            tpu.vector_store_idx %arg11[%shift_right_logical3A_696, %or3A_703], %get3A_686 masked %lt3A_690 : memref<64x128xf32, #tpu.memory_space<vmem>>[vector<16xi32>, vector<16xi32>], vector<16xf32>, vector<16xi1>
            %convert_element_type3A_704 = arith.extui %lt3A_690 : vector<16xi1> to vector<16xi32>
            %add3A_705 = arith.addi %add3A_680, %convert_element_type3A_704 : vector<16xi32>
            %get3A_706 = arith.index_cast %scan3A_608 : i32 to index
            %get3A_707 = arith.constant 64 : index
            %get3A_708 = tpu.vector_load %arg8[%get3A_706, %get3A_707] {strides = array<i32>} : memref<24x112xi32, #tpu.memory_space<vmem>>, vector<16xi32>,
            %get3A_709 = arith.index_cast %scan3A_608 : i32 to index
            %get3A_710 = arith.constant 64 : index
            %get3A_711 = tpu.vector_load %arg9[%get3A_709, %get3A_710] {strides = array<i32>} : memref<24x112xf32, #tpu.memory_space<vmem>>, vector<16xf32>,
            %sub3A_712 = vector.broadcast %mul3A_111 : i32 to vector<16xi32>
            %sub3A_713 = arith.subi %get3A_708, %sub3A_712 : vector<16xi32>
            %bitcast3A_714 = vector.bitcast %sub3A_713 : vector<16xi32> to vector<16xi32>
            %lt3A_715 = arith.cmpi ult, %bitcast3A_714, %broadcast_in_dim3A_2 : vector<16xi32>
            %and3A_716 = arith.constant 511 : i32
            %and3A_717 = vector.broadcast %and3A_716 : i32 to vector<16xi32>
            %and3A_718 = arith.andi %add3A_705, %and3A_717 : vector<16xi32>
            %shift_right_logical3A_719 = arith.constant 3 : i32
            %shift_right_logical3A_720 = vector.broadcast %shift_right_logical3A_719 : i32 to vector<16xi32>
            %shift_right_logical3A_721 = arith.shrui %and3A_718, %shift_right_logical3A_720 : vector<16xi32>
            %and3A_722 = arith.constant 7 : i32
            %and3A_723 = vector.broadcast %and3A_722 : i32 to vector<16xi32>
            %and3A_724 = arith.andi %and3A_718, %and3A_723 : vector<16xi32>
            %shift_left3A_725 = arith.constant 4 : i32
            %shift_left3A_726 = vector.broadcast %shift_left3A_725 : i32 to vector<16xi32>
            %shift_left3A_727 = arith.shli %and3A_724, %shift_left3A_726 : vector<16xi32>
            %or3A_728 = arith.ori %shift_left3A_727, %iota3A : vector<16xi32>
            tpu.vector_store_idx %arg10[%shift_right_logical3A_721, %or3A_728], %sub3A_713 masked %lt3A_715 : memref<64x128xi32, #tpu.memory_space<vmem>>[vector<16xi32>, vector<16xi32>], vector<16xi32>, vector<16xi1>
            tpu.vector_store_idx %arg11[%shift_right_logical3A_721, %or3A_728], %get3A_711 masked %lt3A_715 : memref<64x128xf32, #tpu.memory_space<vmem>>[vector<16xi32>, vector<16xi32>], vector<16xf32>, vector<16xi1>
            %convert_element_type3A_729 = arith.extui %lt3A_715 : vector<16xi1> to vector<16xi32>
            %add3A_730 = arith.addi %add3A_705, %convert_element_type3A_729 : vector<16xi32>
            %get3A_731 = arith.index_cast %scan3A_608 : i32 to index
            %get3A_732 = arith.constant 80 : index
            %get3A_733 = tpu.vector_load %arg8[%get3A_731, %get3A_732] {strides = array<i32>} : memref<24x112xi32, #tpu.memory_space<vmem>>, vector<16xi32>,
            %get3A_734 = arith.index_cast %scan3A_608 : i32 to index
            %get3A_735 = arith.constant 80 : index
            %get3A_736 = tpu.vector_load %arg9[%get3A_734, %get3A_735] {strides = array<i32>} : memref<24x112xf32, #tpu.memory_space<vmem>>, vector<16xf32>,
            %sub3A_737 = vector.broadcast %mul3A_111 : i32 to vector<16xi32>
            %sub3A_738 = arith.subi %get3A_733, %sub3A_737 : vector<16xi32>
            %bitcast3A_739 = vector.bitcast %sub3A_738 : vector<16xi32> to vector<16xi32>
            %lt3A_740 = arith.cmpi ult, %bitcast3A_739, %broadcast_in_dim3A_2 : vector<16xi32>
            %and3A_741 = arith.constant 511 : i32
            %and3A_742 = vector.broadcast %and3A_741 : i32 to vector<16xi32>
            %and3A_743 = arith.andi %add3A_730, %and3A_742 : vector<16xi32>
            %shift_right_logical3A_744 = arith.constant 3 : i32
            %shift_right_logical3A_745 = vector.broadcast %shift_right_logical3A_744 : i32 to vector<16xi32>
            %shift_right_logical3A_746 = arith.shrui %and3A_743, %shift_right_logical3A_745 : vector<16xi32>
            %and3A_747 = arith.constant 7 : i32
            %and3A_748 = vector.broadcast %and3A_747 : i32 to vector<16xi32>
            %and3A_749 = arith.andi %and3A_743, %and3A_748 : vector<16xi32>
            %shift_left3A_750 = arith.constant 4 : i32
            %shift_left3A_751 = vector.broadcast %shift_left3A_750 : i32 to vector<16xi32>
            %shift_left3A_752 = arith.shli %and3A_749, %shift_left3A_751 : vector<16xi32>
            %or3A_753 = arith.ori %shift_left3A_752, %iota3A : vector<16xi32>
            tpu.vector_store_idx %arg10[%shift_right_logical3A_746, %or3A_753], %sub3A_738 masked %lt3A_740 : memref<64x128xi32, #tpu.memory_space<vmem>>[vector<16xi32>, vector<16xi32>], vector<16xi32>, vector<16xi1>
            tpu.vector_store_idx %arg11[%shift_right_logical3A_746, %or3A_753], %get3A_736 masked %lt3A_740 : memref<64x128xf32, #tpu.memory_space<vmem>>[vector<16xi32>, vector<16xi32>], vector<16xf32>, vector<16xi1>
            %convert_element_type3A_754 = arith.extui %lt3A_740 : vector<16xi1> to vector<16xi32>
            %add3A_755 = arith.addi %add3A_730, %convert_element_type3A_754 : vector<16xi32>
            %get3A_756 = arith.index_cast %scan3A_608 : i32 to index
            %get3A_757 = arith.constant 96 : index
            %get3A_758 = tpu.vector_load %arg8[%get3A_756, %get3A_757] {strides = array<i32>} : memref<24x112xi32, #tpu.memory_space<vmem>>, vector<16xi32>,
            %get3A_759 = arith.index_cast %scan3A_608 : i32 to index
            %get3A_760 = arith.constant 96 : index
            %get3A_761 = tpu.vector_load %arg9[%get3A_759, %get3A_760] {strides = array<i32>} : memref<24x112xf32, #tpu.memory_space<vmem>>, vector<16xf32>,
            %sub3A_762 = vector.broadcast %mul3A_111 : i32 to vector<16xi32>
            %sub3A_763 = arith.subi %get3A_758, %sub3A_762 : vector<16xi32>
            %bitcast3A_764 = vector.bitcast %sub3A_763 : vector<16xi32> to vector<16xi32>
            %lt3A_765 = arith.cmpi ult, %bitcast3A_764, %broadcast_in_dim3A_2 : vector<16xi32>
            %and3A_766 = arith.constant 511 : i32
            %and3A_767 = vector.broadcast %and3A_766 : i32 to vector<16xi32>
            %and3A_768 = arith.andi %add3A_755, %and3A_767 : vector<16xi32>
            %shift_right_logical3A_769 = arith.constant 3 : i32
            %shift_right_logical3A_770 = vector.broadcast %shift_right_logical3A_769 : i32 to vector<16xi32>
            %shift_right_logical3A_771 = arith.shrui %and3A_768, %shift_right_logical3A_770 : vector<16xi32>
            %and3A_772 = arith.constant 7 : i32
            %and3A_773 = vector.broadcast %and3A_772 : i32 to vector<16xi32>
            %and3A_774 = arith.andi %and3A_768, %and3A_773 : vector<16xi32>
            %shift_left3A_775 = arith.constant 4 : i32
            %shift_left3A_776 = vector.broadcast %shift_left3A_775 : i32 to vector<16xi32>
            %shift_left3A_777 = arith.shli %and3A_774, %shift_left3A_776 : vector<16xi32>
            %or3A_778 = arith.ori %shift_left3A_777, %iota3A : vector<16xi32>
            tpu.vector_store_idx %arg10[%shift_right_logical3A_771, %or3A_778], %sub3A_763 masked %lt3A_765 : memref<64x128xi32, #tpu.memory_space<vmem>>[vector<16xi32>, vector<16xi32>], vector<16xi32>, vector<16xi1>
            tpu.vector_store_idx %arg11[%shift_right_logical3A_771, %or3A_778], %get3A_761 masked %lt3A_765 : memref<64x128xf32, #tpu.memory_space<vmem>>[vector<16xi32>, vector<16xi32>], vector<16xf32>, vector<16xi1>
            %convert_element_type3A_779 = arith.extui %lt3A_765 : vector<16xi1> to vector<16xi32>
            %add3A_780 = arith.addi %add3A_755, %convert_element_type3A_779 : vector<16xi32>
            scf.yield %add3A_780 : vector<16xi32>
          }
          %scan3A_607 = arith.constant 24 : i32
          scf.yield %scan3A_606 : vector<16xi32>
        } else {
          %scan3A_602 = arith.constant 0 : i32
          %scan3A_603 = arith.constant 24 : i32
          %scan3A_604 = arith.addi %scan3A_602, %scan3A_603 : i32
          %scan3A_605 = arith.constant 1 : i32
          %scan3A_606 = scf.for %scan3A_608 = %scan3A_602 to %scan3A_604 step %scan3A_605 iter_args(%scan3A_609 = %cond3A_468) -> (vector<16xi32>)  : i32 {
            %broadcast_in_dim3A_610 = arith.constant 0 : i32
            %broadcast_in_dim3A_611 = vector.broadcast %broadcast_in_dim3A_610 : i32 to vector<16xi32>
            %mul3A_612 = arith.constant 8 : i32
            %mul3A_613 = arith.muli %max3A, %mul3A_612 : i32
            %add3A_614 = arith.constant 512 : i32
            %add3A_615 = arith.addi %mul3A_613, %add3A_614 : i32
            %add3A_616 = vector.broadcast %add3A_615 : i32 to vector<16xi32>
            %add3A_617 = arith.addi %broadcast_in_dim3A_611, %add3A_616 : vector<16xi32>
            %get3A = arith.index_cast %scan3A_608 : i32 to index
            %get3A_618 = arith.constant 0 : index
            %get3A_619 = tpu.vector_load %arg8[%get3A, %get3A_618] {strides = array<i32>} : memref<24x112xi32, #tpu.memory_space<vmem>>, vector<16xi32>,
            %get3A_620 = arith.index_cast %scan3A_608 : i32 to index
            %get3A_621 = arith.constant 0 : index
            %get3A_622 = tpu.vector_load %arg9[%get3A_620, %get3A_621] {strides = array<i32>} : memref<24x112xf32, #tpu.memory_space<vmem>>, vector<16xf32>,
            %sub3A_623 = vector.broadcast %mul3A_111 : i32 to vector<16xi32>
            %sub3A_624 = arith.subi %get3A_619, %sub3A_623 : vector<16xi32>
            %bitcast3A = vector.bitcast %sub3A_624 : vector<16xi32> to vector<16xi32>
            %lt3A_625 = arith.cmpi ult, %bitcast3A, %broadcast_in_dim3A_2 : vector<16xi32>
            %lt3A_626 = arith.cmpi slt, %scan3A_609, %add3A_617 : vector<16xi32>
            %and3A_627 = arith.andi %lt3A_625, %lt3A_626 : vector<16xi1>
            %and3A_628 = arith.constant 511 : i32
            %and3A_629 = vector.broadcast %and3A_628 : i32 to vector<16xi32>
            %and3A_630 = arith.andi %scan3A_609, %and3A_629 : vector<16xi32>
            %shift_right_logical3A_631 = arith.constant 3 : i32
            %shift_right_logical3A_632 = vector.broadcast %shift_right_logical3A_631 : i32 to vector<16xi32>
            %shift_right_logical3A_633 = arith.shrui %and3A_630, %shift_right_logical3A_632 : vector<16xi32>
            %and3A_634 = arith.constant 7 : i32
            %and3A_635 = vector.broadcast %and3A_634 : i32 to vector<16xi32>
            %and3A_636 = arith.andi %and3A_630, %and3A_635 : vector<16xi32>
            %shift_left3A = arith.constant 4 : i32
            %shift_left3A_637 = vector.broadcast %shift_left3A : i32 to vector<16xi32>
            %shift_left3A_638 = arith.shli %and3A_636, %shift_left3A_637 : vector<16xi32>
            %or3A = arith.ori %shift_left3A_638, %iota3A : vector<16xi32>
            tpu.vector_store_idx %arg10[%shift_right_logical3A_633, %or3A], %sub3A_624 masked %and3A_627 : memref<64x128xi32, #tpu.memory_space<vmem>>[vector<16xi32>, vector<16xi32>], vector<16xi32>, vector<16xi1>
            tpu.vector_store_idx %arg11[%shift_right_logical3A_633, %or3A], %get3A_622 masked %and3A_627 : memref<64x128xf32, #tpu.memory_space<vmem>>[vector<16xi32>, vector<16xi32>], vector<16xf32>, vector<16xi1>
            %convert_element_type3A_639 = arith.extui %and3A_627 : vector<16xi1> to vector<16xi32>
            %add3A_640 = arith.addi %scan3A_609, %convert_element_type3A_639 : vector<16xi32>
            %get3A_641 = arith.index_cast %scan3A_608 : i32 to index
            %get3A_642 = arith.constant 16 : index
            %get3A_643 = tpu.vector_load %arg8[%get3A_641, %get3A_642] {strides = array<i32>} : memref<24x112xi32, #tpu.memory_space<vmem>>, vector<16xi32>,
            %get3A_644 = arith.index_cast %scan3A_608 : i32 to index
            %get3A_645 = arith.constant 16 : index
            %get3A_646 = tpu.vector_load %arg9[%get3A_644, %get3A_645] {strides = array<i32>} : memref<24x112xf32, #tpu.memory_space<vmem>>, vector<16xf32>,
            %sub3A_647 = vector.broadcast %mul3A_111 : i32 to vector<16xi32>
            %sub3A_648 = arith.subi %get3A_643, %sub3A_647 : vector<16xi32>
            %bitcast3A_649 = vector.bitcast %sub3A_648 : vector<16xi32> to vector<16xi32>
            %lt3A_650 = arith.cmpi ult, %bitcast3A_649, %broadcast_in_dim3A_2 : vector<16xi32>
            %lt3A_651 = arith.cmpi slt, %add3A_640, %add3A_617 : vector<16xi32>
            %and3A_652 = arith.andi %lt3A_650, %lt3A_651 : vector<16xi1>
            %and3A_653 = arith.constant 511 : i32
            %and3A_654 = vector.broadcast %and3A_653 : i32 to vector<16xi32>
            %and3A_655 = arith.andi %add3A_640, %and3A_654 : vector<16xi32>
            %shift_right_logical3A_656 = arith.constant 3 : i32
            %shift_right_logical3A_657 = vector.broadcast %shift_right_logical3A_656 : i32 to vector<16xi32>
            %shift_right_logical3A_658 = arith.shrui %and3A_655, %shift_right_logical3A_657 : vector<16xi32>
            %and3A_659 = arith.constant 7 : i32
            %and3A_660 = vector.broadcast %and3A_659 : i32 to vector<16xi32>
            %and3A_661 = arith.andi %and3A_655, %and3A_660 : vector<16xi32>
            %shift_left3A_662 = arith.constant 4 : i32
            %shift_left3A_663 = vector.broadcast %shift_left3A_662 : i32 to vector<16xi32>
            %shift_left3A_664 = arith.shli %and3A_661, %shift_left3A_663 : vector<16xi32>
            %or3A_665 = arith.ori %shift_left3A_664, %iota3A : vector<16xi32>
            tpu.vector_store_idx %arg10[%shift_right_logical3A_658, %or3A_665], %sub3A_648 masked %and3A_652 : memref<64x128xi32, #tpu.memory_space<vmem>>[vector<16xi32>, vector<16xi32>], vector<16xi32>, vector<16xi1>
            tpu.vector_store_idx %arg11[%shift_right_logical3A_658, %or3A_665], %get3A_646 masked %and3A_652 : memref<64x128xf32, #tpu.memory_space<vmem>>[vector<16xi32>, vector<16xi32>], vector<16xf32>, vector<16xi1>
            %convert_element_type3A_666 = arith.extui %and3A_652 : vector<16xi1> to vector<16xi32>
            %add3A_667 = arith.addi %add3A_640, %convert_element_type3A_666 : vector<16xi32>
            %get3A_668 = arith.index_cast %scan3A_608 : i32 to index
            %get3A_669 = arith.constant 32 : index
            %get3A_670 = tpu.vector_load %arg8[%get3A_668, %get3A_669] {strides = array<i32>} : memref<24x112xi32, #tpu.memory_space<vmem>>, vector<16xi32>,
            %get3A_671 = arith.index_cast %scan3A_608 : i32 to index
            %get3A_672 = arith.constant 32 : index
            %get3A_673 = tpu.vector_load %arg9[%get3A_671, %get3A_672] {strides = array<i32>} : memref<24x112xf32, #tpu.memory_space<vmem>>, vector<16xf32>,
            %sub3A_674 = vector.broadcast %mul3A_111 : i32 to vector<16xi32>
            %sub3A_675 = arith.subi %get3A_670, %sub3A_674 : vector<16xi32>
            %bitcast3A_676 = vector.bitcast %sub3A_675 : vector<16xi32> to vector<16xi32>
            %lt3A_677 = arith.cmpi ult, %bitcast3A_676, %broadcast_in_dim3A_2 : vector<16xi32>
            %lt3A_678 = arith.cmpi slt, %add3A_667, %add3A_617 : vector<16xi32>
            %and3A_679 = arith.andi %lt3A_677, %lt3A_678 : vector<16xi1>
            %and3A_680 = arith.constant 511 : i32
            %and3A_681 = vector.broadcast %and3A_680 : i32 to vector<16xi32>
            %and3A_682 = arith.andi %add3A_667, %and3A_681 : vector<16xi32>
            %shift_right_logical3A_683 = arith.constant 3 : i32
            %shift_right_logical3A_684 = vector.broadcast %shift_right_logical3A_683 : i32 to vector<16xi32>
            %shift_right_logical3A_685 = arith.shrui %and3A_682, %shift_right_logical3A_684 : vector<16xi32>
            %and3A_686 = arith.constant 7 : i32
            %and3A_687 = vector.broadcast %and3A_686 : i32 to vector<16xi32>
            %and3A_688 = arith.andi %and3A_682, %and3A_687 : vector<16xi32>
            %shift_left3A_689 = arith.constant 4 : i32
            %shift_left3A_690 = vector.broadcast %shift_left3A_689 : i32 to vector<16xi32>
            %shift_left3A_691 = arith.shli %and3A_688, %shift_left3A_690 : vector<16xi32>
            %or3A_692 = arith.ori %shift_left3A_691, %iota3A : vector<16xi32>
            tpu.vector_store_idx %arg10[%shift_right_logical3A_685, %or3A_692], %sub3A_675 masked %and3A_679 : memref<64x128xi32, #tpu.memory_space<vmem>>[vector<16xi32>, vector<16xi32>], vector<16xi32>, vector<16xi1>
            tpu.vector_store_idx %arg11[%shift_right_logical3A_685, %or3A_692], %get3A_673 masked %and3A_679 : memref<64x128xf32, #tpu.memory_space<vmem>>[vector<16xi32>, vector<16xi32>], vector<16xf32>, vector<16xi1>
            %convert_element_type3A_693 = arith.extui %and3A_679 : vector<16xi1> to vector<16xi32>
            %add3A_694 = arith.addi %add3A_667, %convert_element_type3A_693 : vector<16xi32>
            %get3A_695 = arith.index_cast %scan3A_608 : i32 to index
            %get3A_696 = arith.constant 48 : index
            %get3A_697 = tpu.vector_load %arg8[%get3A_695, %get3A_696] {strides = array<i32>} : memref<24x112xi32, #tpu.memory_space<vmem>>, vector<16xi32>,
            %get3A_698 = arith.index_cast %scan3A_608 : i32 to index
            %get3A_699 = arith.constant 48 : index
            %get3A_700 = tpu.vector_load %arg9[%get3A_698, %get3A_699] {strides = array<i32>} : memref<24x112xf32, #tpu.memory_space<vmem>>, vector<16xf32>,
            %sub3A_701 = vector.broadcast %mul3A_111 : i32 to vector<16xi32>
            %sub3A_702 = arith.subi %get3A_697, %sub3A_701 : vector<16xi32>
            %bitcast3A_703 = vector.bitcast %sub3A_702 : vector<16xi32> to vector<16xi32>
            %lt3A_704 = arith.cmpi ult, %bitcast3A_703, %broadcast_in_dim3A_2 : vector<16xi32>
            %lt3A_705 = arith.cmpi slt, %add3A_694, %add3A_617 : vector<16xi32>
            %and3A_706 = arith.andi %lt3A_704, %lt3A_705 : vector<16xi1>
            %and3A_707 = arith.constant 511 : i32
            %and3A_708 = vector.broadcast %and3A_707 : i32 to vector<16xi32>
            %and3A_709 = arith.andi %add3A_694, %and3A_708 : vector<16xi32>
            %shift_right_logical3A_710 = arith.constant 3 : i32
            %shift_right_logical3A_711 = vector.broadcast %shift_right_logical3A_710 : i32 to vector<16xi32>
            %shift_right_logical3A_712 = arith.shrui %and3A_709, %shift_right_logical3A_711 : vector<16xi32>
            %and3A_713 = arith.constant 7 : i32
            %and3A_714 = vector.broadcast %and3A_713 : i32 to vector<16xi32>
            %and3A_715 = arith.andi %and3A_709, %and3A_714 : vector<16xi32>
            %shift_left3A_716 = arith.constant 4 : i32
            %shift_left3A_717 = vector.broadcast %shift_left3A_716 : i32 to vector<16xi32>
            %shift_left3A_718 = arith.shli %and3A_715, %shift_left3A_717 : vector<16xi32>
            %or3A_719 = arith.ori %shift_left3A_718, %iota3A : vector<16xi32>
            tpu.vector_store_idx %arg10[%shift_right_logical3A_712, %or3A_719], %sub3A_702 masked %and3A_706 : memref<64x128xi32, #tpu.memory_space<vmem>>[vector<16xi32>, vector<16xi32>], vector<16xi32>, vector<16xi1>
            tpu.vector_store_idx %arg11[%shift_right_logical3A_712, %or3A_719], %get3A_700 masked %and3A_706 : memref<64x128xf32, #tpu.memory_space<vmem>>[vector<16xi32>, vector<16xi32>], vector<16xf32>, vector<16xi1>
            %convert_element_type3A_720 = arith.extui %and3A_706 : vector<16xi1> to vector<16xi32>
            %add3A_721 = arith.addi %add3A_694, %convert_element_type3A_720 : vector<16xi32>
            %get3A_722 = arith.index_cast %scan3A_608 : i32 to index
            %get3A_723 = arith.constant 64 : index
            %get3A_724 = tpu.vector_load %arg8[%get3A_722, %get3A_723] {strides = array<i32>} : memref<24x112xi32, #tpu.memory_space<vmem>>, vector<16xi32>,
            %get3A_725 = arith.index_cast %scan3A_608 : i32 to index
            %get3A_726 = arith.constant 64 : index
            %get3A_727 = tpu.vector_load %arg9[%get3A_725, %get3A_726] {strides = array<i32>} : memref<24x112xf32, #tpu.memory_space<vmem>>, vector<16xf32>,
            %sub3A_728 = vector.broadcast %mul3A_111 : i32 to vector<16xi32>
            %sub3A_729 = arith.subi %get3A_724, %sub3A_728 : vector<16xi32>
            %bitcast3A_730 = vector.bitcast %sub3A_729 : vector<16xi32> to vector<16xi32>
            %lt3A_731 = arith.cmpi ult, %bitcast3A_730, %broadcast_in_dim3A_2 : vector<16xi32>
            %lt3A_732 = arith.cmpi slt, %add3A_721, %add3A_617 : vector<16xi32>
            %and3A_733 = arith.andi %lt3A_731, %lt3A_732 : vector<16xi1>
            %and3A_734 = arith.constant 511 : i32
            %and3A_735 = vector.broadcast %and3A_734 : i32 to vector<16xi32>
            %and3A_736 = arith.andi %add3A_721, %and3A_735 : vector<16xi32>
            %shift_right_logical3A_737 = arith.constant 3 : i32
            %shift_right_logical3A_738 = vector.broadcast %shift_right_logical3A_737 : i32 to vector<16xi32>
            %shift_right_logical3A_739 = arith.shrui %and3A_736, %shift_right_logical3A_738 : vector<16xi32>
            %and3A_740 = arith.constant 7 : i32
            %and3A_741 = vector.broadcast %and3A_740 : i32 to vector<16xi32>
            %and3A_742 = arith.andi %and3A_736, %and3A_741 : vector<16xi32>
            %shift_left3A_743 = arith.constant 4 : i32
            %shift_left3A_744 = vector.broadcast %shift_left3A_743 : i32 to vector<16xi32>
            %shift_left3A_745 = arith.shli %and3A_742, %shift_left3A_744 : vector<16xi32>
            %or3A_746 = arith.ori %shift_left3A_745, %iota3A : vector<16xi32>
            tpu.vector_store_idx %arg10[%shift_right_logical3A_739, %or3A_746], %sub3A_729 masked %and3A_733 : memref<64x128xi32, #tpu.memory_space<vmem>>[vector<16xi32>, vector<16xi32>], vector<16xi32>, vector<16xi1>
            tpu.vector_store_idx %arg11[%shift_right_logical3A_739, %or3A_746], %get3A_727 masked %and3A_733 : memref<64x128xf32, #tpu.memory_space<vmem>>[vector<16xi32>, vector<16xi32>], vector<16xf32>, vector<16xi1>
            %convert_element_type3A_747 = arith.extui %and3A_733 : vector<16xi1> to vector<16xi32>
            %add3A_748 = arith.addi %add3A_721, %convert_element_type3A_747 : vector<16xi32>
            %get3A_749 = arith.index_cast %scan3A_608 : i32 to index
            %get3A_750 = arith.constant 80 : index
            %get3A_751 = tpu.vector_load %arg8[%get3A_749, %get3A_750] {strides = array<i32>} : memref<24x112xi32, #tpu.memory_space<vmem>>, vector<16xi32>,
            %get3A_752 = arith.index_cast %scan3A_608 : i32 to index
            %get3A_753 = arith.constant 80 : index
            %get3A_754 = tpu.vector_load %arg9[%get3A_752, %get3A_753] {strides = array<i32>} : memref<24x112xf32, #tpu.memory_space<vmem>>, vector<16xf32>,
            %sub3A_755 = vector.broadcast %mul3A_111 : i32 to vector<16xi32>
            %sub3A_756 = arith.subi %get3A_751, %sub3A_755 : vector<16xi32>
            %bitcast3A_757 = vector.bitcast %sub3A_756 : vector<16xi32> to vector<16xi32>
            %lt3A_758 = arith.cmpi ult, %bitcast3A_757, %broadcast_in_dim3A_2 : vector<16xi32>
            %lt3A_759 = arith.cmpi slt, %add3A_748, %add3A_617 : vector<16xi32>
            %and3A_760 = arith.andi %lt3A_758, %lt3A_759 : vector<16xi1>
            %and3A_761 = arith.constant 511 : i32
            %and3A_762 = vector.broadcast %and3A_761 : i32 to vector<16xi32>
            %and3A_763 = arith.andi %add3A_748, %and3A_762 : vector<16xi32>
            %shift_right_logical3A_764 = arith.constant 3 : i32
            %shift_right_logical3A_765 = vector.broadcast %shift_right_logical3A_764 : i32 to vector<16xi32>
            %shift_right_logical3A_766 = arith.shrui %and3A_763, %shift_right_logical3A_765 : vector<16xi32>
            %and3A_767 = arith.constant 7 : i32
            %and3A_768 = vector.broadcast %and3A_767 : i32 to vector<16xi32>
            %and3A_769 = arith.andi %and3A_763, %and3A_768 : vector<16xi32>
            %shift_left3A_770 = arith.constant 4 : i32
            %shift_left3A_771 = vector.broadcast %shift_left3A_770 : i32 to vector<16xi32>
            %shift_left3A_772 = arith.shli %and3A_769, %shift_left3A_771 : vector<16xi32>
            %or3A_773 = arith.ori %shift_left3A_772, %iota3A : vector<16xi32>
            tpu.vector_store_idx %arg10[%shift_right_logical3A_766, %or3A_773], %sub3A_756 masked %and3A_760 : memref<64x128xi32, #tpu.memory_space<vmem>>[vector<16xi32>, vector<16xi32>], vector<16xi32>, vector<16xi1>
            tpu.vector_store_idx %arg11[%shift_right_logical3A_766, %or3A_773], %get3A_754 masked %and3A_760 : memref<64x128xf32, #tpu.memory_space<vmem>>[vector<16xi32>, vector<16xi32>], vector<16xf32>, vector<16xi1>
            %convert_element_type3A_774 = arith.extui %and3A_760 : vector<16xi1> to vector<16xi32>
            %add3A_775 = arith.addi %add3A_748, %convert_element_type3A_774 : vector<16xi32>
            %get3A_776 = arith.index_cast %scan3A_608 : i32 to index
            %get3A_777 = arith.constant 96 : index
            %get3A_778 = tpu.vector_load %arg8[%get3A_776, %get3A_777] {strides = array<i32>} : memref<24x112xi32, #tpu.memory_space<vmem>>, vector<16xi32>,
            %get3A_779 = arith.index_cast %scan3A_608 : i32 to index
            %get3A_780 = arith.constant 96 : index
            %get3A_781 = tpu.vector_load %arg9[%get3A_779, %get3A_780] {strides = array<i32>} : memref<24x112xf32, #tpu.memory_space<vmem>>, vector<16xf32>,
            %sub3A_782 = vector.broadcast %mul3A_111 : i32 to vector<16xi32>
            %sub3A_783 = arith.subi %get3A_778, %sub3A_782 : vector<16xi32>
            %bitcast3A_784 = vector.bitcast %sub3A_783 : vector<16xi32> to vector<16xi32>
            %lt3A_785 = arith.cmpi ult, %bitcast3A_784, %broadcast_in_dim3A_2 : vector<16xi32>
            %lt3A_786 = arith.cmpi slt, %add3A_775, %add3A_617 : vector<16xi32>
            %and3A_787 = arith.andi %lt3A_785, %lt3A_786 : vector<16xi1>
            %and3A_788 = arith.constant 511 : i32
            %and3A_789 = vector.broadcast %and3A_788 : i32 to vector<16xi32>
            %and3A_790 = arith.andi %add3A_775, %and3A_789 : vector<16xi32>
            %shift_right_logical3A_791 = arith.constant 3 : i32
            %shift_right_logical3A_792 = vector.broadcast %shift_right_logical3A_791 : i32 to vector<16xi32>
            %shift_right_logical3A_793 = arith.shrui %and3A_790, %shift_right_logical3A_792 : vector<16xi32>
            %and3A_794 = arith.constant 7 : i32
            %and3A_795 = vector.broadcast %and3A_794 : i32 to vector<16xi32>
            %and3A_796 = arith.andi %and3A_790, %and3A_795 : vector<16xi32>
            %shift_left3A_797 = arith.constant 4 : i32
            %shift_left3A_798 = vector.broadcast %shift_left3A_797 : i32 to vector<16xi32>
            %shift_left3A_799 = arith.shli %and3A_796, %shift_left3A_798 : vector<16xi32>
            %or3A_800 = arith.ori %shift_left3A_799, %iota3A : vector<16xi32>
            tpu.vector_store_idx %arg10[%shift_right_logical3A_793, %or3A_800], %sub3A_783 masked %and3A_787 : memref<64x128xi32, #tpu.memory_space<vmem>>[vector<16xi32>, vector<16xi32>], vector<16xi32>, vector<16xi1>
            tpu.vector_store_idx %arg11[%shift_right_logical3A_793, %or3A_800], %get3A_781 masked %and3A_787 : memref<64x128xf32, #tpu.memory_space<vmem>>[vector<16xi32>, vector<16xi32>], vector<16xf32>, vector<16xi1>
            %convert_element_type3A_801 = arith.extui %and3A_787 : vector<16xi1> to vector<16xi32>
            %add3A_802 = arith.addi %add3A_775, %convert_element_type3A_801 : vector<16xi32>
            scf.yield %add3A_802 : vector<16xi32>
          }
          %scan3A_607 = arith.constant 24 : i32
          scf.yield %scan3A_606 : vector<16xi32>
        }
        %reduce_min3A_567 = arith.constant true
        %reduce_min3A_568 = vector.broadcast %reduce_min3A_567 : i1 to vector<16xi1>
        %reduce_min3A_569 = arith.constant -2147483648 : i32
        %reduce_min3A_570 = vector.broadcast %reduce_min3A_569 : i32 to vector<16xi32>
        %reduce_min3A_571 = arith.xori %cond3A_566, %reduce_min3A_570 : vector<16xi32>
        %reduce_min3A_572 = tpu.scan <min>, %reduce_min3A_571 masked %reduce_min3A_568 : vector<16xi32>, vector<16xi1> -> vector<16xi32>
        %reduce_min3A_573 = arith.xori %reduce_min3A_572, %reduce_min3A_570 : vector<16xi32>
        %reduce_min3A_574 = vector.extract %reduce_min3A_573[15] : i32 from vector<16xi32>
        %shift_right_arithmetic3A_575 = arith.constant 3 : i32
        %shift_right_arithmetic3A_576 = arith.shrsi %reduce_min3A_574, %shift_right_arithmetic3A_575 : i32
        %while3A_577 = arith.constant 0 : i32
        %while3A_578 = arith.subi %shift_right_arithmetic3A_576, %shift_right_arithmetic3A_477 : i32
        %while3A_579 = arith.addi %shift_right_arithmetic3A_477, %while3A_578 : i32
        %while3A_580 = arith.constant 1 : i32
        %while3A_581 = arith.divsi %while3A_578, %while3A_580 : i32
        %while3A_582 = arith.muli %while3A_581, %while3A_580 : i32
        %while3A_583 = arith.addi %shift_right_arithmetic3A_477, %while3A_582 : i32
        %while3A_584 = arith.constant 1 : i32
        %while3A_585 = scf.for %while3A_602 = %shift_right_arithmetic3A_477 to %while3A_583 step %while3A_584 iter_args(%while3A_603 = %while3A_577) -> (i32)  : i32 {
          %and3A_604 = arith.constant 63 : i32
          %and3A_605 = arith.andi %while3A_602, %and3A_604 : i32
          %dma_start3A_606 = arith.constant 0 : i32
          %dma_start3A_607 = tpu.memref_slice %arg11[%and3A_605, %dma_start3A_606] : memref<64x128xf32, #tpu.memory_space<vmem>> -> memref<1x128xf32, #tpu.memory_space<vmem>>
          %dma_start3A_608 = tpu.memref_squeeze %dma_start3A_607 : memref<1x128xf32, #tpu.memory_space<vmem>> -> memref<128xf32, #tpu.memory_space<vmem>>
          %dma_start3A_609 = arith.constant 0 : i32
          %dma_start3A_610 = tpu.memref_slice %arg10[%and3A_605, %dma_start3A_609] : memref<64x128xi32, #tpu.memory_space<vmem>> -> memref<1x128xi32, #tpu.memory_space<vmem>>
          %dma_start3A_611 = tpu.memref_squeeze %dma_start3A_610 : memref<1x128xi32, #tpu.memory_space<vmem>> -> memref<128xi32, #tpu.memory_space<vmem>>
          %dma_start3A_612 = arith.constant 0 : i32
          %dma_start3A_613 = tpu.memref_slice %arg5[%dma_start3A_612] : memref<1605632xf32, #tpu.memory_space<vmem_shared>> -> memref<1605632xf32, #tpu.memory_space<vmem_shared>>
          tpu.enqueue_indirect_dma source(%dma_start3A_608 : memref<128xf32, #tpu.memory_space<vmem>>) target(%dma_start3A_613 : memref<1605632xf32, #tpu.memory_space<vmem_shared>>) offsets(%dma_start3A_611 : memref<128xi32, #tpu.memory_space<vmem>>) semaphore(%arg15 : memref<!tpu.dma_semaphore, #tpu.memory_space<semaphore_mem>>) {add = true}
          %while3A_614 = arith.constant 0 : i32
          scf.yield %while3A_614 : i32
        }
        %while3A_586 = arith.constant 1 : i32
        %while3A_587 = scf.for %while3A_602 = %while3A_583 to %while3A_579 step %while3A_586 iter_args(%while3A_603 = %while3A_585) -> (i32)  : i32 {
          %and3A_604 = arith.constant 63 : i32
          %and3A_605 = arith.andi %while3A_602, %and3A_604 : i32
          %dma_start3A_606 = arith.constant 0 : i32
          %dma_start3A_607 = tpu.memref_slice %arg11[%and3A_605, %dma_start3A_606] : memref<64x128xf32, #tpu.memory_space<vmem>> -> memref<1x128xf32, #tpu.memory_space<vmem>>
          %dma_start3A_608 = tpu.memref_squeeze %dma_start3A_607 : memref<1x128xf32, #tpu.memory_space<vmem>> -> memref<128xf32, #tpu.memory_space<vmem>>
          %dma_start3A_609 = arith.constant 0 : i32
          %dma_start3A_610 = tpu.memref_slice %arg10[%and3A_605, %dma_start3A_609] : memref<64x128xi32, #tpu.memory_space<vmem>> -> memref<1x128xi32, #tpu.memory_space<vmem>>
          %dma_start3A_611 = tpu.memref_squeeze %dma_start3A_610 : memref<1x128xi32, #tpu.memory_space<vmem>> -> memref<128xi32, #tpu.memory_space<vmem>>
          %dma_start3A_612 = arith.constant 0 : i32
          %dma_start3A_613 = tpu.memref_slice %arg5[%dma_start3A_612] : memref<1605632xf32, #tpu.memory_space<vmem_shared>> -> memref<1605632xf32, #tpu.memory_space<vmem_shared>>
          tpu.enqueue_indirect_dma source(%dma_start3A_608 : memref<128xf32, #tpu.memory_space<vmem>>) target(%dma_start3A_613 : memref<1605632xf32, #tpu.memory_space<vmem_shared>>) offsets(%dma_start3A_611 : memref<128xi32, #tpu.memory_space<vmem>>) semaphore(%arg15 : memref<!tpu.dma_semaphore, #tpu.memory_space<semaphore_mem>>) {add = true}
          %while3A_614 = arith.constant 0 : i32
          scf.yield %while3A_614 : i32
        }
        %sub3A_588 = arith.constant 8 : i32
        %sub3A_589 = arith.subi %shift_right_arithmetic3A_576, %sub3A_588 : i32
        %max3A_590 = arith.maxsi %max3A, %sub3A_589 : i32
        %while3A_591 = arith.constant 0 : i32
        %while3A_592 = arith.subi %max3A_590, %max3A : i32
        %while3A_593 = arith.addi %max3A, %while3A_592 : i32
        %while3A_594 = arith.constant 1 : i32
        %while3A_595 = arith.divsi %while3A_592, %while3A_594 : i32
        %while3A_596 = arith.muli %while3A_595, %while3A_594 : i32
        %while3A_597 = arith.addi %max3A, %while3A_596 : i32
        %while3A_598 = arith.constant 1 : i32
        %while3A_599 = scf.for %while3A_602 = %max3A to %while3A_597 step %while3A_598 iter_args(%while3A_603 = %while3A_591) -> (i32)  : i32 {
          %and3A_604 = arith.constant 63 : i32
          %and3A_605 = arith.andi %while3A_602, %and3A_604 : i32
          %dma_wait3A_606 = arith.constant 0 : i32
          %dma_wait3A_607 = tpu.memref_slice %arg11[%and3A_605, %dma_wait3A_606] : memref<64x128xf32, #tpu.memory_space<vmem>> -> memref<1x128xf32, #tpu.memory_space<vmem>>
          %dma_wait3A_608 = tpu.memref_squeeze %dma_wait3A_607 : memref<1x128xf32, #tpu.memory_space<vmem>> -> memref<128xf32, #tpu.memory_space<vmem>>
          %dma_wait3A_609 = arith.constant 0 : i32
          %dma_wait3A_610 = tpu.memref_slice %arg10[%and3A_605, %dma_wait3A_609] : memref<64x128xi32, #tpu.memory_space<vmem>> -> memref<1x128xi32, #tpu.memory_space<vmem>>
          %dma_wait3A_611 = tpu.memref_squeeze %dma_wait3A_610 : memref<1x128xi32, #tpu.memory_space<vmem>> -> memref<128xi32, #tpu.memory_space<vmem>>
          %dma_wait3A_612 = arith.constant 0 : i32
          %dma_wait3A_613 = tpu.memref_slice %arg5[%dma_wait3A_612] : memref<1605632xf32, #tpu.memory_space<vmem_shared>> -> memref<1605632xf32, #tpu.memory_space<vmem_shared>>
          tpu.wait_indirect_dma semaphore(%arg15 : memref<!tpu.dma_semaphore, #tpu.memory_space<semaphore_mem>>) src(%dma_wait3A_608 : memref<128xf32, #tpu.memory_space<vmem>>) dst(%dma_wait3A_613 : memref<1605632xf32, #tpu.memory_space<vmem_shared>>)
          %while3A_614 = arith.constant 0 : i32
          scf.yield %while3A_614 : i32
        }
        %while3A_600 = arith.constant 1 : i32
        %while3A_601 = scf.for %while3A_602 = %while3A_597 to %while3A_593 step %while3A_600 iter_args(%while3A_603 = %while3A_599) -> (i32)  : i32 {
          %and3A_604 = arith.constant 63 : i32
          %and3A_605 = arith.andi %while3A_602, %and3A_604 : i32
          %dma_wait3A_606 = arith.constant 0 : i32
          %dma_wait3A_607 = tpu.memref_slice %arg11[%and3A_605, %dma_wait3A_606] : memref<64x128xf32, #tpu.memory_space<vmem>> -> memref<1x128xf32, #tpu.memory_space<vmem>>
          %dma_wait3A_608 = tpu.memref_squeeze %dma_wait3A_607 : memref<1x128xf32, #tpu.memory_space<vmem>> -> memref<128xf32, #tpu.memory_space<vmem>>
          %dma_wait3A_609 = arith.constant 0 : i32
          %dma_wait3A_610 = tpu.memref_slice %arg10[%and3A_605, %dma_wait3A_609] : memref<64x128xi32, #tpu.memory_space<vmem>> -> memref<1x128xi32, #tpu.memory_space<vmem>>
          %dma_wait3A_611 = tpu.memref_squeeze %dma_wait3A_610 : memref<1x128xi32, #tpu.memory_space<vmem>> -> memref<128xi32, #tpu.memory_space<vmem>>
          %dma_wait3A_612 = arith.constant 0 : i32
          %dma_wait3A_613 = tpu.memref_slice %arg5[%dma_wait3A_612] : memref<1605632xf32, #tpu.memory_space<vmem_shared>> -> memref<1605632xf32, #tpu.memory_space<vmem_shared>>
          tpu.wait_indirect_dma semaphore(%arg15 : memref<!tpu.dma_semaphore, #tpu.memory_space<semaphore_mem>>) src(%dma_wait3A_608 : memref<128xf32, #tpu.memory_space<vmem>>) dst(%dma_wait3A_613 : memref<1605632xf32, #tpu.memory_space<vmem_shared>>)
          %while3A_614 = arith.constant 0 : i32
          scf.yield %while3A_614 : i32
        }
        scf.yield %cond3A_566, %shift_right_arithmetic3A_576, %max3A_590 : vector<16xi32>, i32, i32
      }
      %scan3A_121 = arith.constant 14 : i32
      %mul3A_122 = arith.constant 7 : i32
      %mul3A_123 = arith.muli %arg1, %mul3A_122 : i32
      %shift_right_logical3A_124 = arith.constant 27 : i32
      %shift_right_logical3A_125 = arith.constant 2 : i32
      %shift_right_logical3A_126 = arith.shrui %shift_right_logical3A_124, %shift_right_logical3A_125 : i32
      %add3A_127 = arith.addi %mul3A_123, %shift_right_logical3A_126 : i32
      %dma_wait3A_128 = arith.constant 72 : i32
      %dma_wait3A_129 = arith.constant 0 : i32
      %dma_wait3A_130 = tpu.memref_slice %arg3[%add3A_95, %add3A_127, %dma_wait3A_128, %dma_wait3A_129] : memref<8x112x96x112xi32, #tpu.memory_space<hbm>> -> memref<1x1x24x112xi32, #tpu.memory_space<hbm>>
      %dma_wait3A_131 = tpu.memref_squeeze %dma_wait3A_130 : memref<1x1x24x112xi32, #tpu.memory_space<hbm>> -> memref<24x112xi32, #tpu.memory_space<hbm>>
      %dma_wait3A_132 = arith.constant 72 : i32
      %dma_wait3A_133 = arith.constant 0 : i32
      %dma_wait3A_134 = tpu.memref_slice %arg3[%add3A_95, %add3A_127, %dma_wait3A_132, %dma_wait3A_133] : memref<8x112x96x112xi32, #tpu.memory_space<hbm>> -> memref<1x1x24x112xi32, #tpu.memory_space<hbm>>
      %dma_wait3A_135 = tpu.memref_squeeze %dma_wait3A_134 : memref<1x1x24x112xi32, #tpu.memory_space<hbm>> -> memref<24x112xi32, #tpu.memory_space<hbm>>
      tpu.wait_dma2 semaphore(%arg13 : memref<!tpu.dma_semaphore, #tpu.memory_space<semaphore_mem>>) src(%dma_wait3A_135 : memref<24x112xi32, #tpu.memory_space<hbm>>) dst(%arg6 : memref<24x112xi32, #tpu.memory_space<vmem>>)
      %dma_wait3A_136 = arith.constant 72 : i32
      %dma_wait3A_137 = arith.constant 0 : i32
      %dma_wait3A_138 = tpu.memref_slice %arg2[%add3A_95, %add3A_127, %dma_wait3A_136, %dma_wait3A_137] : memref<8x112x96x112xf32, #tpu.memory_space<hbm>> -> memref<1x1x24x112xf32, #tpu.memory_space<hbm>>
      %dma_wait3A_139 = tpu.memref_squeeze %dma_wait3A_138 : memref<1x1x24x112xf32, #tpu.memory_space<hbm>> -> memref<24x112xf32, #tpu.memory_space<hbm>>
      %dma_wait3A_140 = arith.constant 72 : i32
      %dma_wait3A_141 = arith.constant 0 : i32
      %dma_wait3A_142 = tpu.memref_slice %arg2[%add3A_95, %add3A_127, %dma_wait3A_140, %dma_wait3A_141] : memref<8x112x96x112xf32, #tpu.memory_space<hbm>> -> memref<1x1x24x112xf32, #tpu.memory_space<hbm>>
      %dma_wait3A_143 = tpu.memref_squeeze %dma_wait3A_142 : memref<1x1x24x112xf32, #tpu.memory_space<hbm>> -> memref<24x112xf32, #tpu.memory_space<hbm>>
      tpu.wait_dma2 semaphore(%arg13 : memref<!tpu.dma_semaphore, #tpu.memory_space<semaphore_mem>>) src(%dma_wait3A_143 : memref<24x112xf32, #tpu.memory_space<hbm>>) dst(%arg7 : memref<24x112xf32, #tpu.memory_space<vmem>>)
      %mul3A_144 = arith.constant 4 : i32
      %mul3A_145 = arith.muli %arg0, %mul3A_144 : i32
      %add3A_146 = arith.constant 1 : i32
      %add3A_147 = arith.addi %scan3A_75, %add3A_146 : i32
      %min3A = arith.constant 11 : i32
      %min3A_148 = arith.minsi %add3A_147, %min3A : i32
      %jit3A_149 = arith.constant 3 : i32
      %div3A_150 = arith.divsi %min3A_148, %jit3A_149 : i32
      %sign3A_151 = arith.constant 0 : i32
      %sign3A_152 = arith.cmpi sgt, %min3A_148, %sign3A_151 : i32
      %sign3A_153 = arith.extui %sign3A_152 : i1 to i32
      %sign3A_154 = arith.constant 0 : i32
      %sign3A_155 = arith.cmpi slt, %min3A_148, %sign3A_154 : i32
      %sign3A_156 = arith.extui %sign3A_155 : i1 to i32
      %sign3A_157 = arith.subi %sign3A_153, %sign3A_156 : i32
      %sign3A_158 = arith.constant 0 : i32
      %sign3A_159 = arith.cmpi sgt, %jit3A_149, %sign3A_158 : i32
      %sign3A_160 = arith.extui %sign3A_159 : i1 to i32
      %sign3A_161 = arith.constant 0 : i32
      %sign3A_162 = arith.cmpi slt, %jit3A_149, %sign3A_161 : i32
      %sign3A_163 = arith.extui %sign3A_162 : i1 to i32
      %sign3A_164 = arith.subi %sign3A_160, %sign3A_163 : i32
      %ne3A_165 = arith.cmpi ne, %sign3A_157, %sign3A_164 : i32
      %rem3A_166 = arith.remsi %min3A_148, %jit3A_149 : i32
      %ne3A_167 = arith.constant 0 : i32
      %ne3A_168 = arith.cmpi ne, %rem3A_166, %ne3A_167 : i32
      %and3A_169 = arith.andi %ne3A_165, %ne3A_168 : i1
      %sub3A_170 = arith.constant 1 : i32
      %sub3A_171 = arith.subi %div3A_150, %sub3A_170 : i32
      %select_n3A_172 = arith.select %and3A_169, %sub3A_171, %div3A_150 : i32
      %add3A_173 = arith.addi %mul3A_145, %select_n3A_172 : i32
      %mul3A_174 = arith.constant 7 : i32
      %mul3A_175 = arith.muli %arg1, %mul3A_174 : i32
      %shift_right_logical3A_176 = arith.constant 0 : i32
      %shift_right_logical3A_177 = arith.constant 2 : i32
      %shift_right_logical3A_178 = arith.shrui %shift_right_logical3A_176, %shift_right_logical3A_177 : i32
      %add3A_179 = arith.addi %mul3A_175, %shift_right_logical3A_178 : i32
      %dma_start3A_180 = arith.constant 0 : i32
      %dma_start3A_181 = arith.constant 0 : i32
      %dma_start3A_182 = tpu.memref_slice %arg3[%add3A_173, %add3A_179, %dma_start3A_180, %dma_start3A_181] : memref<8x112x96x112xi32, #tpu.memory_space<hbm>> -> memref<1x1x24x112xi32, #tpu.memory_space<hbm>>
      %dma_start3A_183 = tpu.memref_squeeze %dma_start3A_182 : memref<1x1x24x112xi32, #tpu.memory_space<hbm>> -> memref<24x112xi32, #tpu.memory_space<hbm>>
      %dma_start3A_184 = arith.constant 0 : i32
      %dma_start3A_185 = arith.constant 0 : i32
      %dma_start3A_186 = tpu.memref_slice %arg3[%add3A_173, %add3A_179, %dma_start3A_184, %dma_start3A_185] : memref<8x112x96x112xi32, #tpu.memory_space<hbm>> -> memref<1x1x24x112xi32, #tpu.memory_space<hbm>>
      %dma_start3A_187 = tpu.memref_squeeze %dma_start3A_186 : memref<1x1x24x112xi32, #tpu.memory_space<hbm>> -> memref<24x112xi32, #tpu.memory_space<hbm>>
      tpu.enqueue_dma source(%dma_start3A_187 : memref<24x112xi32, #tpu.memory_space<hbm>>) target(%arg6 : memref<24x112xi32, #tpu.memory_space<vmem>>) target_semaphore(%arg13 : memref<!tpu.dma_semaphore, #tpu.memory_space<semaphore_mem>>)
      %dma_start3A_188 = arith.constant 0 : i32
      %dma_start3A_189 = arith.constant 0 : i32
      %dma_start3A_190 = tpu.memref_slice %arg2[%add3A_173, %add3A_179, %dma_start3A_188, %dma_start3A_189] : memref<8x112x96x112xf32, #tpu.memory_space<hbm>> -> memref<1x1x24x112xf32, #tpu.memory_space<hbm>>
      %dma_start3A_191 = tpu.memref_squeeze %dma_start3A_190 : memref<1x1x24x112xf32, #tpu.memory_space<hbm>> -> memref<24x112xf32, #tpu.memory_space<hbm>>
      %dma_start3A_192 = arith.constant 0 : i32
      %dma_start3A_193 = arith.constant 0 : i32
      %dma_start3A_194 = tpu.memref_slice %arg2[%add3A_173, %add3A_179, %dma_start3A_192, %dma_start3A_193] : memref<8x112x96x112xf32, #tpu.memory_space<hbm>> -> memref<1x1x24x112xf32, #tpu.memory_space<hbm>>
      %dma_start3A_195 = tpu.memref_squeeze %dma_start3A_194 : memref<1x1x24x112xf32, #tpu.memory_space<hbm>> -> memref<24x112xf32, #tpu.memory_space<hbm>>
      tpu.enqueue_dma source(%dma_start3A_195 : memref<24x112xf32, #tpu.memory_space<hbm>>) target(%arg7 : memref<24x112xf32, #tpu.memory_space<vmem>>) target_semaphore(%arg13 : memref<!tpu.dma_semaphore, #tpu.memory_space<semaphore_mem>>)
      %reduce_max3A = arith.constant true
      %reduce_max3A_196 = vector.broadcast %reduce_max3A : i1 to vector<16xi1>
      %reduce_max3A_197 = arith.constant -2147483648 : i32
      %reduce_max3A_198 = vector.broadcast %reduce_max3A_197 : i32 to vector<16xi32>
      %reduce_max3A_199 = arith.xori %scan3A_120#0, %reduce_max3A_198 : vector<16xi32>
      %reduce_max3A_200 = tpu.scan <max>, %reduce_max3A_199 masked %reduce_max3A_196 : vector<16xi32>, vector<16xi1> -> vector<16xi32>
      %reduce_max3A_201 = arith.xori %reduce_max3A_200, %reduce_max3A_198 : vector<16xi32>
      %reduce_max3A_202 = vector.extract %reduce_max3A_201[15] : i32 from vector<16xi32>
      %add3A_203 = arith.constant 7 : i32
      %add3A_204 = arith.addi %reduce_max3A_202, %add3A_203 : i32
      %shift_right_arithmetic3A = arith.constant 3 : i32
      %shift_right_arithmetic3A_205 = arith.shrsi %add3A_204, %shift_right_arithmetic3A : i32
      %while3A = arith.constant 0 : i32
      %while3A_206 = arith.subi %shift_right_arithmetic3A_205, %scan3A_120#1 : i32
      %while3A_207 = arith.addi %scan3A_120#1, %while3A_206 : i32
      %while3A_208 = arith.constant 1 : i32
      %while3A_209 = arith.divsi %while3A_206, %while3A_208 : i32
      %while3A_210 = arith.muli %while3A_209, %while3A_208 : i32
      %while3A_211 = arith.addi %scan3A_120#1, %while3A_210 : i32
      %while3A_212 = arith.constant 1 : i32
      %while3A_213 = scf.for %while3A_405 = %scan3A_120#1 to %while3A_211 step %while3A_212 iter_args(%while3A_406 = %while3A) -> (i32)  : i32 {
        %and3A_407 = arith.constant 63 : i32
        %and3A_408 = arith.andi %while3A_405, %and3A_407 : i32
        %mul3A_409 = arith.constant 8 : i32
        %mul3A_410 = arith.muli %while3A_405, %mul3A_409 : i32
        %add3A_411 = arith.constant 0 : i32
        %add3A_412 = arith.addi %mul3A_410, %add3A_411 : i32
        %broadcast_in_dim3A_413 = arith.constant 0 : i32
        %broadcast_in_dim3A_414 = vector.broadcast %broadcast_in_dim3A_413 : i32 to vector<16xi32>
        %add3A_415 = vector.broadcast %add3A_412 : i32 to vector<16xi32>
        %add3A_416 = arith.addi %broadcast_in_dim3A_414, %add3A_415 : vector<16xi32>
        %ge3A = arith.cmpi sge, %add3A_416, %scan3A_120#0 : vector<16xi32>
        %add3A_417 = arith.constant 0 : i32
        %add3A_418 = vector.broadcast %add3A_417 : i32 to vector<16xi32>
        %add3A_419 = arith.addi %add3A_418, %iota3A : vector<16xi32>
        %broadcast_in_dim3A_420 = arith.constant 0 : i32
        %broadcast_in_dim3A_421 = vector.broadcast %broadcast_in_dim3A_420 : i32 to vector<16xi32>
        %add3A_422 = vector.broadcast %and3A_408 : i32 to vector<16xi32>
        %add3A_423 = arith.addi %broadcast_in_dim3A_421, %add3A_422 : vector<16xi32>
        %mul3A_424 = arith.constant 16 : i32
        %mul3A_425 = arith.muli %add3A_412, %mul3A_424 : i32
        %add3A_426 = vector.broadcast %mul3A_425 : i32 to vector<16xi32>
        %add3A_427 = arith.addi %add3A_426, %iota3A : vector<16xi32>
        %mul3A_428 = arith.constant 8 : i32
        %mul3A_429 = vector.broadcast %mul3A_428 : i32 to vector<16xi32>
        %mul3A_430 = arith.muli %add3A_427, %mul3A_429 : vector<16xi32>
        tpu.vector_store_idx %arg10[%add3A_423, %add3A_419], %mul3A_430 masked %ge3A : memref<64x128xi32, #tpu.memory_space<vmem>>[vector<16xi32>, vector<16xi32>], vector<16xi32>, vector<16xi1>
        tpu.vector_store_idx %arg11[%add3A_423, %add3A_419], %broadcast_in_dim3A_0 masked %ge3A : memref<64x128xf32, #tpu.memory_space<vmem>>[vector<16xi32>, vector<16xi32>], vector<16xf32>, vector<16xi1>
        %mul3A_431 = arith.constant 8 : i32
        %mul3A_432 = arith.muli %while3A_405, %mul3A_431 : i32
        %add3A_433 = arith.constant 1 : i32
        %add3A_434 = arith.addi %mul3A_432, %add3A_433 : i32
        %broadcast_in_dim3A_435 = arith.constant 0 : i32
        %broadcast_in_dim3A_436 = vector.broadcast %broadcast_in_dim3A_435 : i32 to vector<16xi32>
        %add3A_437 = vector.broadcast %add3A_434 : i32 to vector<16xi32>
        %add3A_438 = arith.addi %broadcast_in_dim3A_436, %add3A_437 : vector<16xi32>
        %ge3A_439 = arith.cmpi sge, %add3A_438, %scan3A_120#0 : vector<16xi32>
        %add3A_440 = arith.constant 16 : i32
        %add3A_441 = vector.broadcast %add3A_440 : i32 to vector<16xi32>
        %add3A_442 = arith.addi %add3A_441, %iota3A : vector<16xi32>
        %broadcast_in_dim3A_443 = arith.constant 0 : i32
        %broadcast_in_dim3A_444 = vector.broadcast %broadcast_in_dim3A_443 : i32 to vector<16xi32>
        %add3A_445 = vector.broadcast %and3A_408 : i32 to vector<16xi32>
        %add3A_446 = arith.addi %broadcast_in_dim3A_444, %add3A_445 : vector<16xi32>
        %mul3A_447 = arith.constant 16 : i32
        %mul3A_448 = arith.muli %add3A_434, %mul3A_447 : i32
        %add3A_449 = vector.broadcast %mul3A_448 : i32 to vector<16xi32>
        %add3A_450 = arith.addi %add3A_449, %iota3A : vector<16xi32>
        %mul3A_451 = arith.constant 8 : i32
        %mul3A_452 = vector.broadcast %mul3A_451 : i32 to vector<16xi32>
        %mul3A_453 = arith.muli %add3A_450, %mul3A_452 : vector<16xi32>
        tpu.vector_store_idx %arg10[%add3A_446, %add3A_442], %mul3A_453 masked %ge3A_439 : memref<64x128xi32, #tpu.memory_space<vmem>>[vector<16xi32>, vector<16xi32>], vector<16xi32>, vector<16xi1>
        tpu.vector_store_idx %arg11[%add3A_446, %add3A_442], %broadcast_in_dim3A_0 masked %ge3A_439 : memref<64x128xf32, #tpu.memory_space<vmem>>[vector<16xi32>, vector<16xi32>], vector<16xf32>, vector<16xi1>
        %mul3A_454 = arith.constant 8 : i32
        %mul3A_455 = arith.muli %while3A_405, %mul3A_454 : i32
        %add3A_456 = arith.constant 2 : i32
        %add3A_457 = arith.addi %mul3A_455, %add3A_456 : i32
        %broadcast_in_dim3A_458 = arith.constant 0 : i32
        %broadcast_in_dim3A_459 = vector.broadcast %broadcast_in_dim3A_458 : i32 to vector<16xi32>
        %add3A_460 = vector.broadcast %add3A_457 : i32 to vector<16xi32>
        %add3A_461 = arith.addi %broadcast_in_dim3A_459, %add3A_460 : vector<16xi32>
        %ge3A_462 = arith.cmpi sge, %add3A_461, %scan3A_120#0 : vector<16xi32>
        %add3A_463 = arith.constant 32 : i32
        %add3A_464 = vector.broadcast %add3A_463 : i32 to vector<16xi32>
        %add3A_465 = arith.addi %add3A_464, %iota3A : vector<16xi32>
        %broadcast_in_dim3A_466 = arith.constant 0 : i32
        %broadcast_in_dim3A_467 = vector.broadcast %broadcast_in_dim3A_466 : i32 to vector<16xi32>
        %add3A_468 = vector.broadcast %and3A_408 : i32 to vector<16xi32>
        %add3A_469 = arith.addi %broadcast_in_dim3A_467, %add3A_468 : vector<16xi32>
        %mul3A_470 = arith.constant 16 : i32
        %mul3A_471 = arith.muli %add3A_457, %mul3A_470 : i32
        %add3A_472 = vector.broadcast %mul3A_471 : i32 to vector<16xi32>
        %add3A_473 = arith.addi %add3A_472, %iota3A : vector<16xi32>
        %mul3A_474 = arith.constant 8 : i32
        %mul3A_475 = vector.broadcast %mul3A_474 : i32 to vector<16xi32>
        %mul3A_476 = arith.muli %add3A_473, %mul3A_475 : vector<16xi32>
        tpu.vector_store_idx %arg10[%add3A_469, %add3A_465], %mul3A_476 masked %ge3A_462 : memref<64x128xi32, #tpu.memory_space<vmem>>[vector<16xi32>, vector<16xi32>], vector<16xi32>, vector<16xi1>
        tpu.vector_store_idx %arg11[%add3A_469, %add3A_465], %broadcast_in_dim3A_0 masked %ge3A_462 : memref<64x128xf32, #tpu.memory_space<vmem>>[vector<16xi32>, vector<16xi32>], vector<16xf32>, vector<16xi1>
        %mul3A_477 = arith.constant 8 : i32
        %mul3A_478 = arith.muli %while3A_405, %mul3A_477 : i32
        %add3A_479 = arith.constant 3 : i32
        %add3A_480 = arith.addi %mul3A_478, %add3A_479 : i32
        %broadcast_in_dim3A_481 = arith.constant 0 : i32
        %broadcast_in_dim3A_482 = vector.broadcast %broadcast_in_dim3A_481 : i32 to vector<16xi32>
        %add3A_483 = vector.broadcast %add3A_480 : i32 to vector<16xi32>
        %add3A_484 = arith.addi %broadcast_in_dim3A_482, %add3A_483 : vector<16xi32>
        %ge3A_485 = arith.cmpi sge, %add3A_484, %scan3A_120#0 : vector<16xi32>
        %add3A_486 = arith.constant 48 : i32
        %add3A_487 = vector.broadcast %add3A_486 : i32 to vector<16xi32>
        %add3A_488 = arith.addi %add3A_487, %iota3A : vector<16xi32>
        %broadcast_in_dim3A_489 = arith.constant 0 : i32
        %broadcast_in_dim3A_490 = vector.broadcast %broadcast_in_dim3A_489 : i32 to vector<16xi32>
        %add3A_491 = vector.broadcast %and3A_408 : i32 to vector<16xi32>
        %add3A_492 = arith.addi %broadcast_in_dim3A_490, %add3A_491 : vector<16xi32>
        %mul3A_493 = arith.constant 16 : i32
        %mul3A_494 = arith.muli %add3A_480, %mul3A_493 : i32
        %add3A_495 = vector.broadcast %mul3A_494 : i32 to vector<16xi32>
        %add3A_496 = arith.addi %add3A_495, %iota3A : vector<16xi32>
        %mul3A_497 = arith.constant 8 : i32
        %mul3A_498 = vector.broadcast %mul3A_497 : i32 to vector<16xi32>
        %mul3A_499 = arith.muli %add3A_496, %mul3A_498 : vector<16xi32>
        tpu.vector_store_idx %arg10[%add3A_492, %add3A_488], %mul3A_499 masked %ge3A_485 : memref<64x128xi32, #tpu.memory_space<vmem>>[vector<16xi32>, vector<16xi32>], vector<16xi32>, vector<16xi1>
        tpu.vector_store_idx %arg11[%add3A_492, %add3A_488], %broadcast_in_dim3A_0 masked %ge3A_485 : memref<64x128xf32, #tpu.memory_space<vmem>>[vector<16xi32>, vector<16xi32>], vector<16xf32>, vector<16xi1>
        %mul3A_500 = arith.constant 8 : i32
        %mul3A_501 = arith.muli %while3A_405, %mul3A_500 : i32
        %add3A_502 = arith.constant 4 : i32
        %add3A_503 = arith.addi %mul3A_501, %add3A_502 : i32
        %broadcast_in_dim3A_504 = arith.constant 0 : i32
        %broadcast_in_dim3A_505 = vector.broadcast %broadcast_in_dim3A_504 : i32 to vector<16xi32>
        %add3A_506 = vector.broadcast %add3A_503 : i32 to vector<16xi32>
        %add3A_507 = arith.addi %broadcast_in_dim3A_505, %add3A_506 : vector<16xi32>
        %ge3A_508 = arith.cmpi sge, %add3A_507, %scan3A_120#0 : vector<16xi32>
        %add3A_509 = arith.constant 64 : i32
        %add3A_510 = vector.broadcast %add3A_509 : i32 to vector<16xi32>
        %add3A_511 = arith.addi %add3A_510, %iota3A : vector<16xi32>
        %broadcast_in_dim3A_512 = arith.constant 0 : i32
        %broadcast_in_dim3A_513 = vector.broadcast %broadcast_in_dim3A_512 : i32 to vector<16xi32>
        %add3A_514 = vector.broadcast %and3A_408 : i32 to vector<16xi32>
        %add3A_515 = arith.addi %broadcast_in_dim3A_513, %add3A_514 : vector<16xi32>
        %mul3A_516 = arith.constant 16 : i32
        %mul3A_517 = arith.muli %add3A_503, %mul3A_516 : i32
        %add3A_518 = vector.broadcast %mul3A_517 : i32 to vector<16xi32>
        %add3A_519 = arith.addi %add3A_518, %iota3A : vector<16xi32>
        %mul3A_520 = arith.constant 8 : i32
        %mul3A_521 = vector.broadcast %mul3A_520 : i32 to vector<16xi32>
        %mul3A_522 = arith.muli %add3A_519, %mul3A_521 : vector<16xi32>
        tpu.vector_store_idx %arg10[%add3A_515, %add3A_511], %mul3A_522 masked %ge3A_508 : memref<64x128xi32, #tpu.memory_space<vmem>>[vector<16xi32>, vector<16xi32>], vector<16xi32>, vector<16xi1>
        tpu.vector_store_idx %arg11[%add3A_515, %add3A_511], %broadcast_in_dim3A_0 masked %ge3A_508 : memref<64x128xf32, #tpu.memory_space<vmem>>[vector<16xi32>, vector<16xi32>], vector<16xf32>, vector<16xi1>
        %mul3A_523 = arith.constant 8 : i32
        %mul3A_524 = arith.muli %while3A_405, %mul3A_523 : i32
        %add3A_525 = arith.constant 5 : i32
        %add3A_526 = arith.addi %mul3A_524, %add3A_525 : i32
        %broadcast_in_dim3A_527 = arith.constant 0 : i32
        %broadcast_in_dim3A_528 = vector.broadcast %broadcast_in_dim3A_527 : i32 to vector<16xi32>
        %add3A_529 = vector.broadcast %add3A_526 : i32 to vector<16xi32>
        %add3A_530 = arith.addi %broadcast_in_dim3A_528, %add3A_529 : vector<16xi32>
        %ge3A_531 = arith.cmpi sge, %add3A_530, %scan3A_120#0 : vector<16xi32>
        %add3A_532 = arith.constant 80 : i32
        %add3A_533 = vector.broadcast %add3A_532 : i32 to vector<16xi32>
        %add3A_534 = arith.addi %add3A_533, %iota3A : vector<16xi32>
        %broadcast_in_dim3A_535 = arith.constant 0 : i32
        %broadcast_in_dim3A_536 = vector.broadcast %broadcast_in_dim3A_535 : i32 to vector<16xi32>
        %add3A_537 = vector.broadcast %and3A_408 : i32 to vector<16xi32>
        %add3A_538 = arith.addi %broadcast_in_dim3A_536, %add3A_537 : vector<16xi32>
        %mul3A_539 = arith.constant 16 : i32
        %mul3A_540 = arith.muli %add3A_526, %mul3A_539 : i32
        %add3A_541 = vector.broadcast %mul3A_540 : i32 to vector<16xi32>
        %add3A_542 = arith.addi %add3A_541, %iota3A : vector<16xi32>
        %mul3A_543 = arith.constant 8 : i32
        %mul3A_544 = vector.broadcast %mul3A_543 : i32 to vector<16xi32>
        %mul3A_545 = arith.muli %add3A_542, %mul3A_544 : vector<16xi32>
        tpu.vector_store_idx %arg10[%add3A_538, %add3A_534], %mul3A_545 masked %ge3A_531 : memref<64x128xi32, #tpu.memory_space<vmem>>[vector<16xi32>, vector<16xi32>], vector<16xi32>, vector<16xi1>
        tpu.vector_store_idx %arg11[%add3A_538, %add3A_534], %broadcast_in_dim3A_0 masked %ge3A_531 : memref<64x128xf32, #tpu.memory_space<vmem>>[vector<16xi32>, vector<16xi32>], vector<16xf32>, vector<16xi1>
        %mul3A_546 = arith.constant 8 : i32
        %mul3A_547 = arith.muli %while3A_405, %mul3A_546 : i32
        %add3A_548 = arith.constant 6 : i32
        %add3A_549 = arith.addi %mul3A_547, %add3A_548 : i32
        %broadcast_in_dim3A_550 = arith.constant 0 : i32
        %broadcast_in_dim3A_551 = vector.broadcast %broadcast_in_dim3A_550 : i32 to vector<16xi32>
        %add3A_552 = vector.broadcast %add3A_549 : i32 to vector<16xi32>
        %add3A_553 = arith.addi %broadcast_in_dim3A_551, %add3A_552 : vector<16xi32>
        %ge3A_554 = arith.cmpi sge, %add3A_553, %scan3A_120#0 : vector<16xi32>
        %add3A_555 = arith.constant 96 : i32
        %add3A_556 = vector.broadcast %add3A_555 : i32 to vector<16xi32>
        %add3A_557 = arith.addi %add3A_556, %iota3A : vector<16xi32>
        %broadcast_in_dim3A_558 = arith.constant 0 : i32
        %broadcast_in_dim3A_559 = vector.broadcast %broadcast_in_dim3A_558 : i32 to vector<16xi32>
        %add3A_560 = vector.broadcast %and3A_408 : i32 to vector<16xi32>
        %add3A_561 = arith.addi %broadcast_in_dim3A_559, %add3A_560 : vector<16xi32>
        %mul3A_562 = arith.constant 16 : i32
        %mul3A_563 = arith.muli %add3A_549, %mul3A_562 : i32
        %add3A_564 = vector.broadcast %mul3A_563 : i32 to vector<16xi32>
        %add3A_565 = arith.addi %add3A_564, %iota3A : vector<16xi32>
        %mul3A_566 = arith.constant 8 : i32
        %mul3A_567 = vector.broadcast %mul3A_566 : i32 to vector<16xi32>
        %mul3A_568 = arith.muli %add3A_565, %mul3A_567 : vector<16xi32>
        tpu.vector_store_idx %arg10[%add3A_561, %add3A_557], %mul3A_568 masked %ge3A_554 : memref<64x128xi32, #tpu.memory_space<vmem>>[vector<16xi32>, vector<16xi32>], vector<16xi32>, vector<16xi1>
        tpu.vector_store_idx %arg11[%add3A_561, %add3A_557], %broadcast_in_dim3A_0 masked %ge3A_554 : memref<64x128xf32, #tpu.memory_space<vmem>>[vector<16xi32>, vector<16xi32>], vector<16xf32>, vector<16xi1>
        %mul3A_569 = arith.constant 8 : i32
        %mul3A_570 = arith.muli %while3A_405, %mul3A_569 : i32
        %add3A_571 = arith.constant 7 : i32
        %add3A_572 = arith.addi %mul3A_570, %add3A_571 : i32
        %broadcast_in_dim3A_573 = arith.constant 0 : i32
        %broadcast_in_dim3A_574 = vector.broadcast %broadcast_in_dim3A_573 : i32 to vector<16xi32>
        %add3A_575 = vector.broadcast %add3A_572 : i32 to vector<16xi32>
        %add3A_576 = arith.addi %broadcast_in_dim3A_574, %add3A_575 : vector<16xi32>
        %ge3A_577 = arith.cmpi sge, %add3A_576, %scan3A_120#0 : vector<16xi32>
        %add3A_578 = arith.constant 112 : i32
        %add3A_579 = vector.broadcast %add3A_578 : i32 to vector<16xi32>
        %add3A_580 = arith.addi %add3A_579, %iota3A : vector<16xi32>
        %broadcast_in_dim3A_581 = arith.constant 0 : i32
        %broadcast_in_dim3A_582 = vector.broadcast %broadcast_in_dim3A_581 : i32 to vector<16xi32>
        %add3A_583 = vector.broadcast %and3A_408 : i32 to vector<16xi32>
        %add3A_584 = arith.addi %broadcast_in_dim3A_582, %add3A_583 : vector<16xi32>
        %mul3A_585 = arith.constant 16 : i32
        %mul3A_586 = arith.muli %add3A_572, %mul3A_585 : i32
        %add3A_587 = vector.broadcast %mul3A_586 : i32 to vector<16xi32>
        %add3A_588 = arith.addi %add3A_587, %iota3A : vector<16xi32>
        %mul3A_589 = arith.constant 8 : i32
        %mul3A_590 = vector.broadcast %mul3A_589 : i32 to vector<16xi32>
        %mul3A_591 = arith.muli %add3A_588, %mul3A_590 : vector<16xi32>
        tpu.vector_store_idx %arg10[%add3A_584, %add3A_580], %mul3A_591 masked %ge3A_577 : memref<64x128xi32, #tpu.memory_space<vmem>>[vector<16xi32>, vector<16xi32>], vector<16xi32>, vector<16xi1>
        tpu.vector_store_idx %arg11[%add3A_584, %add3A_580], %broadcast_in_dim3A_0 masked %ge3A_577 : memref<64x128xf32, #tpu.memory_space<vmem>>[vector<16xi32>, vector<16xi32>], vector<16xf32>, vector<16xi1>
        %while3A_592 = arith.constant 0 : i32
        scf.yield %while3A_592 : i32
      }
      %while3A_214 = arith.constant 1 : i32
      %while3A_215 = scf.for %while3A_405 = %while3A_211 to %while3A_207 step %while3A_214 iter_args(%while3A_406 = %while3A_213) -> (i32)  : i32 {
        %and3A_407 = arith.constant 63 : i32
        %and3A_408 = arith.andi %while3A_405, %and3A_407 : i32
        %mul3A_409 = arith.constant 8 : i32
        %mul3A_410 = arith.muli %while3A_405, %mul3A_409 : i32
        %add3A_411 = arith.constant 0 : i32
        %add3A_412 = arith.addi %mul3A_410, %add3A_411 : i32
        %broadcast_in_dim3A_413 = arith.constant 0 : i32
        %broadcast_in_dim3A_414 = vector.broadcast %broadcast_in_dim3A_413 : i32 to vector<16xi32>
        %add3A_415 = vector.broadcast %add3A_412 : i32 to vector<16xi32>
        %add3A_416 = arith.addi %broadcast_in_dim3A_414, %add3A_415 : vector<16xi32>
        %ge3A = arith.cmpi sge, %add3A_416, %scan3A_120#0 : vector<16xi32>
        %add3A_417 = arith.constant 0 : i32
        %add3A_418 = vector.broadcast %add3A_417 : i32 to vector<16xi32>
        %add3A_419 = arith.addi %add3A_418, %iota3A : vector<16xi32>
        %broadcast_in_dim3A_420 = arith.constant 0 : i32
        %broadcast_in_dim3A_421 = vector.broadcast %broadcast_in_dim3A_420 : i32 to vector<16xi32>
        %add3A_422 = vector.broadcast %and3A_408 : i32 to vector<16xi32>
        %add3A_423 = arith.addi %broadcast_in_dim3A_421, %add3A_422 : vector<16xi32>
        %mul3A_424 = arith.constant 16 : i32
        %mul3A_425 = arith.muli %add3A_412, %mul3A_424 : i32
        %add3A_426 = vector.broadcast %mul3A_425 : i32 to vector<16xi32>
        %add3A_427 = arith.addi %add3A_426, %iota3A : vector<16xi32>
        %mul3A_428 = arith.constant 8 : i32
        %mul3A_429 = vector.broadcast %mul3A_428 : i32 to vector<16xi32>
        %mul3A_430 = arith.muli %add3A_427, %mul3A_429 : vector<16xi32>
        tpu.vector_store_idx %arg10[%add3A_423, %add3A_419], %mul3A_430 masked %ge3A : memref<64x128xi32, #tpu.memory_space<vmem>>[vector<16xi32>, vector<16xi32>], vector<16xi32>, vector<16xi1>
        tpu.vector_store_idx %arg11[%add3A_423, %add3A_419], %broadcast_in_dim3A_0 masked %ge3A : memref<64x128xf32, #tpu.memory_space<vmem>>[vector<16xi32>, vector<16xi32>], vector<16xf32>, vector<16xi1>
        %mul3A_431 = arith.constant 8 : i32
        %mul3A_432 = arith.muli %while3A_405, %mul3A_431 : i32
        %add3A_433 = arith.constant 1 : i32
        %add3A_434 = arith.addi %mul3A_432, %add3A_433 : i32
        %broadcast_in_dim3A_435 = arith.constant 0 : i32
        %broadcast_in_dim3A_436 = vector.broadcast %broadcast_in_dim3A_435 : i32 to vector<16xi32>
        %add3A_437 = vector.broadcast %add3A_434 : i32 to vector<16xi32>
        %add3A_438 = arith.addi %broadcast_in_dim3A_436, %add3A_437 : vector<16xi32>
        %ge3A_439 = arith.cmpi sge, %add3A_438, %scan3A_120#0 : vector<16xi32>
        %add3A_440 = arith.constant 16 : i32
        %add3A_441 = vector.broadcast %add3A_440 : i32 to vector<16xi32>
        %add3A_442 = arith.addi %add3A_441, %iota3A : vector<16xi32>
        %broadcast_in_dim3A_443 = arith.constant 0 : i32
        %broadcast_in_dim3A_444 = vector.broadcast %broadcast_in_dim3A_443 : i32 to vector<16xi32>
        %add3A_445 = vector.broadcast %and3A_408 : i32 to vector<16xi32>
        %add3A_446 = arith.addi %broadcast_in_dim3A_444, %add3A_445 : vector<16xi32>
        %mul3A_447 = arith.constant 16 : i32
        %mul3A_448 = arith.muli %add3A_434, %mul3A_447 : i32
        %add3A_449 = vector.broadcast %mul3A_448 : i32 to vector<16xi32>
        %add3A_450 = arith.addi %add3A_449, %iota3A : vector<16xi32>
        %mul3A_451 = arith.constant 8 : i32
        %mul3A_452 = vector.broadcast %mul3A_451 : i32 to vector<16xi32>
        %mul3A_453 = arith.muli %add3A_450, %mul3A_452 : vector<16xi32>
        tpu.vector_store_idx %arg10[%add3A_446, %add3A_442], %mul3A_453 masked %ge3A_439 : memref<64x128xi32, #tpu.memory_space<vmem>>[vector<16xi32>, vector<16xi32>], vector<16xi32>, vector<16xi1>
        tpu.vector_store_idx %arg11[%add3A_446, %add3A_442], %broadcast_in_dim3A_0 masked %ge3A_439 : memref<64x128xf32, #tpu.memory_space<vmem>>[vector<16xi32>, vector<16xi32>], vector<16xf32>, vector<16xi1>
        %mul3A_454 = arith.constant 8 : i32
        %mul3A_455 = arith.muli %while3A_405, %mul3A_454 : i32
        %add3A_456 = arith.constant 2 : i32
        %add3A_457 = arith.addi %mul3A_455, %add3A_456 : i32
        %broadcast_in_dim3A_458 = arith.constant 0 : i32
        %broadcast_in_dim3A_459 = vector.broadcast %broadcast_in_dim3A_458 : i32 to vector<16xi32>
        %add3A_460 = vector.broadcast %add3A_457 : i32 to vector<16xi32>
        %add3A_461 = arith.addi %broadcast_in_dim3A_459, %add3A_460 : vector<16xi32>
        %ge3A_462 = arith.cmpi sge, %add3A_461, %scan3A_120#0 : vector<16xi32>
        %add3A_463 = arith.constant 32 : i32
        %add3A_464 = vector.broadcast %add3A_463 : i32 to vector<16xi32>
        %add3A_465 = arith.addi %add3A_464, %iota3A : vector<16xi32>
        %broadcast_in_dim3A_466 = arith.constant 0 : i32
        %broadcast_in_dim3A_467 = vector.broadcast %broadcast_in_dim3A_466 : i32 to vector<16xi32>
        %add3A_468 = vector.broadcast %and3A_408 : i32 to vector<16xi32>
        %add3A_469 = arith.addi %broadcast_in_dim3A_467, %add3A_468 : vector<16xi32>
        %mul3A_470 = arith.constant 16 : i32
        %mul3A_471 = arith.muli %add3A_457, %mul3A_470 : i32
        %add3A_472 = vector.broadcast %mul3A_471 : i32 to vector<16xi32>
        %add3A_473 = arith.addi %add3A_472, %iota3A : vector<16xi32>
        %mul3A_474 = arith.constant 8 : i32
        %mul3A_475 = vector.broadcast %mul3A_474 : i32 to vector<16xi32>
        %mul3A_476 = arith.muli %add3A_473, %mul3A_475 : vector<16xi32>
        tpu.vector_store_idx %arg10[%add3A_469, %add3A_465], %mul3A_476 masked %ge3A_462 : memref<64x128xi32, #tpu.memory_space<vmem>>[vector<16xi32>, vector<16xi32>], vector<16xi32>, vector<16xi1>
        tpu.vector_store_idx %arg11[%add3A_469, %add3A_465], %broadcast_in_dim3A_0 masked %ge3A_462 : memref<64x128xf32, #tpu.memory_space<vmem>>[vector<16xi32>, vector<16xi32>], vector<16xf32>, vector<16xi1>
        %mul3A_477 = arith.constant 8 : i32
        %mul3A_478 = arith.muli %while3A_405, %mul3A_477 : i32
        %add3A_479 = arith.constant 3 : i32
        %add3A_480 = arith.addi %mul3A_478, %add3A_479 : i32
        %broadcast_in_dim3A_481 = arith.constant 0 : i32
        %broadcast_in_dim3A_482 = vector.broadcast %broadcast_in_dim3A_481 : i32 to vector<16xi32>
        %add3A_483 = vector.broadcast %add3A_480 : i32 to vector<16xi32>
        %add3A_484 = arith.addi %broadcast_in_dim3A_482, %add3A_483 : vector<16xi32>
        %ge3A_485 = arith.cmpi sge, %add3A_484, %scan3A_120#0 : vector<16xi32>
        %add3A_486 = arith.constant 48 : i32
        %add3A_487 = vector.broadcast %add3A_486 : i32 to vector<16xi32>
        %add3A_488 = arith.addi %add3A_487, %iota3A : vector<16xi32>
        %broadcast_in_dim3A_489 = arith.constant 0 : i32
        %broadcast_in_dim3A_490 = vector.broadcast %broadcast_in_dim3A_489 : i32 to vector<16xi32>
        %add3A_491 = vector.broadcast %and3A_408 : i32 to vector<16xi32>
        %add3A_492 = arith.addi %broadcast_in_dim3A_490, %add3A_491 : vector<16xi32>
        %mul3A_493 = arith.constant 16 : i32
        %mul3A_494 = arith.muli %add3A_480, %mul3A_493 : i32
        %add3A_495 = vector.broadcast %mul3A_494 : i32 to vector<16xi32>
        %add3A_496 = arith.addi %add3A_495, %iota3A : vector<16xi32>
        %mul3A_497 = arith.constant 8 : i32
        %mul3A_498 = vector.broadcast %mul3A_497 : i32 to vector<16xi32>
        %mul3A_499 = arith.muli %add3A_496, %mul3A_498 : vector<16xi32>
        tpu.vector_store_idx %arg10[%add3A_492, %add3A_488], %mul3A_499 masked %ge3A_485 : memref<64x128xi32, #tpu.memory_space<vmem>>[vector<16xi32>, vector<16xi32>], vector<16xi32>, vector<16xi1>
        tpu.vector_store_idx %arg11[%add3A_492, %add3A_488], %broadcast_in_dim3A_0 masked %ge3A_485 : memref<64x128xf32, #tpu.memory_space<vmem>>[vector<16xi32>, vector<16xi32>], vector<16xf32>, vector<16xi1>
        %mul3A_500 = arith.constant 8 : i32
        %mul3A_501 = arith.muli %while3A_405, %mul3A_500 : i32
        %add3A_502 = arith.constant 4 : i32
        %add3A_503 = arith.addi %mul3A_501, %add3A_502 : i32
        %broadcast_in_dim3A_504 = arith.constant 0 : i32
        %broadcast_in_dim3A_505 = vector.broadcast %broadcast_in_dim3A_504 : i32 to vector<16xi32>
        %add3A_506 = vector.broadcast %add3A_503 : i32 to vector<16xi32>
        %add3A_507 = arith.addi %broadcast_in_dim3A_505, %add3A_506 : vector<16xi32>
        %ge3A_508 = arith.cmpi sge, %add3A_507, %scan3A_120#0 : vector<16xi32>
        %add3A_509 = arith.constant 64 : i32
        %add3A_510 = vector.broadcast %add3A_509 : i32 to vector<16xi32>
        %add3A_511 = arith.addi %add3A_510, %iota3A : vector<16xi32>
        %broadcast_in_dim3A_512 = arith.constant 0 : i32
        %broadcast_in_dim3A_513 = vector.broadcast %broadcast_in_dim3A_512 : i32 to vector<16xi32>
        %add3A_514 = vector.broadcast %and3A_408 : i32 to vector<16xi32>
        %add3A_515 = arith.addi %broadcast_in_dim3A_513, %add3A_514 : vector<16xi32>
        %mul3A_516 = arith.constant 16 : i32
        %mul3A_517 = arith.muli %add3A_503, %mul3A_516 : i32
        %add3A_518 = vector.broadcast %mul3A_517 : i32 to vector<16xi32>
        %add3A_519 = arith.addi %add3A_518, %iota3A : vector<16xi32>
        %mul3A_520 = arith.constant 8 : i32
        %mul3A_521 = vector.broadcast %mul3A_520 : i32 to vector<16xi32>
        %mul3A_522 = arith.muli %add3A_519, %mul3A_521 : vector<16xi32>
        tpu.vector_store_idx %arg10[%add3A_515, %add3A_511], %mul3A_522 masked %ge3A_508 : memref<64x128xi32, #tpu.memory_space<vmem>>[vector<16xi32>, vector<16xi32>], vector<16xi32>, vector<16xi1>
        tpu.vector_store_idx %arg11[%add3A_515, %add3A_511], %broadcast_in_dim3A_0 masked %ge3A_508 : memref<64x128xf32, #tpu.memory_space<vmem>>[vector<16xi32>, vector<16xi32>], vector<16xf32>, vector<16xi1>
        %mul3A_523 = arith.constant 8 : i32
        %mul3A_524 = arith.muli %while3A_405, %mul3A_523 : i32
        %add3A_525 = arith.constant 5 : i32
        %add3A_526 = arith.addi %mul3A_524, %add3A_525 : i32
        %broadcast_in_dim3A_527 = arith.constant 0 : i32
        %broadcast_in_dim3A_528 = vector.broadcast %broadcast_in_dim3A_527 : i32 to vector<16xi32>
        %add3A_529 = vector.broadcast %add3A_526 : i32 to vector<16xi32>
        %add3A_530 = arith.addi %broadcast_in_dim3A_528, %add3A_529 : vector<16xi32>
        %ge3A_531 = arith.cmpi sge, %add3A_530, %scan3A_120#0 : vector<16xi32>
        %add3A_532 = arith.constant 80 : i32
        %add3A_533 = vector.broadcast %add3A_532 : i32 to vector<16xi32>
        %add3A_534 = arith.addi %add3A_533, %iota3A : vector<16xi32>
        %broadcast_in_dim3A_535 = arith.constant 0 : i32
        %broadcast_in_dim3A_536 = vector.broadcast %broadcast_in_dim3A_535 : i32 to vector<16xi32>
        %add3A_537 = vector.broadcast %and3A_408 : i32 to vector<16xi32>
        %add3A_538 = arith.addi %broadcast_in_dim3A_536, %add3A_537 : vector<16xi32>
        %mul3A_539 = arith.constant 16 : i32
        %mul3A_540 = arith.muli %add3A_526, %mul3A_539 : i32
        %add3A_541 = vector.broadcast %mul3A_540 : i32 to vector<16xi32>
        %add3A_542 = arith.addi %add3A_541, %iota3A : vector<16xi32>
        %mul3A_543 = arith.constant 8 : i32
        %mul3A_544 = vector.broadcast %mul3A_543 : i32 to vector<16xi32>
        %mul3A_545 = arith.muli %add3A_542, %mul3A_544 : vector<16xi32>
        tpu.vector_store_idx %arg10[%add3A_538, %add3A_534], %mul3A_545 masked %ge3A_531 : memref<64x128xi32, #tpu.memory_space<vmem>>[vector<16xi32>, vector<16xi32>], vector<16xi32>, vector<16xi1>
        tpu.vector_store_idx %arg11[%add3A_538, %add3A_534], %broadcast_in_dim3A_0 masked %ge3A_531 : memref<64x128xf32, #tpu.memory_space<vmem>>[vector<16xi32>, vector<16xi32>], vector<16xf32>, vector<16xi1>
        %mul3A_546 = arith.constant 8 : i32
        %mul3A_547 = arith.muli %while3A_405, %mul3A_546 : i32
        %add3A_548 = arith.constant 6 : i32
        %add3A_549 = arith.addi %mul3A_547, %add3A_548 : i32
        %broadcast_in_dim3A_550 = arith.constant 0 : i32
        %broadcast_in_dim3A_551 = vector.broadcast %broadcast_in_dim3A_550 : i32 to vector<16xi32>
        %add3A_552 = vector.broadcast %add3A_549 : i32 to vector<16xi32>
        %add3A_553 = arith.addi %broadcast_in_dim3A_551, %add3A_552 : vector<16xi32>
        %ge3A_554 = arith.cmpi sge, %add3A_553, %scan3A_120#0 : vector<16xi32>
        %add3A_555 = arith.constant 96 : i32
        %add3A_556 = vector.broadcast %add3A_555 : i32 to vector<16xi32>
        %add3A_557 = arith.addi %add3A_556, %iota3A : vector<16xi32>
        %broadcast_in_dim3A_558 = arith.constant 0 : i32
        %broadcast_in_dim3A_559 = vector.broadcast %broadcast_in_dim3A_558 : i32 to vector<16xi32>
        %add3A_560 = vector.broadcast %and3A_408 : i32 to vector<16xi32>
        %add3A_561 = arith.addi %broadcast_in_dim3A_559, %add3A_560 : vector<16xi32>
        %mul3A_562 = arith.constant 16 : i32
        %mul3A_563 = arith.muli %add3A_549, %mul3A_562 : i32
        %add3A_564 = vector.broadcast %mul3A_563 : i32 to vector<16xi32>
        %add3A_565 = arith.addi %add3A_564, %iota3A : vector<16xi32>
        %mul3A_566 = arith.constant 8 : i32
        %mul3A_567 = vector.broadcast %mul3A_566 : i32 to vector<16xi32>
        %mul3A_568 = arith.muli %add3A_565, %mul3A_567 : vector<16xi32>
        tpu.vector_store_idx %arg10[%add3A_561, %add3A_557], %mul3A_568 masked %ge3A_554 : memref<64x128xi32, #tpu.memory_space<vmem>>[vector<16xi32>, vector<16xi32>], vector<16xi32>, vector<16xi1>
        tpu.vector_store_idx %arg11[%add3A_561, %add3A_557], %broadcast_in_dim3A_0 masked %ge3A_554 : memref<64x128xf32, #tpu.memory_space<vmem>>[vector<16xi32>, vector<16xi32>], vector<16xf32>, vector<16xi1>
        %mul3A_569 = arith.constant 8 : i32
        %mul3A_570 = arith.muli %while3A_405, %mul3A_569 : i32
        %add3A_571 = arith.constant 7 : i32
        %add3A_572 = arith.addi %mul3A_570, %add3A_571 : i32
        %broadcast_in_dim3A_573 = arith.constant 0 : i32
        %broadcast_in_dim3A_574 = vector.broadcast %broadcast_in_dim3A_573 : i32 to vector<16xi32>
        %add3A_575 = vector.broadcast %add3A_572 : i32 to vector<16xi32>
        %add3A_576 = arith.addi %broadcast_in_dim3A_574, %add3A_575 : vector<16xi32>
        %ge3A_577 = arith.cmpi sge, %add3A_576, %scan3A_120#0 : vector<16xi32>
        %add3A_578 = arith.constant 112 : i32
        %add3A_579 = vector.broadcast %add3A_578 : i32 to vector<16xi32>
        %add3A_580 = arith.addi %add3A_579, %iota3A : vector<16xi32>
        %broadcast_in_dim3A_581 = arith.constant 0 : i32
        %broadcast_in_dim3A_582 = vector.broadcast %broadcast_in_dim3A_581 : i32 to vector<16xi32>
        %add3A_583 = vector.broadcast %and3A_408 : i32 to vector<16xi32>
        %add3A_584 = arith.addi %broadcast_in_dim3A_582, %add3A_583 : vector<16xi32>
        %mul3A_585 = arith.constant 16 : i32
        %mul3A_586 = arith.muli %add3A_572, %mul3A_585 : i32
        %add3A_587 = vector.broadcast %mul3A_586 : i32 to vector<16xi32>
        %add3A_588 = arith.addi %add3A_587, %iota3A : vector<16xi32>
        %mul3A_589 = arith.constant 8 : i32
        %mul3A_590 = vector.broadcast %mul3A_589 : i32 to vector<16xi32>
        %mul3A_591 = arith.muli %add3A_588, %mul3A_590 : vector<16xi32>
        tpu.vector_store_idx %arg10[%add3A_584, %add3A_580], %mul3A_591 masked %ge3A_577 : memref<64x128xi32, #tpu.memory_space<vmem>>[vector<16xi32>, vector<16xi32>], vector<16xi32>, vector<16xi1>
        tpu.vector_store_idx %arg11[%add3A_584, %add3A_580], %broadcast_in_dim3A_0 masked %ge3A_577 : memref<64x128xf32, #tpu.memory_space<vmem>>[vector<16xi32>, vector<16xi32>], vector<16xf32>, vector<16xi1>
        %while3A_592 = arith.constant 0 : i32
        scf.yield %while3A_592 : i32
      }
      %while3A_216 = arith.constant 0 : i32
      %while3A_217 = arith.subi %shift_right_arithmetic3A_205, %scan3A_120#1 : i32
      %while3A_218 = arith.addi %scan3A_120#1, %while3A_217 : i32
      %while3A_219 = arith.constant 1 : i32
      %while3A_220 = arith.divsi %while3A_217, %while3A_219 : i32
      %while3A_221 = arith.muli %while3A_220, %while3A_219 : i32
      %while3A_222 = arith.addi %scan3A_120#1, %while3A_221 : i32
      %while3A_223 = arith.constant 1 : i32
      %while3A_224 = scf.for %while3A_405 = %scan3A_120#1 to %while3A_222 step %while3A_223 iter_args(%while3A_406 = %while3A_216) -> (i32)  : i32 {
        %and3A_407 = arith.constant 63 : i32
        %and3A_408 = arith.andi %while3A_405, %and3A_407 : i32
        %dma_start3A_409 = arith.constant 0 : i32
        %dma_start3A_410 = tpu.memref_slice %arg11[%and3A_408, %dma_start3A_409] : memref<64x128xf32, #tpu.memory_space<vmem>> -> memref<1x128xf32, #tpu.memory_space<vmem>>
        %dma_start3A_411 = tpu.memref_squeeze %dma_start3A_410 : memref<1x128xf32, #tpu.memory_space<vmem>> -> memref<128xf32, #tpu.memory_space<vmem>>
        %dma_start3A_412 = arith.constant 0 : i32
        %dma_start3A_413 = tpu.memref_slice %arg10[%and3A_408, %dma_start3A_412] : memref<64x128xi32, #tpu.memory_space<vmem>> -> memref<1x128xi32, #tpu.memory_space<vmem>>
        %dma_start3A_414 = tpu.memref_squeeze %dma_start3A_413 : memref<1x128xi32, #tpu.memory_space<vmem>> -> memref<128xi32, #tpu.memory_space<vmem>>
        %dma_start3A_415 = arith.constant 0 : i32
        %dma_start3A_416 = tpu.memref_slice %arg5[%dma_start3A_415] : memref<1605632xf32, #tpu.memory_space<vmem_shared>> -> memref<1605632xf32, #tpu.memory_space<vmem_shared>>
        tpu.enqueue_indirect_dma source(%dma_start3A_411 : memref<128xf32, #tpu.memory_space<vmem>>) target(%dma_start3A_416 : memref<1605632xf32, #tpu.memory_space<vmem_shared>>) offsets(%dma_start3A_414 : memref<128xi32, #tpu.memory_space<vmem>>) semaphore(%arg15 : memref<!tpu.dma_semaphore, #tpu.memory_space<semaphore_mem>>) {add = true}
        %while3A_417 = arith.constant 0 : i32
        scf.yield %while3A_417 : i32
      }
      %while3A_225 = arith.constant 1 : i32
      %while3A_226 = scf.for %while3A_405 = %while3A_222 to %while3A_218 step %while3A_225 iter_args(%while3A_406 = %while3A_224) -> (i32)  : i32 {
        %and3A_407 = arith.constant 63 : i32
        %and3A_408 = arith.andi %while3A_405, %and3A_407 : i32
        %dma_start3A_409 = arith.constant 0 : i32
        %dma_start3A_410 = tpu.memref_slice %arg11[%and3A_408, %dma_start3A_409] : memref<64x128xf32, #tpu.memory_space<vmem>> -> memref<1x128xf32, #tpu.memory_space<vmem>>
        %dma_start3A_411 = tpu.memref_squeeze %dma_start3A_410 : memref<1x128xf32, #tpu.memory_space<vmem>> -> memref<128xf32, #tpu.memory_space<vmem>>
        %dma_start3A_412 = arith.constant 0 : i32
        %dma_start3A_413 = tpu.memref_slice %arg10[%and3A_408, %dma_start3A_412] : memref<64x128xi32, #tpu.memory_space<vmem>> -> memref<1x128xi32, #tpu.memory_space<vmem>>
        %dma_start3A_414 = tpu.memref_squeeze %dma_start3A_413 : memref<1x128xi32, #tpu.memory_space<vmem>> -> memref<128xi32, #tpu.memory_space<vmem>>
        %dma_start3A_415 = arith.constant 0 : i32
        %dma_start3A_416 = tpu.memref_slice %arg5[%dma_start3A_415] : memref<1605632xf32, #tpu.memory_space<vmem_shared>> -> memref<1605632xf32, #tpu.memory_space<vmem_shared>>
        tpu.enqueue_indirect_dma source(%dma_start3A_411 : memref<128xf32, #tpu.memory_space<vmem>>) target(%dma_start3A_416 : memref<1605632xf32, #tpu.memory_space<vmem_shared>>) offsets(%dma_start3A_414 : memref<128xi32, #tpu.memory_space<vmem>>) semaphore(%arg15 : memref<!tpu.dma_semaphore, #tpu.memory_space<semaphore_mem>>) {add = true}
        %while3A_417 = arith.constant 0 : i32
        scf.yield %while3A_417 : i32
      }
      %while3A_227 = arith.constant 0 : i32
      %while3A_228 = arith.subi %shift_right_arithmetic3A_205, %scan3A_120#2 : i32
      %while3A_229 = arith.addi %scan3A_120#2, %while3A_228 : i32
      %while3A_230 = arith.constant 1 : i32
      %while3A_231 = arith.divsi %while3A_228, %while3A_230 : i32
      %while3A_232 = arith.muli %while3A_231, %while3A_230 : i32
      %while3A_233 = arith.addi %scan3A_120#2, %while3A_232 : i32
      %while3A_234 = arith.constant 1 : i32
      %while3A_235 = scf.for %while3A_405 = %scan3A_120#2 to %while3A_233 step %while3A_234 iter_args(%while3A_406 = %while3A_227) -> (i32)  : i32 {
        %and3A_407 = arith.constant 63 : i32
        %and3A_408 = arith.andi %while3A_405, %and3A_407 : i32
        %dma_wait3A_409 = arith.constant 0 : i32
        %dma_wait3A_410 = tpu.memref_slice %arg11[%and3A_408, %dma_wait3A_409] : memref<64x128xf32, #tpu.memory_space<vmem>> -> memref<1x128xf32, #tpu.memory_space<vmem>>
        %dma_wait3A_411 = tpu.memref_squeeze %dma_wait3A_410 : memref<1x128xf32, #tpu.memory_space<vmem>> -> memref<128xf32, #tpu.memory_space<vmem>>
        %dma_wait3A_412 = arith.constant 0 : i32
        %dma_wait3A_413 = tpu.memref_slice %arg10[%and3A_408, %dma_wait3A_412] : memref<64x128xi32, #tpu.memory_space<vmem>> -> memref<1x128xi32, #tpu.memory_space<vmem>>
        %dma_wait3A_414 = tpu.memref_squeeze %dma_wait3A_413 : memref<1x128xi32, #tpu.memory_space<vmem>> -> memref<128xi32, #tpu.memory_space<vmem>>
        %dma_wait3A_415 = arith.constant 0 : i32
        %dma_wait3A_416 = tpu.memref_slice %arg5[%dma_wait3A_415] : memref<1605632xf32, #tpu.memory_space<vmem_shared>> -> memref<1605632xf32, #tpu.memory_space<vmem_shared>>
        tpu.wait_indirect_dma semaphore(%arg15 : memref<!tpu.dma_semaphore, #tpu.memory_space<semaphore_mem>>) src(%dma_wait3A_411 : memref<128xf32, #tpu.memory_space<vmem>>) dst(%dma_wait3A_416 : memref<1605632xf32, #tpu.memory_space<vmem_shared>>)
        %while3A_417 = arith.constant 0 : i32
        scf.yield %while3A_417 : i32
      }
      %while3A_236 = arith.constant 1 : i32
      %while3A_237 = scf.for %while3A_405 = %while3A_233 to %while3A_229 step %while3A_236 iter_args(%while3A_406 = %while3A_235) -> (i32)  : i32 {
        %and3A_407 = arith.constant 63 : i32
        %and3A_408 = arith.andi %while3A_405, %and3A_407 : i32
        %dma_wait3A_409 = arith.constant 0 : i32
        %dma_wait3A_410 = tpu.memref_slice %arg11[%and3A_408, %dma_wait3A_409] : memref<64x128xf32, #tpu.memory_space<vmem>> -> memref<1x128xf32, #tpu.memory_space<vmem>>
        %dma_wait3A_411 = tpu.memref_squeeze %dma_wait3A_410 : memref<1x128xf32, #tpu.memory_space<vmem>> -> memref<128xf32, #tpu.memory_space<vmem>>
        %dma_wait3A_412 = arith.constant 0 : i32
        %dma_wait3A_413 = tpu.memref_slice %arg10[%and3A_408, %dma_wait3A_412] : memref<64x128xi32, #tpu.memory_space<vmem>> -> memref<1x128xi32, #tpu.memory_space<vmem>>
        %dma_wait3A_414 = tpu.memref_squeeze %dma_wait3A_413 : memref<1x128xi32, #tpu.memory_space<vmem>> -> memref<128xi32, #tpu.memory_space<vmem>>
        %dma_wait3A_415 = arith.constant 0 : i32
        %dma_wait3A_416 = tpu.memref_slice %arg5[%dma_wait3A_415] : memref<1605632xf32, #tpu.memory_space<vmem_shared>> -> memref<1605632xf32, #tpu.memory_space<vmem_shared>>
        tpu.wait_indirect_dma semaphore(%arg15 : memref<!tpu.dma_semaphore, #tpu.memory_space<semaphore_mem>>) src(%dma_wait3A_411 : memref<128xf32, #tpu.memory_space<vmem>>) dst(%dma_wait3A_416 : memref<1605632xf32, #tpu.memory_space<vmem_shared>>)
        %while3A_417 = arith.constant 0 : i32
        scf.yield %while3A_417 : i32
      }
      %barrier3A_238 = arith.constant 0 : index
      tpu.barrier barrier_id(%barrier3A_238)
      %mul3A_239 = arith.constant 4816896 : i32
      %mul3A_240 = arith.muli %add3A_95, %mul3A_239 : i32
      %mul3A_241 = arith.constant 1605632 : i32
      %mul3A_242 = arith.muli %select_n3A_109, %mul3A_241 : i32
      %add3A_243 = arith.addi %mul3A_240, %mul3A_242 : i32
      %mul3A_244 = arith.constant 100352 : i32
      %mul3A_245 = arith.muli %arg1, %mul3A_244 : i32
      %add3A_246 = arith.addi %add3A_243, %mul3A_245 : i32
      %mul3A_247 = arith.constant 100352 : i32
      %mul3A_248 = arith.muli %arg1, %mul3A_247 : i32
      %scan3A_249 = arith.constant 0 : i32
      %scan3A_250 = arith.constant 0 : i32
      %scan3A_251 = arith.constant 14 : i32
      %scan3A_252 = arith.addi %scan3A_250, %scan3A_251 : i32
      %scan3A_253 = arith.constant 1 : i32
      %scan3A_254 = scf.for %scan3A_405 = %scan3A_250 to %scan3A_252 step %scan3A_253 iter_args(%scan3A_406 = %scan3A_249) -> (i32)  : i32 {
        %mul3A_407 = arith.constant 1024 : i32
        %mul3A_408 = arith.muli %scan3A_405, %mul3A_407 : i32
        %add3A_409 = arith.addi %mul3A_248, %mul3A_408 : i32
        %mul3A_410 = arith.constant 1024 : i32
        %mul3A_411 = arith.muli %scan3A_405, %mul3A_410 : i32
        %add3A_412 = arith.addi %add3A_246, %mul3A_411 : i32
        %dma_start3A_413 = tpu.memref_slice %arg4[%add3A_412] : memref<38535168xf32, #tpu.memory_space<hbm>> -> memref<1024xf32, #tpu.memory_space<hbm>>
        %dma_start3A_414 = tpu.memref_slice %arg5[%add3A_409] : memref<1605632xf32, #tpu.memory_space<vmem_shared>> -> memref<1024xf32, #tpu.memory_space<vmem_shared>>
        tpu.enqueue_dma source(%dma_start3A_414 : memref<1024xf32, #tpu.memory_space<vmem_shared>>) target(%dma_start3A_413 : memref<1024xf32, #tpu.memory_space<hbm>>) target_semaphore(%arg15 : memref<!tpu.dma_semaphore, #tpu.memory_space<semaphore_mem>>)
        %scan3A_415 = arith.constant 0 : i32
        scf.yield %scan3A_415 : i32
      }
      %scan3A_255 = arith.constant 14 : i32
      %scan3A_256 = arith.constant 0 : i32
      %scan3A_257 = arith.constant 14 : i32
      %scan3A_258 = arith.constant 14 : i32
      %scan3A_259 = arith.addi %scan3A_257, %scan3A_258 : i32
      %scan3A_260 = arith.constant 1 : i32
      %scan3A_261 = scf.for %scan3A_405 = %scan3A_257 to %scan3A_259 step %scan3A_260 iter_args(%scan3A_406 = %scan3A_256) -> (i32)  : i32 {
        %mul3A_407 = arith.constant 1024 : i32
        %mul3A_408 = arith.muli %scan3A_405, %mul3A_407 : i32
        %add3A_409 = arith.addi %mul3A_248, %mul3A_408 : i32
        %mul3A_410 = arith.constant 1024 : i32
        %mul3A_411 = arith.muli %scan3A_405, %mul3A_410 : i32
        %add3A_412 = arith.addi %add3A_246, %mul3A_411 : i32
        %dma_start3A_413 = tpu.memref_slice %arg4[%add3A_412] : memref<38535168xf32, #tpu.memory_space<hbm>> -> memref<1024xf32, #tpu.memory_space<hbm>>
        %dma_start3A_414 = tpu.memref_slice %arg5[%add3A_409] : memref<1605632xf32, #tpu.memory_space<vmem_shared>> -> memref<1024xf32, #tpu.memory_space<vmem_shared>>
        tpu.enqueue_dma source(%dma_start3A_414 : memref<1024xf32, #tpu.memory_space<vmem_shared>>) target(%dma_start3A_413 : memref<1024xf32, #tpu.memory_space<hbm>>) target_semaphore(%arg15 : memref<!tpu.dma_semaphore, #tpu.memory_space<semaphore_mem>>)
        %scan3A_415 = arith.constant 0 : i32
        scf.yield %scan3A_415 : i32
      }
      %scan3A_262 = arith.constant 14 : i32
      %scan3A_263 = arith.constant 0 : i32
      %scan3A_264 = arith.constant 0 : i32
      %scan3A_265 = arith.constant 14 : i32
      %scan3A_266 = arith.addi %scan3A_264, %scan3A_265 : i32
      %scan3A_267 = arith.constant 1 : i32
      %scan3A_268 = scf.for %scan3A_405 = %scan3A_264 to %scan3A_266 step %scan3A_267 iter_args(%scan3A_406 = %scan3A_263) -> (i32)  : i32 {
        %mul3A_407 = arith.constant 1024 : i32
        %mul3A_408 = arith.muli %scan3A_405, %mul3A_407 : i32
        %add3A_409 = arith.addi %mul3A_248, %mul3A_408 : i32
        %mul3A_410 = arith.constant 1024 : i32
        %mul3A_411 = arith.muli %scan3A_405, %mul3A_410 : i32
        %add3A_412 = arith.addi %add3A_246, %mul3A_411 : i32
        %dma_wait3A_413 = tpu.memref_slice %arg4[%add3A_412] : memref<38535168xf32, #tpu.memory_space<hbm>> -> memref<1024xf32, #tpu.memory_space<hbm>>
        %dma_wait3A_414 = tpu.memref_slice %arg5[%add3A_409] : memref<1605632xf32, #tpu.memory_space<vmem_shared>> -> memref<1024xf32, #tpu.memory_space<vmem_shared>>
        tpu.wait_dma2 semaphore(%arg15 : memref<!tpu.dma_semaphore, #tpu.memory_space<semaphore_mem>>) src(%dma_wait3A_414 : memref<1024xf32, #tpu.memory_space<vmem_shared>>) dst(%dma_wait3A_413 : memref<1024xf32, #tpu.memory_space<hbm>>)
        %scan3A_415 = arith.constant 0 : i32
        scf.yield %scan3A_415 : i32
      }
      %scan3A_269 = arith.constant 14 : i32
      %scan3A_270 = arith.constant 0 : i32
      %scan3A_271 = arith.constant 0 : i32
      %scan3A_272 = arith.constant 14 : i32
      %scan3A_273 = arith.addi %scan3A_271, %scan3A_272 : i32
      %scan3A_274 = arith.constant 1 : i32
      %scan3A_275 = scf.for %scan3A_405 = %scan3A_271 to %scan3A_273 step %scan3A_274 iter_args(%scan3A_406 = %scan3A_270) -> (i32)  : i32 {
        %mul3A_407 = arith.constant 1024 : i32
        %mul3A_408 = arith.muli %scan3A_405, %mul3A_407 : i32
        %add3A_409 = arith.addi %mul3A_248, %mul3A_408 : i32
        %dma_start3A_410 = tpu.memref_slice %arg5[%add3A_409] : memref<1605632xf32, #tpu.memory_space<vmem_shared>> -> memref<1024xf32, #tpu.memory_space<vmem_shared>>
        %dma_start3A_411 = tpu.memref_slice %arg5[%add3A_409] : memref<1605632xf32, #tpu.memory_space<vmem_shared>> -> memref<1024xf32, #tpu.memory_space<vmem_shared>>
        tpu.enqueue_dma source(%arg12 : memref<1024xf32, #tpu.memory_space<vmem>>) target(%dma_start3A_411 : memref<1024xf32, #tpu.memory_space<vmem_shared>>) target_semaphore(%arg16 : memref<!tpu.dma_semaphore, #tpu.memory_space<semaphore_mem>>)
        %scan3A_412 = arith.constant 0 : i32
        scf.yield %scan3A_412 : i32
      }
      %scan3A_276 = arith.constant 14 : i32
      %scan3A_277 = arith.constant 0 : i32
      %scan3A_278 = arith.constant 28 : i32
      %scan3A_279 = arith.constant 14 : i32
      %scan3A_280 = arith.addi %scan3A_278, %scan3A_279 : i32
      %scan3A_281 = arith.constant 1 : i32
      %scan3A_282 = scf.for %scan3A_405 = %scan3A_278 to %scan3A_280 step %scan3A_281 iter_args(%scan3A_406 = %scan3A_277) -> (i32)  : i32 {
        %mul3A_407 = arith.constant 1024 : i32
        %mul3A_408 = arith.muli %scan3A_405, %mul3A_407 : i32
        %add3A_409 = arith.addi %mul3A_248, %mul3A_408 : i32
        %mul3A_410 = arith.constant 1024 : i32
        %mul3A_411 = arith.muli %scan3A_405, %mul3A_410 : i32
        %add3A_412 = arith.addi %add3A_246, %mul3A_411 : i32
        %dma_start3A_413 = tpu.memref_slice %arg4[%add3A_412] : memref<38535168xf32, #tpu.memory_space<hbm>> -> memref<1024xf32, #tpu.memory_space<hbm>>
        %dma_start3A_414 = tpu.memref_slice %arg5[%add3A_409] : memref<1605632xf32, #tpu.memory_space<vmem_shared>> -> memref<1024xf32, #tpu.memory_space<vmem_shared>>
        tpu.enqueue_dma source(%dma_start3A_414 : memref<1024xf32, #tpu.memory_space<vmem_shared>>) target(%dma_start3A_413 : memref<1024xf32, #tpu.memory_space<hbm>>) target_semaphore(%arg15 : memref<!tpu.dma_semaphore, #tpu.memory_space<semaphore_mem>>)
        %scan3A_415 = arith.constant 0 : i32
        scf.yield %scan3A_415 : i32
      }
      %scan3A_283 = arith.constant 14 : i32
      %scan3A_284 = arith.constant 0 : i32
      %scan3A_285 = arith.constant 14 : i32
      %scan3A_286 = arith.constant 14 : i32
      %scan3A_287 = arith.addi %scan3A_285, %scan3A_286 : i32
      %scan3A_288 = arith.constant 1 : i32
      %scan3A_289 = scf.for %scan3A_405 = %scan3A_285 to %scan3A_287 step %scan3A_288 iter_args(%scan3A_406 = %scan3A_284) -> (i32)  : i32 {
        %mul3A_407 = arith.constant 1024 : i32
        %mul3A_408 = arith.muli %scan3A_405, %mul3A_407 : i32
        %add3A_409 = arith.addi %mul3A_248, %mul3A_408 : i32
        %mul3A_410 = arith.constant 1024 : i32
        %mul3A_411 = arith.muli %scan3A_405, %mul3A_410 : i32
        %add3A_412 = arith.addi %add3A_246, %mul3A_411 : i32
        %dma_wait3A_413 = tpu.memref_slice %arg4[%add3A_412] : memref<38535168xf32, #tpu.memory_space<hbm>> -> memref<1024xf32, #tpu.memory_space<hbm>>
        %dma_wait3A_414 = tpu.memref_slice %arg5[%add3A_409] : memref<1605632xf32, #tpu.memory_space<vmem_shared>> -> memref<1024xf32, #tpu.memory_space<vmem_shared>>
        tpu.wait_dma2 semaphore(%arg15 : memref<!tpu.dma_semaphore, #tpu.memory_space<semaphore_mem>>) src(%dma_wait3A_414 : memref<1024xf32, #tpu.memory_space<vmem_shared>>) dst(%dma_wait3A_413 : memref<1024xf32, #tpu.memory_space<hbm>>)
        %scan3A_415 = arith.constant 0 : i32
        scf.yield %scan3A_415 : i32
      }
      %scan3A_290 = arith.constant 14 : i32
      %scan3A_291 = arith.constant 0 : i32
      %scan3A_292 = arith.constant 14 : i32
      %scan3A_293 = arith.constant 14 : i32
      %scan3A_294 = arith.addi %scan3A_292, %scan3A_293 : i32
      %scan3A_295 = arith.constant 1 : i32
      %scan3A_296 = scf.for %scan3A_405 = %scan3A_292 to %scan3A_294 step %scan3A_295 iter_args(%scan3A_406 = %scan3A_291) -> (i32)  : i32 {
        %mul3A_407 = arith.constant 1024 : i32
        %mul3A_408 = arith.muli %scan3A_405, %mul3A_407 : i32
        %add3A_409 = arith.addi %mul3A_248, %mul3A_408 : i32
        %dma_start3A_410 = tpu.memref_slice %arg5[%add3A_409] : memref<1605632xf32, #tpu.memory_space<vmem_shared>> -> memref<1024xf32, #tpu.memory_space<vmem_shared>>
        %dma_start3A_411 = tpu.memref_slice %arg5[%add3A_409] : memref<1605632xf32, #tpu.memory_space<vmem_shared>> -> memref<1024xf32, #tpu.memory_space<vmem_shared>>
        tpu.enqueue_dma source(%arg12 : memref<1024xf32, #tpu.memory_space<vmem>>) target(%dma_start3A_411 : memref<1024xf32, #tpu.memory_space<vmem_shared>>) target_semaphore(%arg16 : memref<!tpu.dma_semaphore, #tpu.memory_space<semaphore_mem>>)
        %scan3A_412 = arith.constant 0 : i32
        scf.yield %scan3A_412 : i32
      }
      %scan3A_297 = arith.constant 14 : i32
      %scan3A_298 = arith.constant 0 : i32
      %scan3A_299 = arith.constant 42 : i32
      %scan3A_300 = arith.constant 14 : i32
      %scan3A_301 = arith.addi %scan3A_299, %scan3A_300 : i32
      %scan3A_302 = arith.constant 1 : i32
      %scan3A_303 = scf.for %scan3A_405 = %scan3A_299 to %scan3A_301 step %scan3A_302 iter_args(%scan3A_406 = %scan3A_298) -> (i32)  : i32 {
        %mul3A_407 = arith.constant 1024 : i32
        %mul3A_408 = arith.muli %scan3A_405, %mul3A_407 : i32
        %add3A_409 = arith.addi %mul3A_248, %mul3A_408 : i32
        %mul3A_410 = arith.constant 1024 : i32
        %mul3A_411 = arith.muli %scan3A_405, %mul3A_410 : i32
        %add3A_412 = arith.addi %add3A_246, %mul3A_411 : i32
        %dma_start3A_413 = tpu.memref_slice %arg4[%add3A_412] : memref<38535168xf32, #tpu.memory_space<hbm>> -> memref<1024xf32, #tpu.memory_space<hbm>>
        %dma_start3A_414 = tpu.memref_slice %arg5[%add3A_409] : memref<1605632xf32, #tpu.memory_space<vmem_shared>> -> memref<1024xf32, #tpu.memory_space<vmem_shared>>
        tpu.enqueue_dma source(%dma_start3A_414 : memref<1024xf32, #tpu.memory_space<vmem_shared>>) target(%dma_start3A_413 : memref<1024xf32, #tpu.memory_space<hbm>>) target_semaphore(%arg15 : memref<!tpu.dma_semaphore, #tpu.memory_space<semaphore_mem>>)
        %scan3A_415 = arith.constant 0 : i32
        scf.yield %scan3A_415 : i32
      }
      %scan3A_304 = arith.constant 14 : i32
      %scan3A_305 = arith.constant 0 : i32
      %scan3A_306 = arith.constant 28 : i32
      %scan3A_307 = arith.constant 14 : i32
      %scan3A_308 = arith.addi %scan3A_306, %scan3A_307 : i32
      %scan3A_309 = arith.constant 1 : i32
      %scan3A_310 = scf.for %scan3A_405 = %scan3A_306 to %scan3A_308 step %scan3A_309 iter_args(%scan3A_406 = %scan3A_305) -> (i32)  : i32 {
        %mul3A_407 = arith.constant 1024 : i32
        %mul3A_408 = arith.muli %scan3A_405, %mul3A_407 : i32
        %add3A_409 = arith.addi %mul3A_248, %mul3A_408 : i32
        %mul3A_410 = arith.constant 1024 : i32
        %mul3A_411 = arith.muli %scan3A_405, %mul3A_410 : i32
        %add3A_412 = arith.addi %add3A_246, %mul3A_411 : i32
        %dma_wait3A_413 = tpu.memref_slice %arg4[%add3A_412] : memref<38535168xf32, #tpu.memory_space<hbm>> -> memref<1024xf32, #tpu.memory_space<hbm>>
        %dma_wait3A_414 = tpu.memref_slice %arg5[%add3A_409] : memref<1605632xf32, #tpu.memory_space<vmem_shared>> -> memref<1024xf32, #tpu.memory_space<vmem_shared>>
        tpu.wait_dma2 semaphore(%arg15 : memref<!tpu.dma_semaphore, #tpu.memory_space<semaphore_mem>>) src(%dma_wait3A_414 : memref<1024xf32, #tpu.memory_space<vmem_shared>>) dst(%dma_wait3A_413 : memref<1024xf32, #tpu.memory_space<hbm>>)
        %scan3A_415 = arith.constant 0 : i32
        scf.yield %scan3A_415 : i32
      }
      %scan3A_311 = arith.constant 14 : i32
      %scan3A_312 = arith.constant 0 : i32
      %scan3A_313 = arith.constant 28 : i32
      %scan3A_314 = arith.constant 14 : i32
      %scan3A_315 = arith.addi %scan3A_313, %scan3A_314 : i32
      %scan3A_316 = arith.constant 1 : i32
      %scan3A_317 = scf.for %scan3A_405 = %scan3A_313 to %scan3A_315 step %scan3A_316 iter_args(%scan3A_406 = %scan3A_312) -> (i32)  : i32 {
        %mul3A_407 = arith.constant 1024 : i32
        %mul3A_408 = arith.muli %scan3A_405, %mul3A_407 : i32
        %add3A_409 = arith.addi %mul3A_248, %mul3A_408 : i32
        %dma_start3A_410 = tpu.memref_slice %arg5[%add3A_409] : memref<1605632xf32, #tpu.memory_space<vmem_shared>> -> memref<1024xf32, #tpu.memory_space<vmem_shared>>
        %dma_start3A_411 = tpu.memref_slice %arg5[%add3A_409] : memref<1605632xf32, #tpu.memory_space<vmem_shared>> -> memref<1024xf32, #tpu.memory_space<vmem_shared>>
        tpu.enqueue_dma source(%arg12 : memref<1024xf32, #tpu.memory_space<vmem>>) target(%dma_start3A_411 : memref<1024xf32, #tpu.memory_space<vmem_shared>>) target_semaphore(%arg16 : memref<!tpu.dma_semaphore, #tpu.memory_space<semaphore_mem>>)
        %scan3A_412 = arith.constant 0 : i32
        scf.yield %scan3A_412 : i32
      }
      %scan3A_318 = arith.constant 14 : i32
      %scan3A_319 = arith.constant 0 : i32
      %scan3A_320 = arith.constant 56 : i32
      %scan3A_321 = arith.constant 14 : i32
      %scan3A_322 = arith.addi %scan3A_320, %scan3A_321 : i32
      %scan3A_323 = arith.constant 1 : i32
      %scan3A_324 = scf.for %scan3A_405 = %scan3A_320 to %scan3A_322 step %scan3A_323 iter_args(%scan3A_406 = %scan3A_319) -> (i32)  : i32 {
        %mul3A_407 = arith.constant 1024 : i32
        %mul3A_408 = arith.muli %scan3A_405, %mul3A_407 : i32
        %add3A_409 = arith.addi %mul3A_248, %mul3A_408 : i32
        %mul3A_410 = arith.constant 1024 : i32
        %mul3A_411 = arith.muli %scan3A_405, %mul3A_410 : i32
        %add3A_412 = arith.addi %add3A_246, %mul3A_411 : i32
        %dma_start3A_413 = tpu.memref_slice %arg4[%add3A_412] : memref<38535168xf32, #tpu.memory_space<hbm>> -> memref<1024xf32, #tpu.memory_space<hbm>>
        %dma_start3A_414 = tpu.memref_slice %arg5[%add3A_409] : memref<1605632xf32, #tpu.memory_space<vmem_shared>> -> memref<1024xf32, #tpu.memory_space<vmem_shared>>
        tpu.enqueue_dma source(%dma_start3A_414 : memref<1024xf32, #tpu.memory_space<vmem_shared>>) target(%dma_start3A_413 : memref<1024xf32, #tpu.memory_space<hbm>>) target_semaphore(%arg15 : memref<!tpu.dma_semaphore, #tpu.memory_space<semaphore_mem>>)
        %scan3A_415 = arith.constant 0 : i32
        scf.yield %scan3A_415 : i32
      }
      %scan3A_325 = arith.constant 14 : i32
      %scan3A_326 = arith.constant 0 : i32
      %scan3A_327 = arith.constant 42 : i32
      %scan3A_328 = arith.constant 14 : i32
      %scan3A_329 = arith.addi %scan3A_327, %scan3A_328 : i32
      %scan3A_330 = arith.constant 1 : i32
      %scan3A_331 = scf.for %scan3A_405 = %scan3A_327 to %scan3A_329 step %scan3A_330 iter_args(%scan3A_406 = %scan3A_326) -> (i32)  : i32 {
        %mul3A_407 = arith.constant 1024 : i32
        %mul3A_408 = arith.muli %scan3A_405, %mul3A_407 : i32
        %add3A_409 = arith.addi %mul3A_248, %mul3A_408 : i32
        %mul3A_410 = arith.constant 1024 : i32
        %mul3A_411 = arith.muli %scan3A_405, %mul3A_410 : i32
        %add3A_412 = arith.addi %add3A_246, %mul3A_411 : i32
        %dma_wait3A_413 = tpu.memref_slice %arg4[%add3A_412] : memref<38535168xf32, #tpu.memory_space<hbm>> -> memref<1024xf32, #tpu.memory_space<hbm>>
        %dma_wait3A_414 = tpu.memref_slice %arg5[%add3A_409] : memref<1605632xf32, #tpu.memory_space<vmem_shared>> -> memref<1024xf32, #tpu.memory_space<vmem_shared>>
        tpu.wait_dma2 semaphore(%arg15 : memref<!tpu.dma_semaphore, #tpu.memory_space<semaphore_mem>>) src(%dma_wait3A_414 : memref<1024xf32, #tpu.memory_space<vmem_shared>>) dst(%dma_wait3A_413 : memref<1024xf32, #tpu.memory_space<hbm>>)
        %scan3A_415 = arith.constant 0 : i32
        scf.yield %scan3A_415 : i32
      }
      %scan3A_332 = arith.constant 14 : i32
      %scan3A_333 = arith.constant 0 : i32
      %scan3A_334 = arith.constant 42 : i32
      %scan3A_335 = arith.constant 14 : i32
      %scan3A_336 = arith.addi %scan3A_334, %scan3A_335 : i32
      %scan3A_337 = arith.constant 1 : i32
      %scan3A_338 = scf.for %scan3A_405 = %scan3A_334 to %scan3A_336 step %scan3A_337 iter_args(%scan3A_406 = %scan3A_333) -> (i32)  : i32 {
        %mul3A_407 = arith.constant 1024 : i32
        %mul3A_408 = arith.muli %scan3A_405, %mul3A_407 : i32
        %add3A_409 = arith.addi %mul3A_248, %mul3A_408 : i32
        %dma_start3A_410 = tpu.memref_slice %arg5[%add3A_409] : memref<1605632xf32, #tpu.memory_space<vmem_shared>> -> memref<1024xf32, #tpu.memory_space<vmem_shared>>
        %dma_start3A_411 = tpu.memref_slice %arg5[%add3A_409] : memref<1605632xf32, #tpu.memory_space<vmem_shared>> -> memref<1024xf32, #tpu.memory_space<vmem_shared>>
        tpu.enqueue_dma source(%arg12 : memref<1024xf32, #tpu.memory_space<vmem>>) target(%dma_start3A_411 : memref<1024xf32, #tpu.memory_space<vmem_shared>>) target_semaphore(%arg16 : memref<!tpu.dma_semaphore, #tpu.memory_space<semaphore_mem>>)
        %scan3A_412 = arith.constant 0 : i32
        scf.yield %scan3A_412 : i32
      }
      %scan3A_339 = arith.constant 14 : i32
      %scan3A_340 = arith.constant 0 : i32
      %scan3A_341 = arith.constant 70 : i32
      %scan3A_342 = arith.constant 14 : i32
      %scan3A_343 = arith.addi %scan3A_341, %scan3A_342 : i32
      %scan3A_344 = arith.constant 1 : i32
      %scan3A_345 = scf.for %scan3A_405 = %scan3A_341 to %scan3A_343 step %scan3A_344 iter_args(%scan3A_406 = %scan3A_340) -> (i32)  : i32 {
        %mul3A_407 = arith.constant 1024 : i32
        %mul3A_408 = arith.muli %scan3A_405, %mul3A_407 : i32
        %add3A_409 = arith.addi %mul3A_248, %mul3A_408 : i32
        %mul3A_410 = arith.constant 1024 : i32
        %mul3A_411 = arith.muli %scan3A_405, %mul3A_410 : i32
        %add3A_412 = arith.addi %add3A_246, %mul3A_411 : i32
        %dma_start3A_413 = tpu.memref_slice %arg4[%add3A_412] : memref<38535168xf32, #tpu.memory_space<hbm>> -> memref<1024xf32, #tpu.memory_space<hbm>>
        %dma_start3A_414 = tpu.memref_slice %arg5[%add3A_409] : memref<1605632xf32, #tpu.memory_space<vmem_shared>> -> memref<1024xf32, #tpu.memory_space<vmem_shared>>
        tpu.enqueue_dma source(%dma_start3A_414 : memref<1024xf32, #tpu.memory_space<vmem_shared>>) target(%dma_start3A_413 : memref<1024xf32, #tpu.memory_space<hbm>>) target_semaphore(%arg15 : memref<!tpu.dma_semaphore, #tpu.memory_space<semaphore_mem>>)
        %scan3A_415 = arith.constant 0 : i32
        scf.yield %scan3A_415 : i32
      }
      %scan3A_346 = arith.constant 14 : i32
      %scan3A_347 = arith.constant 0 : i32
      %scan3A_348 = arith.constant 56 : i32
      %scan3A_349 = arith.constant 14 : i32
      %scan3A_350 = arith.addi %scan3A_348, %scan3A_349 : i32
      %scan3A_351 = arith.constant 1 : i32
      %scan3A_352 = scf.for %scan3A_405 = %scan3A_348 to %scan3A_350 step %scan3A_351 iter_args(%scan3A_406 = %scan3A_347) -> (i32)  : i32 {
        %mul3A_407 = arith.constant 1024 : i32
        %mul3A_408 = arith.muli %scan3A_405, %mul3A_407 : i32
        %add3A_409 = arith.addi %mul3A_248, %mul3A_408 : i32
        %mul3A_410 = arith.constant 1024 : i32
        %mul3A_411 = arith.muli %scan3A_405, %mul3A_410 : i32
        %add3A_412 = arith.addi %add3A_246, %mul3A_411 : i32
        %dma_wait3A_413 = tpu.memref_slice %arg4[%add3A_412] : memref<38535168xf32, #tpu.memory_space<hbm>> -> memref<1024xf32, #tpu.memory_space<hbm>>
        %dma_wait3A_414 = tpu.memref_slice %arg5[%add3A_409] : memref<1605632xf32, #tpu.memory_space<vmem_shared>> -> memref<1024xf32, #tpu.memory_space<vmem_shared>>
        tpu.wait_dma2 semaphore(%arg15 : memref<!tpu.dma_semaphore, #tpu.memory_space<semaphore_mem>>) src(%dma_wait3A_414 : memref<1024xf32, #tpu.memory_space<vmem_shared>>) dst(%dma_wait3A_413 : memref<1024xf32, #tpu.memory_space<hbm>>)
        %scan3A_415 = arith.constant 0 : i32
        scf.yield %scan3A_415 : i32
      }
      %scan3A_353 = arith.constant 14 : i32
      %scan3A_354 = arith.constant 0 : i32
      %scan3A_355 = arith.constant 56 : i32
      %scan3A_356 = arith.constant 14 : i32
      %scan3A_357 = arith.addi %scan3A_355, %scan3A_356 : i32
      %scan3A_358 = arith.constant 1 : i32
      %scan3A_359 = scf.for %scan3A_405 = %scan3A_355 to %scan3A_357 step %scan3A_358 iter_args(%scan3A_406 = %scan3A_354) -> (i32)  : i32 {
        %mul3A_407 = arith.constant 1024 : i32
        %mul3A_408 = arith.muli %scan3A_405, %mul3A_407 : i32
        %add3A_409 = arith.addi %mul3A_248, %mul3A_408 : i32
        %dma_start3A_410 = tpu.memref_slice %arg5[%add3A_409] : memref<1605632xf32, #tpu.memory_space<vmem_shared>> -> memref<1024xf32, #tpu.memory_space<vmem_shared>>
        %dma_start3A_411 = tpu.memref_slice %arg5[%add3A_409] : memref<1605632xf32, #tpu.memory_space<vmem_shared>> -> memref<1024xf32, #tpu.memory_space<vmem_shared>>
        tpu.enqueue_dma source(%arg12 : memref<1024xf32, #tpu.memory_space<vmem>>) target(%dma_start3A_411 : memref<1024xf32, #tpu.memory_space<vmem_shared>>) target_semaphore(%arg16 : memref<!tpu.dma_semaphore, #tpu.memory_space<semaphore_mem>>)
        %scan3A_412 = arith.constant 0 : i32
        scf.yield %scan3A_412 : i32
      }
      %scan3A_360 = arith.constant 14 : i32
      %scan3A_361 = arith.constant 0 : i32
      %scan3A_362 = arith.constant 84 : i32
      %scan3A_363 = arith.constant 14 : i32
      %scan3A_364 = arith.addi %scan3A_362, %scan3A_363 : i32
      %scan3A_365 = arith.constant 1 : i32
      %scan3A_366 = scf.for %scan3A_405 = %scan3A_362 to %scan3A_364 step %scan3A_365 iter_args(%scan3A_406 = %scan3A_361) -> (i32)  : i32 {
        %mul3A_407 = arith.constant 1024 : i32
        %mul3A_408 = arith.muli %scan3A_405, %mul3A_407 : i32
        %add3A_409 = arith.addi %mul3A_248, %mul3A_408 : i32
        %mul3A_410 = arith.constant 1024 : i32
        %mul3A_411 = arith.muli %scan3A_405, %mul3A_410 : i32
        %add3A_412 = arith.addi %add3A_246, %mul3A_411 : i32
        %dma_start3A_413 = tpu.memref_slice %arg4[%add3A_412] : memref<38535168xf32, #tpu.memory_space<hbm>> -> memref<1024xf32, #tpu.memory_space<hbm>>
        %dma_start3A_414 = tpu.memref_slice %arg5[%add3A_409] : memref<1605632xf32, #tpu.memory_space<vmem_shared>> -> memref<1024xf32, #tpu.memory_space<vmem_shared>>
        tpu.enqueue_dma source(%dma_start3A_414 : memref<1024xf32, #tpu.memory_space<vmem_shared>>) target(%dma_start3A_413 : memref<1024xf32, #tpu.memory_space<hbm>>) target_semaphore(%arg15 : memref<!tpu.dma_semaphore, #tpu.memory_space<semaphore_mem>>)
        %scan3A_415 = arith.constant 0 : i32
        scf.yield %scan3A_415 : i32
      }
      %scan3A_367 = arith.constant 14 : i32
      %scan3A_368 = arith.constant 0 : i32
      %scan3A_369 = arith.constant 70 : i32
      %scan3A_370 = arith.constant 14 : i32
      %scan3A_371 = arith.addi %scan3A_369, %scan3A_370 : i32
      %scan3A_372 = arith.constant 1 : i32
      %scan3A_373 = scf.for %scan3A_405 = %scan3A_369 to %scan3A_371 step %scan3A_372 iter_args(%scan3A_406 = %scan3A_368) -> (i32)  : i32 {
        %mul3A_407 = arith.constant 1024 : i32
        %mul3A_408 = arith.muli %scan3A_405, %mul3A_407 : i32
        %add3A_409 = arith.addi %mul3A_248, %mul3A_408 : i32
        %mul3A_410 = arith.constant 1024 : i32
        %mul3A_411 = arith.muli %scan3A_405, %mul3A_410 : i32
        %add3A_412 = arith.addi %add3A_246, %mul3A_411 : i32
        %dma_wait3A_413 = tpu.memref_slice %arg4[%add3A_412] : memref<38535168xf32, #tpu.memory_space<hbm>> -> memref<1024xf32, #tpu.memory_space<hbm>>
        %dma_wait3A_414 = tpu.memref_slice %arg5[%add3A_409] : memref<1605632xf32, #tpu.memory_space<vmem_shared>> -> memref<1024xf32, #tpu.memory_space<vmem_shared>>
        tpu.wait_dma2 semaphore(%arg15 : memref<!tpu.dma_semaphore, #tpu.memory_space<semaphore_mem>>) src(%dma_wait3A_414 : memref<1024xf32, #tpu.memory_space<vmem_shared>>) dst(%dma_wait3A_413 : memref<1024xf32, #tpu.memory_space<hbm>>)
        %scan3A_415 = arith.constant 0 : i32
        scf.yield %scan3A_415 : i32
      }
      %scan3A_374 = arith.constant 14 : i32
      %scan3A_375 = arith.constant 0 : i32
      %scan3A_376 = arith.constant 70 : i32
      %scan3A_377 = arith.constant 14 : i32
      %scan3A_378 = arith.addi %scan3A_376, %scan3A_377 : i32
      %scan3A_379 = arith.constant 1 : i32
      %scan3A_380 = scf.for %scan3A_405 = %scan3A_376 to %scan3A_378 step %scan3A_379 iter_args(%scan3A_406 = %scan3A_375) -> (i32)  : i32 {
        %mul3A_407 = arith.constant 1024 : i32
        %mul3A_408 = arith.muli %scan3A_405, %mul3A_407 : i32
        %add3A_409 = arith.addi %mul3A_248, %mul3A_408 : i32
        %dma_start3A_410 = tpu.memref_slice %arg5[%add3A_409] : memref<1605632xf32, #tpu.memory_space<vmem_shared>> -> memref<1024xf32, #tpu.memory_space<vmem_shared>>
        %dma_start3A_411 = tpu.memref_slice %arg5[%add3A_409] : memref<1605632xf32, #tpu.memory_space<vmem_shared>> -> memref<1024xf32, #tpu.memory_space<vmem_shared>>
        tpu.enqueue_dma source(%arg12 : memref<1024xf32, #tpu.memory_space<vmem>>) target(%dma_start3A_411 : memref<1024xf32, #tpu.memory_space<vmem_shared>>) target_semaphore(%arg16 : memref<!tpu.dma_semaphore, #tpu.memory_space<semaphore_mem>>)
        %scan3A_412 = arith.constant 0 : i32
        scf.yield %scan3A_412 : i32
      }
      %scan3A_381 = arith.constant 14 : i32
      %scan3A_382 = arith.constant 0 : i32
      %scan3A_383 = arith.constant 84 : i32
      %scan3A_384 = arith.constant 14 : i32
      %scan3A_385 = arith.addi %scan3A_383, %scan3A_384 : i32
      %scan3A_386 = arith.constant 1 : i32
      %scan3A_387 = scf.for %scan3A_405 = %scan3A_383 to %scan3A_385 step %scan3A_386 iter_args(%scan3A_406 = %scan3A_382) -> (i32)  : i32 {
        %mul3A_407 = arith.constant 1024 : i32
        %mul3A_408 = arith.muli %scan3A_405, %mul3A_407 : i32
        %add3A_409 = arith.addi %mul3A_248, %mul3A_408 : i32
        %mul3A_410 = arith.constant 1024 : i32
        %mul3A_411 = arith.muli %scan3A_405, %mul3A_410 : i32
        %add3A_412 = arith.addi %add3A_246, %mul3A_411 : i32
        %dma_wait3A_413 = tpu.memref_slice %arg4[%add3A_412] : memref<38535168xf32, #tpu.memory_space<hbm>> -> memref<1024xf32, #tpu.memory_space<hbm>>
        %dma_wait3A_414 = tpu.memref_slice %arg5[%add3A_409] : memref<1605632xf32, #tpu.memory_space<vmem_shared>> -> memref<1024xf32, #tpu.memory_space<vmem_shared>>
        tpu.wait_dma2 semaphore(%arg15 : memref<!tpu.dma_semaphore, #tpu.memory_space<semaphore_mem>>) src(%dma_wait3A_414 : memref<1024xf32, #tpu.memory_space<vmem_shared>>) dst(%dma_wait3A_413 : memref<1024xf32, #tpu.memory_space<hbm>>)
        %scan3A_415 = arith.constant 0 : i32
        scf.yield %scan3A_415 : i32
      }
      %scan3A_388 = arith.constant 14 : i32
      %scan3A_389 = arith.constant 0 : i32
      %scan3A_390 = arith.constant 84 : i32
      %scan3A_391 = arith.constant 14 : i32
      %scan3A_392 = arith.addi %scan3A_390, %scan3A_391 : i32
      %scan3A_393 = arith.constant 1 : i32
      %scan3A_394 = scf.for %scan3A_405 = %scan3A_390 to %scan3A_392 step %scan3A_393 iter_args(%scan3A_406 = %scan3A_389) -> (i32)  : i32 {
        %mul3A_407 = arith.constant 1024 : i32
        %mul3A_408 = arith.muli %scan3A_405, %mul3A_407 : i32
        %add3A_409 = arith.addi %mul3A_248, %mul3A_408 : i32
        %dma_start3A_410 = tpu.memref_slice %arg5[%add3A_409] : memref<1605632xf32, #tpu.memory_space<vmem_shared>> -> memref<1024xf32, #tpu.memory_space<vmem_shared>>
        %dma_start3A_411 = tpu.memref_slice %arg5[%add3A_409] : memref<1605632xf32, #tpu.memory_space<vmem_shared>> -> memref<1024xf32, #tpu.memory_space<vmem_shared>>
        tpu.enqueue_dma source(%arg12 : memref<1024xf32, #tpu.memory_space<vmem>>) target(%dma_start3A_411 : memref<1024xf32, #tpu.memory_space<vmem_shared>>) target_semaphore(%arg16 : memref<!tpu.dma_semaphore, #tpu.memory_space<semaphore_mem>>)
        %scan3A_412 = arith.constant 0 : i32
        scf.yield %scan3A_412 : i32
      }
      %scan3A_395 = arith.constant 14 : i32
      %scan3A_396 = arith.constant 0 : i32
      %scan3A_397 = arith.constant 0 : i32
      %scan3A_398 = arith.constant 98 : i32
      %scan3A_399 = arith.addi %scan3A_397, %scan3A_398 : i32
      %scan3A_400 = arith.constant 1 : i32
      %scan3A_401 = scf.for %scan3A_405 = %scan3A_397 to %scan3A_399 step %scan3A_400 iter_args(%scan3A_406 = %scan3A_396) -> (i32)  : i32 {
        %mul3A_407 = arith.constant 1024 : i32
        %mul3A_408 = arith.muli %scan3A_405, %mul3A_407 : i32
        %add3A_409 = arith.addi %mul3A_248, %mul3A_408 : i32
        %dma_wait3A_410 = tpu.memref_slice %arg5[%add3A_409] : memref<1605632xf32, #tpu.memory_space<vmem_shared>> -> memref<1024xf32, #tpu.memory_space<vmem_shared>>
        %dma_wait3A_411 = tpu.memref_slice %arg5[%add3A_409] : memref<1605632xf32, #tpu.memory_space<vmem_shared>> -> memref<1024xf32, #tpu.memory_space<vmem_shared>>
        tpu.wait_dma2 semaphore(%arg16 : memref<!tpu.dma_semaphore, #tpu.memory_space<semaphore_mem>>) src(%arg12 : memref<1024xf32, #tpu.memory_space<vmem>>) dst(%dma_wait3A_411 : memref<1024xf32, #tpu.memory_space<vmem_shared>>)
        %scan3A_412 = arith.constant 0 : i32
        scf.yield %scan3A_412 : i32
      }
      %scan3A_402 = arith.constant 98 : i32
      %barrier3A_403 = arith.constant 0 : index
      tpu.barrier barrier_id(%barrier3A_403)
      %scan3A_404 = arith.constant 0 : i32
      scf.yield %scan3A_404 : i32
    }
    %scan3A_49 = arith.constant 12 : i32
    %mul3A_50 = arith.constant 4 : i32
    %mul3A_51 = arith.muli %arg0, %mul3A_50 : i32
    %add3A_52 = arith.constant 3 : i32
    %add3A_53 = arith.addi %mul3A_51, %add3A_52 : i32
    %mul3A_54 = arith.constant 7 : i32
    %mul3A_55 = arith.muli %arg1, %mul3A_54 : i32
    %shift_right_logical3A_56 = arith.constant 0 : i32
    %shift_right_logical3A_57 = arith.constant 2 : i32
    %shift_right_logical3A_58 = arith.shrui %shift_right_logical3A_56, %shift_right_logical3A_57 : i32
    %add3A_59 = arith.addi %mul3A_55, %shift_right_logical3A_58 : i32
    %dma_wait3A = arith.constant 0 : i32
    %dma_wait3A_60 = arith.constant 0 : i32
    %dma_wait3A_61 = tpu.memref_slice %arg3[%add3A_53, %add3A_59, %dma_wait3A, %dma_wait3A_60] : memref<8x112x96x112xi32, #tpu.memory_space<hbm>> -> memref<1x1x24x112xi32, #tpu.memory_space<hbm>>
    %dma_wait3A_62 = tpu.memref_squeeze %dma_wait3A_61 : memref<1x1x24x112xi32, #tpu.memory_space<hbm>> -> memref<24x112xi32, #tpu.memory_space<hbm>>
    %dma_wait3A_63 = arith.constant 0 : i32
    %dma_wait3A_64 = arith.constant 0 : i32
    %dma_wait3A_65 = tpu.memref_slice %arg3[%add3A_53, %add3A_59, %dma_wait3A_63, %dma_wait3A_64] : memref<8x112x96x112xi32, #tpu.memory_space<hbm>> -> memref<1x1x24x112xi32, #tpu.memory_space<hbm>>
    %dma_wait3A_66 = tpu.memref_squeeze %dma_wait3A_65 : memref<1x1x24x112xi32, #tpu.memory_space<hbm>> -> memref<24x112xi32, #tpu.memory_space<hbm>>
    tpu.wait_dma2 semaphore(%arg13 : memref<!tpu.dma_semaphore, #tpu.memory_space<semaphore_mem>>) src(%dma_wait3A_66 : memref<24x112xi32, #tpu.memory_space<hbm>>) dst(%arg6 : memref<24x112xi32, #tpu.memory_space<vmem>>)
    %dma_wait3A_67 = arith.constant 0 : i32
    %dma_wait3A_68 = arith.constant 0 : i32
    %dma_wait3A_69 = tpu.memref_slice %arg2[%add3A_53, %add3A_59, %dma_wait3A_67, %dma_wait3A_68] : memref<8x112x96x112xf32, #tpu.memory_space<hbm>> -> memref<1x1x24x112xf32, #tpu.memory_space<hbm>>
    %dma_wait3A_70 = tpu.memref_squeeze %dma_wait3A_69 : memref<1x1x24x112xf32, #tpu.memory_space<hbm>> -> memref<24x112xf32, #tpu.memory_space<hbm>>
    %dma_wait3A_71 = arith.constant 0 : i32
    %dma_wait3A_72 = arith.constant 0 : i32
    %dma_wait3A_73 = tpu.memref_slice %arg2[%add3A_53, %add3A_59, %dma_wait3A_71, %dma_wait3A_72] : memref<8x112x96x112xf32, #tpu.memory_space<hbm>> -> memref<1x1x24x112xf32, #tpu.memory_space<hbm>>
    %dma_wait3A_74 = tpu.memref_squeeze %dma_wait3A_73 : memref<1x1x24x112xf32, #tpu.memory_space<hbm>> -> memref<24x112xf32, #tpu.memory_space<hbm>>
    tpu.wait_dma2 semaphore(%arg13 : memref<!tpu.dma_semaphore, #tpu.memory_space<semaphore_mem>>) src(%dma_wait3A_74 : memref<24x112xf32, #tpu.memory_space<hbm>>) dst(%arg7 : memref<24x112xf32, #tpu.memory_space<vmem>>)
    return
  }
}

</mosaic_0001>

<sc_bundles>
// kernel: _unpool.3.cloned.1.call-start
scs
__scs_entry_jumppad:
0x0: {  	(pc) =	sbr.rel $0x88, $3  }
0x1: {  	(tag) =	ssettag $0x0;
	lr =	simm.s32 $0x1  }
0x2: {  	[smem:$0x3F9F] =	sst lr;
	_ =	strace $0xD0000000  }
0x3: {  	_ = 	snop  }
0x4: {  	_ = 	snop  }
0x5: {  	_ = 	snop  }
0x6: {  	_ = 	snop  }
0x7: {  	_ = 	snop  }
__scs_overlays_trampoline_lowered:
0x8: {  	[smem:$0x3FAE] =	sst s0  }
0x9: {  	[smem:$0x3FAF] =	sst s1  }
0xa: {  	[smem:$0x3FB0] =	sst s2  }
0xb: {  	[smem:$0x3FB1] =	sst s3  }
0xc: {  	[smem:$0x3FB2] =	sst s4  }
0xd: {  	[smem:$0x3FB3] =	sst s5  }
0xe: {  	[smem:$0x3FB4] =	sst s6  }
0xf: {  	[smem:$0x3FB5] =	sst s7  }
0x10: {  	[smem:$0x3FB6] =	sst s8  }
0x11: {  	[smem:$0x3FB7] =	sst s9;
	s0 =	simm.s32 @!p0 $0x0  }
0x12: {  	s1 =	sld [smem:$0x3F9D];
	s0 =	simm.s32 @p0 $0x1  }
0x13: {  	[smem:$0x3FB8] =	sst s0;
	s0 =	simm.s32 @!p1 $0x0  }
0x14: {  	s2 =	sld [smem:$0x3F9C];
	s0 =	simm.s32 @p1 $0x1  }
0x15: {  	[smem:$0x3FB9] =	sst s0;
	s0 =	simm.s32 @!p2 $0x0  }
0x16: {  	s3 =	sld [smem:$0x3FDB];
	s0 =	simm.s32 @p2 $0x1  }
0x17: {  	s4 =	simm.s32 $0x1BF5;
	[smem:$0x3FBB] =	sst s0  }
0x18: {  	s0 =	sld [smem:$0x3F9E];
	_ =	swait.ge [sflag:s4], $0x0  }
0x19: {  	s7 =	sld [smem:$0x3F9F]  }
0x1a: {  	s8 =	sadd.s32 $0xFFFFE003, lr  }
0x1b: {  	s9 =	sadd.s32 $0xFFFFFEF7, lr;
	s5 =	simm.s32 $0xFFFFFFFF;
	p2 =	slt.u32 s8, $0xFFFFF086  }
0x1c: {  	p1 =	slt.u32 s9, $0xF7A;
	s5 =	simm.s32 @!p2 $0x0  }
0x1d: {  	s5 =	simm.s32 @p1 $0x1;
	p0 =	seq.s32 s7, s2  }
0x1e: {  	s7 =	smul.u32 @!p0 $0xF7A, s2;
	p2 =	seq.s32 @!p0 s5, $0x0  }
0x1f: {  	s9 =	smul.u32 $0xF7A, s1;
	s8 =	simm.s32 @!p0 $0x1BF5;
	p2 =	por !p2, p0  }
0x20: {  	[sflag:s8] =	ssyncset.s32 @!p0 $0xFFFFF086;
	s6 =	sadd.s32 @!p0 s3, s7;
	s7 =	simm.s32 @!p0 $0x108  }
0x21: {  	s3 =	sadd.s32 s3, s9;
	s6 =	sadd.s32 @!p0 $0x88, s6;
	s7 =	simm.s32 @p2 $0x1082  }
0x22: {  	[simem:s7], [sflag:s8] =	dma.local @!p0 [hbm:s6], $0xF7A  }
0x23: {  	s9 =	sor.u32 $0xD0000000, s2;
	s6 =	simm.s32 $0x108;
	_ =	swait.ge @!p0 [sflag:s8], $0x0  }
0x24: {  	s3 =	sadd.s32 $0x88, s3;
	s6 =	simm.s32 @!p1 $0x1082;
	[sflag:s4] =	ssyncset.s32 $0xFFFFF086  }
0x25: {  	[simem:s6], [sflag:s4] =	dma.local [hbm:s3], $0xF7A  }
0x26: {  	[smem:$0x3F9F] =	sst s1;
	(tag) =	ssettag s2;
	_ =	strace s9  }
0x27: {  	s1 =	sld [smem:$0x3FAF]  }
0x28: {  	s2 =	sld [smem:$0x3FB0]  }
0x29: {  	s4 =	sld [smem:$0x3FB2]  }
0x2a: {  	p0 =	seq.s32 s5, $0x0;
	s5 =	sld [smem:$0x3FB3]  }
0x2b: {  	s6 =	sld [smem:$0x3FB4]  }
0x2c: {  	s7 =	sld [smem:$0x3FB5]  }
0x2d: {  	s3 =	simm.s32 $0x108;
	s8 =	sld [smem:$0x3FB6]  }
0x2e: {  	s3 =	simm.s32 @!p0 $0x1082;
	s9 =	sld [smem:$0x3FB7]  }
0x2f: {  	lr =	sadd.s32 s0, s3;
	s0 =	sld [smem:$0x3FAE]  }
0x30: {  	s3 =	sld [smem:$0x3FB1]  }
0x31: {  	[smem:$0x3FBA] =	sst s10  }
0x32: {  	s10 =	sld [smem:$0x3FB8];
	_ =	sdelay $0x3  }
0x33: {  	p0 =	seq.s32 s10, $0x1;
	s10 =	sld [smem:$0x3FBA];
	_ =	sdelay $0x3  }
0x34: {  	[smem:$0x3FBA] =	sst s10  }
0x35: {  	s10 =	sld [smem:$0x3FB9];
	_ =	sdelay $0x3  }
0x36: {  	p1 =	seq.s32 s10, $0x1;
	s10 =	sld [smem:$0x3FBA];
	_ =	sdelay $0x3  }
0x37: {  	[smem:$0x3FBA] =	sst s10  }
0x38: {  	s10 =	sld [smem:$0x3FBB]  }
0x39: {  	_ = 	snop;
	(pc) =	sbr.ind lr, $3  }
0x3a: {  	_ = 	snop  }
0x3b: {  	_ = 	snop  }
0x3c: {  	p2 =	seq.s32 s10, $0x1;
	s10 =	sld [smem:$0x3FBA]  }
0x3d: {  	_ =	shalt  }
0x3e: {  	_ =	shalt  }
0x3f: {  	_ =	shalt  }
0x40: {  	_ =	shalt  }
0x41: {  	_ =	shalt  }
0x42: {  	_ =	shalt  }
0x43: {  	_ =	shalt  }
0x44: {  	_ =	shalt  }
0x45: {  	_ =	shalt  }
0x46: {  	_ =	shalt  }
0x47: {  	_ =	shalt  }
0x48: {  	_ =	shalt  }
0x49: {  	_ =	shalt  }
0x4a: {  	_ =	shalt  }
0x4b: {  	_ =	shalt  }
0x4c: {  	_ =	shalt  }
0x4d: {  	_ =	shalt  }
0x4e: {  	_ =	shalt  }
0x4f: {  	_ =	shalt  }
0x50: {  	_ =	shalt  }
0x51: {  	_ =	shalt  }
0x52: {  	_ =	shalt  }
0x53: {  	_ =	shalt  }
0x54: {  	_ =	shalt  }
0x55: {  	_ =	shalt  }
0x56: {  	_ =	shalt  }
0x57: {  	_ =	shalt  }
0x58: {  	_ =	shalt  }
0x59: {  	_ =	shalt  }
0x5a: {  	_ =	shalt  }
0x5b: {  	_ =	shalt  }
0x5c: {  	_ =	shalt  }
0x5d: {  	_ =	shalt  }
0x5e: {  	_ =	shalt  }
0x5f: {  	_ =	shalt  }
0x60: {  	_ =	shalt  }
0x61: {  	_ =	shalt  }
0x62: {  	_ =	shalt  }
0x63: {  	_ =	shalt  }
0x64: {  	_ =	shalt  }
0x65: {  	_ =	shalt  }
0x66: {  	_ =	shalt  }
0x67: {  	_ =	shalt  }
0x68: {  	_ =	shalt  }
0x69: {  	_ =	shalt  }
0x6a: {  	_ =	shalt  }
0x6b: {  	_ =	shalt  }
0x6c: {  	_ =	shalt  }
0x6d: {  	_ =	shalt  }
0x6e: {  	_ =	shalt  }
0x6f: {  	_ =	shalt  }
0x70: {  	_ =	shalt  }
0x71: {  	_ =	shalt  }
0x72: {  	_ =	shalt  }
0x73: {  	_ =	shalt  }
0x74: {  	_ =	shalt  }
0x75: {  	_ =	shalt  }
0x76: {  	_ =	shalt  }
0x77: {  	_ =	shalt  }
0x78: {  	_ =	shalt  }
0x79: {  	_ =	shalt  }
0x7a: {  	_ =	shalt  }
0x7b: {  	_ =	shalt  }
0x7c: {  	_ =	shalt  }
0x7d: {  	_ =	shalt  }
0x7e: {  	_ =	shalt  }
0x7f: {  	_ =	shalt  }
0x80: {  	_ =	shalt  }
0x81: {  	_ =	shalt  }
0x82: {  	_ =	shalt  }
0x83: {  	_ =	shalt  }
0x84: {  	_ =	shalt  }
0x85: {  	_ =	shalt  }
0x86: {  	_ =	shalt  }
0x87: {  	_ =	shalt  }
.Lfunc_end0:
.L_simem_size_0:
called_computation_lowered:
.L_overlay_start_0:
0x88: {  	s2 =	sld [smem:$0x3FD9]  }
0x89: {  	s3 =	sld [smem:$0x3FFE];
	_ =	sdelay $0x1  }
0x8a: {  	s1 =	srdreg.scid  }
0x8b: {  	s0 =	sand.u32 $0x1, s1  }
0x8c: {  	s18 =	sshll.u32 s0, $0xA;
	s2 =	sadd.s32 s3, s2  }
0x8d: {  	s2 =	sadd.s32 s2, s18  }
0x8e: {  	[smem:$0x3FC6] =	sst s2  }
0x8f: {  	_ = 	snop  }
0x90: {  	s2 =	sld [smem:$0x3FC9]  }
0x91: {  	s19 =	sld [smem:$0x3FC8]  }
0x92: {  	s4 =	sld [smem:$0x3FD0];
	(tm) =	ssettm $0x1  }
0x93: {  	s5 =	sld [smem:$0x3FFB];
	_ =	sdelay $0x3  }
0x94: {  	_ =	strace s5  }
0x95: {  	s5 =	sld [smem:$0x3FFC];
	_ =	sdelay $0x3  }
0x96: {  	_ =	strace s5  }
0x97: {  	s5 =	sld [smem:$0x3FFD];
	_ =	sdelay $0x3  }
0x98: {  	_ =	strace s5  }
0x99: {  	_ =	strace $0x8FFFFFFF  }
0x9a: {  	s20 =	sld [smem:$0x3FDB];
	_ =	sdelay $0x1  }
0x9b: {  	s6 =	simm.s32 $_scs_section_size  }
0x9c: {  	s7 =	simm.s32 $_size__tile_overlayer_lowered;
	s8 =	simm.s32 $_tile_overlayer_lowered  }
0x9d: {  	s23 =	simm.s32 $0x1BFF;
	s22 =	sshll.u32 s8, $0x1;
	s5 =	sadd.s32 s6, s20  }
0x9e: {  	s9 =	simm.s32 $0x0;
	s21 =	sshll.u32 s7, $0x1;
	s7 =	sadd.s32 s22, s5  }
0x9f: {  	[timem:s9], [sflag:s23] =	dma.local [hbm:s7], s21  }
0xa0: {  	_ =	swait.ge [sflag:s23], s21  }
0xa1: {  	s6 =	ssub.s32 $0x0, s21;
	[sflag:s23] =	ssyncset.done $0x0  }
0xa2: {  	[sflag:s23] =	ssyncadd.s32 s6;
	_ =	sdelay $0x1  }
0xa3: {  	s24 =	simm.s32 $0x1B8B  }
0xa4: {  	_ =	swait.ge [sflag:s24], $0x1  }
0xa5: {  	[sflag:s24] =	ssyncset.done $0x0  }
0xa6: {  	s25 =	simm.s32 $0x1B8E;
	[sflag:s24] =	ssyncadd.s32 $0xFFFFFFFF  }
0xa7: {  	s26 =	simm.s32 $execute0_lowered;
	[smem:$0x3FD2] =	sst s25  }
0xa8: {  	s6 =	sshll.u32 s26, $0x1;
	_ =	strace $0x80000046;
	[dreg:$0x1] =	wrdreg $0xFFFFFFFF  }
0xa9: {  	s28 =	simm.s32 $_size_execute0_lowered;
	s5 =	sadd.s32 s5, s6;
	[dreg:$0x0] =	wrdreg $0x0  }
0xaa: {  	s6 =	sshll.u32 s28, $0x1;
	[dreg:$0x2] =	wrdreg s5  }
0xab: {  	[dreg:$0x3] =	wrdreg s6  }
0xac: {  	[dreg:$0x4] =	wrdreg $0xC0  }
0xad: {  	_ =	task [dreg:s9], $0x5FFFF  }
0xae: {  	[dreg:$0x1] =	wrdreg $0xFFFFFFFF  }
0xaf: {  	[dreg:$0x0] =	wrdreg $0x60  }
0xb0: {  	[dreg:$0x2] =	wrdreg s2  }
0xb1: {  	[dreg:$0x3] =	wrdreg s19  }
0xb2: {  	[dreg:$0x4] =	wrdreg s4  }
0xb3: {  	[dreg:$0x5] =	wrdreg $0x0  }
0xb4: {  	[dreg:$0x6] =	wrdreg $0x9  }
0xb5: {  	_ =	task.clear_ibuf [dreg:s9], $0x7FFFF;
	_ =	strace $0x90000046  }
0xb6: {  	s29 =	simm.s32 $0x9;
	_ =	strace $0x80000048  }
0xb7: {  	_ =	swait.ge [sflag:s29], $0x1  }
0xb8: {  	[sflag:s29] =	ssyncadd.s32 $0xFFFFFFFF  }
0xb9: {  	_ =	strace $0x90000048  }
0xba: {  	_ =	sfence  }
0xbb: {  	s30 =	sld [smem:$0x0];
	_ =	sdelay $0x2  }
0xbc: {  	s31 =	sshll.u32 s1, $0xD;
	s1 =	sshrl.u32 s1, $0x2  }
0xbd: {  	s3 =	sand.u32 $0x4000, s31;
	s1 =	sadd.s32 s1, s30  }
0xbe: {  	s0 =	sor.u32 s3, s0;
	s1 =	sshll.u32 s1, $0x11  }
0xbf: {  	s0 =	sor.u32 s1, s0  }
0xc0: {  	s0 =	sadd.s32 $0x8F2B, s0  }
0xc1: {  	[sflag:s0] =	ssyncadd.remote.s32 $0x1  }
0xc2: {  	_ =	sfence.sel $0xFFFF  }
0xc3: {  	[dreg:$0x0] =	wrdreg $0xFFFFFFFF;
	(pc) =	sbr.abs _section_cstart, $3  }
0xc4: {  	[dreg:$0x1] =	wrdreg $0xFFFFFFFF  }
0xc5: {  	_ =	task.clear_ibuf [dreg:s9], $0x2FFFF;
	_ =	strace $0x9FFFFFFF  }
0xc6: {  	(tm) =	ssettm $0x7FFFFFFF  }
0xc7: {  	_ =	shalt  }
tec
execute0_lowered:
.L_overlay_start_1:
0x0: {  	(tag) =	ssettag $0x1  }
0x1: {  	s9 =	rddreg [dreg:$0x0]  }
0x2: {  	s3 =	rddreg [dreg:$0x1]  }
0x3: {  	s22 =	rddreg [dreg:$0x2];
	s1 =	stileid.u32  }
0x4: {  	s5 =	rddreg [dreg:$0x3];
	s2 =	smul.u32 $0x62000, s1  }
0x5: {  	s0 =	srdreg.scid;
	s6 =	simm.s32 $0x0;
	s8 =	smul.u32 $0x15000, s1  }
0x6: {  	s0 =	sand.u32 $0x1, s0;
	[smem:$0x7FF] =	sst s6;
	s17 =	smul.u32 $0x18800, s1  }
0x7: {  	s4 =	ssub.s32 $0x2, s0;
	_ =	strace $0x80000047;
	[dreg:$0x5] =	wrdreg s8  }
0x8: {  	s7 =	smul.u32 $0x540000, s0;
	s21 =	sshll.u32 s0, $0x2;
	[dreg:$0x7] =	wrdreg s17  }
0x9: {  	s15 =	sshrl.u32 s4, $0x1;
	s2 =	sshrl.u32 s2, $0x2;
	[dreg:$0x8] =	wrdreg s21  }
0xa: {  	s4 =	ssub.s32 s4, s15;
	s20 =	sadd.s32 s2, s5;
	s16 =	sadd.s32 s8, s7  }
0xb: {  	s18 =	sshrl.u32 s16, $0x3;
	s19 =	smax.u32 s4, $0x1;
	[dreg:$0x6] =	wrdreg s20  }
0xc: {  	s2 =	sadd.s32 s3, s18;
	[dreg:$0xc] =	wrdreg s19  }
0xd: {  	s0 =	sadd.s32 s9, s18;
	[dreg:$0x9] =	wrdreg s2  }
0xe: {  	[dreg:$0xa] =	wrdreg s0;
	s0 =	sadd.s32 s17, s5  }
0xf: {  	s23 =	sadd.s32 $0x400, s0;
	[dreg:$0xb] =	wrdreg s0  }
0x10: {  	s24 =	sadd.s32 $0x800, s0;
	[dreg:$0xd] =	wrdreg s23  }
0x11: {  	s25 =	sadd.s32 $0xC00, s0;
	[dreg:$0xe] =	wrdreg s24  }
0x12: {  	s26 =	sadd.s32 $0x1000, s0;
	[dreg:$0xf] =	wrdreg s25  }
0x13: {  	s28 =	sadd.s32 $0x1400, s0;
	[dreg:$0x10] =	wrdreg s26  }
0x14: {  	s29 =	sadd.s32 $0x1800, s0;
	[dreg:$0x11] =	wrdreg s28  }
0x15: {  	s30 =	sadd.s32 $0x1C00, s0;
	[dreg:$0x12] =	wrdreg s29  }
0x16: {  	s31 =	sadd.s32 $0x2000, s0;
	[dreg:$0x13] =	wrdreg s30  }
0x17: {  	s11 =	smul.u32 $0x7, s1;
	s1 =	sadd.s32 $0x2400, s0;
	[dreg:$0x14] =	wrdreg s31  }
0x18: {  	s4 =	sadd.s32 $0x2800, s0;
	[dreg:$0x15] =	wrdreg s1  }
0x19: {  	s6 =	sadd.s32 $0x2C00, s0;
	[dreg:$0x16] =	wrdreg s4  }
0x1a: {  	s7 =	sadd.s32 $0x3000, s0;
	[dreg:$0x17] =	wrdreg s6  }
0x1b: {  	s8 =	sadd.s32 $0x3400, s0;
	[dreg:$0x18] =	wrdreg s7  }
0x1c: {  	s10 =	sadd.s32 $0x3800, s0;
	[dreg:$0x19] =	wrdreg s8  }
0x1d: {  	s12 =	sadd.s32 $0x3C00, s0;
	[dreg:$0x1a] =	wrdreg s10  }
0x1e: {  	s13 =	sadd.s32 $0x4000, s0;
	[dreg:$0x1b] =	wrdreg s12  }
0x1f: {  	s14 =	sadd.s32 $0x4400, s0;
	[dreg:$0x1c] =	wrdreg s13  }
0x20: {  	s15 =	sadd.s32 $0x4800, s0;
	[dreg:$0x1d] =	wrdreg s14  }
0x21: {  	s16 =	sadd.s32 $0x4C00, s0;
	[dreg:$0x1e] =	wrdreg s15  }
0x22: {  	s17 =	sadd.s32 $0x5000, s0;
	[dreg:$0x1f] =	wrdreg s16  }
0x23: {  	s18 =	sadd.s32 $0x5400, s0;
	[smem:$0x7B0] =	sst s17  }
0x24: {  	s19 =	sadd.s32 $0x5800, s0;
	[smem:$0x7B1] =	sst s18  }
0x25: {  	[smem:$0x7B2] =	sst s19;
	s23 =	sadd.s32 $0x5C00, s0  }
0x26: {  	s24 =	sadd.s32 $0x6000, s0;
	[smem:$0x7B3] =	sst s23  }
0x27: {  	s25 =	sadd.s32 $0x6400, s0;
	[smem:$0x7B4] =	sst s24  }
0x28: {  	s26 =	sadd.s32 $0x6800, s0;
	[smem:$0x7B5] =	sst s25  }
0x29: {  	s28 =	sadd.s32 $0x6C00, s0;
	[smem:$0x7B6] =	sst s26  }
0x2a: {  	s29 =	sadd.s32 $0x7000, s0;
	[smem:$0x7B7] =	sst s28  }
0x2b: {  	s30 =	sadd.s32 $0x7400, s0;
	[smem:$0x7B8] =	sst s29  }
0x2c: {  	s31 =	sadd.s32 $0x7800, s0;
	[smem:$0x7B9] =	sst s30  }
0x2d: {  	s1 =	sadd.s32 $0x7C00, s0;
	[smem:$0x7BA] =	sst s31  }
0x2e: {  	s4 =	sadd.s32 $0x8000, s0;
	[smem:$0x7BB] =	sst s1  }
0x2f: {  	s6 =	sadd.s32 $0x8400, s0;
	[smem:$0x7BC] =	sst s4  }
0x30: {  	s7 =	sadd.s32 $0x8800, s0;
	[smem:$0x7BD] =	sst s6  }
0x31: {  	s8 =	sadd.s32 $0x8C00, s0;
	[smem:$0x7BE] =	sst s7  }
0x32: {  	s10 =	sadd.s32 $0x9000, s0;
	[smem:$0x7BF] =	sst s8  }
0x33: {  	s12 =	sadd.s32 $0x9400, s0;
	[smem:$0x7C0] =	sst s10  }
0x34: {  	s13 =	sadd.s32 $0x9800, s0;
	[smem:$0x7C1] =	sst s12  }
0x35: {  	s14 =	sadd.s32 $0x9C00, s0;
	[smem:$0x7C2] =	sst s13  }
0x36: {  	s15 =	sadd.s32 $0xA000, s0;
	[smem:$0x7C3] =	sst s14  }
0x37: {  	s16 =	sadd.s32 $0xA400, s0;
	[smem:$0x7C4] =	sst s15  }
0x38: {  	s17 =	sadd.s32 $0xA800, s0;
	[smem:$0x7C5] =	sst s16  }
0x39: {  	s18 =	sadd.s32 $0xAC00, s0;
	[smem:$0x7C6] =	sst s17  }
0x3a: {  	s19 =	sadd.s32 $0xB000, s0;
	[smem:$0x7C7] =	sst s18  }
0x3b: {  	[smem:$0x7C8] =	sst s19;
	s23 =	sadd.s32 $0xB400, s0  }
0x3c: {  	s24 =	sadd.s32 $0xB800, s0;
	[smem:$0x7C9] =	sst s23  }
0x3d: {  	s25 =	sadd.s32 $0xBC00, s0;
	[smem:$0x7CA] =	sst s24  }
0x3e: {  	s26 =	sadd.s32 $0xC000, s0;
	[smem:$0x7CB] =	sst s25  }
0x3f: {  	s28 =	sadd.s32 $0xC400, s0;
	[smem:$0x7CC] =	sst s26  }
0x40: {  	s29 =	sadd.s32 $0xC800, s0;
	[smem:$0x7CD] =	sst s28  }
0x41: {  	s30 =	sadd.s32 $0xCC00, s0;
	[smem:$0x7CE] =	sst s29  }
0x42: {  	s31 =	sadd.s32 $0xD000, s0;
	[smem:$0x7CF] =	sst s30  }
0x43: {  	s1 =	sadd.s32 $0xD400, s0;
	[smem:$0x7D0] =	sst s31  }
0x44: {  	s4 =	sadd.s32 $0xD800, s0;
	[smem:$0x7D1] =	sst s1  }
0x45: {  	s6 =	sadd.s32 $0xDC00, s0;
	[smem:$0x7D2] =	sst s4  }
0x46: {  	s7 =	sadd.s32 $0xE000, s0;
	[smem:$0x7D3] =	sst s6  }
0x47: {  	s8 =	sadd.s32 $0xE400, s0;
	[smem:$0x7D4] =	sst s7  }
0x48: {  	s10 =	sadd.s32 $0xE800, s0;
	[smem:$0x7D5] =	sst s8  }
0x49: {  	s12 =	sadd.s32 $0xEC00, s0;
	[smem:$0x7D6] =	sst s10  }
0x4a: {  	s13 =	sadd.s32 $0xF000, s0;
	[smem:$0x7D7] =	sst s12  }
0x4b: {  	s14 =	sadd.s32 $0xF400, s0;
	[smem:$0x7D8] =	sst s13  }
0x4c: {  	s15 =	sadd.s32 $0xF800, s0;
	[smem:$0x7D9] =	sst s14  }
0x4d: {  	s16 =	sadd.s32 $0xFC00, s0;
	[smem:$0x7DA] =	sst s15  }
0x4e: {  	s17 =	sadd.s32 $0x10000, s0;
	[smem:$0x7DB] =	sst s16  }
0x4f: {  	s18 =	sadd.s32 $0x10400, s0;
	[smem:$0x7DC] =	sst s17  }
0x50: {  	s19 =	sadd.s32 $0x10800, s0;
	[smem:$0x7DD] =	sst s18  }
0x51: {  	[smem:$0x7DE] =	sst s19;
	s23 =	sadd.s32 $0x10C00, s0  }
0x52: {  	s24 =	sadd.s32 $0x11000, s0;
	[smem:$0x7DF] =	sst s23  }
0x53: {  	s25 =	sadd.s32 $0x11400, s0;
	[smem:$0x7E0] =	sst s24  }
0x54: {  	s26 =	sadd.s32 $0x11800, s0;
	[smem:$0x7E1] =	sst s25  }
0x55: {  	s28 =	sadd.s32 $0x11C00, s0;
	[smem:$0x7E2] =	sst s26  }
0x56: {  	s29 =	sadd.s32 $0x12000, s0;
	[smem:$0x7E3] =	sst s28  }
0x57: {  	s30 =	sadd.s32 $0x12400, s0;
	[smem:$0x7E4] =	sst s29  }
0x58: {  	s31 =	sadd.s32 $0x12800, s0;
	[smem:$0x7E5] =	sst s30  }
0x59: {  	s1 =	sadd.s32 $0x12C00, s0;
	[smem:$0x7E6] =	sst s31  }
0x5a: {  	s4 =	sadd.s32 $0x13000, s0;
	[smem:$0x7E7] =	sst s1  }
0x5b: {  	s6 =	sadd.s32 $0x13400, s0;
	[smem:$0x7E8] =	sst s4  }
0x5c: {  	s7 =	sadd.s32 $0x13800, s0;
	[smem:$0x7E9] =	sst s6  }
0x5d: {  	s8 =	sadd.s32 $0x13C00, s0;
	[smem:$0x7EA] =	sst s7  }
0x5e: {  	s10 =	sadd.s32 $0x14000, s0;
	[smem:$0x7EB] =	sst s8  }
0x5f: {  	s12 =	sadd.s32 $0x14400, s0;
	[smem:$0x7EC] =	sst s10  }
0x60: {  	s13 =	sadd.s32 $0x14800, s0;
	[smem:$0x7ED] =	sst s12  }
0x61: {  	s14 =	sadd.s32 $0x14C00, s0;
	[smem:$0x7EE] =	sst s13  }
0x62: {  	s15 =	sadd.s32 $0x15000, s0;
	[smem:$0x7EF] =	sst s14  }
0x63: {  	s16 =	sadd.s32 $0x15400, s0;
	[smem:$0x7F0] =	sst s15  }
0x64: {  	s17 =	sadd.s32 $0x15800, s0;
	[smem:$0x7F1] =	sst s16  }
0x65: {  	s18 =	sadd.s32 $0x15C00, s0;
	[smem:$0x7F2] =	sst s17  }
0x66: {  	s19 =	sadd.s32 $0x16000, s0;
	[smem:$0x7F3] =	sst s18  }
0x67: {  	s2 =	simm.s32 $0x4;
	[smem:$0x7F4] =	sst s19  }
0x68: {  	s23 =	sadd.s32 $0x16400, s0;
	s24 =	sadd.s32 $0x16800, s0;
	s25 =	sadd.s32 $0x16C00, s0  }
0x69: {  	s26 =	sadd.s32 $0x17000, s0;
	s28 =	sadd.s32 $0x17400, s0;
	[smem:$0x7F5] =	sst s23  }
0x6a: {  	s29 =	sadd.s32 $0x17800, s0;
	s30 =	sadd.s32 $0x17C00, s0;
	[smem:$0x7F6] =	sst s24  }
0x6b: {  	s31 =	sadd.s32 $0x18000, s0;
	s0 =	sadd.s32 $0x18400, s0;
	[smem:$0x7F7] =	sst s25  }
0x6c: {  	s4 =	simm.s32 $0x1F800;
	s1 =	simm.s32 $0x18800;
	[smem:$0x7F8] =	sst s26  }
0x6d: {  	s6 =	simm.s32 $0x19400;
	s7 =	simm.s32 $0x1A000;
	[smem:$0x7F9] =	sst s28  }
0x6e: {  	s8 =	simm.s32 $0x1AC00;
	s10 =	simm.s32 $0x1;
	[smem:$0x7FA] =	sst s29  }
0x6f: {  	v0 =	vimm.f32 $0.0e+00;
	v1 =	vlaneseq.u32;
	v2 =	vimm.s32 $0x0;
	s16 =	simm.s32 $0x1B800;
	s17 =	simm.s32 $0x1D800;
	[smem:$0x7FB] =	sst s30  }
0x70: {  	v3 =	vmul.u32 $0x8, v1;
	v4 =	vor.u32 $0x10, v1;
	v5 =	vor.u32 $0x20, v1;
	s14 =	simm.s32 $0x80;
	s18 =	simm.s32 $0x3;
	[smem:$0x7FC] =	sst s31  }
0x71: {  	v6 =	vor.u32 $0x30, v1;
	v7 =	vor.u32 $0x40, v1;
	v8 =	vor.u32 $0x50, v1;
	s19 =	simm.s32 $0x2;
	s12 =	simm.s32 $0x0;
	[smem:$0x7FD] =	sst s0  }
.LBB2_1:
0x72: {  	[smem:$0x7AF] =	sst s12;
	s0 =	simm.s32 $0x0  }
.LBB2_2:
0x73: {  	p0 =	sne.s32 s0, $0xFC0  }
.Ltmp0:
0x74: {  	_ = 	snop;
	(pc) =	sbr.rel @p0 .LBB2_2-.Ltmp0, $3  }
0x75: {  	_ =	sdelay $0x1  }
0x76: {  	s12 =	sshra.s32 s0, $0x2  }
0x77: {  	s0 =	sadd.s32 $0x40, s0;
	[tilespmem:s12+$0x1F800] =	vst v0  }
0x78: {  	s0 =	simm.s32 $0x0  }
.LBB2_4:
0x79: {  	p0 =	sne.s32 s0, $0x61000  }
.Ltmp1:
0x7a: {  	_ = 	snop;
	(pc) =	sbr.rel @p0 .LBB2_4-.Ltmp1, $4  }
0x7b: {  	_ = 	snop  }
0x7c: {  	s12 =	sshra.s32 s0, $0x2  }
0x7d: {  	s0 =	sadd.s32 $0x1000, s0;
	s12 =	sadd.s32 s12, s20  }
0x7e: {  	[spmem:s12] =	stream.linear.scatter [tilespmem:s4], [sflag:$0x4], $0x400, $0x38;
	[tilespmem:$0x1FC00] =	vst v63  }
0x7f: {  	_ =	swait.ge [sflag:s2], $0x400  }
0x80: {  	s0 =	simm.s32 $0x61;
	[sflag:s2] =	ssyncset.done $0x0  }
.LBB2_6:
0x81: {  	p0 =	sne.s32 s0, $0x1;
	s0 =	sadd.s32 $0xFFFFFFFF, s0;
	[sflag:s2] =	ssyncadd.s32 $0xFFFFFC00  }
.Ltmp2:
0x82: {  	(pc) =	sbr.rel @p0 .LBB2_6-.Ltmp2, $3  }
0x83: {  	_ =	sdelay $0x1  }
0x84: {  	_ =	swait.ge [sflag:s2], $0x400  }
0x85: {  	[sflag:s2] =	ssyncset.done $0x0  }
0x86: {  	[sflag:s2] =	ssyncadd.s32 $0xFFFFFC00  }
0x87: {  	[bflag:$0x0] =	sbarrier.arrive $0xFFFF  }
0x88: {  	s13 =	simm.s32 $0x0;
	s0 =	rddreg [dreg:$0x9]  }
0x89: {  	[tilespmem:s1], [sflag:$0x1] =	stream.linear.gather [hbm4b:s0+s13], $0xC00, $0x38;
	[tilespmem:$0x1FC00] =	vst v63  }
0x8a: {  	s31 =	rddreg [dreg:$0xa]  }
0x8b: {  	[tilespmem:s6], [sflag:$0x1] =	stream.linear.gather [hbm4b:s31+s13], $0xC00, $0x38;
	[tilespmem:$0x1FC00] =	vst v63  }
.LBB2_8:
0x8c: {  	s0 =	smul.u32 $0xAB, s13;
	_ =	sdelay $0x1  }
0x8d: {  	s0 =	sshrl.u32 s0, $0x9  }
0x8e: {  	s0 =	sand.u32 $0x7F, s0  }
0x8f: {  	s12 =	smul.u32 $0x3, s0;
	_ =	sdelay $0x1  }
.Ltmp3:
0x90: {  	s20 =	sadd.s32 s0, s21;
	s12 =	ssub.s32 s13, s12;
	(pc) =	sbr.rel .LBB2_9-.Ltmp3, $4  }
0x91: {  	s23 =	smul.u32 $0x150000, s20;
	s31 =	sand.u32 $0xFF, s12  }
0x92: {  	s15 =	smul.u32 $0x188000, s31  }
0x93: {  	s28 =	simm.s32 $0x0  }
0x94: {  	v10 =	vimm.s32 $0x0;
	s29 =	simm.s32 $0x0;
	s26 =	simm.s32 $0x0;
	s24 =	sor.u32 $0xC00, s23;
	v9 =	vmov s15  }
.LBB2_30:
0x95: {  	[sflag:s18] =	ssyncadd.s32 $0xFFFFFF80  }
.LBB2_31:
0x96: {  	s26 =	sadd.s32 $0x1, s26  }
0x97: {  	p1 =	sne.s32 s26, $0xE  }
.Ltmp4:
0x98: {  	_ = 	snop;
	(pc) =	sbr.rel @!p1 .LBB2_32-.Ltmp4, $1  }
0x99: {  	_ =	sdelay $0x3  }
.LBB2_9:
0x9a: {  	s0 =	sshrl.u32 s26, $0x1  }
0x9b: {  	s31 =	sshll.u32 s26, $0x1;
	s0 =	sadd.s32 s11, s0  }
0x9c: {  	s12 =	sand.u32 $0x2, s31;
	s0 =	smul.u32 $0x3000, s0  }
0x9d: {  	s12 =	smul.u32 $0xC00, s12  }
0x9e: {  	s0 =	sadd.s32 s0, s24  }
0x9f: {  	s0 =	sadd.s32 s12, s0  }
0xa0: {  	s12 =	sshrl.u32 s0, $0x3  }
0xa1: {  	s0 =	simm.s32 $0x0;
	s25 =	sadd.s32 s3, s12  }
0xa2: {  	[tilespmem:s7], [sflag:$0x2] =	stream.linear.gather [hbm4b:s25+s0], $0xC00, $0x38;
	[tilespmem:$0x1FC00] =	vst v63  }
0xa3: {  	s12 =	sadd.s32 s9, s12  }
0xa4: {  	[tilespmem:s8], [sflag:$0x2] =	stream.linear.gather [hbm4b:s12+s0], $0xC00, $0x38;
	[tilespmem:$0x1FC00] =	vst v63  }
0xa5: {  	_ =	swait.ge [sflag:s10], $0xC00  }
0xa6: {  	[sflag:s10] =	ssyncset.done $0x0  }
0xa7: {  	[sflag:s10] =	ssyncadd.s32 $0xFFFFF400  }
0xa8: {  	v11 =	vxor.u32 $0x80000000, v10;
	_ =	swait.ge [sflag:s10], $0xC00  }
0xa9: {  	(xrf0) =	vmax.scan.msk.u32 $0xffff, v11;
	_ =	sdelay $0x5  }
0xaa: {  	v11, _, _ =	vpop (xrf0)  }
0xab: {  	(v2sf) =	vpush v11, $0xF;
	_ =	sdelay $0xe  }
0xac: {  	s25 =	spop (v2sf)  }
0xad: {  	s12 =	sshll.u32 s28, $0x3;
	s30 =	sxor.u32 $0x80000000, s25  }
0xae: {  	s25 =	ssub.s32 s30, s12  }
0xaf: {  	p0 =	slt.s32 s25, $0x159  }
.Ltmp5:
0xb0: {  	_ = 	snop;
	(pc) =	sbr.rel @!p0 .LBB2_10-.Ltmp5, $3  }
0xb1: {  	_ =	sdelay $0x1  }
0xb2: {  	[sflag:s10] =	ssyncset.done $0x0  }
0xb3: {  	[sflag:s10] =	ssyncadd.s32 $0xFFFFF400  }
.LBB2_47:
0xb4: {  	s12 =	sshra.s32 s0, $0x2  }
0xb5: {  	v11 =	vld [tilespmem:s12+$0x18800];
	_ =	sdelay $0x4  }
0xb6: {  	v12 =	vshll.u32 v10, $0x4;
	v11 =	vsub.s32 v11, v9  }
0xb7: {  	v12 =	vand.u32 $0x1FF0, v12;
	vm0 =	vlt.u32 v11, $0x188000  }
0xb8: {  	v12 =	vor.u32 v1, v12  }
0xb9: {  	v13 =	vld [tilespmem:s12+$0x19400];
	_ =	sdelay $0x3  }
0xba: {  	[tilespmem:v12+s16+$0x0] =	vst.idx.msk vm0, v11  }
0xbb: {  	[tilespmem:v12+s17+$0x0] =	vst.idx.msk vm0, v13  }
0xbc: {  	v11 =	vld [tilespmem:s12+$0x18810];
	_ =	sdelay $0x2  }
0xbd: {  	v58 =	vsel vm0, $0x1, v2  }
0xbe: {  	v10 =	vadd.s32 v58, v10  }
0xbf: {  	v12 =	vshll.u32 v10, $0x4;
	v11 =	vsub.s32 v11, v9  }
0xc0: {  	v12 =	vand.u32 $0x1FF0, v12;
	vm10 =	vlt.u32 v11, $0x188000  }
0xc1: {  	v12 =	vor.u32 v1, v12  }
0xc2: {  	v13 =	vld [tilespmem:s12+$0x19410];
	_ =	sdelay $0x3  }
0xc3: {  	[tilespmem:v12+s16+$0x0] =	vst.idx.msk vm10, v11  }
0xc4: {  	[tilespmem:v12+s17+$0x0] =	vst.idx.msk vm10, v13  }
0xc5: {  	v11 =	vld [tilespmem:s12+$0x18820];
	_ =	sdelay $0x2  }
0xc6: {  	v59 =	vsel vm10, $0x1, v2  }
0xc7: {  	v10 =	vadd.s32 v59, v10  }
0xc8: {  	v12 =	vshll.u32 v10, $0x4;
	v11 =	vsub.s32 v11, v9  }
0xc9: {  	v12 =	vand.u32 $0x1FF0, v12;
	vm11 =	vlt.u32 v11, $0x188000  }
0xca: {  	v12 =	vor.u32 v1, v12  }
0xcb: {  	v13 =	vld [tilespmem:s12+$0x19420];
	_ =	sdelay $0x3  }
0xcc: {  	[tilespmem:v12+s16+$0x0] =	vst.idx.msk vm11, v11  }
0xcd: {  	[tilespmem:v12+s17+$0x0] =	vst.idx.msk vm11, v13  }
0xce: {  	v11 =	vld [tilespmem:s12+$0x18830];
	_ =	sdelay $0x2  }
0xcf: {  	v60 =	vsel vm11, $0x1, v2  }
0xd0: {  	v10 =	vadd.s32 v60, v10  }
0xd1: {  	v12 =	vshll.u32 v10, $0x4;
	v11 =	vsub.s32 v11, v9  }
0xd2: {  	v12 =	vand.u32 $0x1FF0, v12;
	vm12 =	vlt.u32 v11, $0x188000  }
0xd3: {  	v12 =	vor.u32 v1, v12  }
0xd4: {  	v13 =	vld [tilespmem:s12+$0x19430];
	_ =	sdelay $0x3  }
0xd5: {  	[tilespmem:v12+s16+$0x0] =	vst.idx.msk vm12, v11  }
0xd6: {  	[tilespmem:v12+s17+$0x0] =	vst.idx.msk vm12, v13  }
0xd7: {  	v11 =	vld [tilespmem:s12+$0x18840];
	_ =	sdelay $0x2  }
0xd8: {  	v61 =	vsel vm12, $0x1, v2  }
0xd9: {  	v10 =	vadd.s32 v61, v10  }
0xda: {  	v12 =	vshll.u32 v10, $0x4;
	v11 =	vsub.s32 v11, v9  }
0xdb: {  	v12 =	vand.u32 $0x1FF0, v12;
	vm13 =	vlt.u32 v11, $0x188000  }
0xdc: {  	v12 =	vor.u32 v1, v12  }
0xdd: {  	v13 =	vld [tilespmem:s12+$0x19440];
	_ =	sdelay $0x3  }
0xde: {  	[tilespmem:v12+s16+$0x0] =	vst.idx.msk vm13, v11  }
0xdf: {  	[tilespmem:v12+s17+$0x0] =	vst.idx.msk vm13, v13  }
0xe0: {  	v11 =	vld [tilespmem:s12+$0x18850];
	_ =	sdelay $0x2  }
0xe1: {  	v62 =	vsel vm13, $0x1, v2  }
0xe2: {  	v10 =	vadd.s32 v62, v10  }
0xe3: {  	v12 =	vshll.u32 v10, $0x4;
	v11 =	vsub.s32 v11, v9  }
0xe4: {  	v12 =	vand.u32 $0x1FF0, v12;
	vm14 =	vlt.u32 v11, $0x188000  }
0xe5: {  	v12 =	vor.u32 v1, v12  }
0xe6: {  	v13 =	vld [tilespmem:s12+$0x19450];
	_ =	sdelay $0x3  }
0xe7: {  	[tilespmem:v12+s16+$0x0] =	vst.idx.msk vm14, v11  }
0xe8: {  	[tilespmem:v12+s17+$0x0] =	vst.idx.msk vm14, v13  }
0xe9: {  	v11 =	vld [tilespmem:s12+$0x18860];
	_ =	sdelay $0x2  }
0xea: {  	v63 =	vsel vm14, $0x1, v2  }
0xeb: {  	v10 =	vadd.s32 v63, v10  }
0xec: {  	v12 =	vshll.u32 v10, $0x4;
	v11 =	vsub.s32 v11, v9  }
0xed: {  	v12 =	vand.u32 $0x1FF0, v12;
	vm15 =	vlt.u32 v11, $0x188000  }
0xee: {  	v12 =	vor.u32 v1, v12  }
0xef: {  	p0 =	seq.s32 s0, $0x2E00;
	v13 =	vld [tilespmem:s12+$0x19460]  }
.Ltmp6:
0xf0: {  	_ = 	snop;
	(pc) =	sbr.rel @!p0 .LBB2_47-.Ltmp6, $3  }
0xf1: {  	_ =	sdelay $0x1  }
0xf2: {  	[tilespmem:v12+s16+$0x0] =	vst.idx.msk vm15, v11;
	v11 =	vsel vm15, $0x1, v2  }
0xf3: {  	s0 =	sadd.s32 $0x200, s0;
	[tilespmem:v12+s17+$0x0] =	vst.idx.msk vm15, v13;
	v10 =	vadd.s32 v11, v10  }
.Ltmp7:
0xf4: {  	_ = 	snop;
	(pc) =	sbr.rel .LBB2_12-.Ltmp7, $1  }
0xf5: {  	_ =	sdelay $0x3  }
.LBB2_10:
0xf6: {  	s0 =	sadd.s32 $0x200, s12  }
0xf7: {  	v11 =	vmov s0;
	s0 =	simm.s32 $0x0  }
.LBB2_11:
0xf8: {  	s12 =	sshra.s32 s0, $0x2  }
0xf9: {  	v12 =	vld [tilespmem:s12+$0x18800];
	_ =	sdelay $0x4  }
0xfa: {  	v12 =	vsub.s32 v12, v9  }
0xfb: {  	vm1 =	vlt.s32 v10, v11;
	v13 =	vshll.u32 v10, $0x4;
	vm0 =	vlt.u32 v12, $0x188000  }
0xfc: {  	v13 =	vand.u32 $0x1FF0, v13;
	vm0 =	vmand vm1, vm0  }
0xfd: {  	v13 =	vor.u32 v1, v13  }
0xfe: {  	v14 =	vld [tilespmem:s12+$0x19400];
	_ =	sdelay $0x3  }
0xff: {  	[tilespmem:v13+s16+$0x0] =	vst.idx.msk vm0, v12  }
0x100: {  	[tilespmem:v13+s17+$0x0] =	vst.idx.msk vm0, v14  }
0x101: {  	v12 =	vld [tilespmem:s12+$0x18810];
	_ =	sdelay $0x3  }
0x102: {  	v57 =	vsel vm0, $0x1, v2  }
0x103: {  	v10 =	vadd.s32 v57, v10;
	v12 =	vsub.s32 v12, v9  }
0x104: {  	vm5 =	vlt.s32 v10, v11;
	v13 =	vshll.u32 v10, $0x4;
	vm4 =	vlt.u32 v12, $0x188000  }
0x105: {  	v13 =	vand.u32 $0x1FF0, v13;
	vm0 =	vmand vm4, vm5  }
0x106: {  	v13 =	vor.u32 v1, v13  }
0x107: {  	v14 =	vld [tilespmem:s12+$0x19410];
	_ =	sdelay $0x3  }
0x108: {  	[tilespmem:v13+s16+$0x0] =	vst.idx.msk vm0, v12  }
0x109: {  	[tilespmem:v13+s17+$0x0] =	vst.idx.msk vm0, v14  }
0x10a: {  	v12 =	vld [tilespmem:s12+$0x18820];
	_ =	sdelay $0x3  }
0x10b: {  	v58 =	vsel vm0, $0x1, v2  }
0x10c: {  	v10 =	vadd.s32 v58, v10;
	v12 =	vsub.s32 v12, v9  }
0x10d: {  	vm7 =	vlt.s32 v10, v11;
	v13 =	vshll.u32 v10, $0x4;
	vm6 =	vlt.u32 v12, $0x188000  }
0x10e: {  	v13 =	vand.u32 $0x1FF0, v13;
	vm0 =	vmand vm6, vm7  }
0x10f: {  	v13 =	vor.u32 v1, v13  }
0x110: {  	v14 =	vld [tilespmem:s12+$0x19420];
	_ =	sdelay $0x3  }
0x111: {  	[tilespmem:v13+s16+$0x0] =	vst.idx.msk vm0, v12  }
0x112: {  	[tilespmem:v13+s17+$0x0] =	vst.idx.msk vm0, v14  }
0x113: {  	v12 =	vld [tilespmem:s12+$0x18830];
	_ =	sdelay $0x3  }
0x114: {  	v59 =	vsel vm0, $0x1, v2  }
0x115: {  	v10 =	vadd.s32 v59, v10;
	v12 =	vsub.s32 v12, v9  }
0x116: {  	vm9 =	vlt.s32 v10, v11;
	v13 =	vshll.u32 v10, $0x4;
	vm8 =	vlt.u32 v12, $0x188000  }
0x117: {  	v13 =	vand.u32 $0x1FF0, v13;
	vm0 =	vmand vm8, vm9  }
0x118: {  	v13 =	vor.u32 v1, v13  }
0x119: {  	v14 =	vld [tilespmem:s12+$0x19430];
	_ =	sdelay $0x3  }
0x11a: {  	[tilespmem:v13+s16+$0x0] =	vst.idx.msk vm0, v12  }
0x11b: {  	[tilespmem:v13+s17+$0x0] =	vst.idx.msk vm0, v14  }
0x11c: {  	v12 =	vld [tilespmem:s12+$0x18840];
	_ =	sdelay $0x3  }
0x11d: {  	v60 =	vsel vm0, $0x1, v2  }
0x11e: {  	v10 =	vadd.s32 v60, v10;
	v12 =	vsub.s32 v12, v9  }
0x11f: {  	vm11 =	vlt.s32 v10, v11;
	v13 =	vshll.u32 v10, $0x4;
	vm10 =	vlt.u32 v12, $0x188000  }
0x120: {  	v13 =	vand.u32 $0x1FF0, v13;
	vm0 =	vmand vm10, vm11  }
0x121: {  	v13 =	vor.u32 v1, v13  }
0x122: {  	v14 =	vld [tilespmem:s12+$0x19440];
	_ =	sdelay $0x3  }
0x123: {  	[tilespmem:v13+s16+$0x0] =	vst.idx.msk vm0, v12  }
0x124: {  	[tilespmem:v13+s17+$0x0] =	vst.idx.msk vm0, v14  }
0x125: {  	v12 =	vld [tilespmem:s12+$0x18850];
	_ =	sdelay $0x3  }
0x126: {  	v61 =	vsel vm0, $0x1, v2  }
0x127: {  	v10 =	vadd.s32 v61, v10;
	v12 =	vsub.s32 v12, v9  }
0x128: {  	vm13 =	vlt.s32 v10, v11;
	v13 =	vshll.u32 v10, $0x4;
	vm12 =	vlt.u32 v12, $0x188000  }
0x129: {  	v13 =	vand.u32 $0x1FF0, v13;
	vm0 =	vmand vm12, vm13  }
0x12a: {  	v13 =	vor.u32 v1, v13  }
0x12b: {  	v14 =	vld [tilespmem:s12+$0x19450];
	_ =	sdelay $0x3  }
0x12c: {  	[tilespmem:v13+s16+$0x0] =	vst.idx.msk vm0, v12  }
0x12d: {  	[tilespmem:v13+s17+$0x0] =	vst.idx.msk vm0, v14  }
0x12e: {  	v12 =	vld [tilespmem:s12+$0x18860];
	_ =	sdelay $0x3  }
0x12f: {  	v62 =	vsel vm0, $0x1, v2  }
0x130: {  	v10 =	vadd.s32 v62, v10;
	v12 =	vsub.s32 v12, v9  }
0x131: {  	vm15 =	vlt.s32 v10, v11;
	v13 =	vshll.u32 v10, $0x4;
	vm14 =	vlt.u32 v12, $0x188000  }
0x132: {  	v13 =	vand.u32 $0x1FF0, v13;
	vm0 =	vmand vm14, vm15  }
0x133: {  	v13 =	vor.u32 v1, v13  }
0x134: {  	p0 =	sne.s32 s0, $0x2E00;
	v14 =	vld [tilespmem:s12+$0x19460]  }
.Ltmp8:
0x135: {  	_ = 	snop;
	(pc) =	sbr.rel @p0 .LBB2_11-.Ltmp8, $3  }
0x136: {  	_ =	sdelay $0x1  }
0x137: {  	v63 =	vsel vm0, $0x1, v2;
	[tilespmem:v13+s16+$0x0] =	vst.idx.msk vm0, v12  }
0x138: {  	s0 =	sadd.s32 $0x200, s0;
	v10 =	vadd.s32 v63, v10;
	[tilespmem:v13+s17+$0x0] =	vst.idx.msk vm0, v14  }
.LBB2_12:
0x139: {  	v11 =	vxor.u32 $0x80000000, v10  }
0x13a: {  	(xrf0) =	vmin.scan.msk.u32 $0xffff, v11;
	_ =	sdelay $0x5  }
0x13b: {  	v12, _, _ =	vpop (xrf0)  }
0x13c: {  	(v2sf) =	vpush v12, $0xF;
	_ =	sdelay $0xe  }
0x13d: {  	s0 =	spop (v2sf)  }
0x13e: {  	s0 =	sshra.s32 s0, $0x3  }
0x13f: {  	s30 =	sxor.u32 $0xF0000000, s0  }
0x140: {  	p0 =	sle.s32 s30, s29  }
.Ltmp9:
0x141: {  	_ = 	snop;
	(pc) =	sbr.rel @p0 .LBB2_16-.Ltmp9, $1  }
0x142: {  	_ =	sdelay $0x3  }
0x143: {  	s0 =	ssub.s32 s30, s29  }
0x144: {  	p0 =	sne.s32 s0, $0x1  }
.Ltmp10:
0x145: {  	_ = 	snop;
	(pc) =	sbr.rel @!p0 .LBB2_15-.Ltmp10, $4  }
0x146: {  	_ = 	snop  }
0x147: {  	s12 =	sshll.u32 s29, $0x7  }
0x148: {  	s0 =	sadd.s32 $0xFFFFFFFF, s0;
	s29 =	sand.u32 $0x1F80, s12  }
0x149: {  	s12 =	sadd.s32 $0x80, s12;
	s25 =	sadd.s32 $0x1D800, s29;
	s29 =	sadd.s32 $0x1B800, s29  }
.LBB2_14:
0x14a: {  	[spmem:s5] =	stream.indirect.scatter.add.f32 [tilespmem:s25], [sflag:$0x3], $0x1, s29, s14, $0xb8;
	[tilespmem:$0x1FC00] =	vst v63  }
0x14b: {  	p0 =	sne.s32 s0, $0x1  }
.Ltmp11:
0x14c: {  	s0 =	sadd.s32 $0xFFFFFFFF, s0;
	(pc) =	sbr.rel @p0 .LBB2_14-.Ltmp11, $3  }
0x14d: {  	_ =	sdelay $0x1  }
0x14e: {  	s29 =	sand.u32 $0x1F80, s12  }
0x14f: {  	s12 =	sadd.s32 $0x80, s12;
	s25 =	sadd.s32 $0x1D800, s29;
	s29 =	sadd.s32 $0x1B800, s29  }
.LBB2_15:
0x150: {  	[spmem:s5] =	stream.indirect.scatter.add.f32 [tilespmem:s25], [sflag:$0x3], $0x1, s29, s14, $0xb8;
	[tilespmem:$0x1FC00] =	vst v63  }
.LBB2_16:
0x151: {  	s25 =	sadd.s32 $0xFFFFFFF8, s30  }
0x152: {  	p1 =	sle.s32 s25, s28  }
.Ltmp12:
0x153: {  	_ = 	snop;
	(pc) =	sbr.rel @p1 .LBB2_20-.Ltmp12, $3  }
0x154: {  	_ =	sdelay $0x1  }
0x155: {  	p0 =	sgt.s32 s28, s25  }
0x156: {  	s25 =	smov.u32 @p0 s28  }
0x157: {  	s0 =	ssub.s32 s25, s28  }
0x158: {  	p0 =	sne.s32 s0, $0x1  }
.Ltmp13:
0x159: {  	_ = 	snop;
	(pc) =	sbr.rel @!p0 .LBB2_19-.Ltmp13, $3  }
0x15a: {  	_ =	sdelay $0x1  }
0x15b: {  	_ =	swait.ge [sflag:s18], $0x80  }
0x15c: {  	s0 =	sadd.s32 $0xFFFFFFFF, s0;
	[sflag:s18] =	ssyncset.done $0x0  }
.LBB2_18:
0x15d: {  	p0 =	sne.s32 s0, $0x1;
	s0 =	sadd.s32 $0xFFFFFFFF, s0;
	[sflag:s18] =	ssyncadd.s32 $0xFFFFFF80  }
.Ltmp14:
0x15e: {  	(pc) =	sbr.rel @p0 .LBB2_18-.Ltmp14, $3  }
0x15f: {  	_ =	sdelay $0x1  }
0x160: {  	_ =	swait.ge [sflag:s18], $0x80  }
0x161: {  	[sflag:s18] =	ssyncset.done $0x0  }
.LBB2_19:
0x162: {  	[sflag:s18] =	ssyncadd.s32 $0xFFFFFF80  }
.LBB2_20:
0x163: {  	s0 =	smin.u32 s31, $0x19  }
0x164: {  	s0 =	sadd.s32 $0x2, s0  }
0x165: {  	s12 =	sshrl.u32 s0, $0x2;
	s0 =	sand.u32 $0x3, s0  }
0x166: {  	s12 =	sadd.s32 s11, s12;
	s0 =	smul.u32 $0xC00, s0  }
0x167: {  	s12 =	smul.u32 $0x3000, s12  }
0x168: {  	s0 =	sor.u32 s23, s0  }
0x169: {  	s0 =	sadd.s32 s12, s0  }
0x16a: {  	s12 =	sshrl.u32 s0, $0x3  }
0x16b: {  	s0 =	simm.s32 $0x0;
	s28 =	sadd.s32 s3, s12  }
0x16c: {  	[tilespmem:s1], [sflag:$0x1] =	stream.linear.gather [hbm4b:s28+s0], $0xC00, $0x38;
	[tilespmem:$0x1FC00] =	vst v63  }
0x16d: {  	s12 =	sadd.s32 s9, s12  }
0x16e: {  	[tilespmem:s6], [sflag:$0x1] =	stream.linear.gather [hbm4b:s12+s0], $0xC00, $0x38;
	[tilespmem:$0x1FC00] =	vst v63  }
0x16f: {  	_ =	swait.ge [sflag:s19], $0xC00  }
0x170: {  	[sflag:s19] =	ssyncset.done $0x0  }
0x171: {  	[sflag:s19] =	ssyncadd.s32 $0xFFFFF400  }
0x172: {  	_ =	swait.ge [sflag:s19], $0xC00  }
0x173: {  	(xrf0) =	vmax.scan.msk.u32 $0xffff, v11;
	_ =	sdelay $0x5  }
0x174: {  	v11, _, _ =	vpop (xrf0)  }
0x175: {  	(v2sf) =	vpush v11, $0xF;
	_ =	sdelay $0xe  }
0x176: {  	s29 =	spop (v2sf)  }
0x177: {  	s12 =	sshll.u32 s25, $0x3;
	s31 =	sxor.u32 $0x80000000, s29  }
0x178: {  	s28 =	ssub.s32 s31, s12  }
0x179: {  	p0 =	slt.s32 s28, $0x159  }
.Ltmp15:
0x17a: {  	_ = 	snop;
	(pc) =	sbr.rel @!p0 .LBB2_21-.Ltmp15, $3  }
0x17b: {  	_ =	sdelay $0x1  }
0x17c: {  	[sflag:s19] =	ssyncset.done $0x0  }
0x17d: {  	[sflag:s19] =	ssyncadd.s32 $0xFFFFF400  }
.LBB2_48:
0x17e: {  	s12 =	sshra.s32 s0, $0x2  }
0x17f: {  	v11 =	vld [tilespmem:s12+$0x1A000];
	_ =	sdelay $0x4  }
0x180: {  	v12 =	vshll.u32 v10, $0x4;
	v11 =	vsub.s32 v11, v9  }
0x181: {  	v12 =	vand.u32 $0x1FF0, v12;
	vm0 =	vlt.u32 v11, $0x188000  }
0x182: {  	v12 =	vor.u32 v1, v12  }
0x183: {  	v13 =	vld [tilespmem:s12+$0x1AC00];
	_ =	sdelay $0x3  }
0x184: {  	[tilespmem:v12+s16+$0x0] =	vst.idx.msk vm0, v11  }
0x185: {  	[tilespmem:v12+s17+$0x0] =	vst.idx.msk vm0, v13  }
0x186: {  	v11 =	vld [tilespmem:s12+$0x1A010];
	_ =	sdelay $0x2  }
0x187: {  	v58 =	vsel vm0, $0x1, v2  }
0x188: {  	v10 =	vadd.s32 v58, v10  }
0x189: {  	v12 =	vshll.u32 v10, $0x4;
	v11 =	vsub.s32 v11, v9  }
0x18a: {  	v12 =	vand.u32 $0x1FF0, v12;
	vm10 =	vlt.u32 v11, $0x188000  }
0x18b: {  	v12 =	vor.u32 v1, v12  }
0x18c: {  	v13 =	vld [tilespmem:s12+$0x1AC10];
	_ =	sdelay $0x3  }
0x18d: {  	[tilespmem:v12+s16+$0x0] =	vst.idx.msk vm10, v11  }
0x18e: {  	[tilespmem:v12+s17+$0x0] =	vst.idx.msk vm10, v13  }
0x18f: {  	v11 =	vld [tilespmem:s12+$0x1A020];
	_ =	sdelay $0x2  }
0x190: {  	v59 =	vsel vm10, $0x1, v2  }
0x191: {  	v10 =	vadd.s32 v59, v10  }
0x192: {  	v12 =	vshll.u32 v10, $0x4;
	v11 =	vsub.s32 v11, v9  }
0x193: {  	v12 =	vand.u32 $0x1FF0, v12;
	vm11 =	vlt.u32 v11, $0x188000  }
0x194: {  	v12 =	vor.u32 v1, v12  }
0x195: {  	v13 =	vld [tilespmem:s12+$0x1AC20];
	_ =	sdelay $0x3  }
0x196: {  	[tilespmem:v12+s16+$0x0] =	vst.idx.msk vm11, v11  }
0x197: {  	[tilespmem:v12+s17+$0x0] =	vst.idx.msk vm11, v13  }
0x198: {  	v11 =	vld [tilespmem:s12+$0x1A030];
	_ =	sdelay $0x2  }
0x199: {  	v60 =	vsel vm11, $0x1, v2  }
0x19a: {  	v10 =	vadd.s32 v60, v10  }
0x19b: {  	v12 =	vshll.u32 v10, $0x4;
	v11 =	vsub.s32 v11, v9  }
0x19c: {  	v12 =	vand.u32 $0x1FF0, v12;
	vm12 =	vlt.u32 v11, $0x188000  }
0x19d: {  	v12 =	vor.u32 v1, v12  }
0x19e: {  	v13 =	vld [tilespmem:s12+$0x1AC30];
	_ =	sdelay $0x3  }
0x19f: {  	[tilespmem:v12+s16+$0x0] =	vst.idx.msk vm12, v11  }
0x1a0: {  	[tilespmem:v12+s17+$0x0] =	vst.idx.msk vm12, v13  }
0x1a1: {  	v11 =	vld [tilespmem:s12+$0x1A040];
	_ =	sdelay $0x2  }
0x1a2: {  	v61 =	vsel vm12, $0x1, v2  }
0x1a3: {  	v10 =	vadd.s32 v61, v10  }
0x1a4: {  	v12 =	vshll.u32 v10, $0x4;
	v11 =	vsub.s32 v11, v9  }
0x1a5: {  	v12 =	vand.u32 $0x1FF0, v12;
	vm13 =	vlt.u32 v11, $0x188000  }
0x1a6: {  	v12 =	vor.u32 v1, v12  }
0x1a7: {  	v13 =	vld [tilespmem:s12+$0x1AC40];
	_ =	sdelay $0x3  }
0x1a8: {  	[tilespmem:v12+s16+$0x0] =	vst.idx.msk vm13, v11  }
0x1a9: {  	[tilespmem:v12+s17+$0x0] =	vst.idx.msk vm13, v13  }
0x1aa: {  	v11 =	vld [tilespmem:s12+$0x1A050];
	_ =	sdelay $0x2  }
0x1ab: {  	v62 =	vsel vm13, $0x1, v2  }
0x1ac: {  	v10 =	vadd.s32 v62, v10  }
0x1ad: {  	v12 =	vshll.u32 v10, $0x4;
	v11 =	vsub.s32 v11, v9  }
0x1ae: {  	v12 =	vand.u32 $0x1FF0, v12;
	vm14 =	vlt.u32 v11, $0x188000  }
0x1af: {  	v12 =	vor.u32 v1, v12  }
0x1b0: {  	v13 =	vld [tilespmem:s12+$0x1AC50];
	_ =	sdelay $0x3  }
0x1b1: {  	[tilespmem:v12+s16+$0x0] =	vst.idx.msk vm14, v11  }
0x1b2: {  	[tilespmem:v12+s17+$0x0] =	vst.idx.msk vm14, v13  }
0x1b3: {  	v11 =	vld [tilespmem:s12+$0x1A060];
	_ =	sdelay $0x2  }
0x1b4: {  	v63 =	vsel vm14, $0x1, v2  }
0x1b5: {  	v10 =	vadd.s32 v63, v10  }
0x1b6: {  	v12 =	vshll.u32 v10, $0x4;
	v11 =	vsub.s32 v11, v9  }
0x1b7: {  	v12 =	vand.u32 $0x1FF0, v12;
	vm15 =	vlt.u32 v11, $0x188000  }
0x1b8: {  	v12 =	vor.u32 v1, v12  }
0x1b9: {  	p0 =	seq.s32 s0, $0x2E00;
	v13 =	vld [tilespmem:s12+$0x1AC60]  }
.Ltmp16:
0x1ba: {  	_ = 	snop;
	(pc) =	sbr.rel @!p0 .LBB2_48-.Ltmp16, $3  }
0x1bb: {  	_ =	sdelay $0x1  }
0x1bc: {  	[tilespmem:v12+s16+$0x0] =	vst.idx.msk vm15, v11;
	v11 =	vsel vm15, $0x1, v2  }
0x1bd: {  	s0 =	sadd.s32 $0x200, s0;
	[tilespmem:v12+s17+$0x0] =	vst.idx.msk vm15, v13;
	v10 =	vadd.s32 v11, v10  }
.Ltmp17:
0x1be: {  	_ = 	snop;
	(pc) =	sbr.rel .LBB2_23-.Ltmp17, $1  }
0x1bf: {  	_ =	sdelay $0x3  }
.LBB2_21:
0x1c0: {  	s0 =	sadd.s32 $0x200, s12  }
0x1c1: {  	v11 =	vmov s0;
	s0 =	simm.s32 $0x0  }
.LBB2_22:
0x1c2: {  	s12 =	sshra.s32 s0, $0x2  }
0x1c3: {  	v12 =	vld [tilespmem:s12+$0x1A000];
	_ =	sdelay $0x4  }
0x1c4: {  	v12 =	vsub.s32 v12, v9  }
0x1c5: {  	vm1 =	vlt.s32 v10, v11;
	v13 =	vshll.u32 v10, $0x4;
	vm0 =	vlt.u32 v12, $0x188000  }
0x1c6: {  	v13 =	vand.u32 $0x1FF0, v13;
	vm0 =	vmand vm1, vm0  }
0x1c7: {  	v13 =	vor.u32 v1, v13  }
0x1c8: {  	v14 =	vld [tilespmem:s12+$0x1AC00];
	_ =	sdelay $0x3  }
0x1c9: {  	[tilespmem:v13+s16+$0x0] =	vst.idx.msk vm0, v12  }
0x1ca: {  	[tilespmem:v13+s17+$0x0] =	vst.idx.msk vm0, v14  }
0x1cb: {  	v12 =	vld [tilespmem:s12+$0x1A010];
	_ =	sdelay $0x3  }
0x1cc: {  	v57 =	vsel vm0, $0x1, v2  }
0x1cd: {  	v10 =	vadd.s32 v57, v10;
	v12 =	vsub.s32 v12, v9  }
0x1ce: {  	vm5 =	vlt.s32 v10, v11;
	v13 =	vshll.u32 v10, $0x4;
	vm4 =	vlt.u32 v12, $0x188000  }
0x1cf: {  	v13 =	vand.u32 $0x1FF0, v13;
	vm0 =	vmand vm4, vm5  }
0x1d0: {  	v13 =	vor.u32 v1, v13  }
0x1d1: {  	v14 =	vld [tilespmem:s12+$0x1AC10];
	_ =	sdelay $0x3  }
0x1d2: {  	[tilespmem:v13+s16+$0x0] =	vst.idx.msk vm0, v12  }
0x1d3: {  	[tilespmem:v13+s17+$0x0] =	vst.idx.msk vm0, v14  }
0x1d4: {  	v12 =	vld [tilespmem:s12+$0x1A020];
	_ =	sdelay $0x3  }
0x1d5: {  	v58 =	vsel vm0, $0x1, v2  }
0x1d6: {  	v10 =	vadd.s32 v58, v10;
	v12 =	vsub.s32 v12, v9  }
0x1d7: {  	vm7 =	vlt.s32 v10, v11;
	v13 =	vshll.u32 v10, $0x4;
	vm6 =	vlt.u32 v12, $0x188000  }
0x1d8: {  	v13 =	vand.u32 $0x1FF0, v13;
	vm0 =	vmand vm6, vm7  }
0x1d9: {  	v13 =	vor.u32 v1, v13  }
0x1da: {  	v14 =	vld [tilespmem:s12+$0x1AC20];
	_ =	sdelay $0x3  }
0x1db: {  	[tilespmem:v13+s16+$0x0] =	vst.idx.msk vm0, v12  }
0x1dc: {  	[tilespmem:v13+s17+$0x0] =	vst.idx.msk vm0, v14  }
0x1dd: {  	v12 =	vld [tilespmem:s12+$0x1A030];
	_ =	sdelay $0x3  }
0x1de: {  	v59 =	vsel vm0, $0x1, v2  }
0x1df: {  	v10 =	vadd.s32 v59, v10;
	v12 =	vsub.s32 v12, v9  }
0x1e0: {  	vm9 =	vlt.s32 v10, v11;
	v13 =	vshll.u32 v10, $0x4;
	vm8 =	vlt.u32 v12, $0x188000  }
0x1e1: {  	v13 =	vand.u32 $0x1FF0, v13;
	vm0 =	vmand vm8, vm9  }
0x1e2: {  	v13 =	vor.u32 v1, v13  }
0x1e3: {  	v14 =	vld [tilespmem:s12+$0x1AC30];
	_ =	sdelay $0x3  }
0x1e4: {  	[tilespmem:v13+s16+$0x0] =	vst.idx.msk vm0, v12  }
0x1e5: {  	[tilespmem:v13+s17+$0x0] =	vst.idx.msk vm0, v14  }
0x1e6: {  	v12 =	vld [tilespmem:s12+$0x1A040];
	_ =	sdelay $0x3  }
0x1e7: {  	v60 =	vsel vm0, $0x1, v2  }
0x1e8: {  	v10 =	vadd.s32 v60, v10;
	v12 =	vsub.s32 v12, v9  }
0x1e9: {  	vm11 =	vlt.s32 v10, v11;
	v13 =	vshll.u32 v10, $0x4;
	vm10 =	vlt.u32 v12, $0x188000  }
0x1ea: {  	v13 =	vand.u32 $0x1FF0, v13;
	vm0 =	vmand vm10, vm11  }
0x1eb: {  	v13 =	vor.u32 v1, v13  }
0x1ec: {  	v14 =	vld [tilespmem:s12+$0x1AC40];
	_ =	sdelay $0x3  }
0x1ed: {  	[tilespmem:v13+s16+$0x0] =	vst.idx.msk vm0, v12  }
0x1ee: {  	[tilespmem:v13+s17+$0x0] =	vst.idx.msk vm0, v14  }
0x1ef: {  	v12 =	vld [tilespmem:s12+$0x1A050];
	_ =	sdelay $0x3  }
0x1f0: {  	v61 =	vsel vm0, $0x1, v2  }
0x1f1: {  	v10 =	vadd.s32 v61, v10;
	v12 =	vsub.s32 v12, v9  }
0x1f2: {  	vm13 =	vlt.s32 v10, v11;
	v13 =	vshll.u32 v10, $0x4;
	vm12 =	vlt.u32 v12, $0x188000  }
0x1f3: {  	v13 =	vand.u32 $0x1FF0, v13;
	vm0 =	vmand vm12, vm13  }
0x1f4: {  	v13 =	vor.u32 v1, v13  }
0x1f5: {  	v14 =	vld [tilespmem:s12+$0x1AC50];
	_ =	sdelay $0x3  }
0x1f6: {  	[tilespmem:v13+s16+$0x0] =	vst.idx.msk vm0, v12  }
0x1f7: {  	[tilespmem:v13+s17+$0x0] =	vst.idx.msk vm0, v14  }
0x1f8: {  	v12 =	vld [tilespmem:s12+$0x1A060];
	_ =	sdelay $0x3  }
0x1f9: {  	v62 =	vsel vm0, $0x1, v2  }
0x1fa: {  	v10 =	vadd.s32 v62, v10;
	v12 =	vsub.s32 v12, v9  }
0x1fb: {  	vm15 =	vlt.s32 v10, v11;
	v13 =	vshll.u32 v10, $0x4;
	vm14 =	vlt.u32 v12, $0x188000  }
0x1fc: {  	v13 =	vand.u32 $0x1FF0, v13;
	vm0 =	vmand vm14, vm15  }
0x1fd: {  	v13 =	vor.u32 v1, v13  }
0x1fe: {  	p0 =	sne.s32 s0, $0x2E00;
	v14 =	vld [tilespmem:s12+$0x1AC60]  }
.Ltmp18:
0x1ff: {  	_ = 	snop;
	(pc) =	sbr.rel @p0 .LBB2_22-.Ltmp18, $3  }
0x200: {  	_ =	sdelay $0x1  }
0x201: {  	v63 =	vsel vm0, $0x1, v2;
	[tilespmem:v13+s16+$0x0] =	vst.idx.msk vm0, v12  }
0x202: {  	s0 =	sadd.s32 $0x200, s0;
	v10 =	vadd.s32 v63, v10;
	[tilespmem:v13+s17+$0x0] =	vst.idx.msk vm0, v14  }
.LBB2_23:
0x203: {  	v11 =	vxor.u32 $0x80000000, v10  }
0x204: {  	(xrf0) =	vmin.scan.msk.u32 $0xffff, v11;
	_ =	sdelay $0x5  }
0x205: {  	v12, _, _ =	vpop (xrf0)  }
0x206: {  	(v2sf) =	vpush v12, $0xF;
	_ =	sdelay $0xe  }
0x207: {  	s0 =	spop (v2sf)  }
0x208: {  	s0 =	sshra.s32 s0, $0x3  }
0x209: {  	s29 =	sxor.u32 $0xF0000000, s0  }
0x20a: {  	p0 =	sle.s32 s29, s30  }
.Ltmp19:
0x20b: {  	_ = 	snop;
	(pc) =	sbr.rel @p0 .LBB2_27-.Ltmp19, $1  }
0x20c: {  	_ =	sdelay $0x3  }
0x20d: {  	s0 =	ssub.s32 s29, s30  }
0x20e: {  	p0 =	sne.s32 s0, $0x1  }
.Ltmp20:
0x20f: {  	_ = 	snop;
	(pc) =	sbr.rel @!p0 .LBB2_26-.Ltmp20, $4  }
0x210: {  	_ = 	snop  }
0x211: {  	s12 =	sshll.u32 s30, $0x7  }
0x212: {  	s0 =	sadd.s32 $0xFFFFFFFF, s0;
	s30 =	sand.u32 $0x1F80, s12  }
0x213: {  	s12 =	sadd.s32 $0x80, s12;
	s28 =	sadd.s32 $0x1D800, s30;
	s30 =	sadd.s32 $0x1B800, s30  }
.LBB2_25:
0x214: {  	[spmem:s5] =	stream.indirect.scatter.add.f32 [tilespmem:s28], [sflag:$0x3], $0x1, s30, s14, $0xb8;
	[tilespmem:$0x1FC00] =	vst v63  }
0x215: {  	p0 =	sne.s32 s0, $0x1  }
.Ltmp21:
0x216: {  	s0 =	sadd.s32 $0xFFFFFFFF, s0;
	(pc) =	sbr.rel @p0 .LBB2_25-.Ltmp21, $3  }
0x217: {  	_ =	sdelay $0x1  }
0x218: {  	s30 =	sand.u32 $0x1F80, s12  }
0x219: {  	s12 =	sadd.s32 $0x80, s12;
	s28 =	sadd.s32 $0x1D800, s30;
	s30 =	sadd.s32 $0x1B800, s30  }
.LBB2_26:
0x21a: {  	[spmem:s5] =	stream.indirect.scatter.add.f32 [tilespmem:s28], [sflag:$0x3], $0x1, s30, s14, $0xb8;
	[tilespmem:$0x1FC00] =	vst v63  }
.LBB2_27:
0x21b: {  	s30 =	sadd.s32 $0xFFFFFFF8, s29  }
0x21c: {  	p1 =	sle.s32 s30, s25  }
.Ltmp22:
0x21d: {  	_ = 	snop;
	(pc) =	sbr.rel @p1 .LBB2_31-.Ltmp22, $3  }
0x21e: {  	_ =	sdelay $0x1  }
0x21f: {  	p0 =	sgt.s32 s25, s30;
	s28 =	smov.u32 s30  }
0x220: {  	s28 =	smov.u32 @p0 s25  }
0x221: {  	s0 =	ssub.s32 s28, s25  }
0x222: {  	p1 =	sne.s32 s0, $0x1  }
.Ltmp23:
0x223: {  	_ = 	snop;
	(pc) =	sbr.rel @!p1 .LBB2_30-.Ltmp23, $3  }
0x224: {  	_ =	sdelay $0x1  }
0x225: {  	_ =	swait.ge [sflag:s18], $0x80  }
0x226: {  	s0 =	sadd.s32 $0xFFFFFFFF, s0;
	[sflag:s18] =	ssyncset.done $0x0  }
.LBB2_29:
0x227: {  	p1 =	sne.s32 s0, $0x1;
	s0 =	sadd.s32 $0xFFFFFFFF, s0;
	[sflag:s18] =	ssyncadd.s32 $0xFFFFFF80  }
.Ltmp24:
0x228: {  	(pc) =	sbr.rel @p1 .LBB2_29-.Ltmp24, $3  }
0x229: {  	_ =	sdelay $0x1  }
0x22a: {  	_ =	swait.ge [sflag:s18], $0x80  }
0x22b: {  	[sflag:s18] =	ssyncset.done $0x0  }
.Ltmp25:
0x22c: {  	_ = 	snop;
	(pc) =	sbr.rel .LBB2_30-.Ltmp25, $1  }
0x22d: {  	_ =	sdelay $0x3  }
.LBB2_32:
0x22e: {  	_ =	swait.ge [sflag:s10], $0xC00  }
0x22f: {  	[sflag:s10] =	ssyncset.done $0x0  }
0x230: {  	[sflag:s10] =	ssyncadd.s32 $0xFFFFF400  }
0x231: {  	_ =	swait.ge [sflag:s10], $0xC00  }
0x232: {  	(xrf0) =	vmax.scan.msk.u32 $0xffff, v11;
	_ =	sdelay $0x5  }
0x233: {  	v9, _, _ =	vpop (xrf0)  }
0x234: {  	s0 =	sadd.s32 $0x1, s13;
	(v2sf) =	vpush v9, $0xF  }
0x235: {  	p1 =	slt.s32 s0, $0xB  }
0x236: {  	[smem:$0x7AE] =	sst s0;
	s0 =	simm.s32 @!p1 $0xB  }
0x237: {  	s0 =	smulhi.u32 $0xAAAAAAAB, s0;
	_ =	sdelay $0x1  }
0x238: {  	s0 =	sshrl.u32 s0, $0x1  }
0x239: {  	s0 =	sadd.s32 s21, s0  }
0x23a: {  	s0 =	smul.u32 $0x150000, s0  }
0x23b: {  	s12 =	rddreg [dreg:$0x5]  }
0x23c: {  	s0 =	sadd.s32 s12, s0  }
0x23d: {  	[sflag:s10] =	ssyncset.done $0x0;
	s0 =	sshrl.u32 s0, $0x3  }
0x23e: {  	s26 =	simm.s32 $0x0;
	[sflag:s10] =	ssyncadd.s32 $0xFFFFF400;
	s24 =	sadd.s32 s3, s0  }
0x23f: {  	[tilespmem:s1], [sflag:$0x1] =	stream.linear.gather [hbm4b:s24+s26], $0xC00, $0x38;
	[tilespmem:$0x1FC00] =	vst v63  }
0x240: {  	s0 =	sadd.s32 s9, s0  }
0x241: {  	[tilespmem:s6], [sflag:$0x1] =	stream.linear.gather [hbm4b:s0+s26], $0xC00, $0x38;
	[tilespmem:$0x1FC00] =	vst v63  }
0x242: {  	s31 =	spop (v2sf)  }
0x243: {  	s0 =	sadd.s32 $0x80000007, s31  }
0x244: {  	s23 =	sshra.s32 s0, $0x3  }
0x245: {  	p1 =	sle.s32 s23, s29  }
.Ltmp26:
0x246: {  	_ = 	snop;
	(pc) =	sbr.rel @p1 .LBB2_38-.Ltmp26, $1  }
0x247: {  	_ =	sdelay $0x3  }
0x248: {  	s12 =	sshllo.u32 s29, $0x3  }
0x249: {  	s24 =	sshll.u32 s29, $0x7;
	s0 =	sadd.s32 $0xFFFFFFF9, s12  }
0x24a: {  	s13 =	sand.u32 $0x3F, s29;
	s26 =	sadd.s32 $0xFFFFFFFA, s12;
	s31 =	sadd.s32 $0xFFFFFFFB, s12;
	v16 =	vmov s24;
	v9 =	vmov s0  }
0x24b: {  	s21 =	sadd.s32 $0x20, s24;
	s6 =	sadd.s32 $0x30, s24;
	v11 =	vmov s26;
	v12 =	vmov s31;
	s26 =	sshll.u32 s13, $0x7;
	vm0 =	vge.s32 v9, v10  }
0x24c: {  	s7 =	sadd.s32 $0xFFFFFFFE, s12;
	v15 =	vmov s21;
	v18 =	vmov s6;
	v14 =	vor.u32 s26, v1  }
0x24d: {  	s1 =	smov.u32 s15;
	s15 =	sadd.s32 $0x10, s24;
	s31 =	sadd.s32 $0xFFFFFFFC, s12;
	v16 =	vshll.u32 v16, $0x3;
	v19 =	vmov s7;
	vm1 =	vge.s32 v11, v10  }
0x24e: {  	s3 =	sadd.s32 $0xFFFFFFFD, s12;
	v9 =	vmov s15;
	v13 =	vmov s31;
	v17 =	vor.u32 s26, v4  }
0x24f: {  	v11 =	vshll.u32 v15, $0x3;
	v15 =	vmov s3;
	vm2 =	vge.s32 v12, v10  }
0x250: {  	v12 =	vshll.u32 v18, $0x3;
	v16 =	vor.u32 v3, v16;
	v18 =	vor.u32 s26, v5  }
0x251: {  	s8 =	sadd.s32 $0x40, s24;
	v20 =	vor.u32 s26, v6;
	v9 =	vshll.u32 v9, $0x3;
	vm3 =	vge.s32 v13, v10;
	[tilespmem:v14+s16+$0x0] =	vst.idx.msk vm0, v16  }
0x252: {  	v13 =	vmov s8;
	v11 =	vor.u32 v3, v11;
	v9 =	vor.u32 v3, v9;
	[tilespmem:v14+s17+$0x0] =	vst.idx.msk vm0, v0  }
0x253: {  	s9 =	sadd.s32 $0xFFFFFFFF, s12;
	s13 =	sadd.s32 $0x50, s24;
	s31 =	sadd.s32 $0x1, s29;
	v12 =	vor.u32 v3, v12;
	v21 =	vshll.u32 v13, $0x3;
	vm0 =	vge.s32 v15, v10;
	[tilespmem:v17+s16+$0x0] =	vst.idx.msk vm1, v9  }
0x254: {  	s15 =	sadd.s32 $0x60, s24;
	p1 =	sne.s32 s23, s31;
	v13 =	vor.u32 s26, v7;
	v16 =	vmov s9;
	v9 =	vmov s13;
	[tilespmem:v17+s17+$0x0] =	vst.idx.msk vm1, v0  }
.Ltmp27:
0x255: {  	s21 =	sadd.s32 $0x70, s24;
	v14 =	vmov s15;
	v15 =	vor.u32 s26, v8;
	v17 =	vshll.u32 v9, $0x3;
	[tilespmem:v18+s16+$0x0] =	vst.idx.msk vm2, v11;
	(pc) =	sbr.rel @!p1 .LBB2_35-.Ltmp27, $4  }
0x256: {  	v9 =	vshll.u32 v14, $0x3;
	vm1 =	vge.s32 v19, v10;
	v11 =	vmov s21;
	[tilespmem:v18+s17+$0x0] =	vst.idx.msk vm2, v0  }
0x257: {  	v14 =	vor.u32 v3, v9;
	v9 =	vor.u32 v3, v21;
	v11 =	vshll.u32 v11, $0x3;
	[tilespmem:v20+s16+$0x0] =	vst.idx.msk vm3, v12  }
0x258: {  	vm2 =	vge.s32 v16, v10;
	v12 =	vor.u32 v3, v11;
	v11 =	vor.u32 $0x60, v1;
	[tilespmem:v20+s17+$0x0] =	vst.idx.msk vm3, v0  }
0x259: {  	s0 =	sadd.s32 $0x80, s24;
	v18 =	vmov s12;
	s12 =	sadd.s32 $0x8, s12;
	v16 =	vor.u32 s26, v11;
	[tilespmem:v13+s16+$0x0] =	vst.idx.msk vm0, v9;
	v9 =	vor.u32 $0x70, v1  }
.LBB2_34:
0x25a: {  	s13 =	sadd.s32 $0xFFFFFFF9, s12;
	s15 =	sadd.s32 $0xFFFFFFFA, s12;
	s21 =	sadd.s32 $0xFFFFFFFB, s12;
	v17 =	vor.u32 v3, v17;
	vm3 =	vge.s32 v18, v10;
	v18 =	vor.u32 s26, v9  }
0x25b: {  	s26 =	sand.u32 $0x3F, s31;
	v19 =	vmov s13;
	v20 =	vmov s15;
	s13 =	sadd.s32 $0x10, s0;
	v21 =	vmov s21;
	s15 =	sadd.s32 $0xFFFFFFFC, s12;
	[tilespmem:v13+s17+$0x0] =	vst.idx.msk vm0, v0  }
0x25c: {  	s31 =	sadd.s32 $0x1, s31;
	s26 =	sshll.u32 s26, $0x7;
	vm0 =	vge.s32 v19, v10;
	v13 =	vmov s13;
	s13 =	sadd.s32 $0x20, s0;
	v19 =	vmov s15;
	[tilespmem:v15+s16+$0x0] =	vst.idx.msk vm1, v17  }
0x25d: {  	p1 =	sne.s32 s23, s31;
	v17 =	vor.u32 s26, v1;
	v13 =	vshll.u32 v13, $0x3;
	v22 =	vmov s13;
	s13 =	sadd.s32 $0xFFFFFFFD, s12;
	[tilespmem:v15+s17+$0x0] =	vst.idx.msk vm1, v0  }
0x25e: {  	s15 =	sadd.s32 $0x30, s0;
	vm1 =	vge.s32 v20, v10;
	v15 =	vshll.u32 v22, $0x3;
	v20 =	vmov s13;
	[tilespmem:v16+s16+$0x0] =	vst.idx.msk vm2, v14  }
0x25f: {  	v23 =	vmov s15;
	v14 =	vmov s0;
	v22 =	vor.u32 s26, v4;
	[tilespmem:v16+s17+$0x0] =	vst.idx.msk vm2, v0  }
0x260: {  	s13 =	sadd.s32 $0xFFFFFFFE, s12;
	v14 =	vshll.u32 v14, $0x3;
	vm2 =	vge.s32 v21, v10;
	v16 =	vshll.u32 v23, $0x3;
	[tilespmem:v18+s16+$0x0] =	vst.idx.msk vm3, v12  }
0x261: {  	s15 =	sadd.s32 $0x40, s0;
	v21 =	vmov s13;
	s13 =	sadd.s32 $0xFFFFFFFF, s12;
	v12 =	vor.u32 v3, v14;
	v14 =	vor.u32 s26, v5;
	[tilespmem:v18+s17+$0x0] =	vst.idx.msk vm3, v0  }
0x262: {  	vm3 =	vge.s32 v19, v10;
	v18 =	vmov s13;
	[tilespmem:v17+s16+$0x0] =	vst.idx.msk vm0, v12;
	v12 =	vmov s15  }
0x263: {  	v13 =	vor.u32 v3, v13;
	v19 =	vor.u32 s26, v6;
	s13 =	sadd.s32 $0x50, s0;
	s15 =	sadd.s32 $0x60, s0;
	[tilespmem:v17+s17+$0x0] =	vst.idx.msk vm0, v0;
	v23 =	vshll.u32 v12, $0x3  }
0x264: {  	vm0 =	vge.s32 v20, v10;
	v12 =	vmov s13;
	v20 =	vmov s15;
	[tilespmem:v22+s16+$0x0] =	vst.idx.msk vm1, v13  }
0x265: {  	v15 =	vor.u32 v3, v15;
	s13 =	sadd.s32 $0x70, s0;
	v13 =	vor.u32 s26, v7;
	v17 =	vshll.u32 v12, $0x3;
	[tilespmem:v22+s17+$0x0] =	vst.idx.msk vm1, v0  }
.Ltmp28:
0x266: {  	v12 =	vshll.u32 v20, $0x3;
	[tilespmem:v14+s16+$0x0] =	vst.idx.msk vm2, v15;
	v15 =	vmov s13;
	(pc) =	sbr.rel @p1 .LBB2_34-.Ltmp28, $4  }
0x267: {  	vm1 =	vge.s32 v21, v10;
	[tilespmem:v14+s17+$0x0] =	vst.idx.msk vm2, v0;
	v14 =	vor.u32 v3, v16;
	v16 =	vshll.u32 v15, $0x3  }
0x268: {  	v15 =	vor.u32 s26, v8;
	[tilespmem:v19+s16+$0x0] =	vst.idx.msk vm3, v14;
	v14 =	vor.u32 v3, v12;
	v12 =	vor.u32 v3, v16  }
0x269: {  	vm2 =	vge.s32 v18, v10;
	v16 =	vor.u32 v3, v23;
	[tilespmem:v19+s17+$0x0] =	vst.idx.msk vm3, v0  }
0x26a: {  	s0 =	sadd.s32 $0x80, s0;
	v18 =	vmov s12;
	s12 =	sadd.s32 $0x8, s12;
	[tilespmem:v13+s16+$0x0] =	vst.idx.msk vm0, v16;
	v16 =	vor.u32 s26, v11  }
.LBB2_35:
0x26b: {  	_ =	sdelay $0x3  }
0x26c: {  	vm3 =	vge.s32 v18, v10  }
0x26d: {  	v10 =	vor.u32 v3, v17;
	v9 =	vor.u32 s26, v9;
	[tilespmem:v13+s17+$0x0] =	vst.idx.msk vm0, v0;
	s0 =	ssub.s32 s23, s29  }
0x26e: {  	[tilespmem:v15+s16+$0x0] =	vst.idx.msk vm1, v10;
	p1 =	seq.s32 s0, $0x1  }
.Ltmp29:
0x26f: {  	[tilespmem:v15+s17+$0x0] =	vst.idx.msk vm1, v0;
	(pc) =	sbr.rel @p1 .LBB2_37-.Ltmp29, $4  }
0x270: {  	[tilespmem:v16+s16+$0x0] =	vst.idx.msk vm2, v14  }
0x271: {  	[tilespmem:v16+s17+$0x0] =	vst.idx.msk vm2, v0  }
0x272: {  	s12 =	sand.u32 $0x1F80, s24;
	s15 =	smov.u32 s1;
	s0 =	sadd.s32 $0xFFFFFFFF, s0;
	[tilespmem:v9+s16+$0x0] =	vst.idx.msk vm3, v12  }
0x273: {  	s26 =	sadd.s32 $0x1D800, s12;
	s29 =	sadd.s32 $0x1B800, s12;
	s12 =	sadd.s32 $0x80, s24;
	[tilespmem:v9+s17+$0x0] =	vst.idx.msk vm3, v0  }
.LBB2_36:
0x274: {  	[spmem:s5] =	stream.indirect.scatter.add.f32 [tilespmem:s26], [sflag:$0x3], $0x1, s29, s14, $0xb8;
	[tilespmem:$0x1FC00] =	vst v63  }
0x275: {  	p1 =	seq.s32 s0, $0x1  }
.Ltmp30:
0x276: {  	s0 =	sadd.s32 $0xFFFFFFFF, s0;
	(pc) =	sbr.rel @!p1 .LBB2_36-.Ltmp30, $3  }
0x277: {  	_ =	sdelay $0x1  }
0x278: {  	s13 =	sand.u32 $0x1F80, s12  }
0x279: {  	s12 =	sadd.s32 $0x80, s12;
	s26 =	sadd.s32 $0x1D800, s13;
	s29 =	sadd.s32 $0x1B800, s13  }
.LBB2_37:
0x27a: {  	[spmem:s5] =	stream.indirect.scatter.add.f32 [tilespmem:s26], [sflag:$0x3], $0x1, s29, s14, $0xb8;
	[tilespmem:$0x1FC00] =	vst v63  }
.LBB2_38:
0x27b: {  	p1 =	sge.s32 s28, s23  }
.Ltmp31:
0x27c: {  	_ = 	snop;
	(pc) =	sbr.rel @p1 .LBB2_42-.Ltmp31, $1  }
0x27d: {  	_ =	sdelay $0x3  }
0x27e: {  	s30 =	smov.u32 @p0 s25  }
0x27f: {  	s0 =	ssub.s32 s23, s30  }
0x280: {  	p0 =	sne.s32 s0, $0x1  }
.Ltmp32:
0x281: {  	_ = 	snop;
	(pc) =	sbr.rel @!p0 .LBB2_41-.Ltmp32, $3  }
0x282: {  	_ =	sdelay $0x1  }
0x283: {  	_ =	swait.ge [sflag:s18], $0x80  }
0x284: {  	[sflag:s18] =	ssyncset.done $0x0;
	s0 =	sadd.s32 $0xFFFFFFFF, s0  }
.LBB2_40:
0x285: {  	p0 =	sne.s32 s0, $0x1;
	s0 =	sadd.s32 $0xFFFFFFFF, s0;
	[sflag:s18] =	ssyncadd.s32 $0xFFFFFF80  }
.Ltmp33:
0x286: {  	(pc) =	sbr.rel @p0 .LBB2_40-.Ltmp33, $3  }
0x287: {  	_ =	sdelay $0x1  }
0x288: {  	_ =	swait.ge [sflag:s18], $0x80  }
0x289: {  	[sflag:s18] =	ssyncset.done $0x0  }
.LBB2_41:
0x28a: {  	[sflag:s18] =	ssyncadd.s32 $0xFFFFFF80  }
.LBB2_42:
0x28b: {  	s0 =	smul.u32 $0x498000, s20;
	s12 =	rddreg [dreg:$0x7]  }
0x28c: {  	s12 =	sadd.s32 s12, s15  }
0x28d: {  	[bflag:$0x0] =	sbarrier.arrive $0xFFFF;
	s1 =	stileid.u32;
	s0 =	sadd.s32 s0, s12  }
0x28e: {  	s25 =	sshll.u32 s1, $0x6;
	s23 =	rddreg [dreg:$0xb];
	s0 =	sshrl.u32 s0, $0x3  }
0x28f: {  	s21 =	sor.u32 $0x1C03, s25;
	s26 =	sshrl.u32 s23, $0x3;
	s22 =	sadd.s32 s22, s0  }
0x290: {  	[hbm:s22], [sflag:s21] =	dma.local [spmem:s26], $0x80  }
0x291: {  	s24 =	rddreg [dreg:$0xd]  }
0x292: {  	s28 =	sadd.s32 $0x80, s22;
	s29 =	sshrl.u32 s24, $0x3  }
0x293: {  	[hbm:s28], [sflag:s21] =	dma.local [spmem:s29], $0x80  }
0x294: {  	s25 =	rddreg [dreg:$0xe]  }
0x295: {  	s30 =	sadd.s32 $0x100, s22;
	s31 =	sshrl.u32 s25, $0x3  }
0x296: {  	[hbm:s30], [sflag:s21] =	dma.local [spmem:s31], $0x80  }
0x297: {  	s26 =	rddreg [dreg:$0xf]  }
0x298: {  	s1 =	sadd.s32 $0x180, s22;
	s3 =	sshrl.u32 s26, $0x3  }
0x299: {  	[hbm:s1], [sflag:s21] =	dma.local [spmem:s3], $0x80  }
0x29a: {  	s28 =	rddreg [dreg:$0x10]  }
0x29b: {  	s6 =	sadd.s32 $0x200, s22;
	s7 =	sshrl.u32 s28, $0x3  }
0x29c: {  	[hbm:s6], [sflag:s21] =	dma.local [spmem:s7], $0x80  }
0x29d: {  	s29 =	rddreg [dreg:$0x11]  }
0x29e: {  	s8 =	sadd.s32 $0x280, s22;
	s9 =	sshrl.u32 s29, $0x3  }
0x29f: {  	[hbm:s8], [sflag:s21] =	dma.local [spmem:s9], $0x80  }
0x2a0: {  	s30 =	rddreg [dreg:$0x12]  }
0x2a1: {  	s12 =	sadd.s32 $0x300, s22;
	s13 =	sshrl.u32 s30, $0x3  }
0x2a2: {  	[hbm:s12], [sflag:s21] =	dma.local [spmem:s13], $0x80  }
0x2a3: {  	s31 =	rddreg [dreg:$0x13]  }
0x2a4: {  	s15 =	sadd.s32 $0x380, s22;
	s20 =	sshrl.u32 s31, $0x3  }
0x2a5: {  	[hbm:s15], [sflag:s21] =	dma.local [spmem:s20], $0x80  }
0x2a6: {  	s13 =	rddreg [dreg:$0x14]  }
0x2a7: {  	s1 =	sadd.s32 $0x400, s22;
	s3 =	sshrl.u32 s13, $0x3  }
0x2a8: {  	[hbm:s1], [sflag:s21] =	dma.local [spmem:s3], $0x80  }
0x2a9: {  	s15 =	rddreg [dreg:$0x15]  }
0x2aa: {  	s6 =	sadd.s32 $0x480, s22;
	s7 =	sshrl.u32 s15, $0x3  }
0x2ab: {  	[hbm:s6], [sflag:s21] =	dma.local [spmem:s7], $0x80  }
0x2ac: {  	s20 =	rddreg [dreg:$0x16]  }
0x2ad: {  	s8 =	sadd.s32 $0x500, s22;
	s9 =	sshrl.u32 s20, $0x3  }
0x2ae: {  	[hbm:s8], [sflag:s21] =	dma.local [spmem:s9], $0x80  }
0x2af: {  	s8 =	rddreg [dreg:$0x17]  }
0x2b0: {  	s1 =	sadd.s32 $0x580, s22;
	s3 =	sshrl.u32 s8, $0x3  }
0x2b1: {  	[hbm:s1], [sflag:s21] =	dma.local [spmem:s3], $0x80  }
0x2b2: {  	s9 =	rddreg [dreg:$0x18]  }
0x2b3: {  	s6 =	sadd.s32 $0x600, s22;
	s7 =	sshrl.u32 s9, $0x3  }
0x2b4: {  	[hbm:s6], [sflag:s21] =	dma.local [spmem:s7], $0x80  }
0x2b5: {  	s6 =	rddreg [dreg:$0x19]  }
0x2b6: {  	s12 =	sadd.s32 $0x680, s22;
	s1 =	sshrl.u32 s6, $0x3  }
0x2b7: {  	[hbm:s12], [sflag:s21] =	dma.local [spmem:s1], $0x80  }
0x2b8: {  	s1 =	rddreg [dreg:$0x1a]  }
0x2b9: {  	s3 =	sadd.s32 $0x700, s22;
	s7 =	sshrl.u32 s1, $0x3  }
0x2ba: {  	[hbm:s3], [sflag:s21] =	dma.local [spmem:s7], $0x80  }
0x2bb: {  	s3 =	rddreg [dreg:$0x1b]  }
0x2bc: {  	s12 =	sadd.s32 $0x780, s22;
	s7 =	sshrl.u32 s3, $0x3  }
0x2bd: {  	[hbm:s12], [sflag:s21] =	dma.local [spmem:s7], $0x80  }
0x2be: {  	s12 =	rddreg [dreg:$0x1c]  }
0x2bf: {  	s0 =	sadd.s32 $0x800, s22;
	s7 =	sshrl.u32 s12, $0x3  }
0x2c0: {  	[hbm:s0], [sflag:s21] =	dma.local [spmem:s7], $0x80  }
0x2c1: {  	s12 =	rddreg [dreg:$0x1d]  }
0x2c2: {  	s0 =	sadd.s32 $0x880, s22;
	s7 =	sshrl.u32 s12, $0x3  }
0x2c3: {  	[hbm:s0], [sflag:s21] =	dma.local [spmem:s7], $0x80  }
0x2c4: {  	s12 =	rddreg [dreg:$0x1e]  }
0x2c5: {  	s0 =	sadd.s32 $0x900, s22;
	s7 =	sshrl.u32 s12, $0x3  }
0x2c6: {  	[hbm:s0], [sflag:s21] =	dma.local [spmem:s7], $0x80  }
0x2c7: {  	s12 =	rddreg [dreg:$0x1f]  }
0x2c8: {  	s0 =	sadd.s32 $0x980, s22;
	s7 =	sshrl.u32 s12, $0x3  }
0x2c9: {  	[hbm:s0], [sflag:s21] =	dma.local [spmem:s7], $0x80  }
0x2ca: {  	s12 =	sld [smem:$0x7B0];
	_ =	sdelay $0x2  }
0x2cb: {  	s0 =	sadd.s32 $0xA00, s22;
	s7 =	sshrl.u32 s12, $0x3  }
0x2cc: {  	[hbm:s0], [sflag:s21] =	dma.local [spmem:s7], $0x80  }
0x2cd: {  	s12 =	sld [smem:$0x7B1];
	_ =	sdelay $0x2  }
0x2ce: {  	s0 =	sadd.s32 $0xA80, s22;
	s7 =	sshrl.u32 s12, $0x3  }
0x2cf: {  	[hbm:s0], [sflag:s21] =	dma.local [spmem:s7], $0x80  }
0x2d0: {  	s12 =	sld [smem:$0x7B2];
	_ =	sdelay $0x2  }
0x2d1: {  	s0 =	sadd.s32 $0xB00, s22;
	s7 =	sshrl.u32 s12, $0x3  }
0x2d2: {  	[hbm:s0], [sflag:s21] =	dma.local [spmem:s7], $0x80  }
0x2d3: {  	s12 =	sld [smem:$0x7B3];
	_ =	sdelay $0x2  }
0x2d4: {  	s0 =	sadd.s32 $0xB80, s22;
	s7 =	sshrl.u32 s12, $0x3  }
0x2d5: {  	[hbm:s0], [sflag:s21] =	dma.local [spmem:s7], $0x80  }
0x2d6: {  	s12 =	sld [smem:$0x7B4];
	_ =	sdelay $0x2  }
0x2d7: {  	s0 =	sadd.s32 $0xC00, s22;
	s7 =	sshrl.u32 s12, $0x3  }
0x2d8: {  	[hbm:s0], [sflag:s21] =	dma.local [spmem:s7], $0x80  }
0x2d9: {  	s12 =	sld [smem:$0x7B5];
	_ =	sdelay $0x2  }
0x2da: {  	s0 =	sadd.s32 $0xC80, s22;
	s7 =	sshrl.u32 s12, $0x3  }
0x2db: {  	[hbm:s0], [sflag:s21] =	dma.local [spmem:s7], $0x80  }
0x2dc: {  	s12 =	sld [smem:$0x7B6];
	_ =	sdelay $0x2  }
0x2dd: {  	s0 =	sadd.s32 $0xD00, s22;
	s7 =	sshrl.u32 s12, $0x3  }
0x2de: {  	[hbm:s0], [sflag:s21] =	dma.local [spmem:s7], $0x80  }
0x2df: {  	s7 =	sld [smem:$0x7B7];
	_ =	sdelay $0x2  }
0x2e0: {  	s12 =	sadd.s32 $0xD80, s22;
	s3 =	sshrl.u32 s7, $0x3  }
0x2e1: {  	[hbm:s12], [sflag:s21] =	dma.local [spmem:s3], $0x80  }
0x2e2: {  	_ =	swait.ge [sflag:s18], $0x80  }
0x2e3: {  	[sflag:s18] =	ssyncset.done $0x0  }
0x2e4: {  	[sflag:s18] =	ssyncadd.s32 $0xFFFFFF80  }
0x2e5: {  	_ =	swait.ge [sflag:s18], $0x80  }
0x2e6: {  	[sflag:s18] =	ssyncset.done $0x0  }
0x2e7: {  	[sflag:s18] =	ssyncadd.s32 $0xFFFFFF80  }
0x2e8: {  	_ =	swait.ge [sflag:s18], $0x80  }
0x2e9: {  	[sflag:s18] =	ssyncset.done $0x0  }
0x2ea: {  	[sflag:s18] =	ssyncadd.s32 $0xFFFFFF80  }
0x2eb: {  	_ =	swait.ge [sflag:s18], $0x80  }
0x2ec: {  	[sflag:s18] =	ssyncset.done $0x0  }
0x2ed: {  	[sflag:s18] =	ssyncadd.s32 $0xFFFFFF80  }
0x2ee: {  	_ =	swait.ge [sflag:s18], $0x80  }
0x2ef: {  	[sflag:s18] =	ssyncset.done $0x0  }
0x2f0: {  	[sflag:s18] =	ssyncadd.s32 $0xFFFFFF80  }
0x2f1: {  	_ =	swait.ge [sflag:s18], $0x80  }
0x2f2: {  	[sflag:s18] =	ssyncset.done $0x0  }
0x2f3: {  	[sflag:s18] =	ssyncadd.s32 $0xFFFFFF80  }
0x2f4: {  	_ =	swait.ge [sflag:s18], $0x80  }
0x2f5: {  	[sflag:s18] =	ssyncset.done $0x0  }
0x2f6: {  	[sflag:s18] =	ssyncadd.s32 $0xFFFFFF80  }
0x2f7: {  	_ =	swait.ge [sflag:s18], $0x80  }
0x2f8: {  	[sflag:s18] =	ssyncset.done $0x0  }
0x2f9: {  	[sflag:s18] =	ssyncadd.s32 $0xFFFFFF80  }
0x2fa: {  	_ =	swait.ge [sflag:s18], $0x80  }
0x2fb: {  	[sflag:s18] =	ssyncset.done $0x0  }
0x2fc: {  	[sflag:s18] =	ssyncadd.s32 $0xFFFFFF80  }
0x2fd: {  	_ =	swait.ge [sflag:s18], $0x80  }
0x2fe: {  	[sflag:s18] =	ssyncset.done $0x0  }
0x2ff: {  	[sflag:s18] =	ssyncadd.s32 $0xFFFFFF80  }
0x300: {  	_ =	swait.ge [sflag:s18], $0x80  }
0x301: {  	[sflag:s18] =	ssyncset.done $0x0  }
0x302: {  	[sflag:s18] =	ssyncadd.s32 $0xFFFFFF80  }
0x303: {  	_ =	swait.ge [sflag:s18], $0x80  }
0x304: {  	[sflag:s18] =	ssyncset.done $0x0  }
0x305: {  	[sflag:s18] =	ssyncadd.s32 $0xFFFFFF80  }
0x306: {  	_ =	swait.ge [sflag:s18], $0x80  }
0x307: {  	[sflag:s18] =	ssyncset.done $0x0  }
0x308: {  	[sflag:s18] =	ssyncadd.s32 $0xFFFFFF80  }
0x309: {  	_ =	swait.ge [sflag:s18], $0x80  }
0x30a: {  	[sflag:s18] =	ssyncset.done $0x0  }
0x30b: {  	[sflag:s18] =	ssyncadd.s32 $0xFFFFFF80  }
0x30c: {  	[spmem:s23] =	stream.linear.scatter [tilespmem:s4], [sflag:$0x4], $0x400, $0x38;
	[tilespmem:$0x1FC00] =	vst v63  }
0x30d: {  	_ = 	snop  }
0x30e: {  	[spmem:s24] =	stream.linear.scatter [tilespmem:s4], [sflag:$0x4], $0x400, $0x38;
	[tilespmem:$0x1FC00] =	vst v63  }
0x30f: {  	_ = 	snop  }
0x310: {  	[spmem:s25] =	stream.linear.scatter [tilespmem:s4], [sflag:$0x4], $0x400, $0x38;
	[tilespmem:$0x1FC00] =	vst v63  }
0x311: {  	_ = 	snop  }
0x312: {  	[spmem:s26] =	stream.linear.scatter [tilespmem:s4], [sflag:$0x4], $0x400, $0x38;
	[tilespmem:$0x1FC00] =	vst v63  }
0x313: {  	_ = 	snop  }
0x314: {  	[spmem:s28] =	stream.linear.scatter [tilespmem:s4], [sflag:$0x4], $0x400, $0x38;
	[tilespmem:$0x1FC00] =	vst v63  }
0x315: {  	_ = 	snop  }
0x316: {  	[spmem:s29] =	stream.linear.scatter [tilespmem:s4], [sflag:$0x4], $0x400, $0x38;
	[tilespmem:$0x1FC00] =	vst v63  }
0x317: {  	_ = 	snop  }
0x318: {  	[spmem:s30] =	stream.linear.scatter [tilespmem:s4], [sflag:$0x4], $0x400, $0x38;
	[tilespmem:$0x1FC00] =	vst v63  }
0x319: {  	_ = 	snop  }
0x31a: {  	[spmem:s31] =	stream.linear.scatter [tilespmem:s4], [sflag:$0x4], $0x400, $0x38;
	[tilespmem:$0x1FC00] =	vst v63  }
0x31b: {  	_ = 	snop  }
0x31c: {  	[spmem:s13] =	stream.linear.scatter [tilespmem:s4], [sflag:$0x4], $0x400, $0x38;
	[tilespmem:$0x1FC00] =	vst v63  }
0x31d: {  	_ = 	snop  }
0x31e: {  	[spmem:s15] =	stream.linear.scatter [tilespmem:s4], [sflag:$0x4], $0x400, $0x38;
	[tilespmem:$0x1FC00] =	vst v63  }
0x31f: {  	_ = 	snop  }
0x320: {  	[spmem:s20] =	stream.linear.scatter [tilespmem:s4], [sflag:$0x4], $0x400, $0x38;
	[tilespmem:$0x1FC00] =	vst v63  }
0x321: {  	s3 =	sld [smem:$0x7B8]  }
0x322: {  	[spmem:s8] =	stream.linear.scatter [tilespmem:s4], [sflag:$0x4], $0x400, $0x38;
	[tilespmem:$0x1FC00] =	vst v63  }
0x323: {  	_ = 	snop  }
0x324: {  	[spmem:s9] =	stream.linear.scatter [tilespmem:s4], [sflag:$0x4], $0x400, $0x38;
	[tilespmem:$0x1FC00] =	vst v63  }
0x325: {  	s13 =	sadd.s32 $0xE00, s22;
	s15 =	sshrl.u32 s3, $0x3  }
0x326: {  	[spmem:s6] =	stream.linear.scatter [tilespmem:s4], [sflag:$0x4], $0x400, $0x38;
	[tilespmem:$0x1FC00] =	vst v63  }
0x327: {  	[hbm:s13], [sflag:s21] =	dma.local [spmem:s15], $0x80  }
0x328: {  	s15 =	sld [smem:$0x7B9];
	_ =	sdelay $0x2  }
0x329: {  	s20 =	sadd.s32 $0xE80, s22;
	s23 =	sshrl.u32 s15, $0x3  }
0x32a: {  	[hbm:s20], [sflag:s21] =	dma.local [spmem:s23], $0x80  }
0x32b: {  	s25 =	sld [smem:$0x7BA];
	_ =	sdelay $0x2  }
0x32c: {  	s24 =	sadd.s32 $0xF00, s22;
	s26 =	sshrl.u32 s25, $0x3  }
0x32d: {  	[hbm:s24], [sflag:s21] =	dma.local [spmem:s26], $0x80  }
0x32e: {  	s29 =	sld [smem:$0x7BB];
	_ =	sdelay $0x2  }
0x32f: {  	s28 =	sadd.s32 $0xF80, s22;
	s30 =	sshrl.u32 s29, $0x3  }
0x330: {  	[hbm:s28], [sflag:s21] =	dma.local [spmem:s30], $0x80  }
0x331: {  	s8 =	sld [smem:$0x7BC];
	_ =	sdelay $0x2  }
0x332: {  	s31 =	sadd.s32 $0x1000, s22;
	s9 =	sshrl.u32 s8, $0x3  }
0x333: {  	[hbm:s31], [sflag:s21] =	dma.local [spmem:s9], $0x80  }
0x334: {  	s13 =	sld [smem:$0x7BD];
	_ =	sdelay $0x2  }
0x335: {  	s12 =	sadd.s32 $0x1080, s22;
	s20 =	sshrl.u32 s13, $0x3  }
0x336: {  	[hbm:s12], [sflag:s21] =	dma.local [spmem:s20], $0x80  }
0x337: {  	s8 =	sld [smem:$0x7BE];
	_ =	sdelay $0x2  }
0x338: {  	s23 =	sadd.s32 $0x1100, s22;
	s24 =	sshrl.u32 s8, $0x3  }
0x339: {  	[hbm:s23], [sflag:s21] =	dma.local [spmem:s24], $0x80  }
0x33a: {  	s20 =	sld [smem:$0x7BF];
	_ =	sdelay $0x2  }
0x33b: {  	s25 =	sadd.s32 $0x1180, s22;
	s26 =	sshrl.u32 s20, $0x3  }
0x33c: {  	[hbm:s25], [sflag:s21] =	dma.local [spmem:s26], $0x80  }
0x33d: {  	s25 =	sld [smem:$0x7C0];
	_ =	sdelay $0x2  }
0x33e: {  	s28 =	sadd.s32 $0x1200, s22;
	s29 =	sshrl.u32 s25, $0x3  }
0x33f: {  	[hbm:s28], [sflag:s21] =	dma.local [spmem:s29], $0x80  }
0x340: {  	s26 =	sld [smem:$0x7C1];
	_ =	sdelay $0x2  }
0x341: {  	s30 =	sadd.s32 $0x1280, s22;
	s31 =	sshrl.u32 s26, $0x3  }
0x342: {  	[hbm:s30], [sflag:s21] =	dma.local [spmem:s31], $0x80  }
0x343: {  	s28 =	sld [smem:$0x7C2];
	_ =	sdelay $0x2  }
0x344: {  	s6 =	sadd.s32 $0x1300, s22;
	s9 =	sshrl.u32 s28, $0x3  }
0x345: {  	[hbm:s6], [sflag:s21] =	dma.local [spmem:s9], $0x80  }
0x346: {  	s29 =	sld [smem:$0x7C3];
	_ =	sdelay $0x2  }
0x347: {  	s13 =	sadd.s32 $0x1380, s22;
	s23 =	sshrl.u32 s29, $0x3  }
0x348: {  	[hbm:s13], [sflag:s21] =	dma.local [spmem:s23], $0x80  }
0x349: {  	s30 =	sld [smem:$0x7C4];
	_ =	sdelay $0x2  }
0x34a: {  	s24 =	sadd.s32 $0x1400, s22;
	s31 =	sshrl.u32 s30, $0x3  }
0x34b: {  	[hbm:s24], [sflag:s21] =	dma.local [spmem:s31], $0x80  }
0x34c: {  	s31 =	sld [smem:$0x7C5];
	_ =	sdelay $0x2  }
0x34d: {  	s6 =	sadd.s32 $0x1480, s22;
	s9 =	sshrl.u32 s31, $0x3  }
0x34e: {  	[hbm:s6], [sflag:s21] =	dma.local [spmem:s9], $0x80  }
0x34f: {  	_ =	swait.ge [sflag:s18], $0x80  }
0x350: {  	[sflag:s18] =	ssyncset.done $0x0  }
0x351: {  	[sflag:s18] =	ssyncadd.s32 $0xFFFFFF80  }
0x352: {  	_ =	swait.ge [sflag:s18], $0x80  }
0x353: {  	[sflag:s18] =	ssyncset.done $0x0  }
0x354: {  	[sflag:s18] =	ssyncadd.s32 $0xFFFFFF80  }
0x355: {  	_ =	swait.ge [sflag:s18], $0x80  }
0x356: {  	[sflag:s18] =	ssyncset.done $0x0  }
0x357: {  	[sflag:s18] =	ssyncadd.s32 $0xFFFFFF80  }
0x358: {  	_ =	swait.ge [sflag:s18], $0x80  }
0x359: {  	[sflag:s18] =	ssyncset.done $0x0  }
0x35a: {  	[sflag:s18] =	ssyncadd.s32 $0xFFFFFF80  }
0x35b: {  	_ =	swait.ge [sflag:s18], $0x80  }
0x35c: {  	[sflag:s18] =	ssyncset.done $0x0  }
0x35d: {  	[sflag:s18] =	ssyncadd.s32 $0xFFFFFF80  }
0x35e: {  	_ =	swait.ge [sflag:s18], $0x80  }
0x35f: {  	[sflag:s18] =	ssyncset.done $0x0  }
0x360: {  	[sflag:s18] =	ssyncadd.s32 $0xFFFFFF80  }
0x361: {  	_ =	swait.ge [sflag:s18], $0x80  }
0x362: {  	[sflag:s18] =	ssyncset.done $0x0  }
0x363: {  	[sflag:s18] =	ssyncadd.s32 $0xFFFFFF80  }
0x364: {  	_ =	swait.ge [sflag:s18], $0x80  }
0x365: {  	[sflag:s18] =	ssyncset.done $0x0  }
0x366: {  	[sflag:s18] =	ssyncadd.s32 $0xFFFFFF80  }
0x367: {  	_ =	swait.ge [sflag:s18], $0x80  }
0x368: {  	[sflag:s18] =	ssyncset.done $0x0  }
0x369: {  	[sflag:s18] =	ssyncadd.s32 $0xFFFFFF80  }
0x36a: {  	_ =	swait.ge [sflag:s18], $0x80  }
0x36b: {  	[sflag:s18] =	ssyncset.done $0x0  }
0x36c: {  	[sflag:s18] =	ssyncadd.s32 $0xFFFFFF80  }
0x36d: {  	_ =	swait.ge [sflag:s18], $0x80  }
0x36e: {  	[sflag:s18] =	ssyncset.done $0x0  }
0x36f: {  	[sflag:s18] =	ssyncadd.s32 $0xFFFFFF80  }
0x370: {  	_ =	swait.ge [sflag:s18], $0x80  }
0x371: {  	[sflag:s18] =	ssyncset.done $0x0  }
0x372: {  	[sflag:s18] =	ssyncadd.s32 $0xFFFFFF80  }
0x373: {  	_ =	swait.ge [sflag:s18], $0x80  }
0x374: {  	[sflag:s18] =	ssyncset.done $0x0  }
0x375: {  	[sflag:s18] =	ssyncadd.s32 $0xFFFFFF80  }
0x376: {  	_ =	swait.ge [sflag:s18], $0x80  }
0x377: {  	[sflag:s18] =	ssyncset.done $0x0  }
0x378: {  	s12 =	rddreg [dreg:$0x1b];
	[sflag:s18] =	ssyncadd.s32 $0xFFFFFF80  }
0x379: {  	[spmem:s1] =	stream.linear.scatter [tilespmem:s4], [sflag:$0x4], $0x400, $0x38;
	[tilespmem:$0x1FC00] =	vst v63  }
0x37a: {  	s13 =	rddreg [dreg:$0x1c]  }
0x37b: {  	[spmem:s12] =	stream.linear.scatter [tilespmem:s4], [sflag:$0x4], $0x400, $0x38;
	[tilespmem:$0x1FC00] =	vst v63  }
0x37c: {  	s23 =	rddreg [dreg:$0x1d]  }
0x37d: {  	[spmem:s13] =	stream.linear.scatter [tilespmem:s4], [sflag:$0x4], $0x400, $0x38;
	[tilespmem:$0x1FC00] =	vst v63  }
0x37e: {  	s24 =	rddreg [dreg:$0x1e]  }
0x37f: {  	[spmem:s23] =	stream.linear.scatter [tilespmem:s4], [sflag:$0x4], $0x400, $0x38;
	[tilespmem:$0x1FC00] =	vst v63  }
0x380: {  	s6 =	sld [smem:$0x7B0]  }
0x381: {  	[spmem:s24] =	stream.linear.scatter [tilespmem:s4], [sflag:$0x4], $0x400, $0x38;
	[tilespmem:$0x1FC00] =	vst v63  }
0x382: {  	s1 =	rddreg [dreg:$0x1f]  }
0x383: {  	[spmem:s1] =	stream.linear.scatter [tilespmem:s4], [sflag:$0x4], $0x400, $0x38;
	[tilespmem:$0x1FC00] =	vst v63  }
0x384: {  	s9 =	sld [smem:$0x7B1]  }
0x385: {  	[spmem:s6] =	stream.linear.scatter [tilespmem:s4], [sflag:$0x4], $0x400, $0x38;
	[tilespmem:$0x1FC00] =	vst v63  }
0x386: {  	s12 =	sld [smem:$0x7B2]  }
0x387: {  	[spmem:s9] =	stream.linear.scatter [tilespmem:s4], [sflag:$0x4], $0x400, $0x38;
	[tilespmem:$0x1FC00] =	vst v63  }
0x388: {  	s13 =	sld [smem:$0x7B3]  }
0x389: {  	[spmem:s12] =	stream.linear.scatter [tilespmem:s4], [sflag:$0x4], $0x400, $0x38;
	[tilespmem:$0x1FC00] =	vst v63  }
0x38a: {  	s23 =	sld [smem:$0x7B4]  }
0x38b: {  	[spmem:s13] =	stream.linear.scatter [tilespmem:s4], [sflag:$0x4], $0x400, $0x38;
	[tilespmem:$0x1FC00] =	vst v63  }
0x38c: {  	s24 =	sld [smem:$0x7B5]  }
0x38d: {  	[spmem:s23] =	stream.linear.scatter [tilespmem:s4], [sflag:$0x4], $0x400, $0x38;
	[tilespmem:$0x1FC00] =	vst v63  }
0x38e: {  	s1 =	sld [smem:$0x7B6]  }
0x38f: {  	[spmem:s24] =	stream.linear.scatter [tilespmem:s4], [sflag:$0x4], $0x400, $0x38;
	[tilespmem:$0x1FC00] =	vst v63  }
0x390: {  	_ = 	snop  }
0x391: {  	[spmem:s1] =	stream.linear.scatter [tilespmem:s4], [sflag:$0x4], $0x400, $0x38;
	[tilespmem:$0x1FC00] =	vst v63  }
0x392: {  	s1 =	sld [smem:$0x7C6];
	_ =	sdelay $0x1  }
0x393: {  	[spmem:s7] =	stream.linear.scatter [tilespmem:s4], [sflag:$0x4], $0x400, $0x38;
	[tilespmem:$0x1FC00] =	vst v63  }
0x394: {  	s6 =	sadd.s32 $0x1500, s22;
	s7 =	sshrl.u32 s1, $0x3  }
0x395: {  	[hbm:s6], [sflag:s21] =	dma.local [spmem:s7], $0x80  }
0x396: {  	s12 =	sld [smem:$0x7C7];
	_ =	sdelay $0x2  }
0x397: {  	s9 =	sadd.s32 $0x1580, s22;
	s13 =	sshrl.u32 s12, $0x3  }
0x398: {  	[hbm:s9], [sflag:s21] =	dma.local [spmem:s13], $0x80  }
0x399: {  	s24 =	sld [smem:$0x7C8];
	_ =	sdelay $0x2  }
0x39a: {  	s23 =	sadd.s32 $0x1600, s22;
	s7 =	sshrl.u32 s24, $0x3  }
0x39b: {  	[hbm:s23], [sflag:s21] =	dma.local [spmem:s7], $0x80  }
0x39c: {  	s12 =	sld [smem:$0x7C9];
	_ =	sdelay $0x2  }
0x39d: {  	s9 =	sadd.s32 $0x1680, s22;
	s13 =	sshrl.u32 s12, $0x3  }
0x39e: {  	[hbm:s9], [sflag:s21] =	dma.local [spmem:s13], $0x80  }
0x39f: {  	s24 =	sld [smem:$0x7CA];
	_ =	sdelay $0x2  }
0x3a0: {  	s23 =	sadd.s32 $0x1700, s22;
	s7 =	sshrl.u32 s24, $0x3  }
0x3a1: {  	[hbm:s23], [sflag:s21] =	dma.local [spmem:s7], $0x80  }
0x3a2: {  	s12 =	sld [smem:$0x7CB];
	_ =	sdelay $0x2  }
0x3a3: {  	s9 =	sadd.s32 $0x1780, s22;
	s13 =	sshrl.u32 s12, $0x3  }
0x3a4: {  	[hbm:s9], [sflag:s21] =	dma.local [spmem:s13], $0x80  }
0x3a5: {  	s24 =	sld [smem:$0x7CC];
	_ =	sdelay $0x2  }
0x3a6: {  	s23 =	sadd.s32 $0x1800, s22;
	s7 =	sshrl.u32 s24, $0x3  }
0x3a7: {  	[hbm:s23], [sflag:s21] =	dma.local [spmem:s7], $0x80  }
0x3a8: {  	s12 =	sld [smem:$0x7CD];
	_ =	sdelay $0x2  }
0x3a9: {  	s9 =	sadd.s32 $0x1880, s22;
	s13 =	sshrl.u32 s12, $0x3  }
0x3aa: {  	[hbm:s9], [sflag:s21] =	dma.local [spmem:s13], $0x80  }
0x3ab: {  	s24 =	sld [smem:$0x7CE];
	_ =	sdelay $0x2  }
0x3ac: {  	s23 =	sadd.s32 $0x1900, s22;
	s6 =	sshrl.u32 s24, $0x3  }
0x3ad: {  	[hbm:s23], [sflag:s21] =	dma.local [spmem:s6], $0x80  }
0x3ae: {  	s24 =	sld [smem:$0x7CF];
	_ =	sdelay $0x2  }
0x3af: {  	s7 =	sadd.s32 $0x1980, s22;
	s9 =	sshrl.u32 s24, $0x3  }
0x3b0: {  	[hbm:s7], [sflag:s21] =	dma.local [spmem:s9], $0x80  }
0x3b1: {  	s23 =	sld [smem:$0x7D0];
	_ =	sdelay $0x2  }
0x3b2: {  	s13 =	sadd.s32 $0x1A00, s22;
	s6 =	sshrl.u32 s23, $0x3  }
0x3b3: {  	[hbm:s13], [sflag:s21] =	dma.local [spmem:s6], $0x80  }
0x3b4: {  	s13 =	sld [smem:$0x7D1];
	_ =	sdelay $0x2  }
0x3b5: {  	s7 =	sadd.s32 $0x1A80, s22;
	s9 =	sshrl.u32 s13, $0x3  }
0x3b6: {  	[hbm:s7], [sflag:s21] =	dma.local [spmem:s9], $0x80  }
0x3b7: {  	s9 =	sld [smem:$0x7D2];
	_ =	sdelay $0x2  }
0x3b8: {  	s6 =	sadd.s32 $0x1B00, s22;
	s7 =	sshrl.u32 s9, $0x3  }
0x3b9: {  	[hbm:s6], [sflag:s21] =	dma.local [spmem:s7], $0x80  }
0x3ba: {  	s6 =	sld [smem:$0x7D3];
	_ =	sdelay $0x2  }
0x3bb: {  	s12 =	sadd.s32 $0x1B80, s22;
	s7 =	sshrl.u32 s6, $0x3  }
0x3bc: {  	[hbm:s12], [sflag:s21] =	dma.local [spmem:s7], $0x80  }
0x3bd: {  	_ =	swait.ge [sflag:s18], $0x80  }
0x3be: {  	[sflag:s18] =	ssyncset.done $0x0  }
0x3bf: {  	[sflag:s18] =	ssyncadd.s32 $0xFFFFFF80  }
0x3c0: {  	_ =	swait.ge [sflag:s18], $0x80  }
0x3c1: {  	[sflag:s18] =	ssyncset.done $0x0  }
0x3c2: {  	[sflag:s18] =	ssyncadd.s32 $0xFFFFFF80  }
0x3c3: {  	_ =	swait.ge [sflag:s18], $0x80  }
0x3c4: {  	[sflag:s18] =	ssyncset.done $0x0  }
0x3c5: {  	[sflag:s18] =	ssyncadd.s32 $0xFFFFFF80  }
0x3c6: {  	_ =	swait.ge [sflag:s18], $0x80  }
0x3c7: {  	[sflag:s18] =	ssyncset.done $0x0  }
0x3c8: {  	[sflag:s18] =	ssyncadd.s32 $0xFFFFFF80  }
0x3c9: {  	_ =	swait.ge [sflag:s18], $0x80  }
0x3ca: {  	[sflag:s18] =	ssyncset.done $0x0  }
0x3cb: {  	[sflag:s18] =	ssyncadd.s32 $0xFFFFFF80  }
0x3cc: {  	_ =	swait.ge [sflag:s18], $0x80  }
0x3cd: {  	[sflag:s18] =	ssyncset.done $0x0  }
0x3ce: {  	[sflag:s18] =	ssyncadd.s32 $0xFFFFFF80  }
0x3cf: {  	_ =	swait.ge [sflag:s18], $0x80  }
0x3d0: {  	[sflag:s18] =	ssyncset.done $0x0  }
0x3d1: {  	[sflag:s18] =	ssyncadd.s32 $0xFFFFFF80  }
0x3d2: {  	_ =	swait.ge [sflag:s18], $0x80  }
0x3d3: {  	[sflag:s18] =	ssyncset.done $0x0  }
0x3d4: {  	[sflag:s18] =	ssyncadd.s32 $0xFFFFFF80  }
0x3d5: {  	_ =	swait.ge [sflag:s18], $0x80  }
0x3d6: {  	[sflag:s18] =	ssyncset.done $0x0  }
0x3d7: {  	[sflag:s18] =	ssyncadd.s32 $0xFFFFFF80  }
0x3d8: {  	_ =	swait.ge [sflag:s18], $0x80  }
0x3d9: {  	[sflag:s18] =	ssyncset.done $0x0  }
0x3da: {  	[sflag:s18] =	ssyncadd.s32 $0xFFFFFF80  }
0x3db: {  	_ =	swait.ge [sflag:s18], $0x80  }
0x3dc: {  	[sflag:s18] =	ssyncset.done $0x0  }
0x3dd: {  	[sflag:s18] =	ssyncadd.s32 $0xFFFFFF80  }
0x3de: {  	_ =	swait.ge [sflag:s18], $0x80  }
0x3df: {  	[sflag:s18] =	ssyncset.done $0x0  }
0x3e0: {  	[sflag:s18] =	ssyncadd.s32 $0xFFFFFF80  }
0x3e1: {  	_ =	swait.ge [sflag:s18], $0x80  }
0x3e2: {  	[sflag:s18] =	ssyncset.done $0x0  }
0x3e3: {  	[sflag:s18] =	ssyncadd.s32 $0xFFFFFF80  }
0x3e4: {  	_ =	swait.ge [sflag:s18], $0x80  }
0x3e5: {  	[sflag:s18] =	ssyncset.done $0x0  }
0x3e6: {  	[sflag:s18] =	ssyncadd.s32 $0xFFFFFF80  }
0x3e7: {  	[spmem:s3] =	stream.linear.scatter [tilespmem:s4], [sflag:$0x4], $0x400, $0x38;
	[tilespmem:$0x1FC00] =	vst v63  }
0x3e8: {  	s3 =	sld [smem:$0x7BA]  }
0x3e9: {  	[spmem:s15] =	stream.linear.scatter [tilespmem:s4], [sflag:$0x4], $0x400, $0x38;
	[tilespmem:$0x1FC00] =	vst v63  }
0x3ea: {  	s7 =	sld [smem:$0x7BB]  }
0x3eb: {  	[spmem:s3] =	stream.linear.scatter [tilespmem:s4], [sflag:$0x4], $0x400, $0x38;
	[tilespmem:$0x1FC00] =	vst v63  }
0x3ec: {  	s12 =	sld [smem:$0x7BC]  }
0x3ed: {  	[spmem:s7] =	stream.linear.scatter [tilespmem:s4], [sflag:$0x4], $0x400, $0x38;
	[tilespmem:$0x1FC00] =	vst v63  }
0x3ee: {  	s15 =	sld [smem:$0x7BD]  }
0x3ef: {  	[spmem:s12] =	stream.linear.scatter [tilespmem:s4], [sflag:$0x4], $0x400, $0x38;
	[tilespmem:$0x1FC00] =	vst v63  }
0x3f0: {  	_ = 	snop  }
0x3f1: {  	[spmem:s15] =	stream.linear.scatter [tilespmem:s4], [sflag:$0x4], $0x400, $0x38;
	[tilespmem:$0x1FC00] =	vst v63  }
0x3f2: {  	_ = 	snop  }
0x3f3: {  	[spmem:s8] =	stream.linear.scatter [tilespmem:s4], [sflag:$0x4], $0x400, $0x38;
	[tilespmem:$0x1FC00] =	vst v63  }
0x3f4: {  	_ = 	snop  }
0x3f5: {  	[spmem:s20] =	stream.linear.scatter [tilespmem:s4], [sflag:$0x4], $0x400, $0x38;
	[tilespmem:$0x1FC00] =	vst v63  }
0x3f6: {  	_ = 	snop  }
0x3f7: {  	[spmem:s25] =	stream.linear.scatter [tilespmem:s4], [sflag:$0x4], $0x400, $0x38;
	[tilespmem:$0x1FC00] =	vst v63  }
0x3f8: {  	_ = 	snop  }
0x3f9: {  	[spmem:s26] =	stream.linear.scatter [tilespmem:s4], [sflag:$0x4], $0x400, $0x38;
	[tilespmem:$0x1FC00] =	vst v63  }
0x3fa: {  	_ = 	snop  }
0x3fb: {  	[spmem:s28] =	stream.linear.scatter [tilespmem:s4], [sflag:$0x4], $0x400, $0x38;
	[tilespmem:$0x1FC00] =	vst v63  }
0x3fc: {  	s3 =	sld [smem:$0x7D4]  }
0x3fd: {  	[spmem:s29] =	stream.linear.scatter [tilespmem:s4], [sflag:$0x4], $0x400, $0x38;
	[tilespmem:$0x1FC00] =	vst v63  }
0x3fe: {  	_ = 	snop  }
0x3ff: {  	[spmem:s30] =	stream.linear.scatter [tilespmem:s4], [sflag:$0x4], $0x400, $0x38;
	[tilespmem:$0x1FC00] =	vst v63  }
0x400: {  	s20 =	sadd.s32 $0x1C00, s22;
	s25 =	sshrl.u32 s3, $0x3  }
0x401: {  	[spmem:s31] =	stream.linear.scatter [tilespmem:s4], [sflag:$0x4], $0x400, $0x38;
	[tilespmem:$0x1FC00] =	vst v63  }
0x402: {  	[hbm:s20], [sflag:s21] =	dma.local [spmem:s25], $0x80  }
0x403: {  	s28 =	sld [smem:$0x7D5];
	_ =	sdelay $0x2  }
0x404: {  	s26 =	sadd.s32 $0x1C80, s22;
	s29 =	sshrl.u32 s28, $0x3  }
0x405: {  	[hbm:s26], [sflag:s21] =	dma.local [spmem:s29], $0x80  }
0x406: {  	s31 =	sld [smem:$0x7D6];
	_ =	sdelay $0x2  }
0x407: {  	s30 =	sadd.s32 $0x1D00, s22;
	s8 =	sshrl.u32 s31, $0x3  }
0x408: {  	[hbm:s30], [sflag:s21] =	dma.local [spmem:s8], $0x80  }
0x409: {  	s15 =	sld [smem:$0x7D7];
	_ =	sdelay $0x2  }
0x40a: {  	s12 =	sadd.s32 $0x1D80, s22;
	s20 =	sshrl.u32 s15, $0x3  }
0x40b: {  	[hbm:s12], [sflag:s21] =	dma.local [spmem:s20], $0x80  }
0x40c: {  	s26 =	sld [smem:$0x7D8];
	_ =	sdelay $0x2  }
0x40d: {  	s25 =	sadd.s32 $0x1E00, s22;
	s28 =	sshrl.u32 s26, $0x3  }
0x40e: {  	[hbm:s25], [sflag:s21] =	dma.local [spmem:s28], $0x80  }
0x40f: {  	s30 =	sld [smem:$0x7D9];
	_ =	sdelay $0x2  }
0x410: {  	s29 =	sadd.s32 $0x1E80, s22;
	s31 =	sshrl.u32 s30, $0x3  }
0x411: {  	[hbm:s29], [sflag:s21] =	dma.local [spmem:s31], $0x80  }
0x412: {  	s30 =	sld [smem:$0x7DA];
	_ =	sdelay $0x2  }
0x413: {  	s7 =	sadd.s32 $0x1F00, s22;
	s8 =	sshrl.u32 s30, $0x3  }
0x414: {  	[hbm:s7], [sflag:s21] =	dma.local [spmem:s8], $0x80  }
0x415: {  	s31 =	sld [smem:$0x7DB];
	_ =	sdelay $0x2  }
0x416: {  	s12 =	sadd.s32 $0x1F80, s22;
	s15 =	sshrl.u32 s31, $0x3  }
0x417: {  	[hbm:s12], [sflag:s21] =	dma.local [spmem:s15], $0x80  }
0x418: {  	s26 =	sld [smem:$0x7DC];
	_ =	sdelay $0x2  }
0x419: {  	s20 =	sadd.s32 $0x2000, s22;
	s25 =	sshrl.u32 s26, $0x3  }
0x41a: {  	[hbm:s20], [sflag:s21] =	dma.local [spmem:s25], $0x80  }
0x41b: {  	s25 =	sld [smem:$0x7DD];
	_ =	sdelay $0x2  }
0x41c: {  	s28 =	sadd.s32 $0x2080, s22;
	s29 =	sshrl.u32 s25, $0x3  }
0x41d: {  	[hbm:s28], [sflag:s21] =	dma.local [spmem:s29], $0x80  }
0x41e: {  	s20 =	sld [smem:$0x7DE];
	_ =	sdelay $0x2  }
0x41f: {  	s7 =	sadd.s32 $0x2100, s22;
	s8 =	sshrl.u32 s20, $0x3  }
0x420: {  	[hbm:s7], [sflag:s21] =	dma.local [spmem:s8], $0x80  }
0x421: {  	s15 =	sld [smem:$0x7DF];
	_ =	sdelay $0x2  }
0x422: {  	s12 =	sadd.s32 $0x2180, s22;
	s28 =	sshrl.u32 s15, $0x3  }
0x423: {  	[hbm:s12], [sflag:s21] =	dma.local [spmem:s28], $0x80  }
0x424: {  	s8 =	sld [smem:$0x7E0];
	_ =	sdelay $0x2  }
0x425: {  	s29 =	sadd.s32 $0x2200, s22;
	s7 =	sshrl.u32 s8, $0x3  }
0x426: {  	[hbm:s29], [sflag:s21] =	dma.local [spmem:s7], $0x80  }
0x427: {  	s7 =	sld [smem:$0x7E1];
	_ =	sdelay $0x2  }
0x428: {  	s28 =	sadd.s32 $0x2280, s22;
	s29 =	sshrl.u32 s7, $0x3  }
0x429: {  	[hbm:s28], [sflag:s21] =	dma.local [spmem:s29], $0x80  }
0x42a: {  	_ =	swait.ge [sflag:s18], $0x80  }
0x42b: {  	[sflag:s18] =	ssyncset.done $0x0  }
0x42c: {  	[sflag:s18] =	ssyncadd.s32 $0xFFFFFF80  }
0x42d: {  	_ =	swait.ge [sflag:s18], $0x80  }
0x42e: {  	[sflag:s18] =	ssyncset.done $0x0  }
0x42f: {  	[sflag:s18] =	ssyncadd.s32 $0xFFFFFF80  }
0x430: {  	_ =	swait.ge [sflag:s18], $0x80  }
0x431: {  	[sflag:s18] =	ssyncset.done $0x0  }
0x432: {  	[sflag:s18] =	ssyncadd.s32 $0xFFFFFF80  }
0x433: {  	_ =	swait.ge [sflag:s18], $0x80  }
0x434: {  	[sflag:s18] =	ssyncset.done $0x0  }
0x435: {  	[sflag:s18] =	ssyncadd.s32 $0xFFFFFF80  }
0x436: {  	_ =	swait.ge [sflag:s18], $0x80  }
0x437: {  	[sflag:s18] =	ssyncset.done $0x0  }
0x438: {  	[sflag:s18] =	ssyncadd.s32 $0xFFFFFF80  }
0x439: {  	_ =	swait.ge [sflag:s18], $0x80  }
0x43a: {  	[sflag:s18] =	ssyncset.done $0x0  }
0x43b: {  	[sflag:s18] =	ssyncadd.s32 $0xFFFFFF80  }
0x43c: {  	_ =	swait.ge [sflag:s18], $0x80  }
0x43d: {  	[sflag:s18] =	ssyncset.done $0x0  }
0x43e: {  	[sflag:s18] =	ssyncadd.s32 $0xFFFFFF80  }
0x43f: {  	_ =	swait.ge [sflag:s18], $0x80  }
0x440: {  	[sflag:s18] =	ssyncset.done $0x0  }
0x441: {  	[sflag:s18] =	ssyncadd.s32 $0xFFFFFF80  }
0x442: {  	_ =	swait.ge [sflag:s18], $0x80  }
0x443: {  	[sflag:s18] =	ssyncset.done $0x0  }
0x444: {  	[sflag:s18] =	ssyncadd.s32 $0xFFFFFF80  }
0x445: {  	_ =	swait.ge [sflag:s18], $0x80  }
0x446: {  	[sflag:s18] =	ssyncset.done $0x0  }
0x447: {  	[sflag:s18] =	ssyncadd.s32 $0xFFFFFF80  }
0x448: {  	_ =	swait.ge [sflag:s18], $0x80  }
0x449: {  	[sflag:s18] =	ssyncset.done $0x0  }
0x44a: {  	[sflag:s18] =	ssyncadd.s32 $0xFFFFFF80  }
0x44b: {  	_ =	swait.ge [sflag:s18], $0x80  }
0x44c: {  	[sflag:s18] =	ssyncset.done $0x0  }
0x44d: {  	[sflag:s18] =	ssyncadd.s32 $0xFFFFFF80  }
0x44e: {  	_ =	swait.ge [sflag:s18], $0x80  }
0x44f: {  	[sflag:s18] =	ssyncset.done $0x0  }
0x450: {  	[sflag:s18] =	ssyncadd.s32 $0xFFFFFF80  }
0x451: {  	_ =	swait.ge [sflag:s18], $0x80  }
0x452: {  	[sflag:s18] =	ssyncset.done $0x0  }
0x453: {  	s28 =	sld [smem:$0x7C7];
	[sflag:s18] =	ssyncadd.s32 $0xFFFFFF80  }
0x454: {  	[spmem:s1] =	stream.linear.scatter [tilespmem:s4], [sflag:$0x4], $0x400, $0x38;
	[tilespmem:$0x1FC00] =	vst v63  }
0x455: {  	s29 =	sld [smem:$0x7C8]  }
0x456: {  	[spmem:s28] =	stream.linear.scatter [tilespmem:s4], [sflag:$0x4], $0x400, $0x38;
	[tilespmem:$0x1FC00] =	vst v63  }
0x457: {  	s1 =	sld [smem:$0x7C9]  }
0x458: {  	[spmem:s29] =	stream.linear.scatter [tilespmem:s4], [sflag:$0x4], $0x400, $0x38;
	[tilespmem:$0x1FC00] =	vst v63  }
0x459: {  	s12 =	sld [smem:$0x7CA]  }
0x45a: {  	[spmem:s1] =	stream.linear.scatter [tilespmem:s4], [sflag:$0x4], $0x400, $0x38;
	[tilespmem:$0x1FC00] =	vst v63  }
0x45b: {  	s28 =	sld [smem:$0x7CB]  }
0x45c: {  	[spmem:s12] =	stream.linear.scatter [tilespmem:s4], [sflag:$0x4], $0x400, $0x38;
	[tilespmem:$0x1FC00] =	vst v63  }
0x45d: {  	s29 =	sld [smem:$0x7CC]  }
0x45e: {  	[spmem:s28] =	stream.linear.scatter [tilespmem:s4], [sflag:$0x4], $0x400, $0x38;
	[tilespmem:$0x1FC00] =	vst v63  }
0x45f: {  	s1 =	sld [smem:$0x7CD]  }
0x460: {  	[spmem:s29] =	stream.linear.scatter [tilespmem:s4], [sflag:$0x4], $0x400, $0x38;
	[tilespmem:$0x1FC00] =	vst v63  }
0x461: {  	s12 =	sld [smem:$0x7CE]  }
0x462: {  	[spmem:s1] =	stream.linear.scatter [tilespmem:s4], [sflag:$0x4], $0x400, $0x38;
	[tilespmem:$0x1FC00] =	vst v63  }
0x463: {  	_ = 	snop  }
0x464: {  	[spmem:s12] =	stream.linear.scatter [tilespmem:s4], [sflag:$0x4], $0x400, $0x38;
	[tilespmem:$0x1FC00] =	vst v63  }
0x465: {  	_ = 	snop  }
0x466: {  	[spmem:s24] =	stream.linear.scatter [tilespmem:s4], [sflag:$0x4], $0x400, $0x38;
	[tilespmem:$0x1FC00] =	vst v63  }
0x467: {  	_ = 	snop  }
0x468: {  	[spmem:s23] =	stream.linear.scatter [tilespmem:s4], [sflag:$0x4], $0x400, $0x38;
	[tilespmem:$0x1FC00] =	vst v63  }
0x469: {  	s23 =	sld [smem:$0x7E2]  }
0x46a: {  	[spmem:s13] =	stream.linear.scatter [tilespmem:s4], [sflag:$0x4], $0x400, $0x38;
	[tilespmem:$0x1FC00] =	vst v63  }
0x46b: {  	_ = 	snop  }
0x46c: {  	[spmem:s9] =	stream.linear.scatter [tilespmem:s4], [sflag:$0x4], $0x400, $0x38;
	[tilespmem:$0x1FC00] =	vst v63  }
0x46d: {  	s13 =	sadd.s32 $0x2300, s22;
	s24 =	sshrl.u32 s23, $0x3  }
0x46e: {  	[spmem:s6] =	stream.linear.scatter [tilespmem:s4], [sflag:$0x4], $0x400, $0x38;
	[tilespmem:$0x1FC00] =	vst v63  }
0x46f: {  	[hbm:s13], [sflag:s21] =	dma.local [spmem:s24], $0x80  }
0x470: {  	s29 =	sld [smem:$0x7E3];
	_ =	sdelay $0x2  }
0x471: {  	s28 =	sadd.s32 $0x2380, s22;
	s6 =	sshrl.u32 s29, $0x3  }
0x472: {  	[hbm:s28], [sflag:s21] =	dma.local [spmem:s6], $0x80  }
0x473: {  	s12 =	sld [smem:$0x7E4];
	_ =	sdelay $0x2  }
0x474: {  	s9 =	sadd.s32 $0x2400, s22;
	s13 =	sshrl.u32 s12, $0x3  }
0x475: {  	[hbm:s9], [sflag:s21] =	dma.local [spmem:s13], $0x80  }
0x476: {  	s24 =	sld [smem:$0x7E5];
	_ =	sdelay $0x2  }
0x477: {  	s23 =	sadd.s32 $0x2480, s22;
	s28 =	sshrl.u32 s24, $0x3  }
0x478: {  	[hbm:s23], [sflag:s21] =	dma.local [spmem:s28], $0x80  }
0x479: {  	s6 =	sld [smem:$0x7E6];
	_ =	sdelay $0x2  }
0x47a: {  	s29 =	sadd.s32 $0x2500, s22;
	s9 =	sshrl.u32 s6, $0x3  }
0x47b: {  	[hbm:s29], [sflag:s21] =	dma.local [spmem:s9], $0x80  }
0x47c: {  	s23 =	sld [smem:$0x7E7];
	_ =	sdelay $0x2  }
0x47d: {  	s13 =	sadd.s32 $0x2580, s22;
	s24 =	sshrl.u32 s23, $0x3  }
0x47e: {  	[hbm:s13], [sflag:s21] =	dma.local [spmem:s24], $0x80  }
0x47f: {  	s29 =	sld [smem:$0x7E8];
	_ =	sdelay $0x2  }
0x480: {  	s28 =	sadd.s32 $0x2600, s22;
	s6 =	sshrl.u32 s29, $0x3  }
0x481: {  	[hbm:s28], [sflag:s21] =	dma.local [spmem:s6], $0x80  }
0x482: {  	s12 =	sld [smem:$0x7E9];
	_ =	sdelay $0x2  }
0x483: {  	s9 =	sadd.s32 $0x2680, s22;
	s13 =	sshrl.u32 s12, $0x3  }
0x484: {  	[hbm:s9], [sflag:s21] =	dma.local [spmem:s13], $0x80  }
0x485: {  	s24 =	sld [smem:$0x7EA];
	_ =	sdelay $0x2  }
0x486: {  	s23 =	sadd.s32 $0x2700, s22;
	s28 =	sshrl.u32 s24, $0x3  }
0x487: {  	[hbm:s23], [sflag:s21] =	dma.local [spmem:s28], $0x80  }
0x488: {  	s6 =	sld [smem:$0x7EB];
	_ =	sdelay $0x2  }
0x489: {  	s29 =	sadd.s32 $0x2780, s22;
	s9 =	sshrl.u32 s6, $0x3  }
0x48a: {  	[hbm:s29], [sflag:s21] =	dma.local [spmem:s9], $0x80  }
0x48b: {  	s29 =	sld [smem:$0x7EC];
	_ =	sdelay $0x2  }
0x48c: {  	s13 =	sadd.s32 $0x2800, s22;
	s23 =	sshrl.u32 s29, $0x3  }
0x48d: {  	[hbm:s13], [sflag:s21] =	dma.local [spmem:s23], $0x80  }
0x48e: {  	s28 =	sld [smem:$0x7ED];
	_ =	sdelay $0x2  }
0x48f: {  	s24 =	sadd.s32 $0x2880, s22;
	s1 =	sshrl.u32 s28, $0x3  }
0x490: {  	[hbm:s24], [sflag:s21] =	dma.local [spmem:s1], $0x80  }
0x491: {  	s24 =	sld [smem:$0x7EE];
	_ =	sdelay $0x2  }
0x492: {  	s6 =	sadd.s32 $0x2900, s22;
	s9 =	sshrl.u32 s24, $0x3  }
0x493: {  	[hbm:s6], [sflag:s21] =	dma.local [spmem:s9], $0x80  }
0x494: {  	s23 =	sld [smem:$0x7EF];
	_ =	sdelay $0x2  }
0x495: {  	s13 =	sadd.s32 $0x2980, s22;
	s1 =	sshrl.u32 s23, $0x3  }
0x496: {  	[hbm:s13], [sflag:s21] =	dma.local [spmem:s1], $0x80  }
0x497: {  	_ =	swait.ge [sflag:s18], $0x80  }
0x498: {  	[sflag:s18] =	ssyncset.done $0x0  }
0x499: {  	[sflag:s18] =	ssyncadd.s32 $0xFFFFFF80  }
0x49a: {  	_ =	swait.ge [sflag:s18], $0x80  }
0x49b: {  	[sflag:s18] =	ssyncset.done $0x0  }
0x49c: {  	[sflag:s18] =	ssyncadd.s32 $0xFFFFFF80  }
0x49d: {  	_ =	swait.ge [sflag:s18], $0x80  }
0x49e: {  	[sflag:s18] =	ssyncset.done $0x0  }
0x49f: {  	[sflag:s18] =	ssyncadd.s32 $0xFFFFFF80  }
0x4a0: {  	_ =	swait.ge [sflag:s18], $0x80  }
0x4a1: {  	[sflag:s18] =	ssyncset.done $0x0  }
0x4a2: {  	[sflag:s18] =	ssyncadd.s32 $0xFFFFFF80  }
0x4a3: {  	_ =	swait.ge [sflag:s18], $0x80  }
0x4a4: {  	[sflag:s18] =	ssyncset.done $0x0  }
0x4a5: {  	[sflag:s18] =	ssyncadd.s32 $0xFFFFFF80  }
0x4a6: {  	_ =	swait.ge [sflag:s18], $0x80  }
0x4a7: {  	[sflag:s18] =	ssyncset.done $0x0  }
0x4a8: {  	[sflag:s18] =	ssyncadd.s32 $0xFFFFFF80  }
0x4a9: {  	_ =	swait.ge [sflag:s18], $0x80  }
0x4aa: {  	[sflag:s18] =	ssyncset.done $0x0  }
0x4ab: {  	[sflag:s18] =	ssyncadd.s32 $0xFFFFFF80  }
0x4ac: {  	_ =	swait.ge [sflag:s18], $0x80  }
0x4ad: {  	[sflag:s18] =	ssyncset.done $0x0  }
0x4ae: {  	[sflag:s18] =	ssyncadd.s32 $0xFFFFFF80  }
0x4af: {  	_ =	swait.ge [sflag:s18], $0x80  }
0x4b0: {  	[sflag:s18] =	ssyncset.done $0x0  }
0x4b1: {  	[sflag:s18] =	ssyncadd.s32 $0xFFFFFF80  }
0x4b2: {  	_ =	swait.ge [sflag:s18], $0x80  }
0x4b3: {  	[sflag:s18] =	ssyncset.done $0x0  }
0x4b4: {  	[sflag:s18] =	ssyncadd.s32 $0xFFFFFF80  }
0x4b5: {  	_ =	swait.ge [sflag:s18], $0x80  }
0x4b6: {  	[sflag:s18] =	ssyncset.done $0x0  }
0x4b7: {  	[sflag:s18] =	ssyncadd.s32 $0xFFFFFF80  }
0x4b8: {  	_ =	swait.ge [sflag:s18], $0x80  }
0x4b9: {  	[sflag:s18] =	ssyncset.done $0x0  }
0x4ba: {  	[sflag:s18] =	ssyncadd.s32 $0xFFFFFF80  }
0x4bb: {  	_ =	swait.ge [sflag:s18], $0x80  }
0x4bc: {  	[sflag:s18] =	ssyncset.done $0x0  }
0x4bd: {  	[sflag:s18] =	ssyncadd.s32 $0xFFFFFF80  }
0x4be: {  	_ =	swait.ge [sflag:s18], $0x80  }
0x4bf: {  	[sflag:s18] =	ssyncset.done $0x0  }
0x4c0: {  	[sflag:s18] =	ssyncadd.s32 $0xFFFFFF80  }
0x4c1: {  	[spmem:s3] =	stream.linear.scatter [tilespmem:s4], [sflag:$0x4], $0x400, $0x38;
	[tilespmem:$0x1FC00] =	vst v63  }
0x4c2: {  	s3 =	sld [smem:$0x7D5];
	_ =	sdelay $0x1  }
0x4c3: {  	s6 =	sld [smem:$0x7D6]  }
0x4c4: {  	[spmem:s3] =	stream.linear.scatter [tilespmem:s4], [sflag:$0x4], $0x400, $0x38;
	[tilespmem:$0x1FC00] =	vst v63  }
0x4c5: {  	s9 =	sld [smem:$0x7D7]  }
0x4c6: {  	[spmem:s6] =	stream.linear.scatter [tilespmem:s4], [sflag:$0x4], $0x400, $0x38;
	[tilespmem:$0x1FC00] =	vst v63  }
0x4c7: {  	s12 =	sld [smem:$0x7D8]  }
0x4c8: {  	[spmem:s9] =	stream.linear.scatter [tilespmem:s4], [sflag:$0x4], $0x400, $0x38;
	[tilespmem:$0x1FC00] =	vst v63  }
0x4c9: {  	s13 =	sld [smem:$0x7D9]  }
0x4ca: {  	[spmem:s12] =	stream.linear.scatter [tilespmem:s4], [sflag:$0x4], $0x400, $0x38;
	[tilespmem:$0x1FC00] =	vst v63  }
0x4cb: {  	_ = 	snop  }
0x4cc: {  	[spmem:s13] =	stream.linear.scatter [tilespmem:s4], [sflag:$0x4], $0x400, $0x38;
	[tilespmem:$0x1FC00] =	vst v63  }
0x4cd: {  	_ = 	snop  }
0x4ce: {  	[spmem:s30] =	stream.linear.scatter [tilespmem:s4], [sflag:$0x4], $0x400, $0x38;
	[tilespmem:$0x1FC00] =	vst v63  }
0x4cf: {  	_ = 	snop  }
0x4d0: {  	[spmem:s31] =	stream.linear.scatter [tilespmem:s4], [sflag:$0x4], $0x400, $0x38;
	[tilespmem:$0x1FC00] =	vst v63  }
0x4d1: {  	_ = 	snop  }
0x4d2: {  	[spmem:s26] =	stream.linear.scatter [tilespmem:s4], [sflag:$0x4], $0x400, $0x38;
	[tilespmem:$0x1FC00] =	vst v63  }
0x4d3: {  	_ = 	snop  }
0x4d4: {  	[spmem:s25] =	stream.linear.scatter [tilespmem:s4], [sflag:$0x4], $0x400, $0x38;
	[tilespmem:$0x1FC00] =	vst v63  }
0x4d5: {  	_ = 	snop  }
0x4d6: {  	[spmem:s20] =	stream.linear.scatter [tilespmem:s4], [sflag:$0x4], $0x400, $0x38;
	[tilespmem:$0x1FC00] =	vst v63  }
0x4d7: {  	s13 =	sld [smem:$0x7F0]  }
0x4d8: {  	[spmem:s15] =	stream.linear.scatter [tilespmem:s4], [sflag:$0x4], $0x400, $0x38;
	[tilespmem:$0x1FC00] =	vst v63  }
0x4d9: {  	_ = 	snop  }
0x4da: {  	[spmem:s8] =	stream.linear.scatter [tilespmem:s4], [sflag:$0x4], $0x400, $0x38;
	[tilespmem:$0x1FC00] =	vst v63  }
0x4db: {  	s1 =	sshrl.u32 s13, $0x3;
	s31 =	sadd.s32 $0x2A00, s22  }
0x4dc: {  	[spmem:s7] =	stream.linear.scatter [tilespmem:s4], [sflag:$0x4], $0x400, $0x38;
	[tilespmem:$0x1FC00] =	vst v63  }
0x4dd: {  	[hbm:s31], [sflag:s21] =	dma.local [spmem:s1], $0x80  }
0x4de: {  	s9 =	sld [smem:$0x7F1];
	_ =	sdelay $0x2  }
0x4df: {  	s3 =	sadd.s32 $0x2A80, s22;
	s6 =	sshrl.u32 s9, $0x3  }
0x4e0: {  	[hbm:s3], [sflag:s21] =	dma.local [spmem:s6], $0x80  }
0x4e1: {  	s15 =	sld [smem:$0x7F2];
	_ =	sdelay $0x2  }
0x4e2: {  	s7 =	sadd.s32 $0x2B00, s22;
	s8 =	sshrl.u32 s15, $0x3  }
0x4e3: {  	[hbm:s7], [sflag:s21] =	dma.local [spmem:s8], $0x80  }
0x4e4: {  	s20 =	sld [smem:$0x7F3];
	_ =	sdelay $0x2  }
0x4e5: {  	s12 =	sadd.s32 $0x2B80, s22;
	s25 =	sshrl.u32 s20, $0x3  }
0x4e6: {  	[hbm:s12], [sflag:s21] =	dma.local [spmem:s25], $0x80  }
0x4e7: {  	s25 =	sld [smem:$0x7F4];
	_ =	sdelay $0x2  }
0x4e8: {  	s26 =	sadd.s32 $0x2C00, s22;
	s30 =	sshrl.u32 s25, $0x3  }
0x4e9: {  	[hbm:s26], [sflag:s21] =	dma.local [spmem:s30], $0x80  }
0x4ea: {  	s26 =	sld [smem:$0x7F5];
	_ =	sdelay $0x2  }
0x4eb: {  	s31 =	sadd.s32 $0x2C80, s22;
	s1 =	sshrl.u32 s26, $0x3  }
0x4ec: {  	[hbm:s31], [sflag:s21] =	dma.local [spmem:s1], $0x80  }
0x4ed: {  	s30 =	sld [smem:$0x7F6];
	_ =	sdelay $0x2  }
0x4ee: {  	s3 =	sadd.s32 $0x2D00, s22;
	s6 =	sshrl.u32 s30, $0x3  }
0x4ef: {  	[hbm:s3], [sflag:s21] =	dma.local [spmem:s6], $0x80  }
0x4f0: {  	s31 =	sld [smem:$0x7F7];
	_ =	sdelay $0x2  }
0x4f1: {  	s7 =	sadd.s32 $0x2D80, s22;
	s8 =	sshrl.u32 s31, $0x3  }
0x4f2: {  	[hbm:s7], [sflag:s21] =	dma.local [spmem:s8], $0x80  }
0x4f3: {  	s8 =	sld [smem:$0x7F8];
	_ =	sdelay $0x2  }
0x4f4: {  	s12 =	sadd.s32 $0x2E00, s22;
	s1 =	sshrl.u32 s8, $0x3  }
0x4f5: {  	[hbm:s12], [sflag:s21] =	dma.local [spmem:s1], $0x80  }
0x4f6: {  	s7 =	sld [smem:$0x7F9];
	_ =	sdelay $0x2  }
0x4f7: {  	s3 =	sadd.s32 $0x2E80, s22;
	s6 =	sshrl.u32 s7, $0x3  }
0x4f8: {  	[hbm:s3], [sflag:s21] =	dma.local [spmem:s6], $0x80  }
0x4f9: {  	s6 =	sld [smem:$0x7FA];
	_ =	sdelay $0x2  }
0x4fa: {  	s1 =	sadd.s32 $0x2F00, s22;
	s3 =	sshrl.u32 s6, $0x3  }
0x4fb: {  	[hbm:s1], [sflag:s21] =	dma.local [spmem:s3], $0x80  }
0x4fc: {  	s3 =	sld [smem:$0x7FB];
	_ =	sdelay $0x2  }
0x4fd: {  	s12 =	sadd.s32 $0x2F80, s22;
	s1 =	sshrl.u32 s3, $0x3  }
0x4fe: {  	[hbm:s12], [sflag:s21] =	dma.local [spmem:s1], $0x80  }
0x4ff: {  	s1 =	sld [smem:$0x7FC];
	_ =	sdelay $0x2  }
0x500: {  	s0 =	sadd.s32 $0x3000, s22;
	s12 =	sshrl.u32 s1, $0x3  }
0x501: {  	[hbm:s0], [sflag:s21] =	dma.local [spmem:s12], $0x80  }
0x502: {  	s0 =	sadd.s32 $0x3080, s22;
	s22 =	sld [smem:$0x7FD];
	_ =	sdelay $0x2  }
0x503: {  	s12 =	sshrl.u32 s22, $0x3  }
0x504: {  	[hbm:s0], [sflag:s21] =	dma.local [spmem:s12], $0x80  }
0x505: {  	_ =	swait.ge [sflag:s18], $0x80  }
0x506: {  	[sflag:s18] =	ssyncset.done $0x0  }
0x507: {  	[sflag:s18] =	ssyncadd.s32 $0xFFFFFF80  }
0x508: {  	_ =	swait.ge [sflag:s18], $0x80  }
0x509: {  	[sflag:s18] =	ssyncset.done $0x0  }
0x50a: {  	[sflag:s18] =	ssyncadd.s32 $0xFFFFFF80  }
0x50b: {  	_ =	swait.ge [sflag:s18], $0x80  }
0x50c: {  	[sflag:s18] =	ssyncset.done $0x0  }
0x50d: {  	[sflag:s18] =	ssyncadd.s32 $0xFFFFFF80  }
0x50e: {  	_ =	swait.ge [sflag:s18], $0x80  }
0x50f: {  	[sflag:s18] =	ssyncset.done $0x0  }
0x510: {  	[sflag:s18] =	ssyncadd.s32 $0xFFFFFF80  }
0x511: {  	_ =	swait.ge [sflag:s18], $0x80  }
0x512: {  	[sflag:s18] =	ssyncset.done $0x0  }
0x513: {  	[sflag:s18] =	ssyncadd.s32 $0xFFFFFF80  }
0x514: {  	_ =	swait.ge [sflag:s18], $0x80  }
0x515: {  	[sflag:s18] =	ssyncset.done $0x0  }
0x516: {  	[sflag:s18] =	ssyncadd.s32 $0xFFFFFF80  }
0x517: {  	_ =	swait.ge [sflag:s18], $0x80  }
0x518: {  	[sflag:s18] =	ssyncset.done $0x0  }
0x519: {  	[sflag:s18] =	ssyncadd.s32 $0xFFFFFF80  }
0x51a: {  	_ =	swait.ge [sflag:s18], $0x80  }
0x51b: {  	[sflag:s18] =	ssyncset.done $0x0  }
0x51c: {  	[sflag:s18] =	ssyncadd.s32 $0xFFFFFF80  }
0x51d: {  	_ =	swait.ge [sflag:s18], $0x80  }
0x51e: {  	[sflag:s18] =	ssyncset.done $0x0  }
0x51f: {  	[sflag:s18] =	ssyncadd.s32 $0xFFFFFF80  }
0x520: {  	_ =	swait.ge [sflag:s18], $0x80  }
0x521: {  	[sflag:s18] =	ssyncset.done $0x0  }
0x522: {  	[sflag:s18] =	ssyncadd.s32 $0xFFFFFF80  }
0x523: {  	_ =	swait.ge [sflag:s18], $0x80  }
0x524: {  	[sflag:s18] =	ssyncset.done $0x0  }
0x525: {  	[sflag:s18] =	ssyncadd.s32 $0xFFFFFF80  }
0x526: {  	_ =	swait.ge [sflag:s18], $0x80  }
0x527: {  	[sflag:s18] =	ssyncset.done $0x0  }
0x528: {  	[sflag:s18] =	ssyncadd.s32 $0xFFFFFF80  }
0x529: {  	_ =	swait.ge [sflag:s18], $0x80  }
0x52a: {  	[sflag:s18] =	ssyncset.done $0x0  }
0x52b: {  	[sflag:s18] =	ssyncadd.s32 $0xFFFFFF80  }
0x52c: {  	_ =	swait.ge [sflag:s18], $0x80  }
0x52d: {  	s12 =	sld [smem:$0x7E2]  }
0x52e: {  	[sflag:s18] =	ssyncset.done $0x0  }
0x52f: {  	s21 =	sld [smem:$0x7E3];
	[sflag:s18] =	ssyncadd.s32 $0xFFFFFF80  }
0x530: {  	[spmem:s12] =	stream.linear.scatter [tilespmem:s4], [sflag:$0x4], $0x400, $0x38;
	[tilespmem:$0x1FC00] =	vst v63  }
0x531: {  	s12 =	sld [smem:$0x7E4]  }
0x532: {  	[spmem:s21] =	stream.linear.scatter [tilespmem:s4], [sflag:$0x4], $0x400, $0x38;
	[tilespmem:$0x1FC00] =	vst v63  }
0x533: {  	s21 =	sld [smem:$0x7E5]  }
0x534: {  	[spmem:s12] =	stream.linear.scatter [tilespmem:s4], [sflag:$0x4], $0x400, $0x38;
	[tilespmem:$0x1FC00] =	vst v63  }
0x535: {  	s12 =	sld [smem:$0x7E6]  }
0x536: {  	[spmem:s21] =	stream.linear.scatter [tilespmem:s4], [sflag:$0x4], $0x400, $0x38;
	[tilespmem:$0x1FC00] =	vst v63  }
0x537: {  	s21 =	sld [smem:$0x7E7]  }
0x538: {  	[spmem:s12] =	stream.linear.scatter [tilespmem:s4], [sflag:$0x4], $0x400, $0x38;
	[tilespmem:$0x1FC00] =	vst v63  }
0x539: {  	s12 =	sld [smem:$0x7E8]  }
0x53a: {  	[spmem:s21] =	stream.linear.scatter [tilespmem:s4], [sflag:$0x4], $0x400, $0x38;
	[tilespmem:$0x1FC00] =	vst v63  }
0x53b: {  	s21 =	sld [smem:$0x7E9]  }
0x53c: {  	[spmem:s12] =	stream.linear.scatter [tilespmem:s4], [sflag:$0x4], $0x400, $0x38;
	[tilespmem:$0x1FC00] =	vst v63  }
0x53d: {  	s12 =	sld [smem:$0x7EA]  }
0x53e: {  	[spmem:s21] =	stream.linear.scatter [tilespmem:s4], [sflag:$0x4], $0x400, $0x38;
	[tilespmem:$0x1FC00] =	vst v63  }
0x53f: {  	s21 =	sld [smem:$0x7EB]  }
0x540: {  	[spmem:s12] =	stream.linear.scatter [tilespmem:s4], [sflag:$0x4], $0x400, $0x38;
	[tilespmem:$0x1FC00] =	vst v63  }
0x541: {  	_ = 	snop  }
0x542: {  	[spmem:s21] =	stream.linear.scatter [tilespmem:s4], [sflag:$0x4], $0x400, $0x38;
	[tilespmem:$0x1FC00] =	vst v63  }
0x543: {  	_ = 	snop  }
0x544: {  	[spmem:s29] =	stream.linear.scatter [tilespmem:s4], [sflag:$0x4], $0x400, $0x38;
	[tilespmem:$0x1FC00] =	vst v63  }
0x545: {  	_ = 	snop  }
0x546: {  	[spmem:s28] =	stream.linear.scatter [tilespmem:s4], [sflag:$0x4], $0x400, $0x38;
	[tilespmem:$0x1FC00] =	vst v63  }
0x547: {  	_ = 	snop  }
0x548: {  	[spmem:s24] =	stream.linear.scatter [tilespmem:s4], [sflag:$0x4], $0x400, $0x38;
	[tilespmem:$0x1FC00] =	vst v63  }
0x549: {  	_ = 	snop  }
0x54a: {  	[spmem:s23] =	stream.linear.scatter [tilespmem:s4], [sflag:$0x4], $0x400, $0x38;
	[tilespmem:$0x1FC00] =	vst v63  }
0x54b: {  	_ =	swait.ge [sflag:s18], $0x80  }
0x54c: {  	[sflag:s18] =	ssyncset.done $0x0  }
0x54d: {  	[sflag:s18] =	ssyncadd.s32 $0xFFFFFF80  }
0x54e: {  	_ =	swait.ge [sflag:s18], $0x80  }
0x54f: {  	[sflag:s18] =	ssyncset.done $0x0  }
0x550: {  	[sflag:s18] =	ssyncadd.s32 $0xFFFFFF80  }
0x551: {  	_ =	swait.ge [sflag:s18], $0x80  }
0x552: {  	[sflag:s18] =	ssyncset.done $0x0  }
0x553: {  	[sflag:s18] =	ssyncadd.s32 $0xFFFFFF80  }
0x554: {  	_ =	swait.ge [sflag:s18], $0x80  }
0x555: {  	[sflag:s18] =	ssyncset.done $0x0  }
0x556: {  	[sflag:s18] =	ssyncadd.s32 $0xFFFFFF80  }
0x557: {  	_ =	swait.ge [sflag:s18], $0x80  }
0x558: {  	[sflag:s18] =	ssyncset.done $0x0  }
0x559: {  	[sflag:s18] =	ssyncadd.s32 $0xFFFFFF80  }
0x55a: {  	_ =	swait.ge [sflag:s18], $0x80  }
0x55b: {  	[sflag:s18] =	ssyncset.done $0x0  }
0x55c: {  	[sflag:s18] =	ssyncadd.s32 $0xFFFFFF80  }
0x55d: {  	_ =	swait.ge [sflag:s18], $0x80  }
0x55e: {  	[sflag:s18] =	ssyncset.done $0x0  }
0x55f: {  	[sflag:s18] =	ssyncadd.s32 $0xFFFFFF80  }
0x560: {  	_ =	swait.ge [sflag:s18], $0x80  }
0x561: {  	[sflag:s18] =	ssyncset.done $0x0  }
0x562: {  	[sflag:s18] =	ssyncadd.s32 $0xFFFFFF80  }
0x563: {  	_ =	swait.ge [sflag:s18], $0x80  }
0x564: {  	[sflag:s18] =	ssyncset.done $0x0  }
0x565: {  	[sflag:s18] =	ssyncadd.s32 $0xFFFFFF80  }
0x566: {  	_ =	swait.ge [sflag:s18], $0x80  }
0x567: {  	[sflag:s18] =	ssyncset.done $0x0  }
0x568: {  	[sflag:s18] =	ssyncadd.s32 $0xFFFFFF80  }
0x569: {  	_ =	swait.ge [sflag:s18], $0x80  }
0x56a: {  	[sflag:s18] =	ssyncset.done $0x0  }
0x56b: {  	[sflag:s18] =	ssyncadd.s32 $0xFFFFFF80  }
0x56c: {  	_ =	swait.ge [sflag:s18], $0x80  }
0x56d: {  	[sflag:s18] =	ssyncset.done $0x0  }
0x56e: {  	[sflag:s18] =	ssyncadd.s32 $0xFFFFFF80  }
0x56f: {  	_ =	swait.ge [sflag:s18], $0x80  }
0x570: {  	[sflag:s18] =	ssyncset.done $0x0  }
0x571: {  	[sflag:s18] =	ssyncadd.s32 $0xFFFFFF80  }
0x572: {  	_ =	swait.ge [sflag:s18], $0x80  }
0x573: {  	[sflag:s18] =	ssyncset.done $0x0  }
0x574: {  	[sflag:s18] =	ssyncadd.s32 $0xFFFFFF80  }
0x575: {  	[spmem:s13] =	stream.linear.scatter [tilespmem:s4], [sflag:$0x4], $0x400, $0x38;
	[tilespmem:$0x1FC00] =	vst v63  }
0x576: {  	_ = 	snop  }
0x577: {  	[spmem:s9] =	stream.linear.scatter [tilespmem:s4], [sflag:$0x4], $0x400, $0x38;
	[tilespmem:$0x1FC00] =	vst v63  }
0x578: {  	_ = 	snop  }
0x579: {  	[spmem:s15] =	stream.linear.scatter [tilespmem:s4], [sflag:$0x4], $0x400, $0x38;
	[tilespmem:$0x1FC00] =	vst v63  }
0x57a: {  	_ = 	snop  }
0x57b: {  	[spmem:s20] =	stream.linear.scatter [tilespmem:s4], [sflag:$0x4], $0x400, $0x38;
	[tilespmem:$0x1FC00] =	vst v63  }
0x57c: {  	_ = 	snop  }
0x57d: {  	[spmem:s25] =	stream.linear.scatter [tilespmem:s4], [sflag:$0x4], $0x400, $0x38;
	[tilespmem:$0x1FC00] =	vst v63  }
0x57e: {  	_ = 	snop  }
0x57f: {  	[spmem:s26] =	stream.linear.scatter [tilespmem:s4], [sflag:$0x4], $0x400, $0x38;
	[tilespmem:$0x1FC00] =	vst v63  }
0x580: {  	_ = 	snop  }
0x581: {  	[spmem:s30] =	stream.linear.scatter [tilespmem:s4], [sflag:$0x4], $0x400, $0x38;
	[tilespmem:$0x1FC00] =	vst v63  }
0x582: {  	_ = 	snop  }
0x583: {  	[spmem:s31] =	stream.linear.scatter [tilespmem:s4], [sflag:$0x4], $0x400, $0x38;
	[tilespmem:$0x1FC00] =	vst v63  }
0x584: {  	_ = 	snop  }
0x585: {  	[spmem:s8] =	stream.linear.scatter [tilespmem:s4], [sflag:$0x4], $0x400, $0x38;
	[tilespmem:$0x1FC00] =	vst v63  }
0x586: {  	_ = 	snop  }
0x587: {  	[spmem:s7] =	stream.linear.scatter [tilespmem:s4], [sflag:$0x4], $0x400, $0x38;
	[tilespmem:$0x1FC00] =	vst v63  }
0x588: {  	_ = 	snop  }
0x589: {  	[spmem:s6] =	stream.linear.scatter [tilespmem:s4], [sflag:$0x4], $0x400, $0x38;
	[tilespmem:$0x1FC00] =	vst v63  }
0x58a: {  	_ = 	snop  }
0x58b: {  	[spmem:s3] =	stream.linear.scatter [tilespmem:s4], [sflag:$0x4], $0x400, $0x38;
	[tilespmem:$0x1FC00] =	vst v63  }
0x58c: {  	_ = 	snop  }
0x58d: {  	[spmem:s1] =	stream.linear.scatter [tilespmem:s4], [sflag:$0x4], $0x400, $0x38;
	[tilespmem:$0x1FC00] =	vst v63  }
0x58e: {  	_ = 	snop  }
0x58f: {  	[spmem:s22] =	stream.linear.scatter [tilespmem:s4], [sflag:$0x4], $0x400, $0x38;
	[tilespmem:$0x1FC00] =	vst v63  }
0x590: {  	_ =	swait.ge [sflag:s2], $0x400  }
0x591: {  	s0 =	simm.s32 $0x61;
	[sflag:s2] =	ssyncset.done $0x0  }
.LBB2_43:
0x592: {  	p0 =	sne.s32 s0, $0x1;
	s0 =	sadd.s32 $0xFFFFFFFF, s0;
	[sflag:s2] =	ssyncadd.s32 $0xFFFFFC00  }
.Ltmp34:
0x593: {  	(pc) =	sbr.rel @p0 .LBB2_43-.Ltmp34, $3  }
0x594: {  	_ =	sdelay $0x1  }
0x595: {  	_ =	swait.ge [sflag:s2], $0x400  }
0x596: {  	[sflag:s2] =	ssyncset.done $0x0  }
0x597: {  	s13 =	sld [smem:$0x7AE];
	_ =	sdelay $0x2  }
0x598: {  	[sflag:s2] =	ssyncadd.s32 $0xFFFFFC00;
	p0 =	sne.s32 s13, $0xC  }
.Ltmp35:
0x599: {  	[bflag:$0x0] =	sbarrier.arrive $0xFFFF;
	(pc) =	sbr.rel @p0 .LBB2_8-.Ltmp35, $4  }
0x59a: {  	s21 =	rddreg [dreg:$0x8]  }
0x59b: {  	s9 =	rddreg [dreg:$0x0]  }
0x59c: {  	s1 =	simm.s32 $0x18800;
	s6 =	simm.s32 $0x19400;
	s3 =	rddreg [dreg:$0x1]  }
0x59d: {  	s7 =	simm.s32 $0x1A000;
	s8 =	simm.s32 $0x1AC00;
	s22 =	rddreg [dreg:$0x2]  }
0x59e: {  	_ =	swait.ge [sflag:s10], $0xC00  }
0x59f: {  	[sflag:s10] =	ssyncset.done $0x0  }
0x5a0: {  	[sflag:s10] =	ssyncadd.s32 $0xFFFFF400  }
0x5a1: {  	_ =	swait.ge [sflag:s10], $0xC00  }
0x5a2: {  	s12 =	sld [smem:$0x7AF];
	_ =	sdelay $0x2  }
0x5a3: {  	s0 =	rddreg [dreg:$0xc];
	s12 =	sadd.s32 $0x1, s12  }
0x5a4: {  	p0 =	sne.s32 s12, s0  }
.Ltmp36:
0x5a5: {  	_ = 	snop;
	(pc) =	sbr.rel @p0 .LBB2_1-.Ltmp36, $3  }
0x5a6: {  	_ =	sdelay $0x1  }
0x5a7: {  	[sflag:s10] =	ssyncset.done $0x0  }
0x5a8: {  	s20 =	rddreg [dreg:$0x6];
	[sflag:s10] =	ssyncadd.s32 $0xFFFFF400  }
0x5a9: {  	_ =	sfence.sel $0x180000  }
0x5aa: {  	[bflag:$0x0] =	sbarrier.arrive $0xFFFF  }
0x5ab: {  	_ =	strace $0x90000047  }
0x5ac: {  	s0 =	stileid.u32;
	[bflag:$0x2] =	sbarrier.arrive $0xFFFF  }
0x5ad: {  	p0 =	sne.s32 s0, $0x0;
	s0 =	rddreg [dreg:$0x4]  }
0x5ae: {  	s0 =	sadd.s32 @!p0 $0x100000, s0  }
0x5af: {  	[sflag:s0] =	ssyncadd.tile.s32 @!p0 $0x1;
	_ =	shalt  }
.Lfunc_end2:
_tile_overlayer_lowered:
.L_overlay_start_2:
0x5b0: {  	(tag) =	ssettag $0x2  }
0x5b1: {  	s0 =	rddreg [dreg:$0x0];
	s2 =	stileid.u32  }
0x5b2: {  	s1 =	rddreg [dreg:$0x1];
	p0 =	sne.s32 s2, $0x0  }
0x5b3: {  	s3 =	rddreg [dreg:$0x2];
	[bflag:$0x3] =	sbarrier.arrive $0xFFFF;
	s2 =	simm.s32 @!p0 $0x1C05  }
0x5b4: {  	[timem:s3], [sflag:s2] =	dma.local @!p0 [hbm:s0], s1  }
0x5b5: {  	s0 =	simm.s32 @!p0 $0x5  }
0x5b6: {  	_ =	swait.ge @!p0 [sflag:s0], s1  }
0x5b7: {  	s1 =	ssub.s32 @!p0 $0x0, s1;
	[sflag:s0] =	ssyncset.done @!p0 $0x0  }
0x5b8: {  	[sflag:s0] =	ssyncadd.s32 @!p0 s1  }
0x5b9: {  	[bflag:$0x3] =	sbarrier.arrive $0xFFFF  }
0x5ba: {  	_ =	shalt  }

</sc_bundles>
